<compile_context>
chip_gen: v7x
topology: tpu7x:2x2x1
jax: 0.10.2.dev20260603
libtpu: 0.0.44.dev20260713+nightly
codegen_flags: <defaults>
</compile_context>

<pallas_src>
import functools

import jax
import jax.numpy as jnp
from jax import lax
from jax.experimental import pallas as pl
from jax.experimental.pallas import tpu as pltpu
from jax.experimental.pallas import tpu_sc as plsc

GAMMA = 1.0

NC = 2
NS = 16
NW = NC * NS
LANES = 16

FRAC0 = 0.678


def _sc_body(ns0, ns1, g, chunk0, chunk1, p_valid, d,
             idx_hbm, feat_hbm, out_hbm, idx_v, rows, out_stage, sem):
  cid = lax.axis_index("c")
  sid = lax.axis_index("s")
  wid = sid * NC + cid
  base = jnp.where(cid == 0, sid * chunk0, NS * chunk0 + sid * chunk1)
  nsteps = jnp.where(cid == 0, ns0, ns1)
  g4 = 4 * g

  pltpu.sync_copy(idx_hbm.at[pl.ds(4 * base, 4 * chunk0 + g4)], idx_v)

  nq = d // LANES
  lane = lax.iota(jnp.int32, LANES)
  rots = [(lane + s) & (LANES - 1) for s in (8, 4, 2, 1)]
  dnums = lax.GatherDimensionNumbers(
      offset_dims=(), collapsed_slice_dims=(0,), start_index_map=(0,))

  def hsum(x):
    for perm in rots:
      rot = lax.gather(x, perm[:, None], dnums, slice_sizes=(1,),
                       mode=lax.GatherScatterMode.PROMISE_IN_BOUNDS)
      x = x + rot
    return x

  def gather_step(t, half4):
    pltpu.async_copy(feat_hbm.at[idx_v.at[pl.ds(t * g4, g4)]],
                     rows.at[pl.ds(half4, g4)], sem)

  def wait_step(half4):
    pltpu.make_async_copy(feat_hbm.at[pl.ds(0, g4)],
                          rows.at[pl.ds(half4, g4)], sem).wait()

  unroll = 4

  def compute_step(t, half4, acc):
    def pair_group(pg, acc2):
      for k in range(unroll):
        i = half4 + pg * unroll + k
        u = None
        v = None
        for q in range(nq):
          sl = pl.ds(q * LANES, LANES)
          lv = rows[i, sl]
          rv = rows[i + g, sl]
          flv = rows[i + 2 * g, sl]
          frv = rows[i + 3 * g, sl]
          a = jnp.abs(lv - rv)
          du = a - jnp.abs(lv - frv)
          dv = a - jnp.abs(flv - rv)
          u = du if u is None else u + du
          v = dv if v is None else v + dv
        su = hsum(u)
        sv = hsum(v)
        contrib = (jnp.maximum(GAMMA + su, 0.0) +
                   jnp.maximum(GAMMA + sv, 0.0))
        valid = (base + t * g + (pg * unroll + k)) < p_valid
        acc2 = acc2 + jnp.where(valid, contrib, 0.0)
      return acc2

    return lax.fori_loop(0, g // unroll, pair_group, acc)

  gather_step(0, 0)

  def body(t, acc):
    half4 = (t & 1) * g4
    wait_step(half4)
    gather_step(t + 1, g4 - half4)
    return compute_step(t, half4, acc)

  acc = lax.fori_loop(0, nsteps, body,
                      jnp.zeros((LANES,), jnp.float32))
  wait_step((nsteps & 1) * g4)

  out_stage[...] = jnp.where(lane == 0, acc, 0.0)
  pltpu.sync_copy(out_stage, out_hbm.at[wid])


def _round_up(x, m):
  return (x + m - 1) // m * m


def _build_sc_call(p_valid, v_rows, d, g):
  per_tile = (p_valid + NS - 1) // NS
  chunk0 = _round_up(int(per_tile * FRAC0), g)
  chunk1 = _round_up(per_tile - chunk0 + g, g)
  assert chunk0 >= chunk1
  total = NS * (chunk0 + chunk1)
  assert total >= p_valid
  mesh = plsc.VectorSubcoreMesh(core_axis_name="c", subcore_axis_name="s")
  body = functools.partial(_sc_body, chunk0 // g, chunk1 // g, g, chunk0,
                           chunk1, p_valid, d)
  return chunk0, chunk1, pl.kernel(
      body,
      out_type=jax.ShapeDtypeStruct((NW, LANES), jnp.float32),
      mesh=mesh,
      scratch_types=[
          pltpu.VMEM((4 * chunk0 + 4 * g,), jnp.int32),
          pltpu.VMEM((8 * g, d), jnp.float32),
          pltpu.VMEM((LANES,), jnp.float32),
          pltpu.SemaphoreType.DMA,
      ],
  )


def kernel(pairs, features):
  p, _ = pairs.shape
  v_rows, d = features.shape
  g = 64
  chunk0, chunk1, call = _build_sc_call(p, v_rows, d, g)
  total = NS * (chunk0 + chunk1)
  pp = jnp.zeros((total, 4), jnp.int32).at[:p].set(pairs)
  part0 = pp[:NS * chunk0].reshape(NS, chunk0 // g, g, 4)
  part1 = pp[NS * chunk0:].reshape(NS, chunk1 // g, g, 4)
  tail = 4 * (g + chunk0 - chunk1)
  idx = jnp.concatenate([
      part0.transpose(0, 1, 3, 2).reshape(-1),
      part1.transpose(0, 1, 3, 2).reshape(-1),
      jnp.zeros((tail,), jnp.int32),
  ])
  partials = call(idx, features)
  return jnp.sum(partials) / v_rows

# --- scband reference (transcript-rebuilt; emitter-appended) ---
"""Pipeline reference for scband-simple-hhealoss-69441031242518 (READ-ONLY COPY).

The authoritative reference and input builder live on the scoring server;
editing this copy changes nothing except your own understanding.
"""

import jax, jax.numpy as jnp
import numpy as np

GAMMA = 1.0

def setup_inputs(seed: int = 0) -> dict:
    key = jax.random.key(seed)
    k1, k2 = jax.random.split(key)
    pairs = jax.random.randint(k1, (100000, 4), 0, 100000, dtype=jnp.int64 if jax.config.jax_enable_x64 else jnp.int32).astype(jnp.int32)
    features = jax.random.normal(k2, (100000, 128), dtype=jnp.float32)
    return {"pairs": pairs, "features": features}

def _l1(ll, rr):
    return jnp.sum(jnp.abs(ll - rr), axis=-1)

def reference(pairs, features):
    # feat: [P, 4, d] gather
    feat = jnp.take(features, pairs, axis=0)
    l = feat[:, 0, :]
    r = feat[:, 1, :]
    fl = feat[:, 2, :]
    fr = feat[:, 3, :]
    d_lr = _l1(l, r)
    loss = jnp.sum(
        jax.nn.relu(GAMMA + d_lr - _l1(l, fr)) + jax.nn.relu(GAMMA + d_lr - _l1(fl, r))
    ) / features.shape[0]
    return loss

if __name__ == "__main__":
    import jax
    _d = setup_inputs()
    print(jax.jit(kernel)(*tuple(_d.values())))

</pallas_src>

<mosaic_0001>
#map = affine_map<(d0, d1) -> (0)>
#map1 = affine_map<(d0, d1) -> (0, 0)>
module attributes {stable_mosaic.version = 14 : i64} {
  func.func @_sc_body(%arg0: i32, %arg1: i32, %arg2: memref<414720xi32, #tpu.memory_space<hbm>>, %arg3: memref<100000x128xf32, #tpu.memory_space<hbm>>, %arg4: memref<32x16xf32, #tpu.memory_space<hbm>>, %arg5: memref<17408xi32, #tpu.memory_space<vmem>>, %arg6: memref<512x128xf32, #tpu.memory_space<vmem>>, %arg7: memref<16xf32, #tpu.memory_space<vmem>>, %arg8: memref<!tpu.dma_semaphore, #tpu.memory_space<semaphore_mem>>) attributes {dimension_semantics = [#tpu.dimension_semantics<core_parallel>, #tpu.dimension_semantics<subcore_parallel>], iteration_bounds = array<i64: 2, 16>, scalar_prefetch = 0 : i64, scratch_operands = 4 : i64, tpu.core_type = #tpu.core_type<sc_vector_subcore>, window_params = [{transform_indices = #map}, {transform_indices = #map1}, {transform_indices = #map1}]} {
    %mul3A = arith.constant 2 : i32
    %mul3A_0 = arith.muli %arg1, %mul3A : i32
    %add3A = arith.addi %mul3A_0, %arg0 : i32
    %eq3A = arith.constant 0 : i32
    %eq3A_1 = arith.cmpi eq, %arg0, %eq3A : i32
    %mul3A_2 = arith.constant 4288 : i32
    %mul3A_3 = arith.muli %arg1, %mul3A_2 : i32
    %mul3A_4 = arith.constant 2048 : i32
    %mul3A_5 = arith.muli %arg1, %mul3A_4 : i32
    %add3A_6 = arith.constant 68608 : i32
    %add3A_7 = arith.addi %add3A_6, %mul3A_5 : i32
    %select_n3A = arith.select %eq3A_1, %mul3A_3, %add3A_7 : i32
    %eq3A_8 = arith.constant 0 : i32
    %eq3A_9 = arith.cmpi eq, %arg0, %eq3A_8 : i32
    %jit3A = arith.constant 67 : i32
    %jit3A_10 = arith.constant 32 : i32
    %select_n3A_11 = arith.select %eq3A_9, %jit3A, %jit3A_10 : i32
    %mul3A_12 = arith.constant 4 : i32
    %mul3A_13 = arith.muli %mul3A_12, %select_n3A : i32
    "tpu.region"() ({
      %run_scoped3A = tpu.sem_alloc : memref<!tpu.dma_semaphore, #tpu.memory_space<semaphore_mem>>
      %dma_start3A_77 = tpu.memref_slice %arg2[%mul3A_13] : memref<414720xi32, #tpu.memory_space<hbm>> -> memref<17408xi32, #tpu.memory_space<hbm>>
      %dma_start3A_78 = tpu.memref_slice %arg2[%mul3A_13] : memref<414720xi32, #tpu.memory_space<hbm>> -> memref<17408xi32, #tpu.memory_space<hbm>>
      tpu.enqueue_dma source(%dma_start3A_78 : memref<17408xi32, #tpu.memory_space<hbm>>) target(%arg5 : memref<17408xi32, #tpu.memory_space<vmem>>) target_semaphore(%run_scoped3A : memref<!tpu.dma_semaphore, #tpu.memory_space<semaphore_mem>>)
      %dma_wait3A_79 = tpu.memref_slice %arg2[%mul3A_13] : memref<414720xi32, #tpu.memory_space<hbm>> -> memref<17408xi32, #tpu.memory_space<hbm>>
      %dma_wait3A_80 = tpu.memref_slice %arg2[%mul3A_13] : memref<414720xi32, #tpu.memory_space<hbm>> -> memref<17408xi32, #tpu.memory_space<hbm>>
      tpu.wait_dma2 semaphore(%run_scoped3A : memref<!tpu.dma_semaphore, #tpu.memory_space<semaphore_mem>>) src(%dma_wait3A_80 : memref<17408xi32, #tpu.memory_space<hbm>>) dst(%arg5 : memref<17408xi32, #tpu.memory_space<vmem>>)
      tpu.yield
    }) : () -> ()
    %iota3A = tpu.iota {dimensions = array<i32: 0>} : vector<16xi32>
    %add3A_14 = arith.constant 8 : i32
    %add3A_15 = vector.broadcast %add3A_14 : i32 to vector<16xi32>
    %add3A_16 = arith.addi %iota3A, %add3A_15 : vector<16xi32>
    %and3A = arith.constant 15 : i32
    %and3A_17 = vector.broadcast %and3A : i32 to vector<16xi32>
    %and3A_18 = arith.andi %add3A_16, %and3A_17 : vector<16xi32>
    %add3A_19 = arith.constant 4 : i32
    %add3A_20 = vector.broadcast %add3A_19 : i32 to vector<16xi32>
    %add3A_21 = arith.addi %iota3A, %add3A_20 : vector<16xi32>
    %and3A_22 = arith.constant 15 : i32
    %and3A_23 = vector.broadcast %and3A_22 : i32 to vector<16xi32>
    %and3A_24 = arith.andi %add3A_21, %and3A_23 : vector<16xi32>
    %add3A_25 = arith.constant 2 : i32
    %add3A_26 = vector.broadcast %add3A_25 : i32 to vector<16xi32>
    %add3A_27 = arith.addi %iota3A, %add3A_26 : vector<16xi32>
    %and3A_28 = arith.constant 15 : i32
    %and3A_29 = vector.broadcast %and3A_28 : i32 to vector<16xi32>
    %and3A_30 = arith.andi %add3A_27, %and3A_29 : vector<16xi32>
    %add3A_31 = arith.constant 1 : i32
    %add3A_32 = vector.broadcast %add3A_31 : i32 to vector<16xi32>
    %add3A_33 = arith.addi %iota3A, %add3A_32 : vector<16xi32>
    %and3A_34 = arith.constant 15 : i32
    %and3A_35 = vector.broadcast %and3A_34 : i32 to vector<16xi32>
    %and3A_36 = arith.andi %add3A_33, %and3A_35 : vector<16xi32>
    %dma_start3A = arith.constant 0 : i32
    %dma_start3A_37 = arith.constant 0 : i32
    %dma_start3A_38 = tpu.memref_slice %arg6[%dma_start3A, %dma_start3A_37] : memref<512x128xf32, #tpu.memory_space<vmem>> -> memref<256x128xf32, #tpu.memory_space<vmem>>
    %dma_start3A_39 = arith.constant 0 : i32
    %dma_start3A_40 = tpu.memref_slice %arg5[%dma_start3A_39] : memref<17408xi32, #tpu.memory_space<vmem>> -> memref<256xi32, #tpu.memory_space<vmem>>
    %dma_start3A_41 = arith.constant 0 : i32
    %dma_start3A_42 = arith.constant 0 : i32
    %dma_start3A_43 = tpu.memref_slice %arg3[%dma_start3A_41, %dma_start3A_42] : memref<100000x128xf32, #tpu.memory_space<hbm>> -> memref<100000x128xf32, #tpu.memory_space<hbm>>
    tpu.enqueue_indirect_dma source(%dma_start3A_43 : memref<100000x128xf32, #tpu.memory_space<hbm>>) target(%dma_start3A_38 : memref<256x128xf32, #tpu.memory_space<vmem>>) offsets(%dma_start3A_40 : memref<256xi32, #tpu.memory_space<vmem>>) semaphore(%arg8 : memref<!tpu.dma_semaphore, #tpu.memory_space<semaphore_mem>>)
    %broadcast_in_dim3A = arith.constant 0.000000e+00 : f32
    %broadcast_in_dim3A_44 = vector.broadcast %broadcast_in_dim3A : f32 to vector<16xf32>
    %while3A = arith.constant 0 : i32
    %while3A_45 = arith.subi %select_n3A_11, %while3A : i32
    %while3A_46 = arith.addi %while3A, %while3A_45 : i32
    %while3A_47 = arith.constant 1 : i32
    %while3A_48 = arith.divsi %while3A_45, %while3A_47 : i32
    %while3A_49 = arith.muli %while3A_48, %while3A_47 : i32
    %while3A_50 = arith.addi %while3A, %while3A_49 : i32
    %while3A_51 = arith.constant 1 : i32
    %while3A_52 = scf.for %while3A_77 = %while3A to %while3A_50 step %while3A_51 iter_args(%while3A_78 = %broadcast_in_dim3A_44) -> (vector<16xf32>)  : i32 {
      %and3A_79 = arith.constant 1 : i32
      %and3A_80 = arith.andi %while3A_77, %and3A_79 : i32
      %mul3A_81 = arith.constant 256 : i32
      %mul3A_82 = arith.muli %and3A_80, %mul3A_81 : i32
      %dma_wait3A_83 = arith.constant 0 : i32
      %dma_wait3A_84 = tpu.memref_slice %arg6[%mul3A_82, %dma_wait3A_83] : memref<512x128xf32, #tpu.memory_space<vmem>> -> memref<256x128xf32, #tpu.memory_space<vmem>>
      %dma_wait3A_85 = arith.constant 0 : i32
      %dma_wait3A_86 = arith.constant 0 : i32
      %dma_wait3A_87 = tpu.memref_slice %arg3[%dma_wait3A_85, %dma_wait3A_86] : memref<100000x128xf32, #tpu.memory_space<hbm>> -> memref<256x128xf32, #tpu.memory_space<hbm>>
      %dma_wait3A_88 = arith.constant 0 : i32
      %dma_wait3A_89 = tpu.memref_slice %arg6[%mul3A_82, %dma_wait3A_88] : memref<512x128xf32, #tpu.memory_space<vmem>> -> memref<256x128xf32, #tpu.memory_space<vmem>>
      %dma_wait3A_90 = arith.constant 0 : i32
      %dma_wait3A_91 = arith.constant 0 : i32
      %dma_wait3A_92 = tpu.memref_slice %arg3[%dma_wait3A_90, %dma_wait3A_91] : memref<100000x128xf32, #tpu.memory_space<hbm>> -> memref<256x128xf32, #tpu.memory_space<hbm>>
      tpu.wait_dma2 semaphore(%arg8 : memref<!tpu.dma_semaphore, #tpu.memory_space<semaphore_mem>>) src(%dma_wait3A_92 : memref<256x128xf32, #tpu.memory_space<hbm>>) dst(%dma_wait3A_89 : memref<256x128xf32, #tpu.memory_space<vmem>>)
      %add3A_93 = arith.constant 1 : i32
      %add3A_94 = arith.addi %while3A_77, %add3A_93 : i32
      %sub3A = arith.constant 256 : i32
      %sub3A_95 = arith.subi %sub3A, %mul3A_82 : i32
      %mul3A_96 = arith.constant 256 : i32
      %mul3A_97 = arith.muli %add3A_94, %mul3A_96 : i32
      %dma_start3A_98 = arith.constant 0 : i32
      %dma_start3A_99 = tpu.memref_slice %arg6[%sub3A_95, %dma_start3A_98] : memref<512x128xf32, #tpu.memory_space<vmem>> -> memref<256x128xf32, #tpu.memory_space<vmem>>
      %dma_start3A_100 = tpu.memref_slice %arg5[%mul3A_97] : memref<17408xi32, #tpu.memory_space<vmem>> -> memref<256xi32, #tpu.memory_space<vmem>>
      %dma_start3A_101 = arith.constant 0 : i32
      %dma_start3A_102 = arith.constant 0 : i32
      %dma_start3A_103 = tpu.memref_slice %arg3[%dma_start3A_101, %dma_start3A_102] : memref<100000x128xf32, #tpu.memory_space<hbm>> -> memref<100000x128xf32, #tpu.memory_space<hbm>>
      tpu.enqueue_indirect_dma source(%dma_start3A_103 : memref<100000x128xf32, #tpu.memory_space<hbm>>) target(%dma_start3A_99 : memref<256x128xf32, #tpu.memory_space<vmem>>) offsets(%dma_start3A_100 : memref<256xi32, #tpu.memory_space<vmem>>) semaphore(%arg8 : memref<!tpu.dma_semaphore, #tpu.memory_space<semaphore_mem>>)
      %scan3A = arith.constant 0 : i32
      %scan3A_104 = arith.constant 16 : i32
      %scan3A_105 = arith.addi %scan3A, %scan3A_104 : i32
      %scan3A_106 = arith.constant 1 : i32
      %scan3A_107 = scf.for %scan3A_109 = %scan3A to %scan3A_105 step %scan3A_106 iter_args(%scan3A_110 = %while3A_78) -> (vector<16xf32>)  : i32 {
        %mul3A_111 = arith.constant 4 : i32
        %mul3A_112 = arith.muli %scan3A_109, %mul3A_111 : i32
        %add3A_113 = arith.addi %mul3A_82, %mul3A_112 : i32
        %add3A_114 = arith.constant 0 : i32
        %add3A_115 = arith.addi %add3A_113, %add3A_114 : i32
        %get3A = arith.index_cast %add3A_115 : i32 to index
        %get3A_116 = arith.constant 0 : index
        %get3A_117 = tpu.vector_load %arg6[%get3A, %get3A_116] {strides = array<i32>} : memref<512x128xf32, #tpu.memory_space<vmem>>, vector<1x16xf32>,
        %get3A_118 = vector.shape_cast %get3A_117 : vector<1x16xf32> to vector<16xf32>
        %add3A_119 = arith.constant 64 : i32
        %add3A_120 = arith.addi %add3A_115, %add3A_119 : i32
        %get3A_121 = arith.index_cast %add3A_120 : i32 to index
        %get3A_122 = arith.constant 0 : index
        %get3A_123 = tpu.vector_load %arg6[%get3A_121, %get3A_122] {strides = array<i32>} : memref<512x128xf32, #tpu.memory_space<vmem>>, vector<1x16xf32>,
        %get3A_124 = vector.shape_cast %get3A_123 : vector<1x16xf32> to vector<16xf32>
        %add3A_125 = arith.constant 128 : i32
        %add3A_126 = arith.addi %add3A_115, %add3A_125 : i32
        %get3A_127 = arith.index_cast %add3A_126 : i32 to index
        %get3A_128 = arith.constant 0 : index
        %get3A_129 = tpu.vector_load %arg6[%get3A_127, %get3A_128] {strides = array<i32>} : memref<512x128xf32, #tpu.memory_space<vmem>>, vector<1x16xf32>,
        %get3A_130 = vector.shape_cast %get3A_129 : vector<1x16xf32> to vector<16xf32>
        %add3A_131 = arith.constant 192 : i32
        %add3A_132 = arith.addi %add3A_115, %add3A_131 : i32
        %get3A_133 = arith.index_cast %add3A_132 : i32 to index
        %get3A_134 = arith.constant 0 : index
        %get3A_135 = tpu.vector_load %arg6[%get3A_133, %get3A_134] {strides = array<i32>} : memref<512x128xf32, #tpu.memory_space<vmem>>, vector<1x16xf32>,
        %get3A_136 = vector.shape_cast %get3A_135 : vector<1x16xf32> to vector<16xf32>
        %sub3A_137 = arith.subf %get3A_118, %get3A_124 : vector<16xf32>
        %abs3A = math.absf %sub3A_137 : vector<16xf32>
        %sub3A_138 = arith.subf %get3A_118, %get3A_136 : vector<16xf32>
        %abs3A_139 = math.absf %sub3A_138 : vector<16xf32>
        %sub3A_140 = arith.subf %abs3A, %abs3A_139 : vector<16xf32>
        %sub3A_141 = arith.subf %get3A_130, %get3A_124 : vector<16xf32>
        %abs3A_142 = math.absf %sub3A_141 : vector<16xf32>
        %sub3A_143 = arith.subf %abs3A, %abs3A_142 : vector<16xf32>
        %get3A_144 = arith.index_cast %add3A_115 : i32 to index
        %get3A_145 = arith.constant 16 : index
        %get3A_146 = tpu.vector_load %arg6[%get3A_144, %get3A_145] {strides = array<i32>} : memref<512x128xf32, #tpu.memory_space<vmem>>, vector<1x16xf32>,
        %get3A_147 = vector.shape_cast %get3A_146 : vector<1x16xf32> to vector<16xf32>
        %add3A_148 = arith.constant 64 : i32
        %add3A_149 = arith.addi %add3A_115, %add3A_148 : i32
        %get3A_150 = arith.index_cast %add3A_149 : i32 to index
        %get3A_151 = arith.constant 16 : index
        %get3A_152 = tpu.vector_load %arg6[%get3A_150, %get3A_151] {strides = array<i32>} : memref<512x128xf32, #tpu.memory_space<vmem>>, vector<1x16xf32>,
        %get3A_153 = vector.shape_cast %get3A_152 : vector<1x16xf32> to vector<16xf32>
        %add3A_154 = arith.constant 128 : i32
        %add3A_155 = arith.addi %add3A_115, %add3A_154 : i32
        %get3A_156 = arith.index_cast %add3A_155 : i32 to index
        %get3A_157 = arith.constant 16 : index
        %get3A_158 = tpu.vector_load %arg6[%get3A_156, %get3A_157] {strides = array<i32>} : memref<512x128xf32, #tpu.memory_space<vmem>>, vector<1x16xf32>,
        %get3A_159 = vector.shape_cast %get3A_158 : vector<1x16xf32> to vector<16xf32>
        %add3A_160 = arith.constant 192 : i32
        %add3A_161 = arith.addi %add3A_115, %add3A_160 : i32
        %get3A_162 = arith.index_cast %add3A_161 : i32 to index
        %get3A_163 = arith.constant 16 : index
        %get3A_164 = tpu.vector_load %arg6[%get3A_162, %get3A_163] {strides = array<i32>} : memref<512x128xf32, #tpu.memory_space<vmem>>, vector<1x16xf32>,
        %get3A_165 = vector.shape_cast %get3A_164 : vector<1x16xf32> to vector<16xf32>
        %sub3A_166 = arith.subf %get3A_147, %get3A_153 : vector<16xf32>
        %abs3A_167 = math.absf %sub3A_166 : vector<16xf32>
        %sub3A_168 = arith.subf %get3A_147, %get3A_165 : vector<16xf32>
        %abs3A_169 = math.absf %sub3A_168 : vector<16xf32>
        %sub3A_170 = arith.subf %abs3A_167, %abs3A_169 : vector<16xf32>
        %sub3A_171 = arith.subf %get3A_159, %get3A_153 : vector<16xf32>
        %abs3A_172 = math.absf %sub3A_171 : vector<16xf32>
        %sub3A_173 = arith.subf %abs3A_167, %abs3A_172 : vector<16xf32>
        %add3A_174 = arith.addf %sub3A_140, %sub3A_170 : vector<16xf32>
        %add3A_175 = arith.addf %sub3A_143, %sub3A_173 : vector<16xf32>
        %get3A_176 = arith.index_cast %add3A_115 : i32 to index
        %get3A_177 = arith.constant 32 : index
        %get3A_178 = tpu.vector_load %arg6[%get3A_176, %get3A_177] {strides = array<i32>} : memref<512x128xf32, #tpu.memory_space<vmem>>, vector<1x16xf32>,
        %get3A_179 = vector.shape_cast %get3A_178 : vector<1x16xf32> to vector<16xf32>
        %add3A_180 = arith.constant 64 : i32
        %add3A_181 = arith.addi %add3A_115, %add3A_180 : i32
        %get3A_182 = arith.index_cast %add3A_181 : i32 to index
        %get3A_183 = arith.constant 32 : index
        %get3A_184 = tpu.vector_load %arg6[%get3A_182, %get3A_183] {strides = array<i32>} : memref<512x128xf32, #tpu.memory_space<vmem>>, vector<1x16xf32>,
        %get3A_185 = vector.shape_cast %get3A_184 : vector<1x16xf32> to vector<16xf32>
        %add3A_186 = arith.constant 128 : i32
        %add3A_187 = arith.addi %add3A_115, %add3A_186 : i32
        %get3A_188 = arith.index_cast %add3A_187 : i32 to index
        %get3A_189 = arith.constant 32 : index
        %get3A_190 = tpu.vector_load %arg6[%get3A_188, %get3A_189] {strides = array<i32>} : memref<512x128xf32, #tpu.memory_space<vmem>>, vector<1x16xf32>,
        %get3A_191 = vector.shape_cast %get3A_190 : vector<1x16xf32> to vector<16xf32>
        %add3A_192 = arith.constant 192 : i32
        %add3A_193 = arith.addi %add3A_115, %add3A_192 : i32
        %get3A_194 = arith.index_cast %add3A_193 : i32 to index
        %get3A_195 = arith.constant 32 : index
        %get3A_196 = tpu.vector_load %arg6[%get3A_194, %get3A_195] {strides = array<i32>} : memref<512x128xf32, #tpu.memory_space<vmem>>, vector<1x16xf32>,
        %get3A_197 = vector.shape_cast %get3A_196 : vector<1x16xf32> to vector<16xf32>
        %sub3A_198 = arith.subf %get3A_179, %get3A_185 : vector<16xf32>
        %abs3A_199 = math.absf %sub3A_198 : vector<16xf32>
        %sub3A_200 = arith.subf %get3A_179, %get3A_197 : vector<16xf32>
        %abs3A_201 = math.absf %sub3A_200 : vector<16xf32>
        %sub3A_202 = arith.subf %abs3A_199, %abs3A_201 : vector<16xf32>
        %sub3A_203 = arith.subf %get3A_191, %get3A_185 : vector<16xf32>
        %abs3A_204 = math.absf %sub3A_203 : vector<16xf32>
        %sub3A_205 = arith.subf %abs3A_199, %abs3A_204 : vector<16xf32>
        %add3A_206 = arith.addf %add3A_174, %sub3A_202 : vector<16xf32>
        %add3A_207 = arith.addf %add3A_175, %sub3A_205 : vector<16xf32>
        %get3A_208 = arith.index_cast %add3A_115 : i32 to index
        %get3A_209 = arith.constant 48 : index
        %get3A_210 = tpu.vector_load %arg6[%get3A_208, %get3A_209] {strides = array<i32>} : memref<512x128xf32, #tpu.memory_space<vmem>>, vector<1x16xf32>,
        %get3A_211 = vector.shape_cast %get3A_210 : vector<1x16xf32> to vector<16xf32>
        %add3A_212 = arith.constant 64 : i32
        %add3A_213 = arith.addi %add3A_115, %add3A_212 : i32
        %get3A_214 = arith.index_cast %add3A_213 : i32 to index
        %get3A_215 = arith.constant 48 : index
        %get3A_216 = tpu.vector_load %arg6[%get3A_214, %get3A_215] {strides = array<i32>} : memref<512x128xf32, #tpu.memory_space<vmem>>, vector<1x16xf32>,
        %get3A_217 = vector.shape_cast %get3A_216 : vector<1x16xf32> to vector<16xf32>
        %add3A_218 = arith.constant 128 : i32
        %add3A_219 = arith.addi %add3A_115, %add3A_218 : i32
        %get3A_220 = arith.index_cast %add3A_219 : i32 to index
        %get3A_221 = arith.constant 48 : index
        %get3A_222 = tpu.vector_load %arg6[%get3A_220, %get3A_221] {strides = array<i32>} : memref<512x128xf32, #tpu.memory_space<vmem>>, vector<1x16xf32>,
        %get3A_223 = vector.shape_cast %get3A_222 : vector<1x16xf32> to vector<16xf32>
        %add3A_224 = arith.constant 192 : i32
        %add3A_225 = arith.addi %add3A_115, %add3A_224 : i32
        %get3A_226 = arith.index_cast %add3A_225 : i32 to index
        %get3A_227 = arith.constant 48 : index
        %get3A_228 = tpu.vector_load %arg6[%get3A_226, %get3A_227] {strides = array<i32>} : memref<512x128xf32, #tpu.memory_space<vmem>>, vector<1x16xf32>,
        %get3A_229 = vector.shape_cast %get3A_228 : vector<1x16xf32> to vector<16xf32>
        %sub3A_230 = arith.subf %get3A_211, %get3A_217 : vector<16xf32>
        %abs3A_231 = math.absf %sub3A_230 : vector<16xf32>
        %sub3A_232 = arith.subf %get3A_211, %get3A_229 : vector<16xf32>
        %abs3A_233 = math.absf %sub3A_232 : vector<16xf32>
        %sub3A_234 = arith.subf %abs3A_231, %abs3A_233 : vector<16xf32>
        %sub3A_235 = arith.subf %get3A_223, %get3A_217 : vector<16xf32>
        %abs3A_236 = math.absf %sub3A_235 : vector<16xf32>
        %sub3A_237 = arith.subf %abs3A_231, %abs3A_236 : vector<16xf32>
        %add3A_238 = arith.addf %add3A_206, %sub3A_234 : vector<16xf32>
        %add3A_239 = arith.addf %add3A_207, %sub3A_237 : vector<16xf32>
        %get3A_240 = arith.index_cast %add3A_115 : i32 to index
        %get3A_241 = arith.constant 64 : index
        %get3A_242 = tpu.vector_load %arg6[%get3A_240, %get3A_241] {strides = array<i32>} : memref<512x128xf32, #tpu.memory_space<vmem>>, vector<1x16xf32>,
        %get3A_243 = vector.shape_cast %get3A_242 : vector<1x16xf32> to vector<16xf32>
        %add3A_244 = arith.constant 64 : i32
        %add3A_245 = arith.addi %add3A_115, %add3A_244 : i32
        %get3A_246 = arith.index_cast %add3A_245 : i32 to index
        %get3A_247 = arith.constant 64 : index
        %get3A_248 = tpu.vector_load %arg6[%get3A_246, %get3A_247] {strides = array<i32>} : memref<512x128xf32, #tpu.memory_space<vmem>>, vector<1x16xf32>,
        %get3A_249 = vector.shape_cast %get3A_248 : vector<1x16xf32> to vector<16xf32>
        %add3A_250 = arith.constant 128 : i32
        %add3A_251 = arith.addi %add3A_115, %add3A_250 : i32
        %get3A_252 = arith.index_cast %add3A_251 : i32 to index
        %get3A_253 = arith.constant 64 : index
        %get3A_254 = tpu.vector_load %arg6[%get3A_252, %get3A_253] {strides = array<i32>} : memref<512x128xf32, #tpu.memory_space<vmem>>, vector<1x16xf32>,
        %get3A_255 = vector.shape_cast %get3A_254 : vector<1x16xf32> to vector<16xf32>
        %add3A_256 = arith.constant 192 : i32
        %add3A_257 = arith.addi %add3A_115, %add3A_256 : i32
        %get3A_258 = arith.index_cast %add3A_257 : i32 to index
        %get3A_259 = arith.constant 64 : index
        %get3A_260 = tpu.vector_load %arg6[%get3A_258, %get3A_259] {strides = array<i32>} : memref<512x128xf32, #tpu.memory_space<vmem>>, vector<1x16xf32>,
        %get3A_261 = vector.shape_cast %get3A_260 : vector<1x16xf32> to vector<16xf32>
        %sub3A_262 = arith.subf %get3A_243, %get3A_249 : vector<16xf32>
        %abs3A_263 = math.absf %sub3A_262 : vector<16xf32>
        %sub3A_264 = arith.subf %get3A_243, %get3A_261 : vector<16xf32>
        %abs3A_265 = math.absf %sub3A_264 : vector<16xf32>
        %sub3A_266 = arith.subf %abs3A_263, %abs3A_265 : vector<16xf32>
        %sub3A_267 = arith.subf %get3A_255, %get3A_249 : vector<16xf32>
        %abs3A_268 = math.absf %sub3A_267 : vector<16xf32>
        %sub3A_269 = arith.subf %abs3A_263, %abs3A_268 : vector<16xf32>
        %add3A_270 = arith.addf %add3A_238, %sub3A_266 : vector<16xf32>
        %add3A_271 = arith.addf %add3A_239, %sub3A_269 : vector<16xf32>
        %get3A_272 = arith.index_cast %add3A_115 : i32 to index
        %get3A_273 = arith.constant 80 : index
        %get3A_274 = tpu.vector_load %arg6[%get3A_272, %get3A_273] {strides = array<i32>} : memref<512x128xf32, #tpu.memory_space<vmem>>, vector<1x16xf32>,
        %get3A_275 = vector.shape_cast %get3A_274 : vector<1x16xf32> to vector<16xf32>
        %add3A_276 = arith.constant 64 : i32
        %add3A_277 = arith.addi %add3A_115, %add3A_276 : i32
        %get3A_278 = arith.index_cast %add3A_277 : i32 to index
        %get3A_279 = arith.constant 80 : index
        %get3A_280 = tpu.vector_load %arg6[%get3A_278, %get3A_279] {strides = array<i32>} : memref<512x128xf32, #tpu.memory_space<vmem>>, vector<1x16xf32>,
        %get3A_281 = vector.shape_cast %get3A_280 : vector<1x16xf32> to vector<16xf32>
        %add3A_282 = arith.constant 128 : i32
        %add3A_283 = arith.addi %add3A_115, %add3A_282 : i32
        %get3A_284 = arith.index_cast %add3A_283 : i32 to index
        %get3A_285 = arith.constant 80 : index
        %get3A_286 = tpu.vector_load %arg6[%get3A_284, %get3A_285] {strides = array<i32>} : memref<512x128xf32, #tpu.memory_space<vmem>>, vector<1x16xf32>,
        %get3A_287 = vector.shape_cast %get3A_286 : vector<1x16xf32> to vector<16xf32>
        %add3A_288 = arith.constant 192 : i32
        %add3A_289 = arith.addi %add3A_115, %add3A_288 : i32
        %get3A_290 = arith.index_cast %add3A_289 : i32 to index
        %get3A_291 = arith.constant 80 : index
        %get3A_292 = tpu.vector_load %arg6[%get3A_290, %get3A_291] {strides = array<i32>} : memref<512x128xf32, #tpu.memory_space<vmem>>, vector<1x16xf32>,
        %get3A_293 = vector.shape_cast %get3A_292 : vector<1x16xf32> to vector<16xf32>
        %sub3A_294 = arith.subf %get3A_275, %get3A_281 : vector<16xf32>
        %abs3A_295 = math.absf %sub3A_294 : vector<16xf32>
        %sub3A_296 = arith.subf %get3A_275, %get3A_293 : vector<16xf32>
        %abs3A_297 = math.absf %sub3A_296 : vector<16xf32>
        %sub3A_298 = arith.subf %abs3A_295, %abs3A_297 : vector<16xf32>
        %sub3A_299 = arith.subf %get3A_287, %get3A_281 : vector<16xf32>
        %abs3A_300 = math.absf %sub3A_299 : vector<16xf32>
        %sub3A_301 = arith.subf %abs3A_295, %abs3A_300 : vector<16xf32>
        %add3A_302 = arith.addf %add3A_270, %sub3A_298 : vector<16xf32>
        %add3A_303 = arith.addf %add3A_271, %sub3A_301 : vector<16xf32>
        %get3A_304 = arith.index_cast %add3A_115 : i32 to index
        %get3A_305 = arith.constant 96 : index
        %get3A_306 = tpu.vector_load %arg6[%get3A_304, %get3A_305] {strides = array<i32>} : memref<512x128xf32, #tpu.memory_space<vmem>>, vector<1x16xf32>,
        %get3A_307 = vector.shape_cast %get3A_306 : vector<1x16xf32> to vector<16xf32>
        %add3A_308 = arith.constant 64 : i32
        %add3A_309 = arith.addi %add3A_115, %add3A_308 : i32
        %get3A_310 = arith.index_cast %add3A_309 : i32 to index
        %get3A_311 = arith.constant 96 : index
        %get3A_312 = tpu.vector_load %arg6[%get3A_310, %get3A_311] {strides = array<i32>} : memref<512x128xf32, #tpu.memory_space<vmem>>, vector<1x16xf32>,
        %get3A_313 = vector.shape_cast %get3A_312 : vector<1x16xf32> to vector<16xf32>
        %add3A_314 = arith.constant 128 : i32
        %add3A_315 = arith.addi %add3A_115, %add3A_314 : i32
        %get3A_316 = arith.index_cast %add3A_315 : i32 to index
        %get3A_317 = arith.constant 96 : index
        %get3A_318 = tpu.vector_load %arg6[%get3A_316, %get3A_317] {strides = array<i32>} : memref<512x128xf32, #tpu.memory_space<vmem>>, vector<1x16xf32>,
        %get3A_319 = vector.shape_cast %get3A_318 : vector<1x16xf32> to vector<16xf32>
        %add3A_320 = arith.constant 192 : i32
        %add3A_321 = arith.addi %add3A_115, %add3A_320 : i32
        %get3A_322 = arith.index_cast %add3A_321 : i32 to index
        %get3A_323 = arith.constant 96 : index
        %get3A_324 = tpu.vector_load %arg6[%get3A_322, %get3A_323] {strides = array<i32>} : memref<512x128xf32, #tpu.memory_space<vmem>>, vector<1x16xf32>,
        %get3A_325 = vector.shape_cast %get3A_324 : vector<1x16xf32> to vector<16xf32>
        %sub3A_326 = arith.subf %get3A_307, %get3A_313 : vector<16xf32>
        %abs3A_327 = math.absf %sub3A_326 : vector<16xf32>
        %sub3A_328 = arith.subf %get3A_307, %get3A_325 : vector<16xf32>
        %abs3A_329 = math.absf %sub3A_328 : vector<16xf32>
        %sub3A_330 = arith.subf %abs3A_327, %abs3A_329 : vector<16xf32>
        %sub3A_331 = arith.subf %get3A_319, %get3A_313 : vector<16xf32>
        %abs3A_332 = math.absf %sub3A_331 : vector<16xf32>
        %sub3A_333 = arith.subf %abs3A_327, %abs3A_332 : vector<16xf32>
        %add3A_334 = arith.addf %add3A_302, %sub3A_330 : vector<16xf32>
        %add3A_335 = arith.addf %add3A_303, %sub3A_333 : vector<16xf32>
        %get3A_336 = arith.index_cast %add3A_115 : i32 to index
        %get3A_337 = arith.constant 112 : index
        %get3A_338 = tpu.vector_load %arg6[%get3A_336, %get3A_337] {strides = array<i32>} : memref<512x128xf32, #tpu.memory_space<vmem>>, vector<1x16xf32>,
        %get3A_339 = vector.shape_cast %get3A_338 : vector<1x16xf32> to vector<16xf32>
        %add3A_340 = arith.constant 64 : i32
        %add3A_341 = arith.addi %add3A_115, %add3A_340 : i32
        %get3A_342 = arith.index_cast %add3A_341 : i32 to index
        %get3A_343 = arith.constant 112 : index
        %get3A_344 = tpu.vector_load %arg6[%get3A_342, %get3A_343] {strides = array<i32>} : memref<512x128xf32, #tpu.memory_space<vmem>>, vector<1x16xf32>,
        %get3A_345 = vector.shape_cast %get3A_344 : vector<1x16xf32> to vector<16xf32>
        %add3A_346 = arith.constant 128 : i32
        %add3A_347 = arith.addi %add3A_115, %add3A_346 : i32
        %get3A_348 = arith.index_cast %add3A_347 : i32 to index
        %get3A_349 = arith.constant 112 : index
        %get3A_350 = tpu.vector_load %arg6[%get3A_348, %get3A_349] {strides = array<i32>} : memref<512x128xf32, #tpu.memory_space<vmem>>, vector<1x16xf32>,
        %get3A_351 = vector.shape_cast %get3A_350 : vector<1x16xf32> to vector<16xf32>
        %add3A_352 = arith.constant 192 : i32
        %add3A_353 = arith.addi %add3A_115, %add3A_352 : i32
        %get3A_354 = arith.index_cast %add3A_353 : i32 to index
        %get3A_355 = arith.constant 112 : index
        %get3A_356 = tpu.vector_load %arg6[%get3A_354, %get3A_355] {strides = array<i32>} : memref<512x128xf32, #tpu.memory_space<vmem>>, vector<1x16xf32>,
        %get3A_357 = vector.shape_cast %get3A_356 : vector<1x16xf32> to vector<16xf32>
        %sub3A_358 = arith.subf %get3A_339, %get3A_345 : vector<16xf32>
        %abs3A_359 = math.absf %sub3A_358 : vector<16xf32>
        %sub3A_360 = arith.subf %get3A_339, %get3A_357 : vector<16xf32>
        %abs3A_361 = math.absf %sub3A_360 : vector<16xf32>
        %sub3A_362 = arith.subf %abs3A_359, %abs3A_361 : vector<16xf32>
        %sub3A_363 = arith.subf %get3A_351, %get3A_345 : vector<16xf32>
        %abs3A_364 = math.absf %sub3A_363 : vector<16xf32>
        %sub3A_365 = arith.subf %abs3A_359, %abs3A_364 : vector<16xf32>
        %add3A_366 = arith.addf %add3A_334, %sub3A_362 : vector<16xf32>
        %add3A_367 = arith.addf %add3A_335, %sub3A_365 : vector<16xf32>
        %broadcast_in_dim3A_368 = vector.shape_cast %and3A_18 : vector<16xi32> to vector<16x1xi32>
        %gather3A = vector.shape_cast %broadcast_in_dim3A_368 : vector<16x1xi32> to vector<16xi32>
        %gather3A_369 = tpu.dynamic_gather %add3A_366[%gather3A] in [0] : vector<16xf32>, vector<16xi32> -> vector<16xf32>
        %add3A_370 = arith.addf %add3A_366, %gather3A_369 : vector<16xf32>
        %broadcast_in_dim3A_371 = vector.shape_cast %and3A_24 : vector<16xi32> to vector<16x1xi32>
        %gather3A_372 = vector.shape_cast %broadcast_in_dim3A_371 : vector<16x1xi32> to vector<16xi32>
        %gather3A_373 = tpu.dynamic_gather %add3A_370[%gather3A_372] in [0] : vector<16xf32>, vector<16xi32> -> vector<16xf32>
        %add3A_374 = arith.addf %add3A_370, %gather3A_373 : vector<16xf32>
        %broadcast_in_dim3A_375 = vector.shape_cast %and3A_30 : vector<16xi32> to vector<16x1xi32>
        %gather3A_376 = vector.shape_cast %broadcast_in_dim3A_375 : vector<16x1xi32> to vector<16xi32>
        %gather3A_377 = tpu.dynamic_gather %add3A_374[%gather3A_376] in [0] : vector<16xf32>, vector<16xi32> -> vector<16xf32>
        %add3A_378 = arith.addf %add3A_374, %gather3A_377 : vector<16xf32>
        %broadcast_in_dim3A_379 = vector.shape_cast %and3A_36 : vector<16xi32> to vector<16x1xi32>
        %gather3A_380 = vector.shape_cast %broadcast_in_dim3A_379 : vector<16x1xi32> to vector<16xi32>
        %gather3A_381 = tpu.dynamic_gather %add3A_378[%gather3A_380] in [0] : vector<16xf32>, vector<16xi32> -> vector<16xf32>
        %add3A_382 = arith.addf %add3A_378, %gather3A_381 : vector<16xf32>
        %broadcast_in_dim3A_383 = vector.shape_cast %and3A_18 : vector<16xi32> to vector<16x1xi32>
        %gather3A_384 = vector.shape_cast %broadcast_in_dim3A_383 : vector<16x1xi32> to vector<16xi32>
        %gather3A_385 = tpu.dynamic_gather %add3A_367[%gather3A_384] in [0] : vector<16xf32>, vector<16xi32> -> vector<16xf32>
        %add3A_386 = arith.addf %add3A_367, %gather3A_385 : vector<16xf32>
        %broadcast_in_dim3A_387 = vector.shape_cast %and3A_24 : vector<16xi32> to vector<16x1xi32>
        %gather3A_388 = vector.shape_cast %broadcast_in_dim3A_387 : vector<16x1xi32> to vector<16xi32>
        %gather3A_389 = tpu.dynamic_gather %add3A_386[%gather3A_388] in [0] : vector<16xf32>, vector<16xi32> -> vector<16xf32>
        %add3A_390 = arith.addf %add3A_386, %gather3A_389 : vector<16xf32>
        %broadcast_in_dim3A_391 = vector.shape_cast %and3A_30 : vector<16xi32> to vector<16x1xi32>
        %gather3A_392 = vector.shape_cast %broadcast_in_dim3A_391 : vector<16x1xi32> to vector<16xi32>
        %gather3A_393 = tpu.dynamic_gather %add3A_390[%gather3A_392] in [0] : vector<16xf32>, vector<16xi32> -> vector<16xf32>
        %add3A_394 = arith.addf %add3A_390, %gather3A_393 : vector<16xf32>
        %broadcast_in_dim3A_395 = vector.shape_cast %and3A_36 : vector<16xi32> to vector<16x1xi32>
        %gather3A_396 = vector.shape_cast %broadcast_in_dim3A_395 : vector<16x1xi32> to vector<16xi32>
        %gather3A_397 = tpu.dynamic_gather %add3A_394[%gather3A_396] in [0] : vector<16xf32>, vector<16xi32> -> vector<16xf32>
        %add3A_398 = arith.addf %add3A_394, %gather3A_397 : vector<16xf32>
        %add3A_399 = arith.constant 1.000000e+00 : f32
        %add3A_400 = vector.broadcast %add3A_399 : f32 to vector<16xf32>
        %add3A_401 = arith.addf %add3A_400, %add3A_382 : vector<16xf32>
        %max3A = arith.constant 0.000000e+00 : f32
        %max3A_402 = vector.broadcast %max3A : f32 to vector<16xf32>
        %max3A_403 = arith.maximumf %add3A_401, %max3A_402 : vector<16xf32>
        %add3A_404 = arith.constant 1.000000e+00 : f32
        %add3A_405 = vector.broadcast %add3A_404 : f32 to vector<16xf32>
        %add3A_406 = arith.addf %add3A_405, %add3A_398 : vector<16xf32>
        %max3A_407 = arith.constant 0.000000e+00 : f32
        %max3A_408 = vector.broadcast %max3A_407 : f32 to vector<16xf32>
        %max3A_409 = arith.maximumf %add3A_406, %max3A_408 : vector<16xf32>
        %add3A_410 = arith.addf %max3A_403, %max3A_409 : vector<16xf32>
        %mul3A_411 = arith.constant 64 : i32
        %mul3A_412 = arith.muli %while3A_77, %mul3A_411 : i32
        %add3A_413 = arith.addi %select_n3A, %mul3A_412 : i32
        %mul3A_414 = arith.constant 4 : i32
        %mul3A_415 = arith.muli %scan3A_109, %mul3A_414 : i32
        %add3A_416 = arith.constant 0 : i32
        %add3A_417 = arith.addi %mul3A_415, %add3A_416 : i32
        %add3A_418 = arith.addi %add3A_413, %add3A_417 : i32
        %lt3A = arith.constant 100000 : i32
        %lt3A_419 = arith.cmpi slt, %add3A_418, %lt3A : i32
        %jit3A_420 = arith.constant 0.000000e+00 : f32
        %broadcast_in_dim3A_421 = vector.broadcast %jit3A_420 : f32 to vector<16xf32>
        %select_n3A_422 = arith.select %lt3A_419, %add3A_410, %broadcast_in_dim3A_421 : vector<16xf32>
        %add3A_423 = arith.addf %scan3A_110, %select_n3A_422 : vector<16xf32>
        %mul3A_424 = arith.constant 4 : i32
        %mul3A_425 = arith.muli %scan3A_109, %mul3A_424 : i32
        %add3A_426 = arith.addi %mul3A_82, %mul3A_425 : i32
        %add3A_427 = arith.constant 1 : i32
        %add3A_428 = arith.addi %add3A_426, %add3A_427 : i32
        %get3A_429 = arith.index_cast %add3A_428 : i32 to index
        %get3A_430 = arith.constant 0 : index
        %get3A_431 = tpu.vector_load %arg6[%get3A_429, %get3A_430] {strides = array<i32>} : memref<512x128xf32, #tpu.memory_space<vmem>>, vector<1x16xf32>,
        %get3A_432 = vector.shape_cast %get3A_431 : vector<1x16xf32> to vector<16xf32>
        %add3A_433 = arith.constant 64 : i32
        %add3A_434 = arith.addi %add3A_428, %add3A_433 : i32
        %get3A_435 = arith.index_cast %add3A_434 : i32 to index
        %get3A_436 = arith.constant 0 : index
        %get3A_437 = tpu.vector_load %arg6[%get3A_435, %get3A_436] {strides = array<i32>} : memref<512x128xf32, #tpu.memory_space<vmem>>, vector<1x16xf32>,
        %get3A_438 = vector.shape_cast %get3A_437 : vector<1x16xf32> to vector<16xf32>
        %add3A_439 = arith.constant 128 : i32
        %add3A_440 = arith.addi %add3A_428, %add3A_439 : i32
        %get3A_441 = arith.index_cast %add3A_440 : i32 to index
        %get3A_442 = arith.constant 0 : index
        %get3A_443 = tpu.vector_load %arg6[%get3A_441, %get3A_442] {strides = array<i32>} : memref<512x128xf32, #tpu.memory_space<vmem>>, vector<1x16xf32>,
        %get3A_444 = vector.shape_cast %get3A_443 : vector<1x16xf32> to vector<16xf32>
        %add3A_445 = arith.constant 192 : i32
        %add3A_446 = arith.addi %add3A_428, %add3A_445 : i32
        %get3A_447 = arith.index_cast %add3A_446 : i32 to index
        %get3A_448 = arith.constant 0 : index
        %get3A_449 = tpu.vector_load %arg6[%get3A_447, %get3A_448] {strides = array<i32>} : memref<512x128xf32, #tpu.memory_space<vmem>>, vector<1x16xf32>,
        %get3A_450 = vector.shape_cast %get3A_449 : vector<1x16xf32> to vector<16xf32>
        %sub3A_451 = arith.subf %get3A_432, %get3A_438 : vector<16xf32>
        %abs3A_452 = math.absf %sub3A_451 : vector<16xf32>
        %sub3A_453 = arith.subf %get3A_432, %get3A_450 : vector<16xf32>
        %abs3A_454 = math.absf %sub3A_453 : vector<16xf32>
        %sub3A_455 = arith.subf %abs3A_452, %abs3A_454 : vector<16xf32>
        %sub3A_456 = arith.subf %get3A_444, %get3A_438 : vector<16xf32>
        %abs3A_457 = math.absf %sub3A_456 : vector<16xf32>
        %sub3A_458 = arith.subf %abs3A_452, %abs3A_457 : vector<16xf32>
        %get3A_459 = arith.index_cast %add3A_428 : i32 to index
        %get3A_460 = arith.constant 16 : index
        %get3A_461 = tpu.vector_load %arg6[%get3A_459, %get3A_460] {strides = array<i32>} : memref<512x128xf32, #tpu.memory_space<vmem>>, vector<1x16xf32>,
        %get3A_462 = vector.shape_cast %get3A_461 : vector<1x16xf32> to vector<16xf32>
        %add3A_463 = arith.constant 64 : i32
        %add3A_464 = arith.addi %add3A_428, %add3A_463 : i32
        %get3A_465 = arith.index_cast %add3A_464 : i32 to index
        %get3A_466 = arith.constant 16 : index
        %get3A_467 = tpu.vector_load %arg6[%get3A_465, %get3A_466] {strides = array<i32>} : memref<512x128xf32, #tpu.memory_space<vmem>>, vector<1x16xf32>,
        %get3A_468 = vector.shape_cast %get3A_467 : vector<1x16xf32> to vector<16xf32>
        %add3A_469 = arith.constant 128 : i32
        %add3A_470 = arith.addi %add3A_428, %add3A_469 : i32
        %get3A_471 = arith.index_cast %add3A_470 : i32 to index
        %get3A_472 = arith.constant 16 : index
        %get3A_473 = tpu.vector_load %arg6[%get3A_471, %get3A_472] {strides = array<i32>} : memref<512x128xf32, #tpu.memory_space<vmem>>, vector<1x16xf32>,
        %get3A_474 = vector.shape_cast %get3A_473 : vector<1x16xf32> to vector<16xf32>
        %add3A_475 = arith.constant 192 : i32
        %add3A_476 = arith.addi %add3A_428, %add3A_475 : i32
        %get3A_477 = arith.index_cast %add3A_476 : i32 to index
        %get3A_478 = arith.constant 16 : index
        %get3A_479 = tpu.vector_load %arg6[%get3A_477, %get3A_478] {strides = array<i32>} : memref<512x128xf32, #tpu.memory_space<vmem>>, vector<1x16xf32>,
        %get3A_480 = vector.shape_cast %get3A_479 : vector<1x16xf32> to vector<16xf32>
        %sub3A_481 = arith.subf %get3A_462, %get3A_468 : vector<16xf32>
        %abs3A_482 = math.absf %sub3A_481 : vector<16xf32>
        %sub3A_483 = arith.subf %get3A_462, %get3A_480 : vector<16xf32>
        %abs3A_484 = math.absf %sub3A_483 : vector<16xf32>
        %sub3A_485 = arith.subf %abs3A_482, %abs3A_484 : vector<16xf32>
        %sub3A_486 = arith.subf %get3A_474, %get3A_468 : vector<16xf32>
        %abs3A_487 = math.absf %sub3A_486 : vector<16xf32>
        %sub3A_488 = arith.subf %abs3A_482, %abs3A_487 : vector<16xf32>
        %add3A_489 = arith.addf %sub3A_455, %sub3A_485 : vector<16xf32>
        %add3A_490 = arith.addf %sub3A_458, %sub3A_488 : vector<16xf32>
        %get3A_491 = arith.index_cast %add3A_428 : i32 to index
        %get3A_492 = arith.constant 32 : index
        %get3A_493 = tpu.vector_load %arg6[%get3A_491, %get3A_492] {strides = array<i32>} : memref<512x128xf32, #tpu.memory_space<vmem>>, vector<1x16xf32>,
        %get3A_494 = vector.shape_cast %get3A_493 : vector<1x16xf32> to vector<16xf32>
        %add3A_495 = arith.constant 64 : i32
        %add3A_496 = arith.addi %add3A_428, %add3A_495 : i32
        %get3A_497 = arith.index_cast %add3A_496 : i32 to index
        %get3A_498 = arith.constant 32 : index
        %get3A_499 = tpu.vector_load %arg6[%get3A_497, %get3A_498] {strides = array<i32>} : memref<512x128xf32, #tpu.memory_space<vmem>>, vector<1x16xf32>,
        %get3A_500 = vector.shape_cast %get3A_499 : vector<1x16xf32> to vector<16xf32>
        %add3A_501 = arith.constant 128 : i32
        %add3A_502 = arith.addi %add3A_428, %add3A_501 : i32
        %get3A_503 = arith.index_cast %add3A_502 : i32 to index
        %get3A_504 = arith.constant 32 : index
        %get3A_505 = tpu.vector_load %arg6[%get3A_503, %get3A_504] {strides = array<i32>} : memref<512x128xf32, #tpu.memory_space<vmem>>, vector<1x16xf32>,
        %get3A_506 = vector.shape_cast %get3A_505 : vector<1x16xf32> to vector<16xf32>
        %add3A_507 = arith.constant 192 : i32
        %add3A_508 = arith.addi %add3A_428, %add3A_507 : i32
        %get3A_509 = arith.index_cast %add3A_508 : i32 to index
        %get3A_510 = arith.constant 32 : index
        %get3A_511 = tpu.vector_load %arg6[%get3A_509, %get3A_510] {strides = array<i32>} : memref<512x128xf32, #tpu.memory_space<vmem>>, vector<1x16xf32>,
        %get3A_512 = vector.shape_cast %get3A_511 : vector<1x16xf32> to vector<16xf32>
        %sub3A_513 = arith.subf %get3A_494, %get3A_500 : vector<16xf32>
        %abs3A_514 = math.absf %sub3A_513 : vector<16xf32>
        %sub3A_515 = arith.subf %get3A_494, %get3A_512 : vector<16xf32>
        %abs3A_516 = math.absf %sub3A_515 : vector<16xf32>
        %sub3A_517 = arith.subf %abs3A_514, %abs3A_516 : vector<16xf32>
        %sub3A_518 = arith.subf %get3A_506, %get3A_500 : vector<16xf32>
        %abs3A_519 = math.absf %sub3A_518 : vector<16xf32>
        %sub3A_520 = arith.subf %abs3A_514, %abs3A_519 : vector<16xf32>
        %add3A_521 = arith.addf %add3A_489, %sub3A_517 : vector<16xf32>
        %add3A_522 = arith.addf %add3A_490, %sub3A_520 : vector<16xf32>
        %get3A_523 = arith.index_cast %add3A_428 : i32 to index
        %get3A_524 = arith.constant 48 : index
        %get3A_525 = tpu.vector_load %arg6[%get3A_523, %get3A_524] {strides = array<i32>} : memref<512x128xf32, #tpu.memory_space<vmem>>, vector<1x16xf32>,
        %get3A_526 = vector.shape_cast %get3A_525 : vector<1x16xf32> to vector<16xf32>
        %add3A_527 = arith.constant 64 : i32
        %add3A_528 = arith.addi %add3A_428, %add3A_527 : i32
        %get3A_529 = arith.index_cast %add3A_528 : i32 to index
        %get3A_530 = arith.constant 48 : index
        %get3A_531 = tpu.vector_load %arg6[%get3A_529, %get3A_530] {strides = array<i32>} : memref<512x128xf32, #tpu.memory_space<vmem>>, vector<1x16xf32>,
        %get3A_532 = vector.shape_cast %get3A_531 : vector<1x16xf32> to vector<16xf32>
        %add3A_533 = arith.constant 128 : i32
        %add3A_534 = arith.addi %add3A_428, %add3A_533 : i32
        %get3A_535 = arith.index_cast %add3A_534 : i32 to index
        %get3A_536 = arith.constant 48 : index
        %get3A_537 = tpu.vector_load %arg6[%get3A_535, %get3A_536] {strides = array<i32>} : memref<512x128xf32, #tpu.memory_space<vmem>>, vector<1x16xf32>,
        %get3A_538 = vector.shape_cast %get3A_537 : vector<1x16xf32> to vector<16xf32>
        %add3A_539 = arith.constant 192 : i32
        %add3A_540 = arith.addi %add3A_428, %add3A_539 : i32
        %get3A_541 = arith.index_cast %add3A_540 : i32 to index
        %get3A_542 = arith.constant 48 : index
        %get3A_543 = tpu.vector_load %arg6[%get3A_541, %get3A_542] {strides = array<i32>} : memref<512x128xf32, #tpu.memory_space<vmem>>, vector<1x16xf32>,
        %get3A_544 = vector.shape_cast %get3A_543 : vector<1x16xf32> to vector<16xf32>
        %sub3A_545 = arith.subf %get3A_526, %get3A_532 : vector<16xf32>
        %abs3A_546 = math.absf %sub3A_545 : vector<16xf32>
        %sub3A_547 = arith.subf %get3A_526, %get3A_544 : vector<16xf32>
        %abs3A_548 = math.absf %sub3A_547 : vector<16xf32>
        %sub3A_549 = arith.subf %abs3A_546, %abs3A_548 : vector<16xf32>
        %sub3A_550 = arith.subf %get3A_538, %get3A_532 : vector<16xf32>
        %abs3A_551 = math.absf %sub3A_550 : vector<16xf32>
        %sub3A_552 = arith.subf %abs3A_546, %abs3A_551 : vector<16xf32>
        %add3A_553 = arith.addf %add3A_521, %sub3A_549 : vector<16xf32>
        %add3A_554 = arith.addf %add3A_522, %sub3A_552 : vector<16xf32>
        %get3A_555 = arith.index_cast %add3A_428 : i32 to index
        %get3A_556 = arith.constant 64 : index
        %get3A_557 = tpu.vector_load %arg6[%get3A_555, %get3A_556] {strides = array<i32>} : memref<512x128xf32, #tpu.memory_space<vmem>>, vector<1x16xf32>,
        %get3A_558 = vector.shape_cast %get3A_557 : vector<1x16xf32> to vector<16xf32>
        %add3A_559 = arith.constant 64 : i32
        %add3A_560 = arith.addi %add3A_428, %add3A_559 : i32
        %get3A_561 = arith.index_cast %add3A_560 : i32 to index
        %get3A_562 = arith.constant 64 : index
        %get3A_563 = tpu.vector_load %arg6[%get3A_561, %get3A_562] {strides = array<i32>} : memref<512x128xf32, #tpu.memory_space<vmem>>, vector<1x16xf32>,
        %get3A_564 = vector.shape_cast %get3A_563 : vector<1x16xf32> to vector<16xf32>
        %add3A_565 = arith.constant 128 : i32
        %add3A_566 = arith.addi %add3A_428, %add3A_565 : i32
        %get3A_567 = arith.index_cast %add3A_566 : i32 to index
        %get3A_568 = arith.constant 64 : index
        %get3A_569 = tpu.vector_load %arg6[%get3A_567, %get3A_568] {strides = array<i32>} : memref<512x128xf32, #tpu.memory_space<vmem>>, vector<1x16xf32>,
        %get3A_570 = vector.shape_cast %get3A_569 : vector<1x16xf32> to vector<16xf32>
        %add3A_571 = arith.constant 192 : i32
        %add3A_572 = arith.addi %add3A_428, %add3A_571 : i32
        %get3A_573 = arith.index_cast %add3A_572 : i32 to index
        %get3A_574 = arith.constant 64 : index
        %get3A_575 = tpu.vector_load %arg6[%get3A_573, %get3A_574] {strides = array<i32>} : memref<512x128xf32, #tpu.memory_space<vmem>>, vector<1x16xf32>,
        %get3A_576 = vector.shape_cast %get3A_575 : vector<1x16xf32> to vector<16xf32>
        %sub3A_577 = arith.subf %get3A_558, %get3A_564 : vector<16xf32>
        %abs3A_578 = math.absf %sub3A_577 : vector<16xf32>
        %sub3A_579 = arith.subf %get3A_558, %get3A_576 : vector<16xf32>
        %abs3A_580 = math.absf %sub3A_579 : vector<16xf32>
        %sub3A_581 = arith.subf %abs3A_578, %abs3A_580 : vector<16xf32>
        %sub3A_582 = arith.subf %get3A_570, %get3A_564 : vector<16xf32>
        %abs3A_583 = math.absf %sub3A_582 : vector<16xf32>
        %sub3A_584 = arith.subf %abs3A_578, %abs3A_583 : vector<16xf32>
        %add3A_585 = arith.addf %add3A_553, %sub3A_581 : vector<16xf32>
        %add3A_586 = arith.addf %add3A_554, %sub3A_584 : vector<16xf32>
        %get3A_587 = arith.index_cast %add3A_428 : i32 to index
        %get3A_588 = arith.constant 80 : index
        %get3A_589 = tpu.vector_load %arg6[%get3A_587, %get3A_588] {strides = array<i32>} : memref<512x128xf32, #tpu.memory_space<vmem>>, vector<1x16xf32>,
        %get3A_590 = vector.shape_cast %get3A_589 : vector<1x16xf32> to vector<16xf32>
        %add3A_591 = arith.constant 64 : i32
        %add3A_592 = arith.addi %add3A_428, %add3A_591 : i32
        %get3A_593 = arith.index_cast %add3A_592 : i32 to index
        %get3A_594 = arith.constant 80 : index
        %get3A_595 = tpu.vector_load %arg6[%get3A_593, %get3A_594] {strides = array<i32>} : memref<512x128xf32, #tpu.memory_space<vmem>>, vector<1x16xf32>,
        %get3A_596 = vector.shape_cast %get3A_595 : vector<1x16xf32> to vector<16xf32>
        %add3A_597 = arith.constant 128 : i32
        %add3A_598 = arith.addi %add3A_428, %add3A_597 : i32
        %get3A_599 = arith.index_cast %add3A_598 : i32 to index
        %get3A_600 = arith.constant 80 : index
        %get3A_601 = tpu.vector_load %arg6[%get3A_599, %get3A_600] {strides = array<i32>} : memref<512x128xf32, #tpu.memory_space<vmem>>, vector<1x16xf32>,
        %get3A_602 = vector.shape_cast %get3A_601 : vector<1x16xf32> to vector<16xf32>
        %add3A_603 = arith.constant 192 : i32
        %add3A_604 = arith.addi %add3A_428, %add3A_603 : i32
        %get3A_605 = arith.index_cast %add3A_604 : i32 to index
        %get3A_606 = arith.constant 80 : index
        %get3A_607 = tpu.vector_load %arg6[%get3A_605, %get3A_606] {strides = array<i32>} : memref<512x128xf32, #tpu.memory_space<vmem>>, vector<1x16xf32>,
        %get3A_608 = vector.shape_cast %get3A_607 : vector<1x16xf32> to vector<16xf32>
        %sub3A_609 = arith.subf %get3A_590, %get3A_596 : vector<16xf32>
        %abs3A_610 = math.absf %sub3A_609 : vector<16xf32>
        %sub3A_611 = arith.subf %get3A_590, %get3A_608 : vector<16xf32>
        %abs3A_612 = math.absf %sub3A_611 : vector<16xf32>
        %sub3A_613 = arith.subf %abs3A_610, %abs3A_612 : vector<16xf32>
        %sub3A_614 = arith.subf %get3A_602, %get3A_596 : vector<16xf32>
        %abs3A_615 = math.absf %sub3A_614 : vector<16xf32>
        %sub3A_616 = arith.subf %abs3A_610, %abs3A_615 : vector<16xf32>
        %add3A_617 = arith.addf %add3A_585, %sub3A_613 : vector<16xf32>
        %add3A_618 = arith.addf %add3A_586, %sub3A_616 : vector<16xf32>
        %get3A_619 = arith.index_cast %add3A_428 : i32 to index
        %get3A_620 = arith.constant 96 : index
        %get3A_621 = tpu.vector_load %arg6[%get3A_619, %get3A_620] {strides = array<i32>} : memref<512x128xf32, #tpu.memory_space<vmem>>, vector<1x16xf32>,
        %get3A_622 = vector.shape_cast %get3A_621 : vector<1x16xf32> to vector<16xf32>
        %add3A_623 = arith.constant 64 : i32
        %add3A_624 = arith.addi %add3A_428, %add3A_623 : i32
        %get3A_625 = arith.index_cast %add3A_624 : i32 to index
        %get3A_626 = arith.constant 96 : index
        %get3A_627 = tpu.vector_load %arg6[%get3A_625, %get3A_626] {strides = array<i32>} : memref<512x128xf32, #tpu.memory_space<vmem>>, vector<1x16xf32>,
        %get3A_628 = vector.shape_cast %get3A_627 : vector<1x16xf32> to vector<16xf32>
        %add3A_629 = arith.constant 128 : i32
        %add3A_630 = arith.addi %add3A_428, %add3A_629 : i32
        %get3A_631 = arith.index_cast %add3A_630 : i32 to index
        %get3A_632 = arith.constant 96 : index
        %get3A_633 = tpu.vector_load %arg6[%get3A_631, %get3A_632] {strides = array<i32>} : memref<512x128xf32, #tpu.memory_space<vmem>>, vector<1x16xf32>,
        %get3A_634 = vector.shape_cast %get3A_633 : vector<1x16xf32> to vector<16xf32>
        %add3A_635 = arith.constant 192 : i32
        %add3A_636 = arith.addi %add3A_428, %add3A_635 : i32
        %get3A_637 = arith.index_cast %add3A_636 : i32 to index
        %get3A_638 = arith.constant 96 : index
        %get3A_639 = tpu.vector_load %arg6[%get3A_637, %get3A_638] {strides = array<i32>} : memref<512x128xf32, #tpu.memory_space<vmem>>, vector<1x16xf32>,
        %get3A_640 = vector.shape_cast %get3A_639 : vector<1x16xf32> to vector<16xf32>
        %sub3A_641 = arith.subf %get3A_622, %get3A_628 : vector<16xf32>
        %abs3A_642 = math.absf %sub3A_641 : vector<16xf32>
        %sub3A_643 = arith.subf %get3A_622, %get3A_640 : vector<16xf32>
        %abs3A_644 = math.absf %sub3A_643 : vector<16xf32>
        %sub3A_645 = arith.subf %abs3A_642, %abs3A_644 : vector<16xf32>
        %sub3A_646 = arith.subf %get3A_634, %get3A_628 : vector<16xf32>
        %abs3A_647 = math.absf %sub3A_646 : vector<16xf32>
        %sub3A_648 = arith.subf %abs3A_642, %abs3A_647 : vector<16xf32>
        %add3A_649 = arith.addf %add3A_617, %sub3A_645 : vector<16xf32>
        %add3A_650 = arith.addf %add3A_618, %sub3A_648 : vector<16xf32>
        %get3A_651 = arith.index_cast %add3A_428 : i32 to index
        %get3A_652 = arith.constant 112 : index
        %get3A_653 = tpu.vector_load %arg6[%get3A_651, %get3A_652] {strides = array<i32>} : memref<512x128xf32, #tpu.memory_space<vmem>>, vector<1x16xf32>,
        %get3A_654 = vector.shape_cast %get3A_653 : vector<1x16xf32> to vector<16xf32>
        %add3A_655 = arith.constant 64 : i32
        %add3A_656 = arith.addi %add3A_428, %add3A_655 : i32
        %get3A_657 = arith.index_cast %add3A_656 : i32 to index
        %get3A_658 = arith.constant 112 : index
        %get3A_659 = tpu.vector_load %arg6[%get3A_657, %get3A_658] {strides = array<i32>} : memref<512x128xf32, #tpu.memory_space<vmem>>, vector<1x16xf32>,
        %get3A_660 = vector.shape_cast %get3A_659 : vector<1x16xf32> to vector<16xf32>
        %add3A_661 = arith.constant 128 : i32
        %add3A_662 = arith.addi %add3A_428, %add3A_661 : i32
        %get3A_663 = arith.index_cast %add3A_662 : i32 to index
        %get3A_664 = arith.constant 112 : index
        %get3A_665 = tpu.vector_load %arg6[%get3A_663, %get3A_664] {strides = array<i32>} : memref<512x128xf32, #tpu.memory_space<vmem>>, vector<1x16xf32>,
        %get3A_666 = vector.shape_cast %get3A_665 : vector<1x16xf32> to vector<16xf32>
        %add3A_667 = arith.constant 192 : i32
        %add3A_668 = arith.addi %add3A_428, %add3A_667 : i32
        %get3A_669 = arith.index_cast %add3A_668 : i32 to index
        %get3A_670 = arith.constant 112 : index
        %get3A_671 = tpu.vector_load %arg6[%get3A_669, %get3A_670] {strides = array<i32>} : memref<512x128xf32, #tpu.memory_space<vmem>>, vector<1x16xf32>,
        %get3A_672 = vector.shape_cast %get3A_671 : vector<1x16xf32> to vector<16xf32>
        %sub3A_673 = arith.subf %get3A_654, %get3A_660 : vector<16xf32>
        %abs3A_674 = math.absf %sub3A_673 : vector<16xf32>
        %sub3A_675 = arith.subf %get3A_654, %get3A_672 : vector<16xf32>
        %abs3A_676 = math.absf %sub3A_675 : vector<16xf32>
        %sub3A_677 = arith.subf %abs3A_674, %abs3A_676 : vector<16xf32>
        %sub3A_678 = arith.subf %get3A_666, %get3A_660 : vector<16xf32>
        %abs3A_679 = math.absf %sub3A_678 : vector<16xf32>
        %sub3A_680 = arith.subf %abs3A_674, %abs3A_679 : vector<16xf32>
        %add3A_681 = arith.addf %add3A_649, %sub3A_677 : vector<16xf32>
        %add3A_682 = arith.addf %add3A_650, %sub3A_680 : vector<16xf32>
        %broadcast_in_dim3A_683 = vector.shape_cast %and3A_18 : vector<16xi32> to vector<16x1xi32>
        %gather3A_684 = vector.shape_cast %broadcast_in_dim3A_683 : vector<16x1xi32> to vector<16xi32>
        %gather3A_685 = tpu.dynamic_gather %add3A_681[%gather3A_684] in [0] : vector<16xf32>, vector<16xi32> -> vector<16xf32>
        %add3A_686 = arith.addf %add3A_681, %gather3A_685 : vector<16xf32>
        %broadcast_in_dim3A_687 = vector.shape_cast %and3A_24 : vector<16xi32> to vector<16x1xi32>
        %gather3A_688 = vector.shape_cast %broadcast_in_dim3A_687 : vector<16x1xi32> to vector<16xi32>
        %gather3A_689 = tpu.dynamic_gather %add3A_686[%gather3A_688] in [0] : vector<16xf32>, vector<16xi32> -> vector<16xf32>
        %add3A_690 = arith.addf %add3A_686, %gather3A_689 : vector<16xf32>
        %broadcast_in_dim3A_691 = vector.shape_cast %and3A_30 : vector<16xi32> to vector<16x1xi32>
        %gather3A_692 = vector.shape_cast %broadcast_in_dim3A_691 : vector<16x1xi32> to vector<16xi32>
        %gather3A_693 = tpu.dynamic_gather %add3A_690[%gather3A_692] in [0] : vector<16xf32>, vector<16xi32> -> vector<16xf32>
        %add3A_694 = arith.addf %add3A_690, %gather3A_693 : vector<16xf32>
        %broadcast_in_dim3A_695 = vector.shape_cast %and3A_36 : vector<16xi32> to vector<16x1xi32>
        %gather3A_696 = vector.shape_cast %broadcast_in_dim3A_695 : vector<16x1xi32> to vector<16xi32>
        %gather3A_697 = tpu.dynamic_gather %add3A_694[%gather3A_696] in [0] : vector<16xf32>, vector<16xi32> -> vector<16xf32>
        %add3A_698 = arith.addf %add3A_694, %gather3A_697 : vector<16xf32>
        %broadcast_in_dim3A_699 = vector.shape_cast %and3A_18 : vector<16xi32> to vector<16x1xi32>
        %gather3A_700 = vector.shape_cast %broadcast_in_dim3A_699 : vector<16x1xi32> to vector<16xi32>
        %gather3A_701 = tpu.dynamic_gather %add3A_682[%gather3A_700] in [0] : vector<16xf32>, vector<16xi32> -> vector<16xf32>
        %add3A_702 = arith.addf %add3A_682, %gather3A_701 : vector<16xf32>
        %broadcast_in_dim3A_703 = vector.shape_cast %and3A_24 : vector<16xi32> to vector<16x1xi32>
        %gather3A_704 = vector.shape_cast %broadcast_in_dim3A_703 : vector<16x1xi32> to vector<16xi32>
        %gather3A_705 = tpu.dynamic_gather %add3A_702[%gather3A_704] in [0] : vector<16xf32>, vector<16xi32> -> vector<16xf32>
        %add3A_706 = arith.addf %add3A_702, %gather3A_705 : vector<16xf32>
        %broadcast_in_dim3A_707 = vector.shape_cast %and3A_30 : vector<16xi32> to vector<16x1xi32>
        %gather3A_708 = vector.shape_cast %broadcast_in_dim3A_707 : vector<16x1xi32> to vector<16xi32>
        %gather3A_709 = tpu.dynamic_gather %add3A_706[%gather3A_708] in [0] : vector<16xf32>, vector<16xi32> -> vector<16xf32>
        %add3A_710 = arith.addf %add3A_706, %gather3A_709 : vector<16xf32>
        %broadcast_in_dim3A_711 = vector.shape_cast %and3A_36 : vector<16xi32> to vector<16x1xi32>
        %gather3A_712 = vector.shape_cast %broadcast_in_dim3A_711 : vector<16x1xi32> to vector<16xi32>
        %gather3A_713 = tpu.dynamic_gather %add3A_710[%gather3A_712] in [0] : vector<16xf32>, vector<16xi32> -> vector<16xf32>
        %add3A_714 = arith.addf %add3A_710, %gather3A_713 : vector<16xf32>
        %add3A_715 = arith.constant 1.000000e+00 : f32
        %add3A_716 = vector.broadcast %add3A_715 : f32 to vector<16xf32>
        %add3A_717 = arith.addf %add3A_716, %add3A_698 : vector<16xf32>
        %max3A_718 = arith.constant 0.000000e+00 : f32
        %max3A_719 = vector.broadcast %max3A_718 : f32 to vector<16xf32>
        %max3A_720 = arith.maximumf %add3A_717, %max3A_719 : vector<16xf32>
        %add3A_721 = arith.constant 1.000000e+00 : f32
        %add3A_722 = vector.broadcast %add3A_721 : f32 to vector<16xf32>
        %add3A_723 = arith.addf %add3A_722, %add3A_714 : vector<16xf32>
        %max3A_724 = arith.constant 0.000000e+00 : f32
        %max3A_725 = vector.broadcast %max3A_724 : f32 to vector<16xf32>
        %max3A_726 = arith.maximumf %add3A_723, %max3A_725 : vector<16xf32>
        %add3A_727 = arith.addf %max3A_720, %max3A_726 : vector<16xf32>
        %mul3A_728 = arith.constant 64 : i32
        %mul3A_729 = arith.muli %while3A_77, %mul3A_728 : i32
        %add3A_730 = arith.addi %select_n3A, %mul3A_729 : i32
        %mul3A_731 = arith.constant 4 : i32
        %mul3A_732 = arith.muli %scan3A_109, %mul3A_731 : i32
        %add3A_733 = arith.constant 1 : i32
        %add3A_734 = arith.addi %mul3A_732, %add3A_733 : i32
        %add3A_735 = arith.addi %add3A_730, %add3A_734 : i32
        %lt3A_736 = arith.constant 100000 : i32
        %lt3A_737 = arith.cmpi slt, %add3A_735, %lt3A_736 : i32
        %jit3A_738 = arith.constant 0.000000e+00 : f32
        %broadcast_in_dim3A_739 = vector.broadcast %jit3A_738 : f32 to vector<16xf32>
        %select_n3A_740 = arith.select %lt3A_737, %add3A_727, %broadcast_in_dim3A_739 : vector<16xf32>
        %add3A_741 = arith.addf %add3A_423, %select_n3A_740 : vector<16xf32>
        %mul3A_742 = arith.constant 4 : i32
        %mul3A_743 = arith.muli %scan3A_109, %mul3A_742 : i32
        %add3A_744 = arith.addi %mul3A_82, %mul3A_743 : i32
        %add3A_745 = arith.constant 2 : i32
        %add3A_746 = arith.addi %add3A_744, %add3A_745 : i32
        %get3A_747 = arith.index_cast %add3A_746 : i32 to index
        %get3A_748 = arith.constant 0 : index
        %get3A_749 = tpu.vector_load %arg6[%get3A_747, %get3A_748] {strides = array<i32>} : memref<512x128xf32, #tpu.memory_space<vmem>>, vector<1x16xf32>,
        %get3A_750 = vector.shape_cast %get3A_749 : vector<1x16xf32> to vector<16xf32>
        %add3A_751 = arith.constant 64 : i32
        %add3A_752 = arith.addi %add3A_746, %add3A_751 : i32
        %get3A_753 = arith.index_cast %add3A_752 : i32 to index
        %get3A_754 = arith.constant 0 : index
        %get3A_755 = tpu.vector_load %arg6[%get3A_753, %get3A_754] {strides = array<i32>} : memref<512x128xf32, #tpu.memory_space<vmem>>, vector<1x16xf32>,
        %get3A_756 = vector.shape_cast %get3A_755 : vector<1x16xf32> to vector<16xf32>
        %add3A_757 = arith.constant 128 : i32
        %add3A_758 = arith.addi %add3A_746, %add3A_757 : i32
        %get3A_759 = arith.index_cast %add3A_758 : i32 to index
        %get3A_760 = arith.constant 0 : index
        %get3A_761 = tpu.vector_load %arg6[%get3A_759, %get3A_760] {strides = array<i32>} : memref<512x128xf32, #tpu.memory_space<vmem>>, vector<1x16xf32>,
        %get3A_762 = vector.shape_cast %get3A_761 : vector<1x16xf32> to vector<16xf32>
        %add3A_763 = arith.constant 192 : i32
        %add3A_764 = arith.addi %add3A_746, %add3A_763 : i32
        %get3A_765 = arith.index_cast %add3A_764 : i32 to index
        %get3A_766 = arith.constant 0 : index
        %get3A_767 = tpu.vector_load %arg6[%get3A_765, %get3A_766] {strides = array<i32>} : memref<512x128xf32, #tpu.memory_space<vmem>>, vector<1x16xf32>,
        %get3A_768 = vector.shape_cast %get3A_767 : vector<1x16xf32> to vector<16xf32>
        %sub3A_769 = arith.subf %get3A_750, %get3A_756 : vector<16xf32>
        %abs3A_770 = math.absf %sub3A_769 : vector<16xf32>
        %sub3A_771 = arith.subf %get3A_750, %get3A_768 : vector<16xf32>
        %abs3A_772 = math.absf %sub3A_771 : vector<16xf32>
        %sub3A_773 = arith.subf %abs3A_770, %abs3A_772 : vector<16xf32>
        %sub3A_774 = arith.subf %get3A_762, %get3A_756 : vector<16xf32>
        %abs3A_775 = math.absf %sub3A_774 : vector<16xf32>
        %sub3A_776 = arith.subf %abs3A_770, %abs3A_775 : vector<16xf32>
        %get3A_777 = arith.index_cast %add3A_746 : i32 to index
        %get3A_778 = arith.constant 16 : index
        %get3A_779 = tpu.vector_load %arg6[%get3A_777, %get3A_778] {strides = array<i32>} : memref<512x128xf32, #tpu.memory_space<vmem>>, vector<1x16xf32>,
        %get3A_780 = vector.shape_cast %get3A_779 : vector<1x16xf32> to vector<16xf32>
        %add3A_781 = arith.constant 64 : i32
        %add3A_782 = arith.addi %add3A_746, %add3A_781 : i32
        %get3A_783 = arith.index_cast %add3A_782 : i32 to index
        %get3A_784 = arith.constant 16 : index
        %get3A_785 = tpu.vector_load %arg6[%get3A_783, %get3A_784] {strides = array<i32>} : memref<512x128xf32, #tpu.memory_space<vmem>>, vector<1x16xf32>,
        %get3A_786 = vector.shape_cast %get3A_785 : vector<1x16xf32> to vector<16xf32>
        %add3A_787 = arith.constant 128 : i32
        %add3A_788 = arith.addi %add3A_746, %add3A_787 : i32
        %get3A_789 = arith.index_cast %add3A_788 : i32 to index
        %get3A_790 = arith.constant 16 : index
        %get3A_791 = tpu.vector_load %arg6[%get3A_789, %get3A_790] {strides = array<i32>} : memref<512x128xf32, #tpu.memory_space<vmem>>, vector<1x16xf32>,
        %get3A_792 = vector.shape_cast %get3A_791 : vector<1x16xf32> to vector<16xf32>
        %add3A_793 = arith.constant 192 : i32
        %add3A_794 = arith.addi %add3A_746, %add3A_793 : i32
        %get3A_795 = arith.index_cast %add3A_794 : i32 to index
        %get3A_796 = arith.constant 16 : index
        %get3A_797 = tpu.vector_load %arg6[%get3A_795, %get3A_796] {strides = array<i32>} : memref<512x128xf32, #tpu.memory_space<vmem>>, vector<1x16xf32>,
        %get3A_798 = vector.shape_cast %get3A_797 : vector<1x16xf32> to vector<16xf32>
        %sub3A_799 = arith.subf %get3A_780, %get3A_786 : vector<16xf32>
        %abs3A_800 = math.absf %sub3A_799 : vector<16xf32>
        %sub3A_801 = arith.subf %get3A_780, %get3A_798 : vector<16xf32>
        %abs3A_802 = math.absf %sub3A_801 : vector<16xf32>
        %sub3A_803 = arith.subf %abs3A_800, %abs3A_802 : vector<16xf32>
        %sub3A_804 = arith.subf %get3A_792, %get3A_786 : vector<16xf32>
        %abs3A_805 = math.absf %sub3A_804 : vector<16xf32>
        %sub3A_806 = arith.subf %abs3A_800, %abs3A_805 : vector<16xf32>
        %add3A_807 = arith.addf %sub3A_773, %sub3A_803 : vector<16xf32>
        %add3A_808 = arith.addf %sub3A_776, %sub3A_806 : vector<16xf32>
        %get3A_809 = arith.index_cast %add3A_746 : i32 to index
        %get3A_810 = arith.constant 32 : index
        %get3A_811 = tpu.vector_load %arg6[%get3A_809, %get3A_810] {strides = array<i32>} : memref<512x128xf32, #tpu.memory_space<vmem>>, vector<1x16xf32>,
        %get3A_812 = vector.shape_cast %get3A_811 : vector<1x16xf32> to vector<16xf32>
        %add3A_813 = arith.constant 64 : i32
        %add3A_814 = arith.addi %add3A_746, %add3A_813 : i32
        %get3A_815 = arith.index_cast %add3A_814 : i32 to index
        %get3A_816 = arith.constant 32 : index
        %get3A_817 = tpu.vector_load %arg6[%get3A_815, %get3A_816] {strides = array<i32>} : memref<512x128xf32, #tpu.memory_space<vmem>>, vector<1x16xf32>,
        %get3A_818 = vector.shape_cast %get3A_817 : vector<1x16xf32> to vector<16xf32>
        %add3A_819 = arith.constant 128 : i32
        %add3A_820 = arith.addi %add3A_746, %add3A_819 : i32
        %get3A_821 = arith.index_cast %add3A_820 : i32 to index
        %get3A_822 = arith.constant 32 : index
        %get3A_823 = tpu.vector_load %arg6[%get3A_821, %get3A_822] {strides = array<i32>} : memref<512x128xf32, #tpu.memory_space<vmem>>, vector<1x16xf32>,
        %get3A_824 = vector.shape_cast %get3A_823 : vector<1x16xf32> to vector<16xf32>
        %add3A_825 = arith.constant 192 : i32
        %add3A_826 = arith.addi %add3A_746, %add3A_825 : i32
        %get3A_827 = arith.index_cast %add3A_826 : i32 to index
        %get3A_828 = arith.constant 32 : index
        %get3A_829 = tpu.vector_load %arg6[%get3A_827, %get3A_828] {strides = array<i32>} : memref<512x128xf32, #tpu.memory_space<vmem>>, vector<1x16xf32>,
        %get3A_830 = vector.shape_cast %get3A_829 : vector<1x16xf32> to vector<16xf32>
        %sub3A_831 = arith.subf %get3A_812, %get3A_818 : vector<16xf32>
        %abs3A_832 = math.absf %sub3A_831 : vector<16xf32>
        %sub3A_833 = arith.subf %get3A_812, %get3A_830 : vector<16xf32>
        %abs3A_834 = math.absf %sub3A_833 : vector<16xf32>
        %sub3A_835 = arith.subf %abs3A_832, %abs3A_834 : vector<16xf32>
        %sub3A_836 = arith.subf %get3A_824, %get3A_818 : vector<16xf32>
        %abs3A_837 = math.absf %sub3A_836 : vector<16xf32>
        %sub3A_838 = arith.subf %abs3A_832, %abs3A_837 : vector<16xf32>
        %add3A_839 = arith.addf %add3A_807, %sub3A_835 : vector<16xf32>
        %add3A_840 = arith.addf %add3A_808, %sub3A_838 : vector<16xf32>
        %get3A_841 = arith.index_cast %add3A_746 : i32 to index
        %get3A_842 = arith.constant 48 : index
        %get3A_843 = tpu.vector_load %arg6[%get3A_841, %get3A_842] {strides = array<i32>} : memref<512x128xf32, #tpu.memory_space<vmem>>, vector<1x16xf32>,
        %get3A_844 = vector.shape_cast %get3A_843 : vector<1x16xf32> to vector<16xf32>
        %add3A_845 = arith.constant 64 : i32
        %add3A_846 = arith.addi %add3A_746, %add3A_845 : i32
        %get3A_847 = arith.index_cast %add3A_846 : i32 to index
        %get3A_848 = arith.constant 48 : index
        %get3A_849 = tpu.vector_load %arg6[%get3A_847, %get3A_848] {strides = array<i32>} : memref<512x128xf32, #tpu.memory_space<vmem>>, vector<1x16xf32>,
        %get3A_850 = vector.shape_cast %get3A_849 : vector<1x16xf32> to vector<16xf32>
        %add3A_851 = arith.constant 128 : i32
        %add3A_852 = arith.addi %add3A_746, %add3A_851 : i32
        %get3A_853 = arith.index_cast %add3A_852 : i32 to index
        %get3A_854 = arith.constant 48 : index
        %get3A_855 = tpu.vector_load %arg6[%get3A_853, %get3A_854] {strides = array<i32>} : memref<512x128xf32, #tpu.memory_space<vmem>>, vector<1x16xf32>,
        %get3A_856 = vector.shape_cast %get3A_855 : vector<1x16xf32> to vector<16xf32>
        %add3A_857 = arith.constant 192 : i32
        %add3A_858 = arith.addi %add3A_746, %add3A_857 : i32
        %get3A_859 = arith.index_cast %add3A_858 : i32 to index
        %get3A_860 = arith.constant 48 : index
        %get3A_861 = tpu.vector_load %arg6[%get3A_859, %get3A_860] {strides = array<i32>} : memref<512x128xf32, #tpu.memory_space<vmem>>, vector<1x16xf32>,
        %get3A_862 = vector.shape_cast %get3A_861 : vector<1x16xf32> to vector<16xf32>
        %sub3A_863 = arith.subf %get3A_844, %get3A_850 : vector<16xf32>
        %abs3A_864 = math.absf %sub3A_863 : vector<16xf32>
        %sub3A_865 = arith.subf %get3A_844, %get3A_862 : vector<16xf32>
        %abs3A_866 = math.absf %sub3A_865 : vector<16xf32>
        %sub3A_867 = arith.subf %abs3A_864, %abs3A_866 : vector<16xf32>
        %sub3A_868 = arith.subf %get3A_856, %get3A_850 : vector<16xf32>
        %abs3A_869 = math.absf %sub3A_868 : vector<16xf32>
        %sub3A_870 = arith.subf %abs3A_864, %abs3A_869 : vector<16xf32>
        %add3A_871 = arith.addf %add3A_839, %sub3A_867 : vector<16xf32>
        %add3A_872 = arith.addf %add3A_840, %sub3A_870 : vector<16xf32>
        %get3A_873 = arith.index_cast %add3A_746 : i32 to index
        %get3A_874 = arith.constant 64 : index
        %get3A_875 = tpu.vector_load %arg6[%get3A_873, %get3A_874] {strides = array<i32>} : memref<512x128xf32, #tpu.memory_space<vmem>>, vector<1x16xf32>,
        %get3A_876 = vector.shape_cast %get3A_875 : vector<1x16xf32> to vector<16xf32>
        %add3A_877 = arith.constant 64 : i32
        %add3A_878 = arith.addi %add3A_746, %add3A_877 : i32
        %get3A_879 = arith.index_cast %add3A_878 : i32 to index
        %get3A_880 = arith.constant 64 : index
        %get3A_881 = tpu.vector_load %arg6[%get3A_879, %get3A_880] {strides = array<i32>} : memref<512x128xf32, #tpu.memory_space<vmem>>, vector<1x16xf32>,
        %get3A_882 = vector.shape_cast %get3A_881 : vector<1x16xf32> to vector<16xf32>
        %add3A_883 = arith.constant 128 : i32
        %add3A_884 = arith.addi %add3A_746, %add3A_883 : i32
        %get3A_885 = arith.index_cast %add3A_884 : i32 to index
        %get3A_886 = arith.constant 64 : index
        %get3A_887 = tpu.vector_load %arg6[%get3A_885, %get3A_886] {strides = array<i32>} : memref<512x128xf32, #tpu.memory_space<vmem>>, vector<1x16xf32>,
        %get3A_888 = vector.shape_cast %get3A_887 : vector<1x16xf32> to vector<16xf32>
        %add3A_889 = arith.constant 192 : i32
        %add3A_890 = arith.addi %add3A_746, %add3A_889 : i32
        %get3A_891 = arith.index_cast %add3A_890 : i32 to index
        %get3A_892 = arith.constant 64 : index
        %get3A_893 = tpu.vector_load %arg6[%get3A_891, %get3A_892] {strides = array<i32>} : memref<512x128xf32, #tpu.memory_space<vmem>>, vector<1x16xf32>,
        %get3A_894 = vector.shape_cast %get3A_893 : vector<1x16xf32> to vector<16xf32>
        %sub3A_895 = arith.subf %get3A_876, %get3A_882 : vector<16xf32>
        %abs3A_896 = math.absf %sub3A_895 : vector<16xf32>
        %sub3A_897 = arith.subf %get3A_876, %get3A_894 : vector<16xf32>
        %abs3A_898 = math.absf %sub3A_897 : vector<16xf32>
        %sub3A_899 = arith.subf %abs3A_896, %abs3A_898 : vector<16xf32>
        %sub3A_900 = arith.subf %get3A_888, %get3A_882 : vector<16xf32>
        %abs3A_901 = math.absf %sub3A_900 : vector<16xf32>
        %sub3A_902 = arith.subf %abs3A_896, %abs3A_901 : vector<16xf32>
        %add3A_903 = arith.addf %add3A_871, %sub3A_899 : vector<16xf32>
        %add3A_904 = arith.addf %add3A_872, %sub3A_902 : vector<16xf32>
        %get3A_905 = arith.index_cast %add3A_746 : i32 to index
        %get3A_906 = arith.constant 80 : index
        %get3A_907 = tpu.vector_load %arg6[%get3A_905, %get3A_906] {strides = array<i32>} : memref<512x128xf32, #tpu.memory_space<vmem>>, vector<1x16xf32>,
        %get3A_908 = vector.shape_cast %get3A_907 : vector<1x16xf32> to vector<16xf32>
        %add3A_909 = arith.constant 64 : i32
        %add3A_910 = arith.addi %add3A_746, %add3A_909 : i32
        %get3A_911 = arith.index_cast %add3A_910 : i32 to index
        %get3A_912 = arith.constant 80 : index
        %get3A_913 = tpu.vector_load %arg6[%get3A_911, %get3A_912] {strides = array<i32>} : memref<512x128xf32, #tpu.memory_space<vmem>>, vector<1x16xf32>,
        %get3A_914 = vector.shape_cast %get3A_913 : vector<1x16xf32> to vector<16xf32>
        %add3A_915 = arith.constant 128 : i32
        %add3A_916 = arith.addi %add3A_746, %add3A_915 : i32
        %get3A_917 = arith.index_cast %add3A_916 : i32 to index
        %get3A_918 = arith.constant 80 : index
        %get3A_919 = tpu.vector_load %arg6[%get3A_917, %get3A_918] {strides = array<i32>} : memref<512x128xf32, #tpu.memory_space<vmem>>, vector<1x16xf32>,
        %get3A_920 = vector.shape_cast %get3A_919 : vector<1x16xf32> to vector<16xf32>
        %add3A_921 = arith.constant 192 : i32
        %add3A_922 = arith.addi %add3A_746, %add3A_921 : i32
        %get3A_923 = arith.index_cast %add3A_922 : i32 to index
        %get3A_924 = arith.constant 80 : index
        %get3A_925 = tpu.vector_load %arg6[%get3A_923, %get3A_924] {strides = array<i32>} : memref<512x128xf32, #tpu.memory_space<vmem>>, vector<1x16xf32>,
        %get3A_926 = vector.shape_cast %get3A_925 : vector<1x16xf32> to vector<16xf32>
        %sub3A_927 = arith.subf %get3A_908, %get3A_914 : vector<16xf32>
        %abs3A_928 = math.absf %sub3A_927 : vector<16xf32>
        %sub3A_929 = arith.subf %get3A_908, %get3A_926 : vector<16xf32>
        %abs3A_930 = math.absf %sub3A_929 : vector<16xf32>
        %sub3A_931 = arith.subf %abs3A_928, %abs3A_930 : vector<16xf32>
        %sub3A_932 = arith.subf %get3A_920, %get3A_914 : vector<16xf32>
        %abs3A_933 = math.absf %sub3A_932 : vector<16xf32>
        %sub3A_934 = arith.subf %abs3A_928, %abs3A_933 : vector<16xf32>
        %add3A_935 = arith.addf %add3A_903, %sub3A_931 : vector<16xf32>
        %add3A_936 = arith.addf %add3A_904, %sub3A_934 : vector<16xf32>
        %get3A_937 = arith.index_cast %add3A_746 : i32 to index
        %get3A_938 = arith.constant 96 : index
        %get3A_939 = tpu.vector_load %arg6[%get3A_937, %get3A_938] {strides = array<i32>} : memref<512x128xf32, #tpu.memory_space<vmem>>, vector<1x16xf32>,
        %get3A_940 = vector.shape_cast %get3A_939 : vector<1x16xf32> to vector<16xf32>
        %add3A_941 = arith.constant 64 : i32
        %add3A_942 = arith.addi %add3A_746, %add3A_941 : i32
        %get3A_943 = arith.index_cast %add3A_942 : i32 to index
        %get3A_944 = arith.constant 96 : index
        %get3A_945 = tpu.vector_load %arg6[%get3A_943, %get3A_944] {strides = array<i32>} : memref<512x128xf32, #tpu.memory_space<vmem>>, vector<1x16xf32>,
        %get3A_946 = vector.shape_cast %get3A_945 : vector<1x16xf32> to vector<16xf32>
        %add3A_947 = arith.constant 128 : i32
        %add3A_948 = arith.addi %add3A_746, %add3A_947 : i32
        %get3A_949 = arith.index_cast %add3A_948 : i32 to index
        %get3A_950 = arith.constant 96 : index
        %get3A_951 = tpu.vector_load %arg6[%get3A_949, %get3A_950] {strides = array<i32>} : memref<512x128xf32, #tpu.memory_space<vmem>>, vector<1x16xf32>,
        %get3A_952 = vector.shape_cast %get3A_951 : vector<1x16xf32> to vector<16xf32>
        %add3A_953 = arith.constant 192 : i32
        %add3A_954 = arith.addi %add3A_746, %add3A_953 : i32
        %get3A_955 = arith.index_cast %add3A_954 : i32 to index
        %get3A_956 = arith.constant 96 : index
        %get3A_957 = tpu.vector_load %arg6[%get3A_955, %get3A_956] {strides = array<i32>} : memref<512x128xf32, #tpu.memory_space<vmem>>, vector<1x16xf32>,
        %get3A_958 = vector.shape_cast %get3A_957 : vector<1x16xf32> to vector<16xf32>
        %sub3A_959 = arith.subf %get3A_940, %get3A_946 : vector<16xf32>
        %abs3A_960 = math.absf %sub3A_959 : vector<16xf32>
        %sub3A_961 = arith.subf %get3A_940, %get3A_958 : vector<16xf32>
        %abs3A_962 = math.absf %sub3A_961 : vector<16xf32>
        %sub3A_963 = arith.subf %abs3A_960, %abs3A_962 : vector<16xf32>
        %sub3A_964 = arith.subf %get3A_952, %get3A_946 : vector<16xf32>
        %abs3A_965 = math.absf %sub3A_964 : vector<16xf32>
        %sub3A_966 = arith.subf %abs3A_960, %abs3A_965 : vector<16xf32>
        %add3A_967 = arith.addf %add3A_935, %sub3A_963 : vector<16xf32>
        %add3A_968 = arith.addf %add3A_936, %sub3A_966 : vector<16xf32>
        %get3A_969 = arith.index_cast %add3A_746 : i32 to index
        %get3A_970 = arith.constant 112 : index
        %get3A_971 = tpu.vector_load %arg6[%get3A_969, %get3A_970] {strides = array<i32>} : memref<512x128xf32, #tpu.memory_space<vmem>>, vector<1x16xf32>,
        %get3A_972 = vector.shape_cast %get3A_971 : vector<1x16xf32> to vector<16xf32>
        %add3A_973 = arith.constant 64 : i32
        %add3A_974 = arith.addi %add3A_746, %add3A_973 : i32
        %get3A_975 = arith.index_cast %add3A_974 : i32 to index
        %get3A_976 = arith.constant 112 : index
        %get3A_977 = tpu.vector_load %arg6[%get3A_975, %get3A_976] {strides = array<i32>} : memref<512x128xf32, #tpu.memory_space<vmem>>, vector<1x16xf32>,
        %get3A_978 = vector.shape_cast %get3A_977 : vector<1x16xf32> to vector<16xf32>
        %add3A_979 = arith.constant 128 : i32
        %add3A_980 = arith.addi %add3A_746, %add3A_979 : i32
        %get3A_981 = arith.index_cast %add3A_980 : i32 to index
        %get3A_982 = arith.constant 112 : index
        %get3A_983 = tpu.vector_load %arg6[%get3A_981, %get3A_982] {strides = array<i32>} : memref<512x128xf32, #tpu.memory_space<vmem>>, vector<1x16xf32>,
        %get3A_984 = vector.shape_cast %get3A_983 : vector<1x16xf32> to vector<16xf32>
        %add3A_985 = arith.constant 192 : i32
        %add3A_986 = arith.addi %add3A_746, %add3A_985 : i32
        %get3A_987 = arith.index_cast %add3A_986 : i32 to index
        %get3A_988 = arith.constant 112 : index
        %get3A_989 = tpu.vector_load %arg6[%get3A_987, %get3A_988] {strides = array<i32>} : memref<512x128xf32, #tpu.memory_space<vmem>>, vector<1x16xf32>,
        %get3A_990 = vector.shape_cast %get3A_989 : vector<1x16xf32> to vector<16xf32>
        %sub3A_991 = arith.subf %get3A_972, %get3A_978 : vector<16xf32>
        %abs3A_992 = math.absf %sub3A_991 : vector<16xf32>
        %sub3A_993 = arith.subf %get3A_972, %get3A_990 : vector<16xf32>
        %abs3A_994 = math.absf %sub3A_993 : vector<16xf32>
        %sub3A_995 = arith.subf %abs3A_992, %abs3A_994 : vector<16xf32>
        %sub3A_996 = arith.subf %get3A_984, %get3A_978 : vector<16xf32>
        %abs3A_997 = math.absf %sub3A_996 : vector<16xf32>
        %sub3A_998 = arith.subf %abs3A_992, %abs3A_997 : vector<16xf32>
        %add3A_999 = arith.addf %add3A_967, %sub3A_995 : vector<16xf32>
        %add3A_1000 = arith.addf %add3A_968, %sub3A_998 : vector<16xf32>
        %broadcast_in_dim3A_1001 = vector.shape_cast %and3A_18 : vector<16xi32> to vector<16x1xi32>
        %gather3A_1002 = vector.shape_cast %broadcast_in_dim3A_1001 : vector<16x1xi32> to vector<16xi32>
        %gather3A_1003 = tpu.dynamic_gather %add3A_999[%gather3A_1002] in [0] : vector<16xf32>, vector<16xi32> -> vector<16xf32>
        %add3A_1004 = arith.addf %add3A_999, %gather3A_1003 : vector<16xf32>
        %broadcast_in_dim3A_1005 = vector.shape_cast %and3A_24 : vector<16xi32> to vector<16x1xi32>
        %gather3A_1006 = vector.shape_cast %broadcast_in_dim3A_1005 : vector<16x1xi32> to vector<16xi32>
        %gather3A_1007 = tpu.dynamic_gather %add3A_1004[%gather3A_1006] in [0] : vector<16xf32>, vector<16xi32> -> vector<16xf32>
        %add3A_1008 = arith.addf %add3A_1004, %gather3A_1007 : vector<16xf32>
        %broadcast_in_dim3A_1009 = vector.shape_cast %and3A_30 : vector<16xi32> to vector<16x1xi32>
        %gather3A_1010 = vector.shape_cast %broadcast_in_dim3A_1009 : vector<16x1xi32> to vector<16xi32>
        %gather3A_1011 = tpu.dynamic_gather %add3A_1008[%gather3A_1010] in [0] : vector<16xf32>, vector<16xi32> -> vector<16xf32>
        %add3A_1012 = arith.addf %add3A_1008, %gather3A_1011 : vector<16xf32>
        %broadcast_in_dim3A_1013 = vector.shape_cast %and3A_36 : vector<16xi32> to vector<16x1xi32>
        %gather3A_1014 = vector.shape_cast %broadcast_in_dim3A_1013 : vector<16x1xi32> to vector<16xi32>
        %gather3A_1015 = tpu.dynamic_gather %add3A_1012[%gather3A_1014] in [0] : vector<16xf32>, vector<16xi32> -> vector<16xf32>
        %add3A_1016 = arith.addf %add3A_1012, %gather3A_1015 : vector<16xf32>
        %broadcast_in_dim3A_1017 = vector.shape_cast %and3A_18 : vector<16xi32> to vector<16x1xi32>
        %gather3A_1018 = vector.shape_cast %broadcast_in_dim3A_1017 : vector<16x1xi32> to vector<16xi32>
        %gather3A_1019 = tpu.dynamic_gather %add3A_1000[%gather3A_1018] in [0] : vector<16xf32>, vector<16xi32> -> vector<16xf32>
        %add3A_1020 = arith.addf %add3A_1000, %gather3A_1019 : vector<16xf32>
        %broadcast_in_dim3A_1021 = vector.shape_cast %and3A_24 : vector<16xi32> to vector<16x1xi32>
        %gather3A_1022 = vector.shape_cast %broadcast_in_dim3A_1021 : vector<16x1xi32> to vector<16xi32>
        %gather3A_1023 = tpu.dynamic_gather %add3A_1020[%gather3A_1022] in [0] : vector<16xf32>, vector<16xi32> -> vector<16xf32>
        %add3A_1024 = arith.addf %add3A_1020, %gather3A_1023 : vector<16xf32>
        %broadcast_in_dim3A_1025 = vector.shape_cast %and3A_30 : vector<16xi32> to vector<16x1xi32>
        %gather3A_1026 = vector.shape_cast %broadcast_in_dim3A_1025 : vector<16x1xi32> to vector<16xi32>
        %gather3A_1027 = tpu.dynamic_gather %add3A_1024[%gather3A_1026] in [0] : vector<16xf32>, vector<16xi32> -> vector<16xf32>
        %add3A_1028 = arith.addf %add3A_1024, %gather3A_1027 : vector<16xf32>
        %broadcast_in_dim3A_1029 = vector.shape_cast %and3A_36 : vector<16xi32> to vector<16x1xi32>
        %gather3A_1030 = vector.shape_cast %broadcast_in_dim3A_1029 : vector<16x1xi32> to vector<16xi32>
        %gather3A_1031 = tpu.dynamic_gather %add3A_1028[%gather3A_1030] in [0] : vector<16xf32>, vector<16xi32> -> vector<16xf32>
        %add3A_1032 = arith.addf %add3A_1028, %gather3A_1031 : vector<16xf32>
        %add3A_1033 = arith.constant 1.000000e+00 : f32
        %add3A_1034 = vector.broadcast %add3A_1033 : f32 to vector<16xf32>
        %add3A_1035 = arith.addf %add3A_1034, %add3A_1016 : vector<16xf32>
        %max3A_1036 = arith.constant 0.000000e+00 : f32
        %max3A_1037 = vector.broadcast %max3A_1036 : f32 to vector<16xf32>
        %max3A_1038 = arith.maximumf %add3A_1035, %max3A_1037 : vector<16xf32>
        %add3A_1039 = arith.constant 1.000000e+00 : f32
        %add3A_1040 = vector.broadcast %add3A_1039 : f32 to vector<16xf32>
        %add3A_1041 = arith.addf %add3A_1040, %add3A_1032 : vector<16xf32>
        %max3A_1042 = arith.constant 0.000000e+00 : f32
        %max3A_1043 = vector.broadcast %max3A_1042 : f32 to vector<16xf32>
        %max3A_1044 = arith.maximumf %add3A_1041, %max3A_1043 : vector<16xf32>
        %add3A_1045 = arith.addf %max3A_1038, %max3A_1044 : vector<16xf32>
        %mul3A_1046 = arith.constant 64 : i32
        %mul3A_1047 = arith.muli %while3A_77, %mul3A_1046 : i32
        %add3A_1048 = arith.addi %select_n3A, %mul3A_1047 : i32
        %mul3A_1049 = arith.constant 4 : i32
        %mul3A_1050 = arith.muli %scan3A_109, %mul3A_1049 : i32
        %add3A_1051 = arith.constant 2 : i32
        %add3A_1052 = arith.addi %mul3A_1050, %add3A_1051 : i32
        %add3A_1053 = arith.addi %add3A_1048, %add3A_1052 : i32
        %lt3A_1054 = arith.constant 100000 : i32
        %lt3A_1055 = arith.cmpi slt, %add3A_1053, %lt3A_1054 : i32
        %jit3A_1056 = arith.constant 0.000000e+00 : f32
        %broadcast_in_dim3A_1057 = vector.broadcast %jit3A_1056 : f32 to vector<16xf32>
        %select_n3A_1058 = arith.select %lt3A_1055, %add3A_1045, %broadcast_in_dim3A_1057 : vector<16xf32>
        %add3A_1059 = arith.addf %add3A_741, %select_n3A_1058 : vector<16xf32>
        %mul3A_1060 = arith.constant 4 : i32
        %mul3A_1061 = arith.muli %scan3A_109, %mul3A_1060 : i32
        %add3A_1062 = arith.addi %mul3A_82, %mul3A_1061 : i32
        %add3A_1063 = arith.constant 3 : i32
        %add3A_1064 = arith.addi %add3A_1062, %add3A_1063 : i32
        %get3A_1065 = arith.index_cast %add3A_1064 : i32 to index
        %get3A_1066 = arith.constant 0 : index
        %get3A_1067 = tpu.vector_load %arg6[%get3A_1065, %get3A_1066] {strides = array<i32>} : memref<512x128xf32, #tpu.memory_space<vmem>>, vector<1x16xf32>,
        %get3A_1068 = vector.shape_cast %get3A_1067 : vector<1x16xf32> to vector<16xf32>
        %add3A_1069 = arith.constant 64 : i32
        %add3A_1070 = arith.addi %add3A_1064, %add3A_1069 : i32
        %get3A_1071 = arith.index_cast %add3A_1070 : i32 to index
        %get3A_1072 = arith.constant 0 : index
        %get3A_1073 = tpu.vector_load %arg6[%get3A_1071, %get3A_1072] {strides = array<i32>} : memref<512x128xf32, #tpu.memory_space<vmem>>, vector<1x16xf32>,
        %get3A_1074 = vector.shape_cast %get3A_1073 : vector<1x16xf32> to vector<16xf32>
        %add3A_1075 = arith.constant 128 : i32
        %add3A_1076 = arith.addi %add3A_1064, %add3A_1075 : i32
        %get3A_1077 = arith.index_cast %add3A_1076 : i32 to index
        %get3A_1078 = arith.constant 0 : index
        %get3A_1079 = tpu.vector_load %arg6[%get3A_1077, %get3A_1078] {strides = array<i32>} : memref<512x128xf32, #tpu.memory_space<vmem>>, vector<1x16xf32>,
        %get3A_1080 = vector.shape_cast %get3A_1079 : vector<1x16xf32> to vector<16xf32>
        %add3A_1081 = arith.constant 192 : i32
        %add3A_1082 = arith.addi %add3A_1064, %add3A_1081 : i32
        %get3A_1083 = arith.index_cast %add3A_1082 : i32 to index
        %get3A_1084 = arith.constant 0 : index
        %get3A_1085 = tpu.vector_load %arg6[%get3A_1083, %get3A_1084] {strides = array<i32>} : memref<512x128xf32, #tpu.memory_space<vmem>>, vector<1x16xf32>,
        %get3A_1086 = vector.shape_cast %get3A_1085 : vector<1x16xf32> to vector<16xf32>
        %sub3A_1087 = arith.subf %get3A_1068, %get3A_1074 : vector<16xf32>
        %abs3A_1088 = math.absf %sub3A_1087 : vector<16xf32>
        %sub3A_1089 = arith.subf %get3A_1068, %get3A_1086 : vector<16xf32>
        %abs3A_1090 = math.absf %sub3A_1089 : vector<16xf32>
        %sub3A_1091 = arith.subf %abs3A_1088, %abs3A_1090 : vector<16xf32>
        %sub3A_1092 = arith.subf %get3A_1080, %get3A_1074 : vector<16xf32>
        %abs3A_1093 = math.absf %sub3A_1092 : vector<16xf32>
        %sub3A_1094 = arith.subf %abs3A_1088, %abs3A_1093 : vector<16xf32>
        %get3A_1095 = arith.index_cast %add3A_1064 : i32 to index
        %get3A_1096 = arith.constant 16 : index
        %get3A_1097 = tpu.vector_load %arg6[%get3A_1095, %get3A_1096] {strides = array<i32>} : memref<512x128xf32, #tpu.memory_space<vmem>>, vector<1x16xf32>,
        %get3A_1098 = vector.shape_cast %get3A_1097 : vector<1x16xf32> to vector<16xf32>
        %add3A_1099 = arith.constant 64 : i32
        %add3A_1100 = arith.addi %add3A_1064, %add3A_1099 : i32
        %get3A_1101 = arith.index_cast %add3A_1100 : i32 to index
        %get3A_1102 = arith.constant 16 : index
        %get3A_1103 = tpu.vector_load %arg6[%get3A_1101, %get3A_1102] {strides = array<i32>} : memref<512x128xf32, #tpu.memory_space<vmem>>, vector<1x16xf32>,
        %get3A_1104 = vector.shape_cast %get3A_1103 : vector<1x16xf32> to vector<16xf32>
        %add3A_1105 = arith.constant 128 : i32
        %add3A_1106 = arith.addi %add3A_1064, %add3A_1105 : i32
        %get3A_1107 = arith.index_cast %add3A_1106 : i32 to index
        %get3A_1108 = arith.constant 16 : index
        %get3A_1109 = tpu.vector_load %arg6[%get3A_1107, %get3A_1108] {strides = array<i32>} : memref<512x128xf32, #tpu.memory_space<vmem>>, vector<1x16xf32>,
        %get3A_1110 = vector.shape_cast %get3A_1109 : vector<1x16xf32> to vector<16xf32>
        %add3A_1111 = arith.constant 192 : i32
        %add3A_1112 = arith.addi %add3A_1064, %add3A_1111 : i32
        %get3A_1113 = arith.index_cast %add3A_1112 : i32 to index
        %get3A_1114 = arith.constant 16 : index
        %get3A_1115 = tpu.vector_load %arg6[%get3A_1113, %get3A_1114] {strides = array<i32>} : memref<512x128xf32, #tpu.memory_space<vmem>>, vector<1x16xf32>,
        %get3A_1116 = vector.shape_cast %get3A_1115 : vector<1x16xf32> to vector<16xf32>
        %sub3A_1117 = arith.subf %get3A_1098, %get3A_1104 : vector<16xf32>
        %abs3A_1118 = math.absf %sub3A_1117 : vector<16xf32>
        %sub3A_1119 = arith.subf %get3A_1098, %get3A_1116 : vector<16xf32>
        %abs3A_1120 = math.absf %sub3A_1119 : vector<16xf32>
        %sub3A_1121 = arith.subf %abs3A_1118, %abs3A_1120 : vector<16xf32>
        %sub3A_1122 = arith.subf %get3A_1110, %get3A_1104 : vector<16xf32>
        %abs3A_1123 = math.absf %sub3A_1122 : vector<16xf32>
        %sub3A_1124 = arith.subf %abs3A_1118, %abs3A_1123 : vector<16xf32>
        %add3A_1125 = arith.addf %sub3A_1091, %sub3A_1121 : vector<16xf32>
        %add3A_1126 = arith.addf %sub3A_1094, %sub3A_1124 : vector<16xf32>
        %get3A_1127 = arith.index_cast %add3A_1064 : i32 to index
        %get3A_1128 = arith.constant 32 : index
        %get3A_1129 = tpu.vector_load %arg6[%get3A_1127, %get3A_1128] {strides = array<i32>} : memref<512x128xf32, #tpu.memory_space<vmem>>, vector<1x16xf32>,
        %get3A_1130 = vector.shape_cast %get3A_1129 : vector<1x16xf32> to vector<16xf32>
        %add3A_1131 = arith.constant 64 : i32
        %add3A_1132 = arith.addi %add3A_1064, %add3A_1131 : i32
        %get3A_1133 = arith.index_cast %add3A_1132 : i32 to index
        %get3A_1134 = arith.constant 32 : index
        %get3A_1135 = tpu.vector_load %arg6[%get3A_1133, %get3A_1134] {strides = array<i32>} : memref<512x128xf32, #tpu.memory_space<vmem>>, vector<1x16xf32>,
        %get3A_1136 = vector.shape_cast %get3A_1135 : vector<1x16xf32> to vector<16xf32>
        %add3A_1137 = arith.constant 128 : i32
        %add3A_1138 = arith.addi %add3A_1064, %add3A_1137 : i32
        %get3A_1139 = arith.index_cast %add3A_1138 : i32 to index
        %get3A_1140 = arith.constant 32 : index
        %get3A_1141 = tpu.vector_load %arg6[%get3A_1139, %get3A_1140] {strides = array<i32>} : memref<512x128xf32, #tpu.memory_space<vmem>>, vector<1x16xf32>,
        %get3A_1142 = vector.shape_cast %get3A_1141 : vector<1x16xf32> to vector<16xf32>
        %add3A_1143 = arith.constant 192 : i32
        %add3A_1144 = arith.addi %add3A_1064, %add3A_1143 : i32
        %get3A_1145 = arith.index_cast %add3A_1144 : i32 to index
        %get3A_1146 = arith.constant 32 : index
        %get3A_1147 = tpu.vector_load %arg6[%get3A_1145, %get3A_1146] {strides = array<i32>} : memref<512x128xf32, #tpu.memory_space<vmem>>, vector<1x16xf32>,
        %get3A_1148 = vector.shape_cast %get3A_1147 : vector<1x16xf32> to vector<16xf32>
        %sub3A_1149 = arith.subf %get3A_1130, %get3A_1136 : vector<16xf32>
        %abs3A_1150 = math.absf %sub3A_1149 : vector<16xf32>
        %sub3A_1151 = arith.subf %get3A_1130, %get3A_1148 : vector<16xf32>
        %abs3A_1152 = math.absf %sub3A_1151 : vector<16xf32>
        %sub3A_1153 = arith.subf %abs3A_1150, %abs3A_1152 : vector<16xf32>
        %sub3A_1154 = arith.subf %get3A_1142, %get3A_1136 : vector<16xf32>
        %abs3A_1155 = math.absf %sub3A_1154 : vector<16xf32>
        %sub3A_1156 = arith.subf %abs3A_1150, %abs3A_1155 : vector<16xf32>
        %add3A_1157 = arith.addf %add3A_1125, %sub3A_1153 : vector<16xf32>
        %add3A_1158 = arith.addf %add3A_1126, %sub3A_1156 : vector<16xf32>
        %get3A_1159 = arith.index_cast %add3A_1064 : i32 to index
        %get3A_1160 = arith.constant 48 : index
        %get3A_1161 = tpu.vector_load %arg6[%get3A_1159, %get3A_1160] {strides = array<i32>} : memref<512x128xf32, #tpu.memory_space<vmem>>, vector<1x16xf32>,
        %get3A_1162 = vector.shape_cast %get3A_1161 : vector<1x16xf32> to vector<16xf32>
        %add3A_1163 = arith.constant 64 : i32
        %add3A_1164 = arith.addi %add3A_1064, %add3A_1163 : i32
        %get3A_1165 = arith.index_cast %add3A_1164 : i32 to index
        %get3A_1166 = arith.constant 48 : index
        %get3A_1167 = tpu.vector_load %arg6[%get3A_1165, %get3A_1166] {strides = array<i32>} : memref<512x128xf32, #tpu.memory_space<vmem>>, vector<1x16xf32>,
        %get3A_1168 = vector.shape_cast %get3A_1167 : vector<1x16xf32> to vector<16xf32>
        %add3A_1169 = arith.constant 128 : i32
        %add3A_1170 = arith.addi %add3A_1064, %add3A_1169 : i32
        %get3A_1171 = arith.index_cast %add3A_1170 : i32 to index
        %get3A_1172 = arith.constant 48 : index
        %get3A_1173 = tpu.vector_load %arg6[%get3A_1171, %get3A_1172] {strides = array<i32>} : memref<512x128xf32, #tpu.memory_space<vmem>>, vector<1x16xf32>,
        %get3A_1174 = vector.shape_cast %get3A_1173 : vector<1x16xf32> to vector<16xf32>
        %add3A_1175 = arith.constant 192 : i32
        %add3A_1176 = arith.addi %add3A_1064, %add3A_1175 : i32
        %get3A_1177 = arith.index_cast %add3A_1176 : i32 to index
        %get3A_1178 = arith.constant 48 : index
        %get3A_1179 = tpu.vector_load %arg6[%get3A_1177, %get3A_1178] {strides = array<i32>} : memref<512x128xf32, #tpu.memory_space<vmem>>, vector<1x16xf32>,
        %get3A_1180 = vector.shape_cast %get3A_1179 : vector<1x16xf32> to vector<16xf32>
        %sub3A_1181 = arith.subf %get3A_1162, %get3A_1168 : vector<16xf32>
        %abs3A_1182 = math.absf %sub3A_1181 : vector<16xf32>
        %sub3A_1183 = arith.subf %get3A_1162, %get3A_1180 : vector<16xf32>
        %abs3A_1184 = math.absf %sub3A_1183 : vector<16xf32>
        %sub3A_1185 = arith.subf %abs3A_1182, %abs3A_1184 : vector<16xf32>
        %sub3A_1186 = arith.subf %get3A_1174, %get3A_1168 : vector<16xf32>
        %abs3A_1187 = math.absf %sub3A_1186 : vector<16xf32>
        %sub3A_1188 = arith.subf %abs3A_1182, %abs3A_1187 : vector<16xf32>
        %add3A_1189 = arith.addf %add3A_1157, %sub3A_1185 : vector<16xf32>
        %add3A_1190 = arith.addf %add3A_1158, %sub3A_1188 : vector<16xf32>
        %get3A_1191 = arith.index_cast %add3A_1064 : i32 to index
        %get3A_1192 = arith.constant 64 : index
        %get3A_1193 = tpu.vector_load %arg6[%get3A_1191, %get3A_1192] {strides = array<i32>} : memref<512x128xf32, #tpu.memory_space<vmem>>, vector<1x16xf32>,
        %get3A_1194 = vector.shape_cast %get3A_1193 : vector<1x16xf32> to vector<16xf32>
        %add3A_1195 = arith.constant 64 : i32
        %add3A_1196 = arith.addi %add3A_1064, %add3A_1195 : i32
        %get3A_1197 = arith.index_cast %add3A_1196 : i32 to index
        %get3A_1198 = arith.constant 64 : index
        %get3A_1199 = tpu.vector_load %arg6[%get3A_1197, %get3A_1198] {strides = array<i32>} : memref<512x128xf32, #tpu.memory_space<vmem>>, vector<1x16xf32>,
        %get3A_1200 = vector.shape_cast %get3A_1199 : vector<1x16xf32> to vector<16xf32>
        %add3A_1201 = arith.constant 128 : i32
        %add3A_1202 = arith.addi %add3A_1064, %add3A_1201 : i32
        %get3A_1203 = arith.index_cast %add3A_1202 : i32 to index
        %get3A_1204 = arith.constant 64 : index
        %get3A_1205 = tpu.vector_load %arg6[%get3A_1203, %get3A_1204] {strides = array<i32>} : memref<512x128xf32, #tpu.memory_space<vmem>>, vector<1x16xf32>,
        %get3A_1206 = vector.shape_cast %get3A_1205 : vector<1x16xf32> to vector<16xf32>
        %add3A_1207 = arith.constant 192 : i32
        %add3A_1208 = arith.addi %add3A_1064, %add3A_1207 : i32
        %get3A_1209 = arith.index_cast %add3A_1208 : i32 to index
        %get3A_1210 = arith.constant 64 : index
        %get3A_1211 = tpu.vector_load %arg6[%get3A_1209, %get3A_1210] {strides = array<i32>} : memref<512x128xf32, #tpu.memory_space<vmem>>, vector<1x16xf32>,
        %get3A_1212 = vector.shape_cast %get3A_1211 : vector<1x16xf32> to vector<16xf32>
        %sub3A_1213 = arith.subf %get3A_1194, %get3A_1200 : vector<16xf32>
        %abs3A_1214 = math.absf %sub3A_1213 : vector<16xf32>
        %sub3A_1215 = arith.subf %get3A_1194, %get3A_1212 : vector<16xf32>
        %abs3A_1216 = math.absf %sub3A_1215 : vector<16xf32>
        %sub3A_1217 = arith.subf %abs3A_1214, %abs3A_1216 : vector<16xf32>
        %sub3A_1218 = arith.subf %get3A_1206, %get3A_1200 : vector<16xf32>
        %abs3A_1219 = math.absf %sub3A_1218 : vector<16xf32>
        %sub3A_1220 = arith.subf %abs3A_1214, %abs3A_1219 : vector<16xf32>
        %add3A_1221 = arith.addf %add3A_1189, %sub3A_1217 : vector<16xf32>
        %add3A_1222 = arith.addf %add3A_1190, %sub3A_1220 : vector<16xf32>
        %get3A_1223 = arith.index_cast %add3A_1064 : i32 to index
        %get3A_1224 = arith.constant 80 : index
        %get3A_1225 = tpu.vector_load %arg6[%get3A_1223, %get3A_1224] {strides = array<i32>} : memref<512x128xf32, #tpu.memory_space<vmem>>, vector<1x16xf32>,
        %get3A_1226 = vector.shape_cast %get3A_1225 : vector<1x16xf32> to vector<16xf32>
        %add3A_1227 = arith.constant 64 : i32
        %add3A_1228 = arith.addi %add3A_1064, %add3A_1227 : i32
        %get3A_1229 = arith.index_cast %add3A_1228 : i32 to index
        %get3A_1230 = arith.constant 80 : index
        %get3A_1231 = tpu.vector_load %arg6[%get3A_1229, %get3A_1230] {strides = array<i32>} : memref<512x128xf32, #tpu.memory_space<vmem>>, vector<1x16xf32>,
        %get3A_1232 = vector.shape_cast %get3A_1231 : vector<1x16xf32> to vector<16xf32>
        %add3A_1233 = arith.constant 128 : i32
        %add3A_1234 = arith.addi %add3A_1064, %add3A_1233 : i32
        %get3A_1235 = arith.index_cast %add3A_1234 : i32 to index
        %get3A_1236 = arith.constant 80 : index
        %get3A_1237 = tpu.vector_load %arg6[%get3A_1235, %get3A_1236] {strides = array<i32>} : memref<512x128xf32, #tpu.memory_space<vmem>>, vector<1x16xf32>,
        %get3A_1238 = vector.shape_cast %get3A_1237 : vector<1x16xf32> to vector<16xf32>
        %add3A_1239 = arith.constant 192 : i32
        %add3A_1240 = arith.addi %add3A_1064, %add3A_1239 : i32
        %get3A_1241 = arith.index_cast %add3A_1240 : i32 to index
        %get3A_1242 = arith.constant 80 : index
        %get3A_1243 = tpu.vector_load %arg6[%get3A_1241, %get3A_1242] {strides = array<i32>} : memref<512x128xf32, #tpu.memory_space<vmem>>, vector<1x16xf32>,
        %get3A_1244 = vector.shape_cast %get3A_1243 : vector<1x16xf32> to vector<16xf32>
        %sub3A_1245 = arith.subf %get3A_1226, %get3A_1232 : vector<16xf32>
        %abs3A_1246 = math.absf %sub3A_1245 : vector<16xf32>
        %sub3A_1247 = arith.subf %get3A_1226, %get3A_1244 : vector<16xf32>
        %abs3A_1248 = math.absf %sub3A_1247 : vector<16xf32>
        %sub3A_1249 = arith.subf %abs3A_1246, %abs3A_1248 : vector<16xf32>
        %sub3A_1250 = arith.subf %get3A_1238, %get3A_1232 : vector<16xf32>
        %abs3A_1251 = math.absf %sub3A_1250 : vector<16xf32>
        %sub3A_1252 = arith.subf %abs3A_1246, %abs3A_1251 : vector<16xf32>
        %add3A_1253 = arith.addf %add3A_1221, %sub3A_1249 : vector<16xf32>
        %add3A_1254 = arith.addf %add3A_1222, %sub3A_1252 : vector<16xf32>
        %get3A_1255 = arith.index_cast %add3A_1064 : i32 to index
        %get3A_1256 = arith.constant 96 : index
        %get3A_1257 = tpu.vector_load %arg6[%get3A_1255, %get3A_1256] {strides = array<i32>} : memref<512x128xf32, #tpu.memory_space<vmem>>, vector<1x16xf32>,
        %get3A_1258 = vector.shape_cast %get3A_1257 : vector<1x16xf32> to vector<16xf32>
        %add3A_1259 = arith.constant 64 : i32
        %add3A_1260 = arith.addi %add3A_1064, %add3A_1259 : i32
        %get3A_1261 = arith.index_cast %add3A_1260 : i32 to index
        %get3A_1262 = arith.constant 96 : index
        %get3A_1263 = tpu.vector_load %arg6[%get3A_1261, %get3A_1262] {strides = array<i32>} : memref<512x128xf32, #tpu.memory_space<vmem>>, vector<1x16xf32>,
        %get3A_1264 = vector.shape_cast %get3A_1263 : vector<1x16xf32> to vector<16xf32>
        %add3A_1265 = arith.constant 128 : i32
        %add3A_1266 = arith.addi %add3A_1064, %add3A_1265 : i32
        %get3A_1267 = arith.index_cast %add3A_1266 : i32 to index
        %get3A_1268 = arith.constant 96 : index
        %get3A_1269 = tpu.vector_load %arg6[%get3A_1267, %get3A_1268] {strides = array<i32>} : memref<512x128xf32, #tpu.memory_space<vmem>>, vector<1x16xf32>,
        %get3A_1270 = vector.shape_cast %get3A_1269 : vector<1x16xf32> to vector<16xf32>
        %add3A_1271 = arith.constant 192 : i32
        %add3A_1272 = arith.addi %add3A_1064, %add3A_1271 : i32
        %get3A_1273 = arith.index_cast %add3A_1272 : i32 to index
        %get3A_1274 = arith.constant 96 : index
        %get3A_1275 = tpu.vector_load %arg6[%get3A_1273, %get3A_1274] {strides = array<i32>} : memref<512x128xf32, #tpu.memory_space<vmem>>, vector<1x16xf32>,
        %get3A_1276 = vector.shape_cast %get3A_1275 : vector<1x16xf32> to vector<16xf32>
        %sub3A_1277 = arith.subf %get3A_1258, %get3A_1264 : vector<16xf32>
        %abs3A_1278 = math.absf %sub3A_1277 : vector<16xf32>
        %sub3A_1279 = arith.subf %get3A_1258, %get3A_1276 : vector<16xf32>
        %abs3A_1280 = math.absf %sub3A_1279 : vector<16xf32>
        %sub3A_1281 = arith.subf %abs3A_1278, %abs3A_1280 : vector<16xf32>
        %sub3A_1282 = arith.subf %get3A_1270, %get3A_1264 : vector<16xf32>
        %abs3A_1283 = math.absf %sub3A_1282 : vector<16xf32>
        %sub3A_1284 = arith.subf %abs3A_1278, %abs3A_1283 : vector<16xf32>
        %add3A_1285 = arith.addf %add3A_1253, %sub3A_1281 : vector<16xf32>
        %add3A_1286 = arith.addf %add3A_1254, %sub3A_1284 : vector<16xf32>
        %get3A_1287 = arith.index_cast %add3A_1064 : i32 to index
        %get3A_1288 = arith.constant 112 : index
        %get3A_1289 = tpu.vector_load %arg6[%get3A_1287, %get3A_1288] {strides = array<i32>} : memref<512x128xf32, #tpu.memory_space<vmem>>, vector<1x16xf32>,
        %get3A_1290 = vector.shape_cast %get3A_1289 : vector<1x16xf32> to vector<16xf32>
        %add3A_1291 = arith.constant 64 : i32
        %add3A_1292 = arith.addi %add3A_1064, %add3A_1291 : i32
        %get3A_1293 = arith.index_cast %add3A_1292 : i32 to index
        %get3A_1294 = arith.constant 112 : index
        %get3A_1295 = tpu.vector_load %arg6[%get3A_1293, %get3A_1294] {strides = array<i32>} : memref<512x128xf32, #tpu.memory_space<vmem>>, vector<1x16xf32>,
        %get3A_1296 = vector.shape_cast %get3A_1295 : vector<1x16xf32> to vector<16xf32>
        %add3A_1297 = arith.constant 128 : i32
        %add3A_1298 = arith.addi %add3A_1064, %add3A_1297 : i32
        %get3A_1299 = arith.index_cast %add3A_1298 : i32 to index
        %get3A_1300 = arith.constant 112 : index
        %get3A_1301 = tpu.vector_load %arg6[%get3A_1299, %get3A_1300] {strides = array<i32>} : memref<512x128xf32, #tpu.memory_space<vmem>>, vector<1x16xf32>,
        %get3A_1302 = vector.shape_cast %get3A_1301 : vector<1x16xf32> to vector<16xf32>
        %add3A_1303 = arith.constant 192 : i32
        %add3A_1304 = arith.addi %add3A_1064, %add3A_1303 : i32
        %get3A_1305 = arith.index_cast %add3A_1304 : i32 to index
        %get3A_1306 = arith.constant 112 : index
        %get3A_1307 = tpu.vector_load %arg6[%get3A_1305, %get3A_1306] {strides = array<i32>} : memref<512x128xf32, #tpu.memory_space<vmem>>, vector<1x16xf32>,
        %get3A_1308 = vector.shape_cast %get3A_1307 : vector<1x16xf32> to vector<16xf32>
        %sub3A_1309 = arith.subf %get3A_1290, %get3A_1296 : vector<16xf32>
        %abs3A_1310 = math.absf %sub3A_1309 : vector<16xf32>
        %sub3A_1311 = arith.subf %get3A_1290, %get3A_1308 : vector<16xf32>
        %abs3A_1312 = math.absf %sub3A_1311 : vector<16xf32>
        %sub3A_1313 = arith.subf %abs3A_1310, %abs3A_1312 : vector<16xf32>
        %sub3A_1314 = arith.subf %get3A_1302, %get3A_1296 : vector<16xf32>
        %abs3A_1315 = math.absf %sub3A_1314 : vector<16xf32>
        %sub3A_1316 = arith.subf %abs3A_1310, %abs3A_1315 : vector<16xf32>
        %add3A_1317 = arith.addf %add3A_1285, %sub3A_1313 : vector<16xf32>
        %add3A_1318 = arith.addf %add3A_1286, %sub3A_1316 : vector<16xf32>
        %broadcast_in_dim3A_1319 = vector.shape_cast %and3A_18 : vector<16xi32> to vector<16x1xi32>
        %gather3A_1320 = vector.shape_cast %broadcast_in_dim3A_1319 : vector<16x1xi32> to vector<16xi32>
        %gather3A_1321 = tpu.dynamic_gather %add3A_1317[%gather3A_1320] in [0] : vector<16xf32>, vector<16xi32> -> vector<16xf32>
        %add3A_1322 = arith.addf %add3A_1317, %gather3A_1321 : vector<16xf32>
        %broadcast_in_dim3A_1323 = vector.shape_cast %and3A_24 : vector<16xi32> to vector<16x1xi32>
        %gather3A_1324 = vector.shape_cast %broadcast_in_dim3A_1323 : vector<16x1xi32> to vector<16xi32>
        %gather3A_1325 = tpu.dynamic_gather %add3A_1322[%gather3A_1324] in [0] : vector<16xf32>, vector<16xi32> -> vector<16xf32>
        %add3A_1326 = arith.addf %add3A_1322, %gather3A_1325 : vector<16xf32>
        %broadcast_in_dim3A_1327 = vector.shape_cast %and3A_30 : vector<16xi32> to vector<16x1xi32>
        %gather3A_1328 = vector.shape_cast %broadcast_in_dim3A_1327 : vector<16x1xi32> to vector<16xi32>
        %gather3A_1329 = tpu.dynamic_gather %add3A_1326[%gather3A_1328] in [0] : vector<16xf32>, vector<16xi32> -> vector<16xf32>
        %add3A_1330 = arith.addf %add3A_1326, %gather3A_1329 : vector<16xf32>
        %broadcast_in_dim3A_1331 = vector.shape_cast %and3A_36 : vector<16xi32> to vector<16x1xi32>
        %gather3A_1332 = vector.shape_cast %broadcast_in_dim3A_1331 : vector<16x1xi32> to vector<16xi32>
        %gather3A_1333 = tpu.dynamic_gather %add3A_1330[%gather3A_1332] in [0] : vector<16xf32>, vector<16xi32> -> vector<16xf32>
        %add3A_1334 = arith.addf %add3A_1330, %gather3A_1333 : vector<16xf32>
        %broadcast_in_dim3A_1335 = vector.shape_cast %and3A_18 : vector<16xi32> to vector<16x1xi32>
        %gather3A_1336 = vector.shape_cast %broadcast_in_dim3A_1335 : vector<16x1xi32> to vector<16xi32>
        %gather3A_1337 = tpu.dynamic_gather %add3A_1318[%gather3A_1336] in [0] : vector<16xf32>, vector<16xi32> -> vector<16xf32>
        %add3A_1338 = arith.addf %add3A_1318, %gather3A_1337 : vector<16xf32>
        %broadcast_in_dim3A_1339 = vector.shape_cast %and3A_24 : vector<16xi32> to vector<16x1xi32>
        %gather3A_1340 = vector.shape_cast %broadcast_in_dim3A_1339 : vector<16x1xi32> to vector<16xi32>
        %gather3A_1341 = tpu.dynamic_gather %add3A_1338[%gather3A_1340] in [0] : vector<16xf32>, vector<16xi32> -> vector<16xf32>
        %add3A_1342 = arith.addf %add3A_1338, %gather3A_1341 : vector<16xf32>
        %broadcast_in_dim3A_1343 = vector.shape_cast %and3A_30 : vector<16xi32> to vector<16x1xi32>
        %gather3A_1344 = vector.shape_cast %broadcast_in_dim3A_1343 : vector<16x1xi32> to vector<16xi32>
        %gather3A_1345 = tpu.dynamic_gather %add3A_1342[%gather3A_1344] in [0] : vector<16xf32>, vector<16xi32> -> vector<16xf32>
        %add3A_1346 = arith.addf %add3A_1342, %gather3A_1345 : vector<16xf32>
        %broadcast_in_dim3A_1347 = vector.shape_cast %and3A_36 : vector<16xi32> to vector<16x1xi32>
        %gather3A_1348 = vector.shape_cast %broadcast_in_dim3A_1347 : vector<16x1xi32> to vector<16xi32>
        %gather3A_1349 = tpu.dynamic_gather %add3A_1346[%gather3A_1348] in [0] : vector<16xf32>, vector<16xi32> -> vector<16xf32>
        %add3A_1350 = arith.addf %add3A_1346, %gather3A_1349 : vector<16xf32>
        %add3A_1351 = arith.constant 1.000000e+00 : f32
        %add3A_1352 = vector.broadcast %add3A_1351 : f32 to vector<16xf32>
        %add3A_1353 = arith.addf %add3A_1352, %add3A_1334 : vector<16xf32>
        %max3A_1354 = arith.constant 0.000000e+00 : f32
        %max3A_1355 = vector.broadcast %max3A_1354 : f32 to vector<16xf32>
        %max3A_1356 = arith.maximumf %add3A_1353, %max3A_1355 : vector<16xf32>
        %add3A_1357 = arith.constant 1.000000e+00 : f32
        %add3A_1358 = vector.broadcast %add3A_1357 : f32 to vector<16xf32>
        %add3A_1359 = arith.addf %add3A_1358, %add3A_1350 : vector<16xf32>
        %max3A_1360 = arith.constant 0.000000e+00 : f32
        %max3A_1361 = vector.broadcast %max3A_1360 : f32 to vector<16xf32>
        %max3A_1362 = arith.maximumf %add3A_1359, %max3A_1361 : vector<16xf32>
        %add3A_1363 = arith.addf %max3A_1356, %max3A_1362 : vector<16xf32>
        %mul3A_1364 = arith.constant 64 : i32
        %mul3A_1365 = arith.muli %while3A_77, %mul3A_1364 : i32
        %add3A_1366 = arith.addi %select_n3A, %mul3A_1365 : i32
        %mul3A_1367 = arith.constant 4 : i32
        %mul3A_1368 = arith.muli %scan3A_109, %mul3A_1367 : i32
        %add3A_1369 = arith.constant 3 : i32
        %add3A_1370 = arith.addi %mul3A_1368, %add3A_1369 : i32
        %add3A_1371 = arith.addi %add3A_1366, %add3A_1370 : i32
        %lt3A_1372 = arith.constant 100000 : i32
        %lt3A_1373 = arith.cmpi slt, %add3A_1371, %lt3A_1372 : i32
        %jit3A_1374 = arith.constant 0.000000e+00 : f32
        %broadcast_in_dim3A_1375 = vector.broadcast %jit3A_1374 : f32 to vector<16xf32>
        %select_n3A_1376 = arith.select %lt3A_1373, %add3A_1363, %broadcast_in_dim3A_1375 : vector<16xf32>
        %add3A_1377 = arith.addf %add3A_1059, %select_n3A_1376 : vector<16xf32>
        scf.yield %add3A_1377 : vector<16xf32>
      }
      %scan3A_108 = arith.constant 16 : i32
      scf.yield %scan3A_107 : vector<16xf32>
    }
    %while3A_53 = arith.constant 1 : i32
    %while3A_54 = scf.for %while3A_77 = %while3A_50 to %while3A_46 step %while3A_53 iter_args(%while3A_78 = %while3A_52) -> (vector<16xf32>)  : i32 {
      %and3A_79 = arith.constant 1 : i32
      %and3A_80 = arith.andi %while3A_77, %and3A_79 : i32
      %mul3A_81 = arith.constant 256 : i32
      %mul3A_82 = arith.muli %and3A_80, %mul3A_81 : i32
      %dma_wait3A_83 = arith.constant 0 : i32
      %dma_wait3A_84 = tpu.memref_slice %arg6[%mul3A_82, %dma_wait3A_83] : memref<512x128xf32, #tpu.memory_space<vmem>> -> memref<256x128xf32, #tpu.memory_space<vmem>>
      %dma_wait3A_85 = arith.constant 0 : i32
      %dma_wait3A_86 = arith.constant 0 : i32
      %dma_wait3A_87 = tpu.memref_slice %arg3[%dma_wait3A_85, %dma_wait3A_86] : memref<100000x128xf32, #tpu.memory_space<hbm>> -> memref<256x128xf32, #tpu.memory_space<hbm>>
      %dma_wait3A_88 = arith.constant 0 : i32
      %dma_wait3A_89 = tpu.memref_slice %arg6[%mul3A_82, %dma_wait3A_88] : memref<512x128xf32, #tpu.memory_space<vmem>> -> memref<256x128xf32, #tpu.memory_space<vmem>>
      %dma_wait3A_90 = arith.constant 0 : i32
      %dma_wait3A_91 = arith.constant 0 : i32
      %dma_wait3A_92 = tpu.memref_slice %arg3[%dma_wait3A_90, %dma_wait3A_91] : memref<100000x128xf32, #tpu.memory_space<hbm>> -> memref<256x128xf32, #tpu.memory_space<hbm>>
      tpu.wait_dma2 semaphore(%arg8 : memref<!tpu.dma_semaphore, #tpu.memory_space<semaphore_mem>>) src(%dma_wait3A_92 : memref<256x128xf32, #tpu.memory_space<hbm>>) dst(%dma_wait3A_89 : memref<256x128xf32, #tpu.memory_space<vmem>>)
      %add3A_93 = arith.constant 1 : i32
      %add3A_94 = arith.addi %while3A_77, %add3A_93 : i32
      %sub3A = arith.constant 256 : i32
      %sub3A_95 = arith.subi %sub3A, %mul3A_82 : i32
      %mul3A_96 = arith.constant 256 : i32
      %mul3A_97 = arith.muli %add3A_94, %mul3A_96 : i32
      %dma_start3A_98 = arith.constant 0 : i32
      %dma_start3A_99 = tpu.memref_slice %arg6[%sub3A_95, %dma_start3A_98] : memref<512x128xf32, #tpu.memory_space<vmem>> -> memref<256x128xf32, #tpu.memory_space<vmem>>
      %dma_start3A_100 = tpu.memref_slice %arg5[%mul3A_97] : memref<17408xi32, #tpu.memory_space<vmem>> -> memref<256xi32, #tpu.memory_space<vmem>>
      %dma_start3A_101 = arith.constant 0 : i32
      %dma_start3A_102 = arith.constant 0 : i32
      %dma_start3A_103 = tpu.memref_slice %arg3[%dma_start3A_101, %dma_start3A_102] : memref<100000x128xf32, #tpu.memory_space<hbm>> -> memref<100000x128xf32, #tpu.memory_space<hbm>>
      tpu.enqueue_indirect_dma source(%dma_start3A_103 : memref<100000x128xf32, #tpu.memory_space<hbm>>) target(%dma_start3A_99 : memref<256x128xf32, #tpu.memory_space<vmem>>) offsets(%dma_start3A_100 : memref<256xi32, #tpu.memory_space<vmem>>) semaphore(%arg8 : memref<!tpu.dma_semaphore, #tpu.memory_space<semaphore_mem>>)
      %scan3A = arith.constant 0 : i32
      %scan3A_104 = arith.constant 16 : i32
      %scan3A_105 = arith.addi %scan3A, %scan3A_104 : i32
      %scan3A_106 = arith.constant 1 : i32
      %scan3A_107 = scf.for %scan3A_109 = %scan3A to %scan3A_105 step %scan3A_106 iter_args(%scan3A_110 = %while3A_78) -> (vector<16xf32>)  : i32 {
        %mul3A_111 = arith.constant 4 : i32
        %mul3A_112 = arith.muli %scan3A_109, %mul3A_111 : i32
        %add3A_113 = arith.addi %mul3A_82, %mul3A_112 : i32
        %add3A_114 = arith.constant 0 : i32
        %add3A_115 = arith.addi %add3A_113, %add3A_114 : i32
        %get3A = arith.index_cast %add3A_115 : i32 to index
        %get3A_116 = arith.constant 0 : index
        %get3A_117 = tpu.vector_load %arg6[%get3A, %get3A_116] {strides = array<i32>} : memref<512x128xf32, #tpu.memory_space<vmem>>, vector<1x16xf32>,
        %get3A_118 = vector.shape_cast %get3A_117 : vector<1x16xf32> to vector<16xf32>
        %add3A_119 = arith.constant 64 : i32
        %add3A_120 = arith.addi %add3A_115, %add3A_119 : i32
        %get3A_121 = arith.index_cast %add3A_120 : i32 to index
        %get3A_122 = arith.constant 0 : index
        %get3A_123 = tpu.vector_load %arg6[%get3A_121, %get3A_122] {strides = array<i32>} : memref<512x128xf32, #tpu.memory_space<vmem>>, vector<1x16xf32>,
        %get3A_124 = vector.shape_cast %get3A_123 : vector<1x16xf32> to vector<16xf32>
        %add3A_125 = arith.constant 128 : i32
        %add3A_126 = arith.addi %add3A_115, %add3A_125 : i32
        %get3A_127 = arith.index_cast %add3A_126 : i32 to index
        %get3A_128 = arith.constant 0 : index
        %get3A_129 = tpu.vector_load %arg6[%get3A_127, %get3A_128] {strides = array<i32>} : memref<512x128xf32, #tpu.memory_space<vmem>>, vector<1x16xf32>,
        %get3A_130 = vector.shape_cast %get3A_129 : vector<1x16xf32> to vector<16xf32>
        %add3A_131 = arith.constant 192 : i32
        %add3A_132 = arith.addi %add3A_115, %add3A_131 : i32
        %get3A_133 = arith.index_cast %add3A_132 : i32 to index
        %get3A_134 = arith.constant 0 : index
        %get3A_135 = tpu.vector_load %arg6[%get3A_133, %get3A_134] {strides = array<i32>} : memref<512x128xf32, #tpu.memory_space<vmem>>, vector<1x16xf32>,
        %get3A_136 = vector.shape_cast %get3A_135 : vector<1x16xf32> to vector<16xf32>
        %sub3A_137 = arith.subf %get3A_118, %get3A_124 : vector<16xf32>
        %abs3A = math.absf %sub3A_137 : vector<16xf32>
        %sub3A_138 = arith.subf %get3A_118, %get3A_136 : vector<16xf32>
        %abs3A_139 = math.absf %sub3A_138 : vector<16xf32>
        %sub3A_140 = arith.subf %abs3A, %abs3A_139 : vector<16xf32>
        %sub3A_141 = arith.subf %get3A_130, %get3A_124 : vector<16xf32>
        %abs3A_142 = math.absf %sub3A_141 : vector<16xf32>
        %sub3A_143 = arith.subf %abs3A, %abs3A_142 : vector<16xf32>
        %get3A_144 = arith.index_cast %add3A_115 : i32 to index
        %get3A_145 = arith.constant 16 : index
        %get3A_146 = tpu.vector_load %arg6[%get3A_144, %get3A_145] {strides = array<i32>} : memref<512x128xf32, #tpu.memory_space<vmem>>, vector<1x16xf32>,
        %get3A_147 = vector.shape_cast %get3A_146 : vector<1x16xf32> to vector<16xf32>
        %add3A_148 = arith.constant 64 : i32
        %add3A_149 = arith.addi %add3A_115, %add3A_148 : i32
        %get3A_150 = arith.index_cast %add3A_149 : i32 to index
        %get3A_151 = arith.constant 16 : index
        %get3A_152 = tpu.vector_load %arg6[%get3A_150, %get3A_151] {strides = array<i32>} : memref<512x128xf32, #tpu.memory_space<vmem>>, vector<1x16xf32>,
        %get3A_153 = vector.shape_cast %get3A_152 : vector<1x16xf32> to vector<16xf32>
        %add3A_154 = arith.constant 128 : i32
        %add3A_155 = arith.addi %add3A_115, %add3A_154 : i32
        %get3A_156 = arith.index_cast %add3A_155 : i32 to index
        %get3A_157 = arith.constant 16 : index
        %get3A_158 = tpu.vector_load %arg6[%get3A_156, %get3A_157] {strides = array<i32>} : memref<512x128xf32, #tpu.memory_space<vmem>>, vector<1x16xf32>,
        %get3A_159 = vector.shape_cast %get3A_158 : vector<1x16xf32> to vector<16xf32>
        %add3A_160 = arith.constant 192 : i32
        %add3A_161 = arith.addi %add3A_115, %add3A_160 : i32
        %get3A_162 = arith.index_cast %add3A_161 : i32 to index
        %get3A_163 = arith.constant 16 : index
        %get3A_164 = tpu.vector_load %arg6[%get3A_162, %get3A_163] {strides = array<i32>} : memref<512x128xf32, #tpu.memory_space<vmem>>, vector<1x16xf32>,
        %get3A_165 = vector.shape_cast %get3A_164 : vector<1x16xf32> to vector<16xf32>
        %sub3A_166 = arith.subf %get3A_147, %get3A_153 : vector<16xf32>
        %abs3A_167 = math.absf %sub3A_166 : vector<16xf32>
        %sub3A_168 = arith.subf %get3A_147, %get3A_165 : vector<16xf32>
        %abs3A_169 = math.absf %sub3A_168 : vector<16xf32>
        %sub3A_170 = arith.subf %abs3A_167, %abs3A_169 : vector<16xf32>
        %sub3A_171 = arith.subf %get3A_159, %get3A_153 : vector<16xf32>
        %abs3A_172 = math.absf %sub3A_171 : vector<16xf32>
        %sub3A_173 = arith.subf %abs3A_167, %abs3A_172 : vector<16xf32>
        %add3A_174 = arith.addf %sub3A_140, %sub3A_170 : vector<16xf32>
        %add3A_175 = arith.addf %sub3A_143, %sub3A_173 : vector<16xf32>
        %get3A_176 = arith.index_cast %add3A_115 : i32 to index
        %get3A_177 = arith.constant 32 : index
        %get3A_178 = tpu.vector_load %arg6[%get3A_176, %get3A_177] {strides = array<i32>} : memref<512x128xf32, #tpu.memory_space<vmem>>, vector<1x16xf32>,
        %get3A_179 = vector.shape_cast %get3A_178 : vector<1x16xf32> to vector<16xf32>
        %add3A_180 = arith.constant 64 : i32
        %add3A_181 = arith.addi %add3A_115, %add3A_180 : i32
        %get3A_182 = arith.index_cast %add3A_181 : i32 to index
        %get3A_183 = arith.constant 32 : index
        %get3A_184 = tpu.vector_load %arg6[%get3A_182, %get3A_183] {strides = array<i32>} : memref<512x128xf32, #tpu.memory_space<vmem>>, vector<1x16xf32>,
        %get3A_185 = vector.shape_cast %get3A_184 : vector<1x16xf32> to vector<16xf32>
        %add3A_186 = arith.constant 128 : i32
        %add3A_187 = arith.addi %add3A_115, %add3A_186 : i32
        %get3A_188 = arith.index_cast %add3A_187 : i32 to index
        %get3A_189 = arith.constant 32 : index
        %get3A_190 = tpu.vector_load %arg6[%get3A_188, %get3A_189] {strides = array<i32>} : memref<512x128xf32, #tpu.memory_space<vmem>>, vector<1x16xf32>,
        %get3A_191 = vector.shape_cast %get3A_190 : vector<1x16xf32> to vector<16xf32>
        %add3A_192 = arith.constant 192 : i32
        %add3A_193 = arith.addi %add3A_115, %add3A_192 : i32
        %get3A_194 = arith.index_cast %add3A_193 : i32 to index
        %get3A_195 = arith.constant 32 : index
        %get3A_196 = tpu.vector_load %arg6[%get3A_194, %get3A_195] {strides = array<i32>} : memref<512x128xf32, #tpu.memory_space<vmem>>, vector<1x16xf32>,
        %get3A_197 = vector.shape_cast %get3A_196 : vector<1x16xf32> to vector<16xf32>
        %sub3A_198 = arith.subf %get3A_179, %get3A_185 : vector<16xf32>
        %abs3A_199 = math.absf %sub3A_198 : vector<16xf32>
        %sub3A_200 = arith.subf %get3A_179, %get3A_197 : vector<16xf32>
        %abs3A_201 = math.absf %sub3A_200 : vector<16xf32>
        %sub3A_202 = arith.subf %abs3A_199, %abs3A_201 : vector<16xf32>
        %sub3A_203 = arith.subf %get3A_191, %get3A_185 : vector<16xf32>
        %abs3A_204 = math.absf %sub3A_203 : vector<16xf32>
        %sub3A_205 = arith.subf %abs3A_199, %abs3A_204 : vector<16xf32>
        %add3A_206 = arith.addf %add3A_174, %sub3A_202 : vector<16xf32>
        %add3A_207 = arith.addf %add3A_175, %sub3A_205 : vector<16xf32>
        %get3A_208 = arith.index_cast %add3A_115 : i32 to index
        %get3A_209 = arith.constant 48 : index
        %get3A_210 = tpu.vector_load %arg6[%get3A_208, %get3A_209] {strides = array<i32>} : memref<512x128xf32, #tpu.memory_space<vmem>>, vector<1x16xf32>,
        %get3A_211 = vector.shape_cast %get3A_210 : vector<1x16xf32> to vector<16xf32>
        %add3A_212 = arith.constant 64 : i32
        %add3A_213 = arith.addi %add3A_115, %add3A_212 : i32
        %get3A_214 = arith.index_cast %add3A_213 : i32 to index
        %get3A_215 = arith.constant 48 : index
        %get3A_216 = tpu.vector_load %arg6[%get3A_214, %get3A_215] {strides = array<i32>} : memref<512x128xf32, #tpu.memory_space<vmem>>, vector<1x16xf32>,
        %get3A_217 = vector.shape_cast %get3A_216 : vector<1x16xf32> to vector<16xf32>
        %add3A_218 = arith.constant 128 : i32
        %add3A_219 = arith.addi %add3A_115, %add3A_218 : i32
        %get3A_220 = arith.index_cast %add3A_219 : i32 to index
        %get3A_221 = arith.constant 48 : index
        %get3A_222 = tpu.vector_load %arg6[%get3A_220, %get3A_221] {strides = array<i32>} : memref<512x128xf32, #tpu.memory_space<vmem>>, vector<1x16xf32>,
        %get3A_223 = vector.shape_cast %get3A_222 : vector<1x16xf32> to vector<16xf32>
        %add3A_224 = arith.constant 192 : i32
        %add3A_225 = arith.addi %add3A_115, %add3A_224 : i32
        %get3A_226 = arith.index_cast %add3A_225 : i32 to index
        %get3A_227 = arith.constant 48 : index
        %get3A_228 = tpu.vector_load %arg6[%get3A_226, %get3A_227] {strides = array<i32>} : memref<512x128xf32, #tpu.memory_space<vmem>>, vector<1x16xf32>,
        %get3A_229 = vector.shape_cast %get3A_228 : vector<1x16xf32> to vector<16xf32>
        %sub3A_230 = arith.subf %get3A_211, %get3A_217 : vector<16xf32>
        %abs3A_231 = math.absf %sub3A_230 : vector<16xf32>
        %sub3A_232 = arith.subf %get3A_211, %get3A_229 : vector<16xf32>
        %abs3A_233 = math.absf %sub3A_232 : vector<16xf32>
        %sub3A_234 = arith.subf %abs3A_231, %abs3A_233 : vector<16xf32>
        %sub3A_235 = arith.subf %get3A_223, %get3A_217 : vector<16xf32>
        %abs3A_236 = math.absf %sub3A_235 : vector<16xf32>
        %sub3A_237 = arith.subf %abs3A_231, %abs3A_236 : vector<16xf32>
        %add3A_238 = arith.addf %add3A_206, %sub3A_234 : vector<16xf32>
        %add3A_239 = arith.addf %add3A_207, %sub3A_237 : vector<16xf32>
        %get3A_240 = arith.index_cast %add3A_115 : i32 to index
        %get3A_241 = arith.constant 64 : index
        %get3A_242 = tpu.vector_load %arg6[%get3A_240, %get3A_241] {strides = array<i32>} : memref<512x128xf32, #tpu.memory_space<vmem>>, vector<1x16xf32>,
        %get3A_243 = vector.shape_cast %get3A_242 : vector<1x16xf32> to vector<16xf32>
        %add3A_244 = arith.constant 64 : i32
        %add3A_245 = arith.addi %add3A_115, %add3A_244 : i32
        %get3A_246 = arith.index_cast %add3A_245 : i32 to index
        %get3A_247 = arith.constant 64 : index
        %get3A_248 = tpu.vector_load %arg6[%get3A_246, %get3A_247] {strides = array<i32>} : memref<512x128xf32, #tpu.memory_space<vmem>>, vector<1x16xf32>,
        %get3A_249 = vector.shape_cast %get3A_248 : vector<1x16xf32> to vector<16xf32>
        %add3A_250 = arith.constant 128 : i32
        %add3A_251 = arith.addi %add3A_115, %add3A_250 : i32
        %get3A_252 = arith.index_cast %add3A_251 : i32 to index
        %get3A_253 = arith.constant 64 : index
        %get3A_254 = tpu.vector_load %arg6[%get3A_252, %get3A_253] {strides = array<i32>} : memref<512x128xf32, #tpu.memory_space<vmem>>, vector<1x16xf32>,
        %get3A_255 = vector.shape_cast %get3A_254 : vector<1x16xf32> to vector<16xf32>
        %add3A_256 = arith.constant 192 : i32
        %add3A_257 = arith.addi %add3A_115, %add3A_256 : i32
        %get3A_258 = arith.index_cast %add3A_257 : i32 to index
        %get3A_259 = arith.constant 64 : index
        %get3A_260 = tpu.vector_load %arg6[%get3A_258, %get3A_259] {strides = array<i32>} : memref<512x128xf32, #tpu.memory_space<vmem>>, vector<1x16xf32>,
        %get3A_261 = vector.shape_cast %get3A_260 : vector<1x16xf32> to vector<16xf32>
        %sub3A_262 = arith.subf %get3A_243, %get3A_249 : vector<16xf32>
        %abs3A_263 = math.absf %sub3A_262 : vector<16xf32>
        %sub3A_264 = arith.subf %get3A_243, %get3A_261 : vector<16xf32>
        %abs3A_265 = math.absf %sub3A_264 : vector<16xf32>
        %sub3A_266 = arith.subf %abs3A_263, %abs3A_265 : vector<16xf32>
        %sub3A_267 = arith.subf %get3A_255, %get3A_249 : vector<16xf32>
        %abs3A_268 = math.absf %sub3A_267 : vector<16xf32>
        %sub3A_269 = arith.subf %abs3A_263, %abs3A_268 : vector<16xf32>
        %add3A_270 = arith.addf %add3A_238, %sub3A_266 : vector<16xf32>
        %add3A_271 = arith.addf %add3A_239, %sub3A_269 : vector<16xf32>
        %get3A_272 = arith.index_cast %add3A_115 : i32 to index
        %get3A_273 = arith.constant 80 : index
        %get3A_274 = tpu.vector_load %arg6[%get3A_272, %get3A_273] {strides = array<i32>} : memref<512x128xf32, #tpu.memory_space<vmem>>, vector<1x16xf32>,
        %get3A_275 = vector.shape_cast %get3A_274 : vector<1x16xf32> to vector<16xf32>
        %add3A_276 = arith.constant 64 : i32
        %add3A_277 = arith.addi %add3A_115, %add3A_276 : i32
        %get3A_278 = arith.index_cast %add3A_277 : i32 to index
        %get3A_279 = arith.constant 80 : index
        %get3A_280 = tpu.vector_load %arg6[%get3A_278, %get3A_279] {strides = array<i32>} : memref<512x128xf32, #tpu.memory_space<vmem>>, vector<1x16xf32>,
        %get3A_281 = vector.shape_cast %get3A_280 : vector<1x16xf32> to vector<16xf32>
        %add3A_282 = arith.constant 128 : i32
        %add3A_283 = arith.addi %add3A_115, %add3A_282 : i32
        %get3A_284 = arith.index_cast %add3A_283 : i32 to index
        %get3A_285 = arith.constant 80 : index
        %get3A_286 = tpu.vector_load %arg6[%get3A_284, %get3A_285] {strides = array<i32>} : memref<512x128xf32, #tpu.memory_space<vmem>>, vector<1x16xf32>,
        %get3A_287 = vector.shape_cast %get3A_286 : vector<1x16xf32> to vector<16xf32>
        %add3A_288 = arith.constant 192 : i32
        %add3A_289 = arith.addi %add3A_115, %add3A_288 : i32
        %get3A_290 = arith.index_cast %add3A_289 : i32 to index
        %get3A_291 = arith.constant 80 : index
        %get3A_292 = tpu.vector_load %arg6[%get3A_290, %get3A_291] {strides = array<i32>} : memref<512x128xf32, #tpu.memory_space<vmem>>, vector<1x16xf32>,
        %get3A_293 = vector.shape_cast %get3A_292 : vector<1x16xf32> to vector<16xf32>
        %sub3A_294 = arith.subf %get3A_275, %get3A_281 : vector<16xf32>
        %abs3A_295 = math.absf %sub3A_294 : vector<16xf32>
        %sub3A_296 = arith.subf %get3A_275, %get3A_293 : vector<16xf32>
        %abs3A_297 = math.absf %sub3A_296 : vector<16xf32>
        %sub3A_298 = arith.subf %abs3A_295, %abs3A_297 : vector<16xf32>
        %sub3A_299 = arith.subf %get3A_287, %get3A_281 : vector<16xf32>
        %abs3A_300 = math.absf %sub3A_299 : vector<16xf32>
        %sub3A_301 = arith.subf %abs3A_295, %abs3A_300 : vector<16xf32>
        %add3A_302 = arith.addf %add3A_270, %sub3A_298 : vector<16xf32>
        %add3A_303 = arith.addf %add3A_271, %sub3A_301 : vector<16xf32>
        %get3A_304 = arith.index_cast %add3A_115 : i32 to index
        %get3A_305 = arith.constant 96 : index
        %get3A_306 = tpu.vector_load %arg6[%get3A_304, %get3A_305] {strides = array<i32>} : memref<512x128xf32, #tpu.memory_space<vmem>>, vector<1x16xf32>,
        %get3A_307 = vector.shape_cast %get3A_306 : vector<1x16xf32> to vector<16xf32>
        %add3A_308 = arith.constant 64 : i32
        %add3A_309 = arith.addi %add3A_115, %add3A_308 : i32
        %get3A_310 = arith.index_cast %add3A_309 : i32 to index
        %get3A_311 = arith.constant 96 : index
        %get3A_312 = tpu.vector_load %arg6[%get3A_310, %get3A_311] {strides = array<i32>} : memref<512x128xf32, #tpu.memory_space<vmem>>, vector<1x16xf32>,
        %get3A_313 = vector.shape_cast %get3A_312 : vector<1x16xf32> to vector<16xf32>
        %add3A_314 = arith.constant 128 : i32
        %add3A_315 = arith.addi %add3A_115, %add3A_314 : i32
        %get3A_316 = arith.index_cast %add3A_315 : i32 to index
        %get3A_317 = arith.constant 96 : index
        %get3A_318 = tpu.vector_load %arg6[%get3A_316, %get3A_317] {strides = array<i32>} : memref<512x128xf32, #tpu.memory_space<vmem>>, vector<1x16xf32>,
        %get3A_319 = vector.shape_cast %get3A_318 : vector<1x16xf32> to vector<16xf32>
        %add3A_320 = arith.constant 192 : i32
        %add3A_321 = arith.addi %add3A_115, %add3A_320 : i32
        %get3A_322 = arith.index_cast %add3A_321 : i32 to index
        %get3A_323 = arith.constant 96 : index
        %get3A_324 = tpu.vector_load %arg6[%get3A_322, %get3A_323] {strides = array<i32>} : memref<512x128xf32, #tpu.memory_space<vmem>>, vector<1x16xf32>,
        %get3A_325 = vector.shape_cast %get3A_324 : vector<1x16xf32> to vector<16xf32>
        %sub3A_326 = arith.subf %get3A_307, %get3A_313 : vector<16xf32>
        %abs3A_327 = math.absf %sub3A_326 : vector<16xf32>
        %sub3A_328 = arith.subf %get3A_307, %get3A_325 : vector<16xf32>
        %abs3A_329 = math.absf %sub3A_328 : vector<16xf32>
        %sub3A_330 = arith.subf %abs3A_327, %abs3A_329 : vector<16xf32>
        %sub3A_331 = arith.subf %get3A_319, %get3A_313 : vector<16xf32>
        %abs3A_332 = math.absf %sub3A_331 : vector<16xf32>
        %sub3A_333 = arith.subf %abs3A_327, %abs3A_332 : vector<16xf32>
        %add3A_334 = arith.addf %add3A_302, %sub3A_330 : vector<16xf32>
        %add3A_335 = arith.addf %add3A_303, %sub3A_333 : vector<16xf32>
        %get3A_336 = arith.index_cast %add3A_115 : i32 to index
        %get3A_337 = arith.constant 112 : index
        %get3A_338 = tpu.vector_load %arg6[%get3A_336, %get3A_337] {strides = array<i32>} : memref<512x128xf32, #tpu.memory_space<vmem>>, vector<1x16xf32>,
        %get3A_339 = vector.shape_cast %get3A_338 : vector<1x16xf32> to vector<16xf32>
        %add3A_340 = arith.constant 64 : i32
        %add3A_341 = arith.addi %add3A_115, %add3A_340 : i32
        %get3A_342 = arith.index_cast %add3A_341 : i32 to index
        %get3A_343 = arith.constant 112 : index
        %get3A_344 = tpu.vector_load %arg6[%get3A_342, %get3A_343] {strides = array<i32>} : memref<512x128xf32, #tpu.memory_space<vmem>>, vector<1x16xf32>,
        %get3A_345 = vector.shape_cast %get3A_344 : vector<1x16xf32> to vector<16xf32>
        %add3A_346 = arith.constant 128 : i32
        %add3A_347 = arith.addi %add3A_115, %add3A_346 : i32
        %get3A_348 = arith.index_cast %add3A_347 : i32 to index
        %get3A_349 = arith.constant 112 : index
        %get3A_350 = tpu.vector_load %arg6[%get3A_348, %get3A_349] {strides = array<i32>} : memref<512x128xf32, #tpu.memory_space<vmem>>, vector<1x16xf32>,
        %get3A_351 = vector.shape_cast %get3A_350 : vector<1x16xf32> to vector<16xf32>
        %add3A_352 = arith.constant 192 : i32
        %add3A_353 = arith.addi %add3A_115, %add3A_352 : i32
        %get3A_354 = arith.index_cast %add3A_353 : i32 to index
        %get3A_355 = arith.constant 112 : index
        %get3A_356 = tpu.vector_load %arg6[%get3A_354, %get3A_355] {strides = array<i32>} : memref<512x128xf32, #tpu.memory_space<vmem>>, vector<1x16xf32>,
        %get3A_357 = vector.shape_cast %get3A_356 : vector<1x16xf32> to vector<16xf32>
        %sub3A_358 = arith.subf %get3A_339, %get3A_345 : vector<16xf32>
        %abs3A_359 = math.absf %sub3A_358 : vector<16xf32>
        %sub3A_360 = arith.subf %get3A_339, %get3A_357 : vector<16xf32>
        %abs3A_361 = math.absf %sub3A_360 : vector<16xf32>
        %sub3A_362 = arith.subf %abs3A_359, %abs3A_361 : vector<16xf32>
        %sub3A_363 = arith.subf %get3A_351, %get3A_345 : vector<16xf32>
        %abs3A_364 = math.absf %sub3A_363 : vector<16xf32>
        %sub3A_365 = arith.subf %abs3A_359, %abs3A_364 : vector<16xf32>
        %add3A_366 = arith.addf %add3A_334, %sub3A_362 : vector<16xf32>
        %add3A_367 = arith.addf %add3A_335, %sub3A_365 : vector<16xf32>
        %broadcast_in_dim3A_368 = vector.shape_cast %and3A_18 : vector<16xi32> to vector<16x1xi32>
        %gather3A = vector.shape_cast %broadcast_in_dim3A_368 : vector<16x1xi32> to vector<16xi32>
        %gather3A_369 = tpu.dynamic_gather %add3A_366[%gather3A] in [0] : vector<16xf32>, vector<16xi32> -> vector<16xf32>
        %add3A_370 = arith.addf %add3A_366, %gather3A_369 : vector<16xf32>
        %broadcast_in_dim3A_371 = vector.shape_cast %and3A_24 : vector<16xi32> to vector<16x1xi32>
        %gather3A_372 = vector.shape_cast %broadcast_in_dim3A_371 : vector<16x1xi32> to vector<16xi32>
        %gather3A_373 = tpu.dynamic_gather %add3A_370[%gather3A_372] in [0] : vector<16xf32>, vector<16xi32> -> vector<16xf32>
        %add3A_374 = arith.addf %add3A_370, %gather3A_373 : vector<16xf32>
        %broadcast_in_dim3A_375 = vector.shape_cast %and3A_30 : vector<16xi32> to vector<16x1xi32>
        %gather3A_376 = vector.shape_cast %broadcast_in_dim3A_375 : vector<16x1xi32> to vector<16xi32>
        %gather3A_377 = tpu.dynamic_gather %add3A_374[%gather3A_376] in [0] : vector<16xf32>, vector<16xi32> -> vector<16xf32>
        %add3A_378 = arith.addf %add3A_374, %gather3A_377 : vector<16xf32>
        %broadcast_in_dim3A_379 = vector.shape_cast %and3A_36 : vector<16xi32> to vector<16x1xi32>
        %gather3A_380 = vector.shape_cast %broadcast_in_dim3A_379 : vector<16x1xi32> to vector<16xi32>
        %gather3A_381 = tpu.dynamic_gather %add3A_378[%gather3A_380] in [0] : vector<16xf32>, vector<16xi32> -> vector<16xf32>
        %add3A_382 = arith.addf %add3A_378, %gather3A_381 : vector<16xf32>
        %broadcast_in_dim3A_383 = vector.shape_cast %and3A_18 : vector<16xi32> to vector<16x1xi32>
        %gather3A_384 = vector.shape_cast %broadcast_in_dim3A_383 : vector<16x1xi32> to vector<16xi32>
        %gather3A_385 = tpu.dynamic_gather %add3A_367[%gather3A_384] in [0] : vector<16xf32>, vector<16xi32> -> vector<16xf32>
        %add3A_386 = arith.addf %add3A_367, %gather3A_385 : vector<16xf32>
        %broadcast_in_dim3A_387 = vector.shape_cast %and3A_24 : vector<16xi32> to vector<16x1xi32>
        %gather3A_388 = vector.shape_cast %broadcast_in_dim3A_387 : vector<16x1xi32> to vector<16xi32>
        %gather3A_389 = tpu.dynamic_gather %add3A_386[%gather3A_388] in [0] : vector<16xf32>, vector<16xi32> -> vector<16xf32>
        %add3A_390 = arith.addf %add3A_386, %gather3A_389 : vector<16xf32>
        %broadcast_in_dim3A_391 = vector.shape_cast %and3A_30 : vector<16xi32> to vector<16x1xi32>
        %gather3A_392 = vector.shape_cast %broadcast_in_dim3A_391 : vector<16x1xi32> to vector<16xi32>
        %gather3A_393 = tpu.dynamic_gather %add3A_390[%gather3A_392] in [0] : vector<16xf32>, vector<16xi32> -> vector<16xf32>
        %add3A_394 = arith.addf %add3A_390, %gather3A_393 : vector<16xf32>
        %broadcast_in_dim3A_395 = vector.shape_cast %and3A_36 : vector<16xi32> to vector<16x1xi32>
        %gather3A_396 = vector.shape_cast %broadcast_in_dim3A_395 : vector<16x1xi32> to vector<16xi32>
        %gather3A_397 = tpu.dynamic_gather %add3A_394[%gather3A_396] in [0] : vector<16xf32>, vector<16xi32> -> vector<16xf32>
        %add3A_398 = arith.addf %add3A_394, %gather3A_397 : vector<16xf32>
        %add3A_399 = arith.constant 1.000000e+00 : f32
        %add3A_400 = vector.broadcast %add3A_399 : f32 to vector<16xf32>
        %add3A_401 = arith.addf %add3A_400, %add3A_382 : vector<16xf32>
        %max3A = arith.constant 0.000000e+00 : f32
        %max3A_402 = vector.broadcast %max3A : f32 to vector<16xf32>
        %max3A_403 = arith.maximumf %add3A_401, %max3A_402 : vector<16xf32>
        %add3A_404 = arith.constant 1.000000e+00 : f32
        %add3A_405 = vector.broadcast %add3A_404 : f32 to vector<16xf32>
        %add3A_406 = arith.addf %add3A_405, %add3A_398 : vector<16xf32>
        %max3A_407 = arith.constant 0.000000e+00 : f32
        %max3A_408 = vector.broadcast %max3A_407 : f32 to vector<16xf32>
        %max3A_409 = arith.maximumf %add3A_406, %max3A_408 : vector<16xf32>
        %add3A_410 = arith.addf %max3A_403, %max3A_409 : vector<16xf32>
        %mul3A_411 = arith.constant 64 : i32
        %mul3A_412 = arith.muli %while3A_77, %mul3A_411 : i32
        %add3A_413 = arith.addi %select_n3A, %mul3A_412 : i32
        %mul3A_414 = arith.constant 4 : i32
        %mul3A_415 = arith.muli %scan3A_109, %mul3A_414 : i32
        %add3A_416 = arith.constant 0 : i32
        %add3A_417 = arith.addi %mul3A_415, %add3A_416 : i32
        %add3A_418 = arith.addi %add3A_413, %add3A_417 : i32
        %lt3A = arith.constant 100000 : i32
        %lt3A_419 = arith.cmpi slt, %add3A_418, %lt3A : i32
        %jit3A_420 = arith.constant 0.000000e+00 : f32
        %broadcast_in_dim3A_421 = vector.broadcast %jit3A_420 : f32 to vector<16xf32>
        %select_n3A_422 = arith.select %lt3A_419, %add3A_410, %broadcast_in_dim3A_421 : vector<16xf32>
        %add3A_423 = arith.addf %scan3A_110, %select_n3A_422 : vector<16xf32>
        %mul3A_424 = arith.constant 4 : i32
        %mul3A_425 = arith.muli %scan3A_109, %mul3A_424 : i32
        %add3A_426 = arith.addi %mul3A_82, %mul3A_425 : i32
        %add3A_427 = arith.constant 1 : i32
        %add3A_428 = arith.addi %add3A_426, %add3A_427 : i32
        %get3A_429 = arith.index_cast %add3A_428 : i32 to index
        %get3A_430 = arith.constant 0 : index
        %get3A_431 = tpu.vector_load %arg6[%get3A_429, %get3A_430] {strides = array<i32>} : memref<512x128xf32, #tpu.memory_space<vmem>>, vector<1x16xf32>,
        %get3A_432 = vector.shape_cast %get3A_431 : vector<1x16xf32> to vector<16xf32>
        %add3A_433 = arith.constant 64 : i32
        %add3A_434 = arith.addi %add3A_428, %add3A_433 : i32
        %get3A_435 = arith.index_cast %add3A_434 : i32 to index
        %get3A_436 = arith.constant 0 : index
        %get3A_437 = tpu.vector_load %arg6[%get3A_435, %get3A_436] {strides = array<i32>} : memref<512x128xf32, #tpu.memory_space<vmem>>, vector<1x16xf32>,
        %get3A_438 = vector.shape_cast %get3A_437 : vector<1x16xf32> to vector<16xf32>
        %add3A_439 = arith.constant 128 : i32
        %add3A_440 = arith.addi %add3A_428, %add3A_439 : i32
        %get3A_441 = arith.index_cast %add3A_440 : i32 to index
        %get3A_442 = arith.constant 0 : index
        %get3A_443 = tpu.vector_load %arg6[%get3A_441, %get3A_442] {strides = array<i32>} : memref<512x128xf32, #tpu.memory_space<vmem>>, vector<1x16xf32>,
        %get3A_444 = vector.shape_cast %get3A_443 : vector<1x16xf32> to vector<16xf32>
        %add3A_445 = arith.constant 192 : i32
        %add3A_446 = arith.addi %add3A_428, %add3A_445 : i32
        %get3A_447 = arith.index_cast %add3A_446 : i32 to index
        %get3A_448 = arith.constant 0 : index
        %get3A_449 = tpu.vector_load %arg6[%get3A_447, %get3A_448] {strides = array<i32>} : memref<512x128xf32, #tpu.memory_space<vmem>>, vector<1x16xf32>,
        %get3A_450 = vector.shape_cast %get3A_449 : vector<1x16xf32> to vector<16xf32>
        %sub3A_451 = arith.subf %get3A_432, %get3A_438 : vector<16xf32>
        %abs3A_452 = math.absf %sub3A_451 : vector<16xf32>
        %sub3A_453 = arith.subf %get3A_432, %get3A_450 : vector<16xf32>
        %abs3A_454 = math.absf %sub3A_453 : vector<16xf32>
        %sub3A_455 = arith.subf %abs3A_452, %abs3A_454 : vector<16xf32>
        %sub3A_456 = arith.subf %get3A_444, %get3A_438 : vector<16xf32>
        %abs3A_457 = math.absf %sub3A_456 : vector<16xf32>
        %sub3A_458 = arith.subf %abs3A_452, %abs3A_457 : vector<16xf32>
        %get3A_459 = arith.index_cast %add3A_428 : i32 to index
        %get3A_460 = arith.constant 16 : index
        %get3A_461 = tpu.vector_load %arg6[%get3A_459, %get3A_460] {strides = array<i32>} : memref<512x128xf32, #tpu.memory_space<vmem>>, vector<1x16xf32>,
        %get3A_462 = vector.shape_cast %get3A_461 : vector<1x16xf32> to vector<16xf32>
        %add3A_463 = arith.constant 64 : i32
        %add3A_464 = arith.addi %add3A_428, %add3A_463 : i32
        %get3A_465 = arith.index_cast %add3A_464 : i32 to index
        %get3A_466 = arith.constant 16 : index
        %get3A_467 = tpu.vector_load %arg6[%get3A_465, %get3A_466] {strides = array<i32>} : memref<512x128xf32, #tpu.memory_space<vmem>>, vector<1x16xf32>,
        %get3A_468 = vector.shape_cast %get3A_467 : vector<1x16xf32> to vector<16xf32>
        %add3A_469 = arith.constant 128 : i32
        %add3A_470 = arith.addi %add3A_428, %add3A_469 : i32
        %get3A_471 = arith.index_cast %add3A_470 : i32 to index
        %get3A_472 = arith.constant 16 : index
        %get3A_473 = tpu.vector_load %arg6[%get3A_471, %get3A_472] {strides = array<i32>} : memref<512x128xf32, #tpu.memory_space<vmem>>, vector<1x16xf32>,
        %get3A_474 = vector.shape_cast %get3A_473 : vector<1x16xf32> to vector<16xf32>
        %add3A_475 = arith.constant 192 : i32
        %add3A_476 = arith.addi %add3A_428, %add3A_475 : i32
        %get3A_477 = arith.index_cast %add3A_476 : i32 to index
        %get3A_478 = arith.constant 16 : index
        %get3A_479 = tpu.vector_load %arg6[%get3A_477, %get3A_478] {strides = array<i32>} : memref<512x128xf32, #tpu.memory_space<vmem>>, vector<1x16xf32>,
        %get3A_480 = vector.shape_cast %get3A_479 : vector<1x16xf32> to vector<16xf32>
        %sub3A_481 = arith.subf %get3A_462, %get3A_468 : vector<16xf32>
        %abs3A_482 = math.absf %sub3A_481 : vector<16xf32>
        %sub3A_483 = arith.subf %get3A_462, %get3A_480 : vector<16xf32>
        %abs3A_484 = math.absf %sub3A_483 : vector<16xf32>
        %sub3A_485 = arith.subf %abs3A_482, %abs3A_484 : vector<16xf32>
        %sub3A_486 = arith.subf %get3A_474, %get3A_468 : vector<16xf32>
        %abs3A_487 = math.absf %sub3A_486 : vector<16xf32>
        %sub3A_488 = arith.subf %abs3A_482, %abs3A_487 : vector<16xf32>
        %add3A_489 = arith.addf %sub3A_455, %sub3A_485 : vector<16xf32>
        %add3A_490 = arith.addf %sub3A_458, %sub3A_488 : vector<16xf32>
        %get3A_491 = arith.index_cast %add3A_428 : i32 to index
        %get3A_492 = arith.constant 32 : index
        %get3A_493 = tpu.vector_load %arg6[%get3A_491, %get3A_492] {strides = array<i32>} : memref<512x128xf32, #tpu.memory_space<vmem>>, vector<1x16xf32>,
        %get3A_494 = vector.shape_cast %get3A_493 : vector<1x16xf32> to vector<16xf32>
        %add3A_495 = arith.constant 64 : i32
        %add3A_496 = arith.addi %add3A_428, %add3A_495 : i32
        %get3A_497 = arith.index_cast %add3A_496 : i32 to index
        %get3A_498 = arith.constant 32 : index
        %get3A_499 = tpu.vector_load %arg6[%get3A_497, %get3A_498] {strides = array<i32>} : memref<512x128xf32, #tpu.memory_space<vmem>>, vector<1x16xf32>,
        %get3A_500 = vector.shape_cast %get3A_499 : vector<1x16xf32> to vector<16xf32>
        %add3A_501 = arith.constant 128 : i32
        %add3A_502 = arith.addi %add3A_428, %add3A_501 : i32
        %get3A_503 = arith.index_cast %add3A_502 : i32 to index
        %get3A_504 = arith.constant 32 : index
        %get3A_505 = tpu.vector_load %arg6[%get3A_503, %get3A_504] {strides = array<i32>} : memref<512x128xf32, #tpu.memory_space<vmem>>, vector<1x16xf32>,
        %get3A_506 = vector.shape_cast %get3A_505 : vector<1x16xf32> to vector<16xf32>
        %add3A_507 = arith.constant 192 : i32
        %add3A_508 = arith.addi %add3A_428, %add3A_507 : i32
        %get3A_509 = arith.index_cast %add3A_508 : i32 to index
        %get3A_510 = arith.constant 32 : index
        %get3A_511 = tpu.vector_load %arg6[%get3A_509, %get3A_510] {strides = array<i32>} : memref<512x128xf32, #tpu.memory_space<vmem>>, vector<1x16xf32>,
        %get3A_512 = vector.shape_cast %get3A_511 : vector<1x16xf32> to vector<16xf32>
        %sub3A_513 = arith.subf %get3A_494, %get3A_500 : vector<16xf32>
        %abs3A_514 = math.absf %sub3A_513 : vector<16xf32>
        %sub3A_515 = arith.subf %get3A_494, %get3A_512 : vector<16xf32>
        %abs3A_516 = math.absf %sub3A_515 : vector<16xf32>
        %sub3A_517 = arith.subf %abs3A_514, %abs3A_516 : vector<16xf32>
        %sub3A_518 = arith.subf %get3A_506, %get3A_500 : vector<16xf32>
        %abs3A_519 = math.absf %sub3A_518 : vector<16xf32>
        %sub3A_520 = arith.subf %abs3A_514, %abs3A_519 : vector<16xf32>
        %add3A_521 = arith.addf %add3A_489, %sub3A_517 : vector<16xf32>
        %add3A_522 = arith.addf %add3A_490, %sub3A_520 : vector<16xf32>
        %get3A_523 = arith.index_cast %add3A_428 : i32 to index
        %get3A_524 = arith.constant 48 : index
        %get3A_525 = tpu.vector_load %arg6[%get3A_523, %get3A_524] {strides = array<i32>} : memref<512x128xf32, #tpu.memory_space<vmem>>, vector<1x16xf32>,
        %get3A_526 = vector.shape_cast %get3A_525 : vector<1x16xf32> to vector<16xf32>
        %add3A_527 = arith.constant 64 : i32
        %add3A_528 = arith.addi %add3A_428, %add3A_527 : i32
        %get3A_529 = arith.index_cast %add3A_528 : i32 to index
        %get3A_530 = arith.constant 48 : index
        %get3A_531 = tpu.vector_load %arg6[%get3A_529, %get3A_530] {strides = array<i32>} : memref<512x128xf32, #tpu.memory_space<vmem>>, vector<1x16xf32>,
        %get3A_532 = vector.shape_cast %get3A_531 : vector<1x16xf32> to vector<16xf32>
        %add3A_533 = arith.constant 128 : i32
        %add3A_534 = arith.addi %add3A_428, %add3A_533 : i32
        %get3A_535 = arith.index_cast %add3A_534 : i32 to index
        %get3A_536 = arith.constant 48 : index
        %get3A_537 = tpu.vector_load %arg6[%get3A_535, %get3A_536] {strides = array<i32>} : memref<512x128xf32, #tpu.memory_space<vmem>>, vector<1x16xf32>,
        %get3A_538 = vector.shape_cast %get3A_537 : vector<1x16xf32> to vector<16xf32>
        %add3A_539 = arith.constant 192 : i32
        %add3A_540 = arith.addi %add3A_428, %add3A_539 : i32
        %get3A_541 = arith.index_cast %add3A_540 : i32 to index
        %get3A_542 = arith.constant 48 : index
        %get3A_543 = tpu.vector_load %arg6[%get3A_541, %get3A_542] {strides = array<i32>} : memref<512x128xf32, #tpu.memory_space<vmem>>, vector<1x16xf32>,
        %get3A_544 = vector.shape_cast %get3A_543 : vector<1x16xf32> to vector<16xf32>
        %sub3A_545 = arith.subf %get3A_526, %get3A_532 : vector<16xf32>
        %abs3A_546 = math.absf %sub3A_545 : vector<16xf32>
        %sub3A_547 = arith.subf %get3A_526, %get3A_544 : vector<16xf32>
        %abs3A_548 = math.absf %sub3A_547 : vector<16xf32>
        %sub3A_549 = arith.subf %abs3A_546, %abs3A_548 : vector<16xf32>
        %sub3A_550 = arith.subf %get3A_538, %get3A_532 : vector<16xf32>
        %abs3A_551 = math.absf %sub3A_550 : vector<16xf32>
        %sub3A_552 = arith.subf %abs3A_546, %abs3A_551 : vector<16xf32>
        %add3A_553 = arith.addf %add3A_521, %sub3A_549 : vector<16xf32>
        %add3A_554 = arith.addf %add3A_522, %sub3A_552 : vector<16xf32>
        %get3A_555 = arith.index_cast %add3A_428 : i32 to index
        %get3A_556 = arith.constant 64 : index
        %get3A_557 = tpu.vector_load %arg6[%get3A_555, %get3A_556] {strides = array<i32>} : memref<512x128xf32, #tpu.memory_space<vmem>>, vector<1x16xf32>,
        %get3A_558 = vector.shape_cast %get3A_557 : vector<1x16xf32> to vector<16xf32>
        %add3A_559 = arith.constant 64 : i32
        %add3A_560 = arith.addi %add3A_428, %add3A_559 : i32
        %get3A_561 = arith.index_cast %add3A_560 : i32 to index
        %get3A_562 = arith.constant 64 : index
        %get3A_563 = tpu.vector_load %arg6[%get3A_561, %get3A_562] {strides = array<i32>} : memref<512x128xf32, #tpu.memory_space<vmem>>, vector<1x16xf32>,
        %get3A_564 = vector.shape_cast %get3A_563 : vector<1x16xf32> to vector<16xf32>
        %add3A_565 = arith.constant 128 : i32
        %add3A_566 = arith.addi %add3A_428, %add3A_565 : i32
        %get3A_567 = arith.index_cast %add3A_566 : i32 to index
        %get3A_568 = arith.constant 64 : index
        %get3A_569 = tpu.vector_load %arg6[%get3A_567, %get3A_568] {strides = array<i32>} : memref<512x128xf32, #tpu.memory_space<vmem>>, vector<1x16xf32>,
        %get3A_570 = vector.shape_cast %get3A_569 : vector<1x16xf32> to vector<16xf32>
        %add3A_571 = arith.constant 192 : i32
        %add3A_572 = arith.addi %add3A_428, %add3A_571 : i32
        %get3A_573 = arith.index_cast %add3A_572 : i32 to index
        %get3A_574 = arith.constant 64 : index
        %get3A_575 = tpu.vector_load %arg6[%get3A_573, %get3A_574] {strides = array<i32>} : memref<512x128xf32, #tpu.memory_space<vmem>>, vector<1x16xf32>,
        %get3A_576 = vector.shape_cast %get3A_575 : vector<1x16xf32> to vector<16xf32>
        %sub3A_577 = arith.subf %get3A_558, %get3A_564 : vector<16xf32>
        %abs3A_578 = math.absf %sub3A_577 : vector<16xf32>
        %sub3A_579 = arith.subf %get3A_558, %get3A_576 : vector<16xf32>
        %abs3A_580 = math.absf %sub3A_579 : vector<16xf32>
        %sub3A_581 = arith.subf %abs3A_578, %abs3A_580 : vector<16xf32>
        %sub3A_582 = arith.subf %get3A_570, %get3A_564 : vector<16xf32>
        %abs3A_583 = math.absf %sub3A_582 : vector<16xf32>
        %sub3A_584 = arith.subf %abs3A_578, %abs3A_583 : vector<16xf32>
        %add3A_585 = arith.addf %add3A_553, %sub3A_581 : vector<16xf32>
        %add3A_586 = arith.addf %add3A_554, %sub3A_584 : vector<16xf32>
        %get3A_587 = arith.index_cast %add3A_428 : i32 to index
        %get3A_588 = arith.constant 80 : index
        %get3A_589 = tpu.vector_load %arg6[%get3A_587, %get3A_588] {strides = array<i32>} : memref<512x128xf32, #tpu.memory_space<vmem>>, vector<1x16xf32>,
        %get3A_590 = vector.shape_cast %get3A_589 : vector<1x16xf32> to vector<16xf32>
        %add3A_591 = arith.constant 64 : i32
        %add3A_592 = arith.addi %add3A_428, %add3A_591 : i32
        %get3A_593 = arith.index_cast %add3A_592 : i32 to index
        %get3A_594 = arith.constant 80 : index
        %get3A_595 = tpu.vector_load %arg6[%get3A_593, %get3A_594] {strides = array<i32>} : memref<512x128xf32, #tpu.memory_space<vmem>>, vector<1x16xf32>,
        %get3A_596 = vector.shape_cast %get3A_595 : vector<1x16xf32> to vector<16xf32>
        %add3A_597 = arith.constant 128 : i32
        %add3A_598 = arith.addi %add3A_428, %add3A_597 : i32
        %get3A_599 = arith.index_cast %add3A_598 : i32 to index
        %get3A_600 = arith.constant 80 : index
        %get3A_601 = tpu.vector_load %arg6[%get3A_599, %get3A_600] {strides = array<i32>} : memref<512x128xf32, #tpu.memory_space<vmem>>, vector<1x16xf32>,
        %get3A_602 = vector.shape_cast %get3A_601 : vector<1x16xf32> to vector<16xf32>
        %add3A_603 = arith.constant 192 : i32
        %add3A_604 = arith.addi %add3A_428, %add3A_603 : i32
        %get3A_605 = arith.index_cast %add3A_604 : i32 to index
        %get3A_606 = arith.constant 80 : index
        %get3A_607 = tpu.vector_load %arg6[%get3A_605, %get3A_606] {strides = array<i32>} : memref<512x128xf32, #tpu.memory_space<vmem>>, vector<1x16xf32>,
        %get3A_608 = vector.shape_cast %get3A_607 : vector<1x16xf32> to vector<16xf32>
        %sub3A_609 = arith.subf %get3A_590, %get3A_596 : vector<16xf32>
        %abs3A_610 = math.absf %sub3A_609 : vector<16xf32>
        %sub3A_611 = arith.subf %get3A_590, %get3A_608 : vector<16xf32>
        %abs3A_612 = math.absf %sub3A_611 : vector<16xf32>
        %sub3A_613 = arith.subf %abs3A_610, %abs3A_612 : vector<16xf32>
        %sub3A_614 = arith.subf %get3A_602, %get3A_596 : vector<16xf32>
        %abs3A_615 = math.absf %sub3A_614 : vector<16xf32>
        %sub3A_616 = arith.subf %abs3A_610, %abs3A_615 : vector<16xf32>
        %add3A_617 = arith.addf %add3A_585, %sub3A_613 : vector<16xf32>
        %add3A_618 = arith.addf %add3A_586, %sub3A_616 : vector<16xf32>
        %get3A_619 = arith.index_cast %add3A_428 : i32 to index
        %get3A_620 = arith.constant 96 : index
        %get3A_621 = tpu.vector_load %arg6[%get3A_619, %get3A_620] {strides = array<i32>} : memref<512x128xf32, #tpu.memory_space<vmem>>, vector<1x16xf32>,
        %get3A_622 = vector.shape_cast %get3A_621 : vector<1x16xf32> to vector<16xf32>
        %add3A_623 = arith.constant 64 : i32
        %add3A_624 = arith.addi %add3A_428, %add3A_623 : i32
        %get3A_625 = arith.index_cast %add3A_624 : i32 to index
        %get3A_626 = arith.constant 96 : index
        %get3A_627 = tpu.vector_load %arg6[%get3A_625, %get3A_626] {strides = array<i32>} : memref<512x128xf32, #tpu.memory_space<vmem>>, vector<1x16xf32>,
        %get3A_628 = vector.shape_cast %get3A_627 : vector<1x16xf32> to vector<16xf32>
        %add3A_629 = arith.constant 128 : i32
        %add3A_630 = arith.addi %add3A_428, %add3A_629 : i32
        %get3A_631 = arith.index_cast %add3A_630 : i32 to index
        %get3A_632 = arith.constant 96 : index
        %get3A_633 = tpu.vector_load %arg6[%get3A_631, %get3A_632] {strides = array<i32>} : memref<512x128xf32, #tpu.memory_space<vmem>>, vector<1x16xf32>,
        %get3A_634 = vector.shape_cast %get3A_633 : vector<1x16xf32> to vector<16xf32>
        %add3A_635 = arith.constant 192 : i32
        %add3A_636 = arith.addi %add3A_428, %add3A_635 : i32
        %get3A_637 = arith.index_cast %add3A_636 : i32 to index
        %get3A_638 = arith.constant 96 : index
        %get3A_639 = tpu.vector_load %arg6[%get3A_637, %get3A_638] {strides = array<i32>} : memref<512x128xf32, #tpu.memory_space<vmem>>, vector<1x16xf32>,
        %get3A_640 = vector.shape_cast %get3A_639 : vector<1x16xf32> to vector<16xf32>
        %sub3A_641 = arith.subf %get3A_622, %get3A_628 : vector<16xf32>
        %abs3A_642 = math.absf %sub3A_641 : vector<16xf32>
        %sub3A_643 = arith.subf %get3A_622, %get3A_640 : vector<16xf32>
        %abs3A_644 = math.absf %sub3A_643 : vector<16xf32>
        %sub3A_645 = arith.subf %abs3A_642, %abs3A_644 : vector<16xf32>
        %sub3A_646 = arith.subf %get3A_634, %get3A_628 : vector<16xf32>
        %abs3A_647 = math.absf %sub3A_646 : vector<16xf32>
        %sub3A_648 = arith.subf %abs3A_642, %abs3A_647 : vector<16xf32>
        %add3A_649 = arith.addf %add3A_617, %sub3A_645 : vector<16xf32>
        %add3A_650 = arith.addf %add3A_618, %sub3A_648 : vector<16xf32>
        %get3A_651 = arith.index_cast %add3A_428 : i32 to index
        %get3A_652 = arith.constant 112 : index
        %get3A_653 = tpu.vector_load %arg6[%get3A_651, %get3A_652] {strides = array<i32>} : memref<512x128xf32, #tpu.memory_space<vmem>>, vector<1x16xf32>,
        %get3A_654 = vector.shape_cast %get3A_653 : vector<1x16xf32> to vector<16xf32>
        %add3A_655 = arith.constant 64 : i32
        %add3A_656 = arith.addi %add3A_428, %add3A_655 : i32
        %get3A_657 = arith.index_cast %add3A_656 : i32 to index
        %get3A_658 = arith.constant 112 : index
        %get3A_659 = tpu.vector_load %arg6[%get3A_657, %get3A_658] {strides = array<i32>} : memref<512x128xf32, #tpu.memory_space<vmem>>, vector<1x16xf32>,
        %get3A_660 = vector.shape_cast %get3A_659 : vector<1x16xf32> to vector<16xf32>
        %add3A_661 = arith.constant 128 : i32
        %add3A_662 = arith.addi %add3A_428, %add3A_661 : i32
        %get3A_663 = arith.index_cast %add3A_662 : i32 to index
        %get3A_664 = arith.constant 112 : index
        %get3A_665 = tpu.vector_load %arg6[%get3A_663, %get3A_664] {strides = array<i32>} : memref<512x128xf32, #tpu.memory_space<vmem>>, vector<1x16xf32>,
        %get3A_666 = vector.shape_cast %get3A_665 : vector<1x16xf32> to vector<16xf32>
        %add3A_667 = arith.constant 192 : i32
        %add3A_668 = arith.addi %add3A_428, %add3A_667 : i32
        %get3A_669 = arith.index_cast %add3A_668 : i32 to index
        %get3A_670 = arith.constant 112 : index
        %get3A_671 = tpu.vector_load %arg6[%get3A_669, %get3A_670] {strides = array<i32>} : memref<512x128xf32, #tpu.memory_space<vmem>>, vector<1x16xf32>,
        %get3A_672 = vector.shape_cast %get3A_671 : vector<1x16xf32> to vector<16xf32>
        %sub3A_673 = arith.subf %get3A_654, %get3A_660 : vector<16xf32>
        %abs3A_674 = math.absf %sub3A_673 : vector<16xf32>
        %sub3A_675 = arith.subf %get3A_654, %get3A_672 : vector<16xf32>
        %abs3A_676 = math.absf %sub3A_675 : vector<16xf32>
        %sub3A_677 = arith.subf %abs3A_674, %abs3A_676 : vector<16xf32>
        %sub3A_678 = arith.subf %get3A_666, %get3A_660 : vector<16xf32>
        %abs3A_679 = math.absf %sub3A_678 : vector<16xf32>
        %sub3A_680 = arith.subf %abs3A_674, %abs3A_679 : vector<16xf32>
        %add3A_681 = arith.addf %add3A_649, %sub3A_677 : vector<16xf32>
        %add3A_682 = arith.addf %add3A_650, %sub3A_680 : vector<16xf32>
        %broadcast_in_dim3A_683 = vector.shape_cast %and3A_18 : vector<16xi32> to vector<16x1xi32>
        %gather3A_684 = vector.shape_cast %broadcast_in_dim3A_683 : vector<16x1xi32> to vector<16xi32>
        %gather3A_685 = tpu.dynamic_gather %add3A_681[%gather3A_684] in [0] : vector<16xf32>, vector<16xi32> -> vector<16xf32>
        %add3A_686 = arith.addf %add3A_681, %gather3A_685 : vector<16xf32>
        %broadcast_in_dim3A_687 = vector.shape_cast %and3A_24 : vector<16xi32> to vector<16x1xi32>
        %gather3A_688 = vector.shape_cast %broadcast_in_dim3A_687 : vector<16x1xi32> to vector<16xi32>
        %gather3A_689 = tpu.dynamic_gather %add3A_686[%gather3A_688] in [0] : vector<16xf32>, vector<16xi32> -> vector<16xf32>
        %add3A_690 = arith.addf %add3A_686, %gather3A_689 : vector<16xf32>
        %broadcast_in_dim3A_691 = vector.shape_cast %and3A_30 : vector<16xi32> to vector<16x1xi32>
        %gather3A_692 = vector.shape_cast %broadcast_in_dim3A_691 : vector<16x1xi32> to vector<16xi32>
        %gather3A_693 = tpu.dynamic_gather %add3A_690[%gather3A_692] in [0] : vector<16xf32>, vector<16xi32> -> vector<16xf32>
        %add3A_694 = arith.addf %add3A_690, %gather3A_693 : vector<16xf32>
        %broadcast_in_dim3A_695 = vector.shape_cast %and3A_36 : vector<16xi32> to vector<16x1xi32>
        %gather3A_696 = vector.shape_cast %broadcast_in_dim3A_695 : vector<16x1xi32> to vector<16xi32>
        %gather3A_697 = tpu.dynamic_gather %add3A_694[%gather3A_696] in [0] : vector<16xf32>, vector<16xi32> -> vector<16xf32>
        %add3A_698 = arith.addf %add3A_694, %gather3A_697 : vector<16xf32>
        %broadcast_in_dim3A_699 = vector.shape_cast %and3A_18 : vector<16xi32> to vector<16x1xi32>
        %gather3A_700 = vector.shape_cast %broadcast_in_dim3A_699 : vector<16x1xi32> to vector<16xi32>
        %gather3A_701 = tpu.dynamic_gather %add3A_682[%gather3A_700] in [0] : vector<16xf32>, vector<16xi32> -> vector<16xf32>
        %add3A_702 = arith.addf %add3A_682, %gather3A_701 : vector<16xf32>
        %broadcast_in_dim3A_703 = vector.shape_cast %and3A_24 : vector<16xi32> to vector<16x1xi32>
        %gather3A_704 = vector.shape_cast %broadcast_in_dim3A_703 : vector<16x1xi32> to vector<16xi32>
        %gather3A_705 = tpu.dynamic_gather %add3A_702[%gather3A_704] in [0] : vector<16xf32>, vector<16xi32> -> vector<16xf32>
        %add3A_706 = arith.addf %add3A_702, %gather3A_705 : vector<16xf32>
        %broadcast_in_dim3A_707 = vector.shape_cast %and3A_30 : vector<16xi32> to vector<16x1xi32>
        %gather3A_708 = vector.shape_cast %broadcast_in_dim3A_707 : vector<16x1xi32> to vector<16xi32>
        %gather3A_709 = tpu.dynamic_gather %add3A_706[%gather3A_708] in [0] : vector<16xf32>, vector<16xi32> -> vector<16xf32>
        %add3A_710 = arith.addf %add3A_706, %gather3A_709 : vector<16xf32>
        %broadcast_in_dim3A_711 = vector.shape_cast %and3A_36 : vector<16xi32> to vector<16x1xi32>
        %gather3A_712 = vector.shape_cast %broadcast_in_dim3A_711 : vector<16x1xi32> to vector<16xi32>
        %gather3A_713 = tpu.dynamic_gather %add3A_710[%gather3A_712] in [0] : vector<16xf32>, vector<16xi32> -> vector<16xf32>
        %add3A_714 = arith.addf %add3A_710, %gather3A_713 : vector<16xf32>
        %add3A_715 = arith.constant 1.000000e+00 : f32
        %add3A_716 = vector.broadcast %add3A_715 : f32 to vector<16xf32>
        %add3A_717 = arith.addf %add3A_716, %add3A_698 : vector<16xf32>
        %max3A_718 = arith.constant 0.000000e+00 : f32
        %max3A_719 = vector.broadcast %max3A_718 : f32 to vector<16xf32>
        %max3A_720 = arith.maximumf %add3A_717, %max3A_719 : vector<16xf32>
        %add3A_721 = arith.constant 1.000000e+00 : f32
        %add3A_722 = vector.broadcast %add3A_721 : f32 to vector<16xf32>
        %add3A_723 = arith.addf %add3A_722, %add3A_714 : vector<16xf32>
        %max3A_724 = arith.constant 0.000000e+00 : f32
        %max3A_725 = vector.broadcast %max3A_724 : f32 to vector<16xf32>
        %max3A_726 = arith.maximumf %add3A_723, %max3A_725 : vector<16xf32>
        %add3A_727 = arith.addf %max3A_720, %max3A_726 : vector<16xf32>
        %mul3A_728 = arith.constant 64 : i32
        %mul3A_729 = arith.muli %while3A_77, %mul3A_728 : i32
        %add3A_730 = arith.addi %select_n3A, %mul3A_729 : i32
        %mul3A_731 = arith.constant 4 : i32
        %mul3A_732 = arith.muli %scan3A_109, %mul3A_731 : i32
        %add3A_733 = arith.constant 1 : i32
        %add3A_734 = arith.addi %mul3A_732, %add3A_733 : i32
        %add3A_735 = arith.addi %add3A_730, %add3A_734 : i32
        %lt3A_736 = arith.constant 100000 : i32
        %lt3A_737 = arith.cmpi slt, %add3A_735, %lt3A_736 : i32
        %jit3A_738 = arith.constant 0.000000e+00 : f32
        %broadcast_in_dim3A_739 = vector.broadcast %jit3A_738 : f32 to vector<16xf32>
        %select_n3A_740 = arith.select %lt3A_737, %add3A_727, %broadcast_in_dim3A_739 : vector<16xf32>
        %add3A_741 = arith.addf %add3A_423, %select_n3A_740 : vector<16xf32>
        %mul3A_742 = arith.constant 4 : i32
        %mul3A_743 = arith.muli %scan3A_109, %mul3A_742 : i32
        %add3A_744 = arith.addi %mul3A_82, %mul3A_743 : i32
        %add3A_745 = arith.constant 2 : i32
        %add3A_746 = arith.addi %add3A_744, %add3A_745 : i32
        %get3A_747 = arith.index_cast %add3A_746 : i32 to index
        %get3A_748 = arith.constant 0 : index
        %get3A_749 = tpu.vector_load %arg6[%get3A_747, %get3A_748] {strides = array<i32>} : memref<512x128xf32, #tpu.memory_space<vmem>>, vector<1x16xf32>,
        %get3A_750 = vector.shape_cast %get3A_749 : vector<1x16xf32> to vector<16xf32>
        %add3A_751 = arith.constant 64 : i32
        %add3A_752 = arith.addi %add3A_746, %add3A_751 : i32
        %get3A_753 = arith.index_cast %add3A_752 : i32 to index
        %get3A_754 = arith.constant 0 : index
        %get3A_755 = tpu.vector_load %arg6[%get3A_753, %get3A_754] {strides = array<i32>} : memref<512x128xf32, #tpu.memory_space<vmem>>, vector<1x16xf32>,
        %get3A_756 = vector.shape_cast %get3A_755 : vector<1x16xf32> to vector<16xf32>
        %add3A_757 = arith.constant 128 : i32
        %add3A_758 = arith.addi %add3A_746, %add3A_757 : i32
        %get3A_759 = arith.index_cast %add3A_758 : i32 to index
        %get3A_760 = arith.constant 0 : index
        %get3A_761 = tpu.vector_load %arg6[%get3A_759, %get3A_760] {strides = array<i32>} : memref<512x128xf32, #tpu.memory_space<vmem>>, vector<1x16xf32>,
        %get3A_762 = vector.shape_cast %get3A_761 : vector<1x16xf32> to vector<16xf32>
        %add3A_763 = arith.constant 192 : i32
        %add3A_764 = arith.addi %add3A_746, %add3A_763 : i32
        %get3A_765 = arith.index_cast %add3A_764 : i32 to index
        %get3A_766 = arith.constant 0 : index
        %get3A_767 = tpu.vector_load %arg6[%get3A_765, %get3A_766] {strides = array<i32>} : memref<512x128xf32, #tpu.memory_space<vmem>>, vector<1x16xf32>,
        %get3A_768 = vector.shape_cast %get3A_767 : vector<1x16xf32> to vector<16xf32>
        %sub3A_769 = arith.subf %get3A_750, %get3A_756 : vector<16xf32>
        %abs3A_770 = math.absf %sub3A_769 : vector<16xf32>
        %sub3A_771 = arith.subf %get3A_750, %get3A_768 : vector<16xf32>
        %abs3A_772 = math.absf %sub3A_771 : vector<16xf32>
        %sub3A_773 = arith.subf %abs3A_770, %abs3A_772 : vector<16xf32>
        %sub3A_774 = arith.subf %get3A_762, %get3A_756 : vector<16xf32>
        %abs3A_775 = math.absf %sub3A_774 : vector<16xf32>
        %sub3A_776 = arith.subf %abs3A_770, %abs3A_775 : vector<16xf32>
        %get3A_777 = arith.index_cast %add3A_746 : i32 to index
        %get3A_778 = arith.constant 16 : index
        %get3A_779 = tpu.vector_load %arg6[%get3A_777, %get3A_778] {strides = array<i32>} : memref<512x128xf32, #tpu.memory_space<vmem>>, vector<1x16xf32>,
        %get3A_780 = vector.shape_cast %get3A_779 : vector<1x16xf32> to vector<16xf32>
        %add3A_781 = arith.constant 64 : i32
        %add3A_782 = arith.addi %add3A_746, %add3A_781 : i32
        %get3A_783 = arith.index_cast %add3A_782 : i32 to index
        %get3A_784 = arith.constant 16 : index
        %get3A_785 = tpu.vector_load %arg6[%get3A_783, %get3A_784] {strides = array<i32>} : memref<512x128xf32, #tpu.memory_space<vmem>>, vector<1x16xf32>,
        %get3A_786 = vector.shape_cast %get3A_785 : vector<1x16xf32> to vector<16xf32>
        %add3A_787 = arith.constant 128 : i32
        %add3A_788 = arith.addi %add3A_746, %add3A_787 : i32
        %get3A_789 = arith.index_cast %add3A_788 : i32 to index
        %get3A_790 = arith.constant 16 : index
        %get3A_791 = tpu.vector_load %arg6[%get3A_789, %get3A_790] {strides = array<i32>} : memref<512x128xf32, #tpu.memory_space<vmem>>, vector<1x16xf32>,
        %get3A_792 = vector.shape_cast %get3A_791 : vector<1x16xf32> to vector<16xf32>
        %add3A_793 = arith.constant 192 : i32
        %add3A_794 = arith.addi %add3A_746, %add3A_793 : i32
        %get3A_795 = arith.index_cast %add3A_794 : i32 to index
        %get3A_796 = arith.constant 16 : index
        %get3A_797 = tpu.vector_load %arg6[%get3A_795, %get3A_796] {strides = array<i32>} : memref<512x128xf32, #tpu.memory_space<vmem>>, vector<1x16xf32>,
        %get3A_798 = vector.shape_cast %get3A_797 : vector<1x16xf32> to vector<16xf32>
        %sub3A_799 = arith.subf %get3A_780, %get3A_786 : vector<16xf32>
        %abs3A_800 = math.absf %sub3A_799 : vector<16xf32>
        %sub3A_801 = arith.subf %get3A_780, %get3A_798 : vector<16xf32>
        %abs3A_802 = math.absf %sub3A_801 : vector<16xf32>
        %sub3A_803 = arith.subf %abs3A_800, %abs3A_802 : vector<16xf32>
        %sub3A_804 = arith.subf %get3A_792, %get3A_786 : vector<16xf32>
        %abs3A_805 = math.absf %sub3A_804 : vector<16xf32>
        %sub3A_806 = arith.subf %abs3A_800, %abs3A_805 : vector<16xf32>
        %add3A_807 = arith.addf %sub3A_773, %sub3A_803 : vector<16xf32>
        %add3A_808 = arith.addf %sub3A_776, %sub3A_806 : vector<16xf32>
        %get3A_809 = arith.index_cast %add3A_746 : i32 to index
        %get3A_810 = arith.constant 32 : index
        %get3A_811 = tpu.vector_load %arg6[%get3A_809, %get3A_810] {strides = array<i32>} : memref<512x128xf32, #tpu.memory_space<vmem>>, vector<1x16xf32>,
        %get3A_812 = vector.shape_cast %get3A_811 : vector<1x16xf32> to vector<16xf32>
        %add3A_813 = arith.constant 64 : i32
        %add3A_814 = arith.addi %add3A_746, %add3A_813 : i32
        %get3A_815 = arith.index_cast %add3A_814 : i32 to index
        %get3A_816 = arith.constant 32 : index
        %get3A_817 = tpu.vector_load %arg6[%get3A_815, %get3A_816] {strides = array<i32>} : memref<512x128xf32, #tpu.memory_space<vmem>>, vector<1x16xf32>,
        %get3A_818 = vector.shape_cast %get3A_817 : vector<1x16xf32> to vector<16xf32>
        %add3A_819 = arith.constant 128 : i32
        %add3A_820 = arith.addi %add3A_746, %add3A_819 : i32
        %get3A_821 = arith.index_cast %add3A_820 : i32 to index
        %get3A_822 = arith.constant 32 : index
        %get3A_823 = tpu.vector_load %arg6[%get3A_821, %get3A_822] {strides = array<i32>} : memref<512x128xf32, #tpu.memory_space<vmem>>, vector<1x16xf32>,
        %get3A_824 = vector.shape_cast %get3A_823 : vector<1x16xf32> to vector<16xf32>
        %add3A_825 = arith.constant 192 : i32
        %add3A_826 = arith.addi %add3A_746, %add3A_825 : i32
        %get3A_827 = arith.index_cast %add3A_826 : i32 to index
        %get3A_828 = arith.constant 32 : index
        %get3A_829 = tpu.vector_load %arg6[%get3A_827, %get3A_828] {strides = array<i32>} : memref<512x128xf32, #tpu.memory_space<vmem>>, vector<1x16xf32>,
        %get3A_830 = vector.shape_cast %get3A_829 : vector<1x16xf32> to vector<16xf32>
        %sub3A_831 = arith.subf %get3A_812, %get3A_818 : vector<16xf32>
        %abs3A_832 = math.absf %sub3A_831 : vector<16xf32>
        %sub3A_833 = arith.subf %get3A_812, %get3A_830 : vector<16xf32>
        %abs3A_834 = math.absf %sub3A_833 : vector<16xf32>
        %sub3A_835 = arith.subf %abs3A_832, %abs3A_834 : vector<16xf32>
        %sub3A_836 = arith.subf %get3A_824, %get3A_818 : vector<16xf32>
        %abs3A_837 = math.absf %sub3A_836 : vector<16xf32>
        %sub3A_838 = arith.subf %abs3A_832, %abs3A_837 : vector<16xf32>
        %add3A_839 = arith.addf %add3A_807, %sub3A_835 : vector<16xf32>
        %add3A_840 = arith.addf %add3A_808, %sub3A_838 : vector<16xf32>
        %get3A_841 = arith.index_cast %add3A_746 : i32 to index
        %get3A_842 = arith.constant 48 : index
        %get3A_843 = tpu.vector_load %arg6[%get3A_841, %get3A_842] {strides = array<i32>} : memref<512x128xf32, #tpu.memory_space<vmem>>, vector<1x16xf32>,
        %get3A_844 = vector.shape_cast %get3A_843 : vector<1x16xf32> to vector<16xf32>
        %add3A_845 = arith.constant 64 : i32
        %add3A_846 = arith.addi %add3A_746, %add3A_845 : i32
        %get3A_847 = arith.index_cast %add3A_846 : i32 to index
        %get3A_848 = arith.constant 48 : index
        %get3A_849 = tpu.vector_load %arg6[%get3A_847, %get3A_848] {strides = array<i32>} : memref<512x128xf32, #tpu.memory_space<vmem>>, vector<1x16xf32>,
        %get3A_850 = vector.shape_cast %get3A_849 : vector<1x16xf32> to vector<16xf32>
        %add3A_851 = arith.constant 128 : i32
        %add3A_852 = arith.addi %add3A_746, %add3A_851 : i32
        %get3A_853 = arith.index_cast %add3A_852 : i32 to index
        %get3A_854 = arith.constant 48 : index
        %get3A_855 = tpu.vector_load %arg6[%get3A_853, %get3A_854] {strides = array<i32>} : memref<512x128xf32, #tpu.memory_space<vmem>>, vector<1x16xf32>,
        %get3A_856 = vector.shape_cast %get3A_855 : vector<1x16xf32> to vector<16xf32>
        %add3A_857 = arith.constant 192 : i32
        %add3A_858 = arith.addi %add3A_746, %add3A_857 : i32
        %get3A_859 = arith.index_cast %add3A_858 : i32 to index
        %get3A_860 = arith.constant 48 : index
        %get3A_861 = tpu.vector_load %arg6[%get3A_859, %get3A_860] {strides = array<i32>} : memref<512x128xf32, #tpu.memory_space<vmem>>, vector<1x16xf32>,
        %get3A_862 = vector.shape_cast %get3A_861 : vector<1x16xf32> to vector<16xf32>
        %sub3A_863 = arith.subf %get3A_844, %get3A_850 : vector<16xf32>
        %abs3A_864 = math.absf %sub3A_863 : vector<16xf32>
        %sub3A_865 = arith.subf %get3A_844, %get3A_862 : vector<16xf32>
        %abs3A_866 = math.absf %sub3A_865 : vector<16xf32>
        %sub3A_867 = arith.subf %abs3A_864, %abs3A_866 : vector<16xf32>
        %sub3A_868 = arith.subf %get3A_856, %get3A_850 : vector<16xf32>
        %abs3A_869 = math.absf %sub3A_868 : vector<16xf32>
        %sub3A_870 = arith.subf %abs3A_864, %abs3A_869 : vector<16xf32>
        %add3A_871 = arith.addf %add3A_839, %sub3A_867 : vector<16xf32>
        %add3A_872 = arith.addf %add3A_840, %sub3A_870 : vector<16xf32>
        %get3A_873 = arith.index_cast %add3A_746 : i32 to index
        %get3A_874 = arith.constant 64 : index
        %get3A_875 = tpu.vector_load %arg6[%get3A_873, %get3A_874] {strides = array<i32>} : memref<512x128xf32, #tpu.memory_space<vmem>>, vector<1x16xf32>,
        %get3A_876 = vector.shape_cast %get3A_875 : vector<1x16xf32> to vector<16xf32>
        %add3A_877 = arith.constant 64 : i32
        %add3A_878 = arith.addi %add3A_746, %add3A_877 : i32
        %get3A_879 = arith.index_cast %add3A_878 : i32 to index
        %get3A_880 = arith.constant 64 : index
        %get3A_881 = tpu.vector_load %arg6[%get3A_879, %get3A_880] {strides = array<i32>} : memref<512x128xf32, #tpu.memory_space<vmem>>, vector<1x16xf32>,
        %get3A_882 = vector.shape_cast %get3A_881 : vector<1x16xf32> to vector<16xf32>
        %add3A_883 = arith.constant 128 : i32
        %add3A_884 = arith.addi %add3A_746, %add3A_883 : i32
        %get3A_885 = arith.index_cast %add3A_884 : i32 to index
        %get3A_886 = arith.constant 64 : index
        %get3A_887 = tpu.vector_load %arg6[%get3A_885, %get3A_886] {strides = array<i32>} : memref<512x128xf32, #tpu.memory_space<vmem>>, vector<1x16xf32>,
        %get3A_888 = vector.shape_cast %get3A_887 : vector<1x16xf32> to vector<16xf32>
        %add3A_889 = arith.constant 192 : i32
        %add3A_890 = arith.addi %add3A_746, %add3A_889 : i32
        %get3A_891 = arith.index_cast %add3A_890 : i32 to index
        %get3A_892 = arith.constant 64 : index
        %get3A_893 = tpu.vector_load %arg6[%get3A_891, %get3A_892] {strides = array<i32>} : memref<512x128xf32, #tpu.memory_space<vmem>>, vector<1x16xf32>,
        %get3A_894 = vector.shape_cast %get3A_893 : vector<1x16xf32> to vector<16xf32>
        %sub3A_895 = arith.subf %get3A_876, %get3A_882 : vector<16xf32>
        %abs3A_896 = math.absf %sub3A_895 : vector<16xf32>
        %sub3A_897 = arith.subf %get3A_876, %get3A_894 : vector<16xf32>
        %abs3A_898 = math.absf %sub3A_897 : vector<16xf32>
        %sub3A_899 = arith.subf %abs3A_896, %abs3A_898 : vector<16xf32>
        %sub3A_900 = arith.subf %get3A_888, %get3A_882 : vector<16xf32>
        %abs3A_901 = math.absf %sub3A_900 : vector<16xf32>
        %sub3A_902 = arith.subf %abs3A_896, %abs3A_901 : vector<16xf32>
        %add3A_903 = arith.addf %add3A_871, %sub3A_899 : vector<16xf32>
        %add3A_904 = arith.addf %add3A_872, %sub3A_902 : vector<16xf32>
        %get3A_905 = arith.index_cast %add3A_746 : i32 to index
        %get3A_906 = arith.constant 80 : index
        %get3A_907 = tpu.vector_load %arg6[%get3A_905, %get3A_906] {strides = array<i32>} : memref<512x128xf32, #tpu.memory_space<vmem>>, vector<1x16xf32>,
        %get3A_908 = vector.shape_cast %get3A_907 : vector<1x16xf32> to vector<16xf32>
        %add3A_909 = arith.constant 64 : i32
        %add3A_910 = arith.addi %add3A_746, %add3A_909 : i32
        %get3A_911 = arith.index_cast %add3A_910 : i32 to index
        %get3A_912 = arith.constant 80 : index
        %get3A_913 = tpu.vector_load %arg6[%get3A_911, %get3A_912] {strides = array<i32>} : memref<512x128xf32, #tpu.memory_space<vmem>>, vector<1x16xf32>,
        %get3A_914 = vector.shape_cast %get3A_913 : vector<1x16xf32> to vector<16xf32>
        %add3A_915 = arith.constant 128 : i32
        %add3A_916 = arith.addi %add3A_746, %add3A_915 : i32
        %get3A_917 = arith.index_cast %add3A_916 : i32 to index
        %get3A_918 = arith.constant 80 : index
        %get3A_919 = tpu.vector_load %arg6[%get3A_917, %get3A_918] {strides = array<i32>} : memref<512x128xf32, #tpu.memory_space<vmem>>, vector<1x16xf32>,
        %get3A_920 = vector.shape_cast %get3A_919 : vector<1x16xf32> to vector<16xf32>
        %add3A_921 = arith.constant 192 : i32
        %add3A_922 = arith.addi %add3A_746, %add3A_921 : i32
        %get3A_923 = arith.index_cast %add3A_922 : i32 to index
        %get3A_924 = arith.constant 80 : index
        %get3A_925 = tpu.vector_load %arg6[%get3A_923, %get3A_924] {strides = array<i32>} : memref<512x128xf32, #tpu.memory_space<vmem>>, vector<1x16xf32>,
        %get3A_926 = vector.shape_cast %get3A_925 : vector<1x16xf32> to vector<16xf32>
        %sub3A_927 = arith.subf %get3A_908, %get3A_914 : vector<16xf32>
        %abs3A_928 = math.absf %sub3A_927 : vector<16xf32>
        %sub3A_929 = arith.subf %get3A_908, %get3A_926 : vector<16xf32>
        %abs3A_930 = math.absf %sub3A_929 : vector<16xf32>
        %sub3A_931 = arith.subf %abs3A_928, %abs3A_930 : vector<16xf32>
        %sub3A_932 = arith.subf %get3A_920, %get3A_914 : vector<16xf32>
        %abs3A_933 = math.absf %sub3A_932 : vector<16xf32>
        %sub3A_934 = arith.subf %abs3A_928, %abs3A_933 : vector<16xf32>
        %add3A_935 = arith.addf %add3A_903, %sub3A_931 : vector<16xf32>
        %add3A_936 = arith.addf %add3A_904, %sub3A_934 : vector<16xf32>
        %get3A_937 = arith.index_cast %add3A_746 : i32 to index
        %get3A_938 = arith.constant 96 : index
        %get3A_939 = tpu.vector_load %arg6[%get3A_937, %get3A_938] {strides = array<i32>} : memref<512x128xf32, #tpu.memory_space<vmem>>, vector<1x16xf32>,
        %get3A_940 = vector.shape_cast %get3A_939 : vector<1x16xf32> to vector<16xf32>
        %add3A_941 = arith.constant 64 : i32
        %add3A_942 = arith.addi %add3A_746, %add3A_941 : i32
        %get3A_943 = arith.index_cast %add3A_942 : i32 to index
        %get3A_944 = arith.constant 96 : index
        %get3A_945 = tpu.vector_load %arg6[%get3A_943, %get3A_944] {strides = array<i32>} : memref<512x128xf32, #tpu.memory_space<vmem>>, vector<1x16xf32>,
        %get3A_946 = vector.shape_cast %get3A_945 : vector<1x16xf32> to vector<16xf32>
        %add3A_947 = arith.constant 128 : i32
        %add3A_948 = arith.addi %add3A_746, %add3A_947 : i32
        %get3A_949 = arith.index_cast %add3A_948 : i32 to index
        %get3A_950 = arith.constant 96 : index
        %get3A_951 = tpu.vector_load %arg6[%get3A_949, %get3A_950] {strides = array<i32>} : memref<512x128xf32, #tpu.memory_space<vmem>>, vector<1x16xf32>,
        %get3A_952 = vector.shape_cast %get3A_951 : vector<1x16xf32> to vector<16xf32>
        %add3A_953 = arith.constant 192 : i32
        %add3A_954 = arith.addi %add3A_746, %add3A_953 : i32
        %get3A_955 = arith.index_cast %add3A_954 : i32 to index
        %get3A_956 = arith.constant 96 : index
        %get3A_957 = tpu.vector_load %arg6[%get3A_955, %get3A_956] {strides = array<i32>} : memref<512x128xf32, #tpu.memory_space<vmem>>, vector<1x16xf32>,
        %get3A_958 = vector.shape_cast %get3A_957 : vector<1x16xf32> to vector<16xf32>
        %sub3A_959 = arith.subf %get3A_940, %get3A_946 : vector<16xf32>
        %abs3A_960 = math.absf %sub3A_959 : vector<16xf32>
        %sub3A_961 = arith.subf %get3A_940, %get3A_958 : vector<16xf32>
        %abs3A_962 = math.absf %sub3A_961 : vector<16xf32>
        %sub3A_963 = arith.subf %abs3A_960, %abs3A_962 : vector<16xf32>
        %sub3A_964 = arith.subf %get3A_952, %get3A_946 : vector<16xf32>
        %abs3A_965 = math.absf %sub3A_964 : vector<16xf32>
        %sub3A_966 = arith.subf %abs3A_960, %abs3A_965 : vector<16xf32>
        %add3A_967 = arith.addf %add3A_935, %sub3A_963 : vector<16xf32>
        %add3A_968 = arith.addf %add3A_936, %sub3A_966 : vector<16xf32>
        %get3A_969 = arith.index_cast %add3A_746 : i32 to index
        %get3A_970 = arith.constant 112 : index
        %get3A_971 = tpu.vector_load %arg6[%get3A_969, %get3A_970] {strides = array<i32>} : memref<512x128xf32, #tpu.memory_space<vmem>>, vector<1x16xf32>,
        %get3A_972 = vector.shape_cast %get3A_971 : vector<1x16xf32> to vector<16xf32>
        %add3A_973 = arith.constant 64 : i32
        %add3A_974 = arith.addi %add3A_746, %add3A_973 : i32
        %get3A_975 = arith.index_cast %add3A_974 : i32 to index
        %get3A_976 = arith.constant 112 : index
        %get3A_977 = tpu.vector_load %arg6[%get3A_975, %get3A_976] {strides = array<i32>} : memref<512x128xf32, #tpu.memory_space<vmem>>, vector<1x16xf32>,
        %get3A_978 = vector.shape_cast %get3A_977 : vector<1x16xf32> to vector<16xf32>
        %add3A_979 = arith.constant 128 : i32
        %add3A_980 = arith.addi %add3A_746, %add3A_979 : i32
        %get3A_981 = arith.index_cast %add3A_980 : i32 to index
        %get3A_982 = arith.constant 112 : index
        %get3A_983 = tpu.vector_load %arg6[%get3A_981, %get3A_982] {strides = array<i32>} : memref<512x128xf32, #tpu.memory_space<vmem>>, vector<1x16xf32>,
        %get3A_984 = vector.shape_cast %get3A_983 : vector<1x16xf32> to vector<16xf32>
        %add3A_985 = arith.constant 192 : i32
        %add3A_986 = arith.addi %add3A_746, %add3A_985 : i32
        %get3A_987 = arith.index_cast %add3A_986 : i32 to index
        %get3A_988 = arith.constant 112 : index
        %get3A_989 = tpu.vector_load %arg6[%get3A_987, %get3A_988] {strides = array<i32>} : memref<512x128xf32, #tpu.memory_space<vmem>>, vector<1x16xf32>,
        %get3A_990 = vector.shape_cast %get3A_989 : vector<1x16xf32> to vector<16xf32>
        %sub3A_991 = arith.subf %get3A_972, %get3A_978 : vector<16xf32>
        %abs3A_992 = math.absf %sub3A_991 : vector<16xf32>
        %sub3A_993 = arith.subf %get3A_972, %get3A_990 : vector<16xf32>
        %abs3A_994 = math.absf %sub3A_993 : vector<16xf32>
        %sub3A_995 = arith.subf %abs3A_992, %abs3A_994 : vector<16xf32>
        %sub3A_996 = arith.subf %get3A_984, %get3A_978 : vector<16xf32>
        %abs3A_997 = math.absf %sub3A_996 : vector<16xf32>
        %sub3A_998 = arith.subf %abs3A_992, %abs3A_997 : vector<16xf32>
        %add3A_999 = arith.addf %add3A_967, %sub3A_995 : vector<16xf32>
        %add3A_1000 = arith.addf %add3A_968, %sub3A_998 : vector<16xf32>
        %broadcast_in_dim3A_1001 = vector.shape_cast %and3A_18 : vector<16xi32> to vector<16x1xi32>
        %gather3A_1002 = vector.shape_cast %broadcast_in_dim3A_1001 : vector<16x1xi32> to vector<16xi32>
        %gather3A_1003 = tpu.dynamic_gather %add3A_999[%gather3A_1002] in [0] : vector<16xf32>, vector<16xi32> -> vector<16xf32>
        %add3A_1004 = arith.addf %add3A_999, %gather3A_1003 : vector<16xf32>
        %broadcast_in_dim3A_1005 = vector.shape_cast %and3A_24 : vector<16xi32> to vector<16x1xi32>
        %gather3A_1006 = vector.shape_cast %broadcast_in_dim3A_1005 : vector<16x1xi32> to vector<16xi32>
        %gather3A_1007 = tpu.dynamic_gather %add3A_1004[%gather3A_1006] in [0] : vector<16xf32>, vector<16xi32> -> vector<16xf32>
        %add3A_1008 = arith.addf %add3A_1004, %gather3A_1007 : vector<16xf32>
        %broadcast_in_dim3A_1009 = vector.shape_cast %and3A_30 : vector<16xi32> to vector<16x1xi32>
        %gather3A_1010 = vector.shape_cast %broadcast_in_dim3A_1009 : vector<16x1xi32> to vector<16xi32>
        %gather3A_1011 = tpu.dynamic_gather %add3A_1008[%gather3A_1010] in [0] : vector<16xf32>, vector<16xi32> -> vector<16xf32>
        %add3A_1012 = arith.addf %add3A_1008, %gather3A_1011 : vector<16xf32>
        %broadcast_in_dim3A_1013 = vector.shape_cast %and3A_36 : vector<16xi32> to vector<16x1xi32>
        %gather3A_1014 = vector.shape_cast %broadcast_in_dim3A_1013 : vector<16x1xi32> to vector<16xi32>
        %gather3A_1015 = tpu.dynamic_gather %add3A_1012[%gather3A_1014] in [0] : vector<16xf32>, vector<16xi32> -> vector<16xf32>
        %add3A_1016 = arith.addf %add3A_1012, %gather3A_1015 : vector<16xf32>
        %broadcast_in_dim3A_1017 = vector.shape_cast %and3A_18 : vector<16xi32> to vector<16x1xi32>
        %gather3A_1018 = vector.shape_cast %broadcast_in_dim3A_1017 : vector<16x1xi32> to vector<16xi32>
        %gather3A_1019 = tpu.dynamic_gather %add3A_1000[%gather3A_1018] in [0] : vector<16xf32>, vector<16xi32> -> vector<16xf32>
        %add3A_1020 = arith.addf %add3A_1000, %gather3A_1019 : vector<16xf32>
        %broadcast_in_dim3A_1021 = vector.shape_cast %and3A_24 : vector<16xi32> to vector<16x1xi32>
        %gather3A_1022 = vector.shape_cast %broadcast_in_dim3A_1021 : vector<16x1xi32> to vector<16xi32>
        %gather3A_1023 = tpu.dynamic_gather %add3A_1020[%gather3A_1022] in [0] : vector<16xf32>, vector<16xi32> -> vector<16xf32>
        %add3A_1024 = arith.addf %add3A_1020, %gather3A_1023 : vector<16xf32>
        %broadcast_in_dim3A_1025 = vector.shape_cast %and3A_30 : vector<16xi32> to vector<16x1xi32>
        %gather3A_1026 = vector.shape_cast %broadcast_in_dim3A_1025 : vector<16x1xi32> to vector<16xi32>
        %gather3A_1027 = tpu.dynamic_gather %add3A_1024[%gather3A_1026] in [0] : vector<16xf32>, vector<16xi32> -> vector<16xf32>
        %add3A_1028 = arith.addf %add3A_1024, %gather3A_1027 : vector<16xf32>
        %broadcast_in_dim3A_1029 = vector.shape_cast %and3A_36 : vector<16xi32> to vector<16x1xi32>
        %gather3A_1030 = vector.shape_cast %broadcast_in_dim3A_1029 : vector<16x1xi32> to vector<16xi32>
        %gather3A_1031 = tpu.dynamic_gather %add3A_1028[%gather3A_1030] in [0] : vector<16xf32>, vector<16xi32> -> vector<16xf32>
        %add3A_1032 = arith.addf %add3A_1028, %gather3A_1031 : vector<16xf32>
        %add3A_1033 = arith.constant 1.000000e+00 : f32
        %add3A_1034 = vector.broadcast %add3A_1033 : f32 to vector<16xf32>
        %add3A_1035 = arith.addf %add3A_1034, %add3A_1016 : vector<16xf32>
        %max3A_1036 = arith.constant 0.000000e+00 : f32
        %max3A_1037 = vector.broadcast %max3A_1036 : f32 to vector<16xf32>
        %max3A_1038 = arith.maximumf %add3A_1035, %max3A_1037 : vector<16xf32>
        %add3A_1039 = arith.constant 1.000000e+00 : f32
        %add3A_1040 = vector.broadcast %add3A_1039 : f32 to vector<16xf32>
        %add3A_1041 = arith.addf %add3A_1040, %add3A_1032 : vector<16xf32>
        %max3A_1042 = arith.constant 0.000000e+00 : f32
        %max3A_1043 = vector.broadcast %max3A_1042 : f32 to vector<16xf32>
        %max3A_1044 = arith.maximumf %add3A_1041, %max3A_1043 : vector<16xf32>
        %add3A_1045 = arith.addf %max3A_1038, %max3A_1044 : vector<16xf32>
        %mul3A_1046 = arith.constant 64 : i32
        %mul3A_1047 = arith.muli %while3A_77, %mul3A_1046 : i32
        %add3A_1048 = arith.addi %select_n3A, %mul3A_1047 : i32
        %mul3A_1049 = arith.constant 4 : i32
        %mul3A_1050 = arith.muli %scan3A_109, %mul3A_1049 : i32
        %add3A_1051 = arith.constant 2 : i32
        %add3A_1052 = arith.addi %mul3A_1050, %add3A_1051 : i32
        %add3A_1053 = arith.addi %add3A_1048, %add3A_1052 : i32
        %lt3A_1054 = arith.constant 100000 : i32
        %lt3A_1055 = arith.cmpi slt, %add3A_1053, %lt3A_1054 : i32
        %jit3A_1056 = arith.constant 0.000000e+00 : f32
        %broadcast_in_dim3A_1057 = vector.broadcast %jit3A_1056 : f32 to vector<16xf32>
        %select_n3A_1058 = arith.select %lt3A_1055, %add3A_1045, %broadcast_in_dim3A_1057 : vector<16xf32>
        %add3A_1059 = arith.addf %add3A_741, %select_n3A_1058 : vector<16xf32>
        %mul3A_1060 = arith.constant 4 : i32
        %mul3A_1061 = arith.muli %scan3A_109, %mul3A_1060 : i32
        %add3A_1062 = arith.addi %mul3A_82, %mul3A_1061 : i32
        %add3A_1063 = arith.constant 3 : i32
        %add3A_1064 = arith.addi %add3A_1062, %add3A_1063 : i32
        %get3A_1065 = arith.index_cast %add3A_1064 : i32 to index
        %get3A_1066 = arith.constant 0 : index
        %get3A_1067 = tpu.vector_load %arg6[%get3A_1065, %get3A_1066] {strides = array<i32>} : memref<512x128xf32, #tpu.memory_space<vmem>>, vector<1x16xf32>,
        %get3A_1068 = vector.shape_cast %get3A_1067 : vector<1x16xf32> to vector<16xf32>
        %add3A_1069 = arith.constant 64 : i32
        %add3A_1070 = arith.addi %add3A_1064, %add3A_1069 : i32
        %get3A_1071 = arith.index_cast %add3A_1070 : i32 to index
        %get3A_1072 = arith.constant 0 : index
        %get3A_1073 = tpu.vector_load %arg6[%get3A_1071, %get3A_1072] {strides = array<i32>} : memref<512x128xf32, #tpu.memory_space<vmem>>, vector<1x16xf32>,
        %get3A_1074 = vector.shape_cast %get3A_1073 : vector<1x16xf32> to vector<16xf32>
        %add3A_1075 = arith.constant 128 : i32
        %add3A_1076 = arith.addi %add3A_1064, %add3A_1075 : i32
        %get3A_1077 = arith.index_cast %add3A_1076 : i32 to index
        %get3A_1078 = arith.constant 0 : index
        %get3A_1079 = tpu.vector_load %arg6[%get3A_1077, %get3A_1078] {strides = array<i32>} : memref<512x128xf32, #tpu.memory_space<vmem>>, vector<1x16xf32>,
        %get3A_1080 = vector.shape_cast %get3A_1079 : vector<1x16xf32> to vector<16xf32>
        %add3A_1081 = arith.constant 192 : i32
        %add3A_1082 = arith.addi %add3A_1064, %add3A_1081 : i32
        %get3A_1083 = arith.index_cast %add3A_1082 : i32 to index
        %get3A_1084 = arith.constant 0 : index
        %get3A_1085 = tpu.vector_load %arg6[%get3A_1083, %get3A_1084] {strides = array<i32>} : memref<512x128xf32, #tpu.memory_space<vmem>>, vector<1x16xf32>,
        %get3A_1086 = vector.shape_cast %get3A_1085 : vector<1x16xf32> to vector<16xf32>
        %sub3A_1087 = arith.subf %get3A_1068, %get3A_1074 : vector<16xf32>
        %abs3A_1088 = math.absf %sub3A_1087 : vector<16xf32>
        %sub3A_1089 = arith.subf %get3A_1068, %get3A_1086 : vector<16xf32>
        %abs3A_1090 = math.absf %sub3A_1089 : vector<16xf32>
        %sub3A_1091 = arith.subf %abs3A_1088, %abs3A_1090 : vector<16xf32>
        %sub3A_1092 = arith.subf %get3A_1080, %get3A_1074 : vector<16xf32>
        %abs3A_1093 = math.absf %sub3A_1092 : vector<16xf32>
        %sub3A_1094 = arith.subf %abs3A_1088, %abs3A_1093 : vector<16xf32>
        %get3A_1095 = arith.index_cast %add3A_1064 : i32 to index
        %get3A_1096 = arith.constant 16 : index
        %get3A_1097 = tpu.vector_load %arg6[%get3A_1095, %get3A_1096] {strides = array<i32>} : memref<512x128xf32, #tpu.memory_space<vmem>>, vector<1x16xf32>,
        %get3A_1098 = vector.shape_cast %get3A_1097 : vector<1x16xf32> to vector<16xf32>
        %add3A_1099 = arith.constant 64 : i32
        %add3A_1100 = arith.addi %add3A_1064, %add3A_1099 : i32
        %get3A_1101 = arith.index_cast %add3A_1100 : i32 to index
        %get3A_1102 = arith.constant 16 : index
        %get3A_1103 = tpu.vector_load %arg6[%get3A_1101, %get3A_1102] {strides = array<i32>} : memref<512x128xf32, #tpu.memory_space<vmem>>, vector<1x16xf32>,
        %get3A_1104 = vector.shape_cast %get3A_1103 : vector<1x16xf32> to vector<16xf32>
        %add3A_1105 = arith.constant 128 : i32
        %add3A_1106 = arith.addi %add3A_1064, %add3A_1105 : i32
        %get3A_1107 = arith.index_cast %add3A_1106 : i32 to index
        %get3A_1108 = arith.constant 16 : index
        %get3A_1109 = tpu.vector_load %arg6[%get3A_1107, %get3A_1108] {strides = array<i32>} : memref<512x128xf32, #tpu.memory_space<vmem>>, vector<1x16xf32>,
        %get3A_1110 = vector.shape_cast %get3A_1109 : vector<1x16xf32> to vector<16xf32>
        %add3A_1111 = arith.constant 192 : i32
        %add3A_1112 = arith.addi %add3A_1064, %add3A_1111 : i32
        %get3A_1113 = arith.index_cast %add3A_1112 : i32 to index
        %get3A_1114 = arith.constant 16 : index
        %get3A_1115 = tpu.vector_load %arg6[%get3A_1113, %get3A_1114] {strides = array<i32>} : memref<512x128xf32, #tpu.memory_space<vmem>>, vector<1x16xf32>,
        %get3A_1116 = vector.shape_cast %get3A_1115 : vector<1x16xf32> to vector<16xf32>
        %sub3A_1117 = arith.subf %get3A_1098, %get3A_1104 : vector<16xf32>
        %abs3A_1118 = math.absf %sub3A_1117 : vector<16xf32>
        %sub3A_1119 = arith.subf %get3A_1098, %get3A_1116 : vector<16xf32>
        %abs3A_1120 = math.absf %sub3A_1119 : vector<16xf32>
        %sub3A_1121 = arith.subf %abs3A_1118, %abs3A_1120 : vector<16xf32>
        %sub3A_1122 = arith.subf %get3A_1110, %get3A_1104 : vector<16xf32>
        %abs3A_1123 = math.absf %sub3A_1122 : vector<16xf32>
        %sub3A_1124 = arith.subf %abs3A_1118, %abs3A_1123 : vector<16xf32>
        %add3A_1125 = arith.addf %sub3A_1091, %sub3A_1121 : vector<16xf32>
        %add3A_1126 = arith.addf %sub3A_1094, %sub3A_1124 : vector<16xf32>
        %get3A_1127 = arith.index_cast %add3A_1064 : i32 to index
        %get3A_1128 = arith.constant 32 : index
        %get3A_1129 = tpu.vector_load %arg6[%get3A_1127, %get3A_1128] {strides = array<i32>} : memref<512x128xf32, #tpu.memory_space<vmem>>, vector<1x16xf32>,
        %get3A_1130 = vector.shape_cast %get3A_1129 : vector<1x16xf32> to vector<16xf32>
        %add3A_1131 = arith.constant 64 : i32
        %add3A_1132 = arith.addi %add3A_1064, %add3A_1131 : i32
        %get3A_1133 = arith.index_cast %add3A_1132 : i32 to index
        %get3A_1134 = arith.constant 32 : index
        %get3A_1135 = tpu.vector_load %arg6[%get3A_1133, %get3A_1134] {strides = array<i32>} : memref<512x128xf32, #tpu.memory_space<vmem>>, vector<1x16xf32>,
        %get3A_1136 = vector.shape_cast %get3A_1135 : vector<1x16xf32> to vector<16xf32>
        %add3A_1137 = arith.constant 128 : i32
        %add3A_1138 = arith.addi %add3A_1064, %add3A_1137 : i32
        %get3A_1139 = arith.index_cast %add3A_1138 : i32 to index
        %get3A_1140 = arith.constant 32 : index
        %get3A_1141 = tpu.vector_load %arg6[%get3A_1139, %get3A_1140] {strides = array<i32>} : memref<512x128xf32, #tpu.memory_space<vmem>>, vector<1x16xf32>,
        %get3A_1142 = vector.shape_cast %get3A_1141 : vector<1x16xf32> to vector<16xf32>
        %add3A_1143 = arith.constant 192 : i32
        %add3A_1144 = arith.addi %add3A_1064, %add3A_1143 : i32
        %get3A_1145 = arith.index_cast %add3A_1144 : i32 to index
        %get3A_1146 = arith.constant 32 : index
        %get3A_1147 = tpu.vector_load %arg6[%get3A_1145, %get3A_1146] {strides = array<i32>} : memref<512x128xf32, #tpu.memory_space<vmem>>, vector<1x16xf32>,
        %get3A_1148 = vector.shape_cast %get3A_1147 : vector<1x16xf32> to vector<16xf32>
        %sub3A_1149 = arith.subf %get3A_1130, %get3A_1136 : vector<16xf32>
        %abs3A_1150 = math.absf %sub3A_1149 : vector<16xf32>
        %sub3A_1151 = arith.subf %get3A_1130, %get3A_1148 : vector<16xf32>
        %abs3A_1152 = math.absf %sub3A_1151 : vector<16xf32>
        %sub3A_1153 = arith.subf %abs3A_1150, %abs3A_1152 : vector<16xf32>
        %sub3A_1154 = arith.subf %get3A_1142, %get3A_1136 : vector<16xf32>
        %abs3A_1155 = math.absf %sub3A_1154 : vector<16xf32>
        %sub3A_1156 = arith.subf %abs3A_1150, %abs3A_1155 : vector<16xf32>
        %add3A_1157 = arith.addf %add3A_1125, %sub3A_1153 : vector<16xf32>
        %add3A_1158 = arith.addf %add3A_1126, %sub3A_1156 : vector<16xf32>
        %get3A_1159 = arith.index_cast %add3A_1064 : i32 to index
        %get3A_1160 = arith.constant 48 : index
        %get3A_1161 = tpu.vector_load %arg6[%get3A_1159, %get3A_1160] {strides = array<i32>} : memref<512x128xf32, #tpu.memory_space<vmem>>, vector<1x16xf32>,
        %get3A_1162 = vector.shape_cast %get3A_1161 : vector<1x16xf32> to vector<16xf32>
        %add3A_1163 = arith.constant 64 : i32
        %add3A_1164 = arith.addi %add3A_1064, %add3A_1163 : i32
        %get3A_1165 = arith.index_cast %add3A_1164 : i32 to index
        %get3A_1166 = arith.constant 48 : index
        %get3A_1167 = tpu.vector_load %arg6[%get3A_1165, %get3A_1166] {strides = array<i32>} : memref<512x128xf32, #tpu.memory_space<vmem>>, vector<1x16xf32>,
        %get3A_1168 = vector.shape_cast %get3A_1167 : vector<1x16xf32> to vector<16xf32>
        %add3A_1169 = arith.constant 128 : i32
        %add3A_1170 = arith.addi %add3A_1064, %add3A_1169 : i32
        %get3A_1171 = arith.index_cast %add3A_1170 : i32 to index
        %get3A_1172 = arith.constant 48 : index
        %get3A_1173 = tpu.vector_load %arg6[%get3A_1171, %get3A_1172] {strides = array<i32>} : memref<512x128xf32, #tpu.memory_space<vmem>>, vector<1x16xf32>,
        %get3A_1174 = vector.shape_cast %get3A_1173 : vector<1x16xf32> to vector<16xf32>
        %add3A_1175 = arith.constant 192 : i32
        %add3A_1176 = arith.addi %add3A_1064, %add3A_1175 : i32
        %get3A_1177 = arith.index_cast %add3A_1176 : i32 to index
        %get3A_1178 = arith.constant 48 : index
        %get3A_1179 = tpu.vector_load %arg6[%get3A_1177, %get3A_1178] {strides = array<i32>} : memref<512x128xf32, #tpu.memory_space<vmem>>, vector<1x16xf32>,
        %get3A_1180 = vector.shape_cast %get3A_1179 : vector<1x16xf32> to vector<16xf32>
        %sub3A_1181 = arith.subf %get3A_1162, %get3A_1168 : vector<16xf32>
        %abs3A_1182 = math.absf %sub3A_1181 : vector<16xf32>
        %sub3A_1183 = arith.subf %get3A_1162, %get3A_1180 : vector<16xf32>
        %abs3A_1184 = math.absf %sub3A_1183 : vector<16xf32>
        %sub3A_1185 = arith.subf %abs3A_1182, %abs3A_1184 : vector<16xf32>
        %sub3A_1186 = arith.subf %get3A_1174, %get3A_1168 : vector<16xf32>
        %abs3A_1187 = math.absf %sub3A_1186 : vector<16xf32>
        %sub3A_1188 = arith.subf %abs3A_1182, %abs3A_1187 : vector<16xf32>
        %add3A_1189 = arith.addf %add3A_1157, %sub3A_1185 : vector<16xf32>
        %add3A_1190 = arith.addf %add3A_1158, %sub3A_1188 : vector<16xf32>
        %get3A_1191 = arith.index_cast %add3A_1064 : i32 to index
        %get3A_1192 = arith.constant 64 : index
        %get3A_1193 = tpu.vector_load %arg6[%get3A_1191, %get3A_1192] {strides = array<i32>} : memref<512x128xf32, #tpu.memory_space<vmem>>, vector<1x16xf32>,
        %get3A_1194 = vector.shape_cast %get3A_1193 : vector<1x16xf32> to vector<16xf32>
        %add3A_1195 = arith.constant 64 : i32
        %add3A_1196 = arith.addi %add3A_1064, %add3A_1195 : i32
        %get3A_1197 = arith.index_cast %add3A_1196 : i32 to index
        %get3A_1198 = arith.constant 64 : index
        %get3A_1199 = tpu.vector_load %arg6[%get3A_1197, %get3A_1198] {strides = array<i32>} : memref<512x128xf32, #tpu.memory_space<vmem>>, vector<1x16xf32>,
        %get3A_1200 = vector.shape_cast %get3A_1199 : vector<1x16xf32> to vector<16xf32>
        %add3A_1201 = arith.constant 128 : i32
        %add3A_1202 = arith.addi %add3A_1064, %add3A_1201 : i32
        %get3A_1203 = arith.index_cast %add3A_1202 : i32 to index
        %get3A_1204 = arith.constant 64 : index
        %get3A_1205 = tpu.vector_load %arg6[%get3A_1203, %get3A_1204] {strides = array<i32>} : memref<512x128xf32, #tpu.memory_space<vmem>>, vector<1x16xf32>,
        %get3A_1206 = vector.shape_cast %get3A_1205 : vector<1x16xf32> to vector<16xf32>
        %add3A_1207 = arith.constant 192 : i32
        %add3A_1208 = arith.addi %add3A_1064, %add3A_1207 : i32
        %get3A_1209 = arith.index_cast %add3A_1208 : i32 to index
        %get3A_1210 = arith.constant 64 : index
        %get3A_1211 = tpu.vector_load %arg6[%get3A_1209, %get3A_1210] {strides = array<i32>} : memref<512x128xf32, #tpu.memory_space<vmem>>, vector<1x16xf32>,
        %get3A_1212 = vector.shape_cast %get3A_1211 : vector<1x16xf32> to vector<16xf32>
        %sub3A_1213 = arith.subf %get3A_1194, %get3A_1200 : vector<16xf32>
        %abs3A_1214 = math.absf %sub3A_1213 : vector<16xf32>
        %sub3A_1215 = arith.subf %get3A_1194, %get3A_1212 : vector<16xf32>
        %abs3A_1216 = math.absf %sub3A_1215 : vector<16xf32>
        %sub3A_1217 = arith.subf %abs3A_1214, %abs3A_1216 : vector<16xf32>
        %sub3A_1218 = arith.subf %get3A_1206, %get3A_1200 : vector<16xf32>
        %abs3A_1219 = math.absf %sub3A_1218 : vector<16xf32>
        %sub3A_1220 = arith.subf %abs3A_1214, %abs3A_1219 : vector<16xf32>
        %add3A_1221 = arith.addf %add3A_1189, %sub3A_1217 : vector<16xf32>
        %add3A_1222 = arith.addf %add3A_1190, %sub3A_1220 : vector<16xf32>
        %get3A_1223 = arith.index_cast %add3A_1064 : i32 to index
        %get3A_1224 = arith.constant 80 : index
        %get3A_1225 = tpu.vector_load %arg6[%get3A_1223, %get3A_1224] {strides = array<i32>} : memref<512x128xf32, #tpu.memory_space<vmem>>, vector<1x16xf32>,
        %get3A_1226 = vector.shape_cast %get3A_1225 : vector<1x16xf32> to vector<16xf32>
        %add3A_1227 = arith.constant 64 : i32
        %add3A_1228 = arith.addi %add3A_1064, %add3A_1227 : i32
        %get3A_1229 = arith.index_cast %add3A_1228 : i32 to index
        %get3A_1230 = arith.constant 80 : index
        %get3A_1231 = tpu.vector_load %arg6[%get3A_1229, %get3A_1230] {strides = array<i32>} : memref<512x128xf32, #tpu.memory_space<vmem>>, vector<1x16xf32>,
        %get3A_1232 = vector.shape_cast %get3A_1231 : vector<1x16xf32> to vector<16xf32>
        %add3A_1233 = arith.constant 128 : i32
        %add3A_1234 = arith.addi %add3A_1064, %add3A_1233 : i32
        %get3A_1235 = arith.index_cast %add3A_1234 : i32 to index
        %get3A_1236 = arith.constant 80 : index
        %get3A_1237 = tpu.vector_load %arg6[%get3A_1235, %get3A_1236] {strides = array<i32>} : memref<512x128xf32, #tpu.memory_space<vmem>>, vector<1x16xf32>,
        %get3A_1238 = vector.shape_cast %get3A_1237 : vector<1x16xf32> to vector<16xf32>
        %add3A_1239 = arith.constant 192 : i32
        %add3A_1240 = arith.addi %add3A_1064, %add3A_1239 : i32
        %get3A_1241 = arith.index_cast %add3A_1240 : i32 to index
        %get3A_1242 = arith.constant 80 : index
        %get3A_1243 = tpu.vector_load %arg6[%get3A_1241, %get3A_1242] {strides = array<i32>} : memref<512x128xf32, #tpu.memory_space<vmem>>, vector<1x16xf32>,
        %get3A_1244 = vector.shape_cast %get3A_1243 : vector<1x16xf32> to vector<16xf32>
        %sub3A_1245 = arith.subf %get3A_1226, %get3A_1232 : vector<16xf32>
        %abs3A_1246 = math.absf %sub3A_1245 : vector<16xf32>
        %sub3A_1247 = arith.subf %get3A_1226, %get3A_1244 : vector<16xf32>
        %abs3A_1248 = math.absf %sub3A_1247 : vector<16xf32>
        %sub3A_1249 = arith.subf %abs3A_1246, %abs3A_1248 : vector<16xf32>
        %sub3A_1250 = arith.subf %get3A_1238, %get3A_1232 : vector<16xf32>
        %abs3A_1251 = math.absf %sub3A_1250 : vector<16xf32>
        %sub3A_1252 = arith.subf %abs3A_1246, %abs3A_1251 : vector<16xf32>
        %add3A_1253 = arith.addf %add3A_1221, %sub3A_1249 : vector<16xf32>
        %add3A_1254 = arith.addf %add3A_1222, %sub3A_1252 : vector<16xf32>
        %get3A_1255 = arith.index_cast %add3A_1064 : i32 to index
        %get3A_1256 = arith.constant 96 : index
        %get3A_1257 = tpu.vector_load %arg6[%get3A_1255, %get3A_1256] {strides = array<i32>} : memref<512x128xf32, #tpu.memory_space<vmem>>, vector<1x16xf32>,
        %get3A_1258 = vector.shape_cast %get3A_1257 : vector<1x16xf32> to vector<16xf32>
        %add3A_1259 = arith.constant 64 : i32
        %add3A_1260 = arith.addi %add3A_1064, %add3A_1259 : i32
        %get3A_1261 = arith.index_cast %add3A_1260 : i32 to index
        %get3A_1262 = arith.constant 96 : index
        %get3A_1263 = tpu.vector_load %arg6[%get3A_1261, %get3A_1262] {strides = array<i32>} : memref<512x128xf32, #tpu.memory_space<vmem>>, vector<1x16xf32>,
        %get3A_1264 = vector.shape_cast %get3A_1263 : vector<1x16xf32> to vector<16xf32>
        %add3A_1265 = arith.constant 128 : i32
        %add3A_1266 = arith.addi %add3A_1064, %add3A_1265 : i32
        %get3A_1267 = arith.index_cast %add3A_1266 : i32 to index
        %get3A_1268 = arith.constant 96 : index
        %get3A_1269 = tpu.vector_load %arg6[%get3A_1267, %get3A_1268] {strides = array<i32>} : memref<512x128xf32, #tpu.memory_space<vmem>>, vector<1x16xf32>,
        %get3A_1270 = vector.shape_cast %get3A_1269 : vector<1x16xf32> to vector<16xf32>
        %add3A_1271 = arith.constant 192 : i32
        %add3A_1272 = arith.addi %add3A_1064, %add3A_1271 : i32
        %get3A_1273 = arith.index_cast %add3A_1272 : i32 to index
        %get3A_1274 = arith.constant 96 : index
        %get3A_1275 = tpu.vector_load %arg6[%get3A_1273, %get3A_1274] {strides = array<i32>} : memref<512x128xf32, #tpu.memory_space<vmem>>, vector<1x16xf32>,
        %get3A_1276 = vector.shape_cast %get3A_1275 : vector<1x16xf32> to vector<16xf32>
        %sub3A_1277 = arith.subf %get3A_1258, %get3A_1264 : vector<16xf32>
        %abs3A_1278 = math.absf %sub3A_1277 : vector<16xf32>
        %sub3A_1279 = arith.subf %get3A_1258, %get3A_1276 : vector<16xf32>
        %abs3A_1280 = math.absf %sub3A_1279 : vector<16xf32>
        %sub3A_1281 = arith.subf %abs3A_1278, %abs3A_1280 : vector<16xf32>
        %sub3A_1282 = arith.subf %get3A_1270, %get3A_1264 : vector<16xf32>
        %abs3A_1283 = math.absf %sub3A_1282 : vector<16xf32>
        %sub3A_1284 = arith.subf %abs3A_1278, %abs3A_1283 : vector<16xf32>
        %add3A_1285 = arith.addf %add3A_1253, %sub3A_1281 : vector<16xf32>
        %add3A_1286 = arith.addf %add3A_1254, %sub3A_1284 : vector<16xf32>
        %get3A_1287 = arith.index_cast %add3A_1064 : i32 to index
        %get3A_1288 = arith.constant 112 : index
        %get3A_1289 = tpu.vector_load %arg6[%get3A_1287, %get3A_1288] {strides = array<i32>} : memref<512x128xf32, #tpu.memory_space<vmem>>, vector<1x16xf32>,
        %get3A_1290 = vector.shape_cast %get3A_1289 : vector<1x16xf32> to vector<16xf32>
        %add3A_1291 = arith.constant 64 : i32
        %add3A_1292 = arith.addi %add3A_1064, %add3A_1291 : i32
        %get3A_1293 = arith.index_cast %add3A_1292 : i32 to index
        %get3A_1294 = arith.constant 112 : index
        %get3A_1295 = tpu.vector_load %arg6[%get3A_1293, %get3A_1294] {strides = array<i32>} : memref<512x128xf32, #tpu.memory_space<vmem>>, vector<1x16xf32>,
        %get3A_1296 = vector.shape_cast %get3A_1295 : vector<1x16xf32> to vector<16xf32>
        %add3A_1297 = arith.constant 128 : i32
        %add3A_1298 = arith.addi %add3A_1064, %add3A_1297 : i32
        %get3A_1299 = arith.index_cast %add3A_1298 : i32 to index
        %get3A_1300 = arith.constant 112 : index
        %get3A_1301 = tpu.vector_load %arg6[%get3A_1299, %get3A_1300] {strides = array<i32>} : memref<512x128xf32, #tpu.memory_space<vmem>>, vector<1x16xf32>,
        %get3A_1302 = vector.shape_cast %get3A_1301 : vector<1x16xf32> to vector<16xf32>
        %add3A_1303 = arith.constant 192 : i32
        %add3A_1304 = arith.addi %add3A_1064, %add3A_1303 : i32
        %get3A_1305 = arith.index_cast %add3A_1304 : i32 to index
        %get3A_1306 = arith.constant 112 : index
        %get3A_1307 = tpu.vector_load %arg6[%get3A_1305, %get3A_1306] {strides = array<i32>} : memref<512x128xf32, #tpu.memory_space<vmem>>, vector<1x16xf32>,
        %get3A_1308 = vector.shape_cast %get3A_1307 : vector<1x16xf32> to vector<16xf32>
        %sub3A_1309 = arith.subf %get3A_1290, %get3A_1296 : vector<16xf32>
        %abs3A_1310 = math.absf %sub3A_1309 : vector<16xf32>
        %sub3A_1311 = arith.subf %get3A_1290, %get3A_1308 : vector<16xf32>
        %abs3A_1312 = math.absf %sub3A_1311 : vector<16xf32>
        %sub3A_1313 = arith.subf %abs3A_1310, %abs3A_1312 : vector<16xf32>
        %sub3A_1314 = arith.subf %get3A_1302, %get3A_1296 : vector<16xf32>
        %abs3A_1315 = math.absf %sub3A_1314 : vector<16xf32>
        %sub3A_1316 = arith.subf %abs3A_1310, %abs3A_1315 : vector<16xf32>
        %add3A_1317 = arith.addf %add3A_1285, %sub3A_1313 : vector<16xf32>
        %add3A_1318 = arith.addf %add3A_1286, %sub3A_1316 : vector<16xf32>
        %broadcast_in_dim3A_1319 = vector.shape_cast %and3A_18 : vector<16xi32> to vector<16x1xi32>
        %gather3A_1320 = vector.shape_cast %broadcast_in_dim3A_1319 : vector<16x1xi32> to vector<16xi32>
        %gather3A_1321 = tpu.dynamic_gather %add3A_1317[%gather3A_1320] in [0] : vector<16xf32>, vector<16xi32> -> vector<16xf32>
        %add3A_1322 = arith.addf %add3A_1317, %gather3A_1321 : vector<16xf32>
        %broadcast_in_dim3A_1323 = vector.shape_cast %and3A_24 : vector<16xi32> to vector<16x1xi32>
        %gather3A_1324 = vector.shape_cast %broadcast_in_dim3A_1323 : vector<16x1xi32> to vector<16xi32>
        %gather3A_1325 = tpu.dynamic_gather %add3A_1322[%gather3A_1324] in [0] : vector<16xf32>, vector<16xi32> -> vector<16xf32>
        %add3A_1326 = arith.addf %add3A_1322, %gather3A_1325 : vector<16xf32>
        %broadcast_in_dim3A_1327 = vector.shape_cast %and3A_30 : vector<16xi32> to vector<16x1xi32>
        %gather3A_1328 = vector.shape_cast %broadcast_in_dim3A_1327 : vector<16x1xi32> to vector<16xi32>
        %gather3A_1329 = tpu.dynamic_gather %add3A_1326[%gather3A_1328] in [0] : vector<16xf32>, vector<16xi32> -> vector<16xf32>
        %add3A_1330 = arith.addf %add3A_1326, %gather3A_1329 : vector<16xf32>
        %broadcast_in_dim3A_1331 = vector.shape_cast %and3A_36 : vector<16xi32> to vector<16x1xi32>
        %gather3A_1332 = vector.shape_cast %broadcast_in_dim3A_1331 : vector<16x1xi32> to vector<16xi32>
        %gather3A_1333 = tpu.dynamic_gather %add3A_1330[%gather3A_1332] in [0] : vector<16xf32>, vector<16xi32> -> vector<16xf32>
        %add3A_1334 = arith.addf %add3A_1330, %gather3A_1333 : vector<16xf32>
        %broadcast_in_dim3A_1335 = vector.shape_cast %and3A_18 : vector<16xi32> to vector<16x1xi32>
        %gather3A_1336 = vector.shape_cast %broadcast_in_dim3A_1335 : vector<16x1xi32> to vector<16xi32>
        %gather3A_1337 = tpu.dynamic_gather %add3A_1318[%gather3A_1336] in [0] : vector<16xf32>, vector<16xi32> -> vector<16xf32>
        %add3A_1338 = arith.addf %add3A_1318, %gather3A_1337 : vector<16xf32>
        %broadcast_in_dim3A_1339 = vector.shape_cast %and3A_24 : vector<16xi32> to vector<16x1xi32>
        %gather3A_1340 = vector.shape_cast %broadcast_in_dim3A_1339 : vector<16x1xi32> to vector<16xi32>
        %gather3A_1341 = tpu.dynamic_gather %add3A_1338[%gather3A_1340] in [0] : vector<16xf32>, vector<16xi32> -> vector<16xf32>
        %add3A_1342 = arith.addf %add3A_1338, %gather3A_1341 : vector<16xf32>
        %broadcast_in_dim3A_1343 = vector.shape_cast %and3A_30 : vector<16xi32> to vector<16x1xi32>
        %gather3A_1344 = vector.shape_cast %broadcast_in_dim3A_1343 : vector<16x1xi32> to vector<16xi32>
        %gather3A_1345 = tpu.dynamic_gather %add3A_1342[%gather3A_1344] in [0] : vector<16xf32>, vector<16xi32> -> vector<16xf32>
        %add3A_1346 = arith.addf %add3A_1342, %gather3A_1345 : vector<16xf32>
        %broadcast_in_dim3A_1347 = vector.shape_cast %and3A_36 : vector<16xi32> to vector<16x1xi32>
        %gather3A_1348 = vector.shape_cast %broadcast_in_dim3A_1347 : vector<16x1xi32> to vector<16xi32>
        %gather3A_1349 = tpu.dynamic_gather %add3A_1346[%gather3A_1348] in [0] : vector<16xf32>, vector<16xi32> -> vector<16xf32>
        %add3A_1350 = arith.addf %add3A_1346, %gather3A_1349 : vector<16xf32>
        %add3A_1351 = arith.constant 1.000000e+00 : f32
        %add3A_1352 = vector.broadcast %add3A_1351 : f32 to vector<16xf32>
        %add3A_1353 = arith.addf %add3A_1352, %add3A_1334 : vector<16xf32>
        %max3A_1354 = arith.constant 0.000000e+00 : f32
        %max3A_1355 = vector.broadcast %max3A_1354 : f32 to vector<16xf32>
        %max3A_1356 = arith.maximumf %add3A_1353, %max3A_1355 : vector<16xf32>
        %add3A_1357 = arith.constant 1.000000e+00 : f32
        %add3A_1358 = vector.broadcast %add3A_1357 : f32 to vector<16xf32>
        %add3A_1359 = arith.addf %add3A_1358, %add3A_1350 : vector<16xf32>
        %max3A_1360 = arith.constant 0.000000e+00 : f32
        %max3A_1361 = vector.broadcast %max3A_1360 : f32 to vector<16xf32>
        %max3A_1362 = arith.maximumf %add3A_1359, %max3A_1361 : vector<16xf32>
        %add3A_1363 = arith.addf %max3A_1356, %max3A_1362 : vector<16xf32>
        %mul3A_1364 = arith.constant 64 : i32
        %mul3A_1365 = arith.muli %while3A_77, %mul3A_1364 : i32
        %add3A_1366 = arith.addi %select_n3A, %mul3A_1365 : i32
        %mul3A_1367 = arith.constant 4 : i32
        %mul3A_1368 = arith.muli %scan3A_109, %mul3A_1367 : i32
        %add3A_1369 = arith.constant 3 : i32
        %add3A_1370 = arith.addi %mul3A_1368, %add3A_1369 : i32
        %add3A_1371 = arith.addi %add3A_1366, %add3A_1370 : i32
        %lt3A_1372 = arith.constant 100000 : i32
        %lt3A_1373 = arith.cmpi slt, %add3A_1371, %lt3A_1372 : i32
        %jit3A_1374 = arith.constant 0.000000e+00 : f32
        %broadcast_in_dim3A_1375 = vector.broadcast %jit3A_1374 : f32 to vector<16xf32>
        %select_n3A_1376 = arith.select %lt3A_1373, %add3A_1363, %broadcast_in_dim3A_1375 : vector<16xf32>
        %add3A_1377 = arith.addf %add3A_1059, %select_n3A_1376 : vector<16xf32>
        scf.yield %add3A_1377 : vector<16xf32>
      }
      %scan3A_108 = arith.constant 16 : i32
      scf.yield %scan3A_107 : vector<16xf32>
    }
    %and3A_55 = arith.constant 1 : i32
    %and3A_56 = arith.andi %select_n3A_11, %and3A_55 : i32
    %mul3A_57 = arith.constant 256 : i32
    %mul3A_58 = arith.muli %and3A_56, %mul3A_57 : i32
    %dma_wait3A = arith.constant 0 : i32
    %dma_wait3A_59 = tpu.memref_slice %arg6[%mul3A_58, %dma_wait3A] : memref<512x128xf32, #tpu.memory_space<vmem>> -> memref<256x128xf32, #tpu.memory_space<vmem>>
    %dma_wait3A_60 = arith.constant 0 : i32
    %dma_wait3A_61 = arith.constant 0 : i32
    %dma_wait3A_62 = tpu.memref_slice %arg3[%dma_wait3A_60, %dma_wait3A_61] : memref<100000x128xf32, #tpu.memory_space<hbm>> -> memref<256x128xf32, #tpu.memory_space<hbm>>
    %dma_wait3A_63 = arith.constant 0 : i32
    %dma_wait3A_64 = tpu.memref_slice %arg6[%mul3A_58, %dma_wait3A_63] : memref<512x128xf32, #tpu.memory_space<vmem>> -> memref<256x128xf32, #tpu.memory_space<vmem>>
    %dma_wait3A_65 = arith.constant 0 : i32
    %dma_wait3A_66 = arith.constant 0 : i32
    %dma_wait3A_67 = tpu.memref_slice %arg3[%dma_wait3A_65, %dma_wait3A_66] : memref<100000x128xf32, #tpu.memory_space<hbm>> -> memref<256x128xf32, #tpu.memory_space<hbm>>
    tpu.wait_dma2 semaphore(%arg8 : memref<!tpu.dma_semaphore, #tpu.memory_space<semaphore_mem>>) src(%dma_wait3A_67 : memref<256x128xf32, #tpu.memory_space<hbm>>) dst(%dma_wait3A_64 : memref<256x128xf32, #tpu.memory_space<vmem>>)
    %eq3A_68 = arith.constant 0 : i32
    %eq3A_69 = vector.broadcast %eq3A_68 : i32 to vector<16xi32>
    %eq3A_70 = arith.cmpi eq, %iota3A, %eq3A_69 : vector<16xi32>
    %jit3A_71 = arith.constant 0.000000e+00 : f32
    %broadcast_in_dim3A_72 = vector.broadcast %jit3A_71 : f32 to vector<16xf32>
    %select_n3A_73 = arith.select %eq3A_70, %while3A_54, %broadcast_in_dim3A_72 : vector<16xi1>, vector<16xf32>
    %swap3A = arith.constant 0 : index
    %swap3A_74 = tpu.vector_load %arg7[%swap3A] {strides = array<i32>} : memref<16xf32, #tpu.memory_space<vmem>>, vector<16xf32>,
    %swap3A_75 = vector.shape_cast %swap3A_74 : vector<16xf32> to vector<16xf32>
    %swap3A_76 = vector.shape_cast %select_n3A_73 : vector<16xf32> to vector<16xf32>
    tpu.vector_store %arg7[%swap3A], %swap3A_76 {strides = array<i32>} : memref<16xf32, #tpu.memory_space<vmem>>, vector<16xf32>,
    "tpu.region"() ({
      %run_scoped3A = tpu.sem_alloc : memref<!tpu.dma_semaphore, #tpu.memory_space<semaphore_mem>>
      %dma_start3A_77 = arith.constant 0 : i32
      %dma_start3A_78 = tpu.memref_slice %arg4[%add3A, %dma_start3A_77] : memref<32x16xf32, #tpu.memory_space<hbm>> -> memref<1x16xf32, #tpu.memory_space<hbm>>
      %dma_start3A_79 = tpu.memref_squeeze %dma_start3A_78 : memref<1x16xf32, #tpu.memory_space<hbm>> -> memref<16xf32, #tpu.memory_space<hbm>>
      %dma_start3A_80 = arith.constant 0 : i32
      %dma_start3A_81 = tpu.memref_slice %arg4[%add3A, %dma_start3A_80] : memref<32x16xf32, #tpu.memory_space<hbm>> -> memref<1x16xf32, #tpu.memory_space<hbm>>
      %dma_start3A_82 = tpu.memref_squeeze %dma_start3A_81 : memref<1x16xf32, #tpu.memory_space<hbm>> -> memref<16xf32, #tpu.memory_space<hbm>>
      tpu.enqueue_dma source(%arg7 : memref<16xf32, #tpu.memory_space<vmem>>) target(%dma_start3A_82 : memref<16xf32, #tpu.memory_space<hbm>>) target_semaphore(%run_scoped3A : memref<!tpu.dma_semaphore, #tpu.memory_space<semaphore_mem>>)
      %dma_wait3A_83 = arith.constant 0 : i32
      %dma_wait3A_84 = tpu.memref_slice %arg4[%add3A, %dma_wait3A_83] : memref<32x16xf32, #tpu.memory_space<hbm>> -> memref<1x16xf32, #tpu.memory_space<hbm>>
      %dma_wait3A_85 = tpu.memref_squeeze %dma_wait3A_84 : memref<1x16xf32, #tpu.memory_space<hbm>> -> memref<16xf32, #tpu.memory_space<hbm>>
      %dma_wait3A_86 = arith.constant 0 : i32
      %dma_wait3A_87 = tpu.memref_slice %arg4[%add3A, %dma_wait3A_86] : memref<32x16xf32, #tpu.memory_space<hbm>> -> memref<1x16xf32, #tpu.memory_space<hbm>>
      %dma_wait3A_88 = tpu.memref_squeeze %dma_wait3A_87 : memref<1x16xf32, #tpu.memory_space<hbm>> -> memref<16xf32, #tpu.memory_space<hbm>>
      tpu.wait_dma2 semaphore(%run_scoped3A : memref<!tpu.dma_semaphore, #tpu.memory_space<semaphore_mem>>) src(%arg7 : memref<16xf32, #tpu.memory_space<vmem>>) dst(%dma_wait3A_88 : memref<16xf32, #tpu.memory_space<hbm>>)
      tpu.yield
    }) : () -> ()
    return
  }
}

</mosaic_0001>

<sc_bundles>
// kernel: kernel.3.cloned.1.call-start
scs
__scs_entry_jumppad:
0x0: {  	(pc) =	sbr.rel $0x88, $3  }
0x1: {  	(tag) =	ssettag $0x0;
	lr =	simm.s32 $0x1  }
0x2: {  	[smem:$0x3F9F] =	sst lr;
	_ =	strace $0xD0000000  }
0x3: {  	_ = 	snop  }
0x4: {  	_ = 	snop  }
0x5: {  	_ = 	snop  }
0x6: {  	_ = 	snop  }
0x7: {  	_ = 	snop  }
__scs_overlays_trampoline_lowered:
0x8: {  	[smem:$0x3FAE] =	sst s0  }
0x9: {  	[smem:$0x3FAF] =	sst s1  }
0xa: {  	[smem:$0x3FB0] =	sst s2  }
0xb: {  	[smem:$0x3FB1] =	sst s3  }
0xc: {  	[smem:$0x3FB2] =	sst s4  }
0xd: {  	[smem:$0x3FB3] =	sst s5  }
0xe: {  	[smem:$0x3FB4] =	sst s6  }
0xf: {  	[smem:$0x3FB5] =	sst s7  }
0x10: {  	[smem:$0x3FB6] =	sst s8  }
0x11: {  	[smem:$0x3FB7] =	sst s9;
	s0 =	simm.s32 @!p0 $0x0  }
0x12: {  	s1 =	sld [smem:$0x3F9D];
	s0 =	simm.s32 @p0 $0x1  }
0x13: {  	[smem:$0x3FB8] =	sst s0;
	s0 =	simm.s32 @!p1 $0x0  }
0x14: {  	s2 =	sld [smem:$0x3F9C];
	s0 =	simm.s32 @p1 $0x1  }
0x15: {  	[smem:$0x3FB9] =	sst s0;
	s0 =	simm.s32 @!p2 $0x0  }
0x16: {  	s3 =	sld [smem:$0x3FDB];
	s0 =	simm.s32 @p2 $0x1  }
0x17: {  	s4 =	simm.s32 $0x1BF5;
	[smem:$0x3FBB] =	sst s0  }
0x18: {  	s0 =	sld [smem:$0x3F9E];
	_ =	swait.ge [sflag:s4], $0x0  }
0x19: {  	s7 =	sld [smem:$0x3F9F]  }
0x1a: {  	s8 =	sadd.s32 $0xFFFFE003, lr  }
0x1b: {  	s9 =	sadd.s32 $0xFFFFFEF7, lr;
	s5 =	simm.s32 $0xFFFFFFFF;
	p2 =	slt.u32 s8, $0xFFFFF086  }
0x1c: {  	p1 =	slt.u32 s9, $0xF7A;
	s5 =	simm.s32 @!p2 $0x0  }
0x1d: {  	s5 =	simm.s32 @p1 $0x1;
	p0 =	seq.s32 s7, s2  }
0x1e: {  	s7 =	smul.u32 @!p0 $0xF7A, s2;
	p2 =	seq.s32 @!p0 s5, $0x0  }
0x1f: {  	s9 =	smul.u32 $0xF7A, s1;
	s8 =	simm.s32 @!p0 $0x1BF5;
	p2 =	por !p2, p0  }
0x20: {  	[sflag:s8] =	ssyncset.s32 @!p0 $0xFFFFF086;
	s6 =	sadd.s32 @!p0 s3, s7;
	s7 =	simm.s32 @!p0 $0x108  }
0x21: {  	s3 =	sadd.s32 s3, s9;
	s6 =	sadd.s32 @!p0 $0x88, s6;
	s7 =	simm.s32 @p2 $0x1082  }
0x22: {  	[simem:s7], [sflag:s8] =	dma.local @!p0 [hbm:s6], $0xF7A  }
0x23: {  	s9 =	sor.u32 $0xD0000000, s2;
	s6 =	simm.s32 $0x108;
	_ =	swait.ge @!p0 [sflag:s8], $0x0  }
0x24: {  	s3 =	sadd.s32 $0x88, s3;
	s6 =	simm.s32 @!p1 $0x1082;
	[sflag:s4] =	ssyncset.s32 $0xFFFFF086  }
0x25: {  	[simem:s6], [sflag:s4] =	dma.local [hbm:s3], $0xF7A  }
0x26: {  	[smem:$0x3F9F] =	sst s1;
	(tag) =	ssettag s2;
	_ =	strace s9  }
0x27: {  	s1 =	sld [smem:$0x3FAF]  }
0x28: {  	s2 =	sld [smem:$0x3FB0]  }
0x29: {  	s4 =	sld [smem:$0x3FB2]  }
0x2a: {  	p0 =	seq.s32 s5, $0x0;
	s5 =	sld [smem:$0x3FB3]  }
0x2b: {  	s6 =	sld [smem:$0x3FB4]  }
0x2c: {  	s7 =	sld [smem:$0x3FB5]  }
0x2d: {  	s3 =	simm.s32 $0x108;
	s8 =	sld [smem:$0x3FB6]  }
0x2e: {  	s3 =	simm.s32 @!p0 $0x1082;
	s9 =	sld [smem:$0x3FB7]  }
0x2f: {  	lr =	sadd.s32 s0, s3;
	s0 =	sld [smem:$0x3FAE]  }
0x30: {  	s3 =	sld [smem:$0x3FB1]  }
0x31: {  	[smem:$0x3FBA] =	sst s10  }
0x32: {  	s10 =	sld [smem:$0x3FB8];
	_ =	sdelay $0x3  }
0x33: {  	p0 =	seq.s32 s10, $0x1;
	s10 =	sld [smem:$0x3FBA];
	_ =	sdelay $0x3  }
0x34: {  	[smem:$0x3FBA] =	sst s10  }
0x35: {  	s10 =	sld [smem:$0x3FB9];
	_ =	sdelay $0x3  }
0x36: {  	p1 =	seq.s32 s10, $0x1;
	s10 =	sld [smem:$0x3FBA];
	_ =	sdelay $0x3  }
0x37: {  	[smem:$0x3FBA] =	sst s10  }
0x38: {  	s10 =	sld [smem:$0x3FBB]  }
0x39: {  	_ = 	snop;
	(pc) =	sbr.ind lr, $3  }
0x3a: {  	_ = 	snop  }
0x3b: {  	_ = 	snop  }
0x3c: {  	p2 =	seq.s32 s10, $0x1;
	s10 =	sld [smem:$0x3FBA]  }
0x3d: {  	_ =	shalt  }
0x3e: {  	_ =	shalt  }
0x3f: {  	_ =	shalt  }
0x40: {  	_ =	shalt  }
0x41: {  	_ =	shalt  }
0x42: {  	_ =	shalt  }
0x43: {  	_ =	shalt  }
0x44: {  	_ =	shalt  }
0x45: {  	_ =	shalt  }
0x46: {  	_ =	shalt  }
0x47: {  	_ =	shalt  }
0x48: {  	_ =	shalt  }
0x49: {  	_ =	shalt  }
0x4a: {  	_ =	shalt  }
0x4b: {  	_ =	shalt  }
0x4c: {  	_ =	shalt  }
0x4d: {  	_ =	shalt  }
0x4e: {  	_ =	shalt  }
0x4f: {  	_ =	shalt  }
0x50: {  	_ =	shalt  }
0x51: {  	_ =	shalt  }
0x52: {  	_ =	shalt  }
0x53: {  	_ =	shalt  }
0x54: {  	_ =	shalt  }
0x55: {  	_ =	shalt  }
0x56: {  	_ =	shalt  }
0x57: {  	_ =	shalt  }
0x58: {  	_ =	shalt  }
0x59: {  	_ =	shalt  }
0x5a: {  	_ =	shalt  }
0x5b: {  	_ =	shalt  }
0x5c: {  	_ =	shalt  }
0x5d: {  	_ =	shalt  }
0x5e: {  	_ =	shalt  }
0x5f: {  	_ =	shalt  }
0x60: {  	_ =	shalt  }
0x61: {  	_ =	shalt  }
0x62: {  	_ =	shalt  }
0x63: {  	_ =	shalt  }
0x64: {  	_ =	shalt  }
0x65: {  	_ =	shalt  }
0x66: {  	_ =	shalt  }
0x67: {  	_ =	shalt  }
0x68: {  	_ =	shalt  }
0x69: {  	_ =	shalt  }
0x6a: {  	_ =	shalt  }
0x6b: {  	_ =	shalt  }
0x6c: {  	_ =	shalt  }
0x6d: {  	_ =	shalt  }
0x6e: {  	_ =	shalt  }
0x6f: {  	_ =	shalt  }
0x70: {  	_ =	shalt  }
0x71: {  	_ =	shalt  }
0x72: {  	_ =	shalt  }
0x73: {  	_ =	shalt  }
0x74: {  	_ =	shalt  }
0x75: {  	_ =	shalt  }
0x76: {  	_ =	shalt  }
0x77: {  	_ =	shalt  }
0x78: {  	_ =	shalt  }
0x79: {  	_ =	shalt  }
0x7a: {  	_ =	shalt  }
0x7b: {  	_ =	shalt  }
0x7c: {  	_ =	shalt  }
0x7d: {  	_ =	shalt  }
0x7e: {  	_ =	shalt  }
0x7f: {  	_ =	shalt  }
0x80: {  	_ =	shalt  }
0x81: {  	_ =	shalt  }
0x82: {  	_ =	shalt  }
0x83: {  	_ =	shalt  }
0x84: {  	_ =	shalt  }
0x85: {  	_ =	shalt  }
0x86: {  	_ =	shalt  }
0x87: {  	_ =	shalt  }
.Lfunc_end0:
.L_simem_size_0:
called_computation_lowered:
.L_overlay_start_0:
0x88: {  	s2 =	sld [smem:$0x3FD9]  }
0x89: {  	s3 =	sld [smem:$0x3FFE];
	_ =	sdelay $0x1  }
0x8a: {  	s1 =	srdreg.scid  }
0x8b: {  	s0 =	sand.u32 $0x1, s1  }
0x8c: {  	s17 =	sshll.u32 s0, $0xA;
	s2 =	sadd.s32 s3, s2  }
0x8d: {  	s2 =	sadd.s32 s2, s17  }
0x8e: {  	[smem:$0x3FC6] =	sst s2  }
0x8f: {  	_ = 	snop  }
0x90: {  	s2 =	sld [smem:$0x3FC8];
	(tm) =	ssettm $0x1  }
0x91: {  	s18 =	sld [smem:$0x3FFB];
	_ =	sdelay $0x3  }
0x92: {  	_ =	strace s18  }
0x93: {  	s3 =	sld [smem:$0x3FFC];
	_ =	sdelay $0x3  }
0x94: {  	_ =	strace s3  }
0x95: {  	s3 =	sld [smem:$0x3FFD];
	_ =	sdelay $0x3  }
0x96: {  	_ =	strace s3  }
0x97: {  	_ =	strace $0x8FFFFFFF  }
0x98: {  	s19 =	sld [smem:$0x3FDB];
	_ =	sdelay $0x1  }
0x99: {  	s4 =	simm.s32 $_scs_section_size  }
0x9a: {  	s5 =	simm.s32 $_size__tile_overlayer_lowered;
	s6 =	simm.s32 $_tile_overlayer_lowered  }
0x9b: {  	s22 =	simm.s32 $0x1BFF;
	s21 =	sshll.u32 s6, $0x1;
	s3 =	sadd.s32 s4, s19  }
0x9c: {  	s7 =	simm.s32 $0x0;
	s20 =	sshll.u32 s5, $0x1;
	s5 =	sadd.s32 s21, s3  }
0x9d: {  	[timem:s7], [sflag:s22] =	dma.local [hbm:s5], s20  }
0x9e: {  	_ =	swait.ge [sflag:s22], s20  }
0x9f: {  	s4 =	ssub.s32 $0x0, s20;
	[sflag:s22] =	ssyncset.done $0x0  }
0xa0: {  	[sflag:s22] =	ssyncadd.s32 s4;
	_ =	sdelay $0x1  }
0xa1: {  	s23 =	simm.s32 $0x1B8B  }
0xa2: {  	_ =	swait.ge [sflag:s23], $0x1  }
0xa3: {  	[sflag:s23] =	ssyncset.done $0x0  }
0xa4: {  	s25 =	simm.s32 $0x1B8E;
	s24 =	sld [smem:$0x3FFE];
	[sflag:s23] =	ssyncadd.s32 $0xFFFFFFFF  }
0xa5: {  	s26 =	simm.s32 $execute0_lowered;
	[smem:$0x3FD2] =	sst s25  }
0xa6: {  	s5 =	sshll.u32 s26, $0x1;
	_ =	strace $0x80000046;
	[dreg:$0x1] =	wrdreg $0xFFFFFFFF  }
0xa7: {  	s28 =	simm.s32 $_size_execute0_lowered;
	s3 =	sadd.s32 s3, s5;
	[dreg:$0x0] =	wrdreg $0x0  }
0xa8: {  	s5 =	sshll.u32 s28, $0x1;
	[dreg:$0x2] =	wrdreg s3  }
0xa9: {  	[dreg:$0x3] =	wrdreg s5  }
0xaa: {  	[dreg:$0x4] =	wrdreg $0xC0  }
0xab: {  	_ =	task [dreg:s7], $0x5FFFF  }
0xac: {  	[dreg:$0x1] =	wrdreg $0xFFFFFFFF  }
0xad: {  	[dreg:$0x0] =	wrdreg $0x60  }
0xae: {  	[dreg:$0x2] =	wrdreg s24  }
0xaf: {  	[dreg:$0x3] =	wrdreg s2  }
0xb0: {  	[dreg:$0x4] =	wrdreg $0x9  }
0xb1: {  	_ =	task.clear_ibuf [dreg:s7], $0x5FFFF;
	_ =	strace $0x90000046  }
0xb2: {  	s29 =	simm.s32 $0x9;
	_ =	strace $0x80000048  }
0xb3: {  	_ =	swait.ge [sflag:s29], $0x1  }
0xb4: {  	[sflag:s29] =	ssyncadd.s32 $0xFFFFFFFF  }
0xb5: {  	_ =	strace $0x90000048  }
0xb6: {  	_ =	sfence  }
0xb7: {  	s30 =	sld [smem:$0x0];
	_ =	sdelay $0x2  }
0xb8: {  	s31 =	sshll.u32 s1, $0xD;
	s1 =	sshrl.u32 s1, $0x2  }
0xb9: {  	s3 =	sand.u32 $0x4000, s31;
	s1 =	sadd.s32 s1, s30  }
0xba: {  	s0 =	sor.u32 s3, s0;
	s1 =	sshll.u32 s1, $0x11  }
0xbb: {  	s0 =	sor.u32 s1, s0  }
0xbc: {  	s0 =	sadd.s32 $0x8F2B, s0  }
0xbd: {  	[sflag:s0] =	ssyncadd.remote.s32 $0x1  }
0xbe: {  	_ =	sfence.sel $0xFFFF  }
0xbf: {  	[dreg:$0x0] =	wrdreg $0xFFFFFFFF;
	(pc) =	sbr.abs _section_cstart, $3  }
0xc0: {  	[dreg:$0x1] =	wrdreg $0xFFFFFFFF  }
0xc1: {  	_ =	task.clear_ibuf [dreg:s7], $0x2FFFF;
	_ =	strace $0x9FFFFFFF  }
0xc2: {  	(tm) =	ssettm $0x7FFFFFFF  }
0xc3: {  	_ =	shalt  }
tec
execute0_lowered:
.L_overlay_start_1:
0x0: {  	(tag) =	ssettag $0x1  }
0x1: {  	v0 =	vimm.s32 $0xFEDCBA98;
	v1 =	vimm.s32 $0x76543210;
	v2 =	vimm.s32 $0x3210FEDC  }
0x2: {  	v3 =	vimm.s32 $0xBA987654;
	v4 =	vimm.s32 $0x10FEDCBA;
	v5 =	vimm.s32 $0x98765432  }
0x3: {  	s5 =	rddreg [dreg:$0x0];
	s0 =	stileid.u32;
	v6 =	vimm.s32 $0xFEDCBA9;
	v7 =	vimm.s32 $0x87654321;
	v0 =	vunpack.c.l.s4.s8 v0  }
0x4: {  	s3 =	srdreg.scid;
	s1 =	rddreg [dreg:$0x1];
	v1 =	vunpack.c.l.s4.s8 v1;
	v2 =	vunpack.c.l.s4.s8 v2;
	v3 =	vunpack.c.l.s4.s8 v3  }
0x5: {  	s2 =	simm.s32 $0x0;
	s11 =	simm.s32 $0x4400;
	s12 =	simm.s32 $0x1;
	v4 =	vunpack.c.l.s4.s8 v4;
	v5 =	vunpack.c.l.s4.s8 v5;
	v6 =	vunpack.c.l.s4.s8 v6  }
0x6: {  	s13 =	simm.s32 $0x14400;
	s14 =	simm.s32 $0x0;
	s6 =	smul.u32 $0x10C0, s0;
	v7 =	vunpack.c.l.s4.s8 v7;
	v0 =	vunpack.c.0.s8.s32 v0;
	v2 =	vunpack.c.0.s8.s32 v2  }
0x7: {  	s4 =	sshll.u32 s0, $0xB;
	s7 =	sand.u32 $0x1, s3;
	[smem:$0x7FF] =	sst s2;
	v3 =	vunpack.c.0.s8.s32 v3;
	v4 =	vunpack.c.0.s8.s32 v4;
	v1 =	vunpack.c.0.s8.s32 v1  }
0x8: {  	s3 =	rddreg [dreg:$0x2];
	s10 =	sshll.u32 s0, $0x5;
	p0 =	seq.s32 s7, $0x0;
	v5 =	vunpack.c.0.s8.s32 v5;
	v6 =	vunpack.c.0.s8.s32 v6;
	v0 =	vand.u32 $0xF, v0  }
0x9: {  	s4 =	sadd.s32 $0x10C00, s4;
	s8 =	sshll.u32 s7, $0x4;
	s7 =	ssub.s32 $0x2, s7;
	v7 =	vunpack.c.0.s8.s32 v7;
	v2 =	vcombine.low v3, v2;
	v0 =	vcombine.low v0, v1  }
0xa: {  	_ =	strace $0x80000047;
	s4 =	smov.u32 @p0 s6;
	s9 =	sshrl.u32 s7, $0x1;
	v59 =	vcombine.low v5, v4  }
0xb: {  	s8 =	sadd.s32 s8, s5;
	s6 =	sshrl.u32 s4, $0x1;
	s9 =	ssub.s32 s7, s9;
	v60 =	vcombine.low v7, v6;
	v61 =	vand.u32 $0xF, v2;
	[tilespmem:$0x1FFC0] =	vst v0  }
0xc: {  	s31 =	sadd.s32 s10, s8;
	s10 =	simm.s32 $0x100;
	s6 =	sadd.s32 s6, s5;
	v62 =	vand.u32 $0xF, v59;
	[tilespmem:$0x1FFD0] =	vst v61  }
0xd: {  	s5 =	simm.s32 $0x43;
	s7 =	sadd.s32 $0xD200, s31;
	s8 =	smax.u32 s9, $0x1;
	v63 =	vand.u32 $0xF, v60;
	[tilespmem:$0x1FFE0] =	vst v62  }
0xe: {  	vm0 =	vmmov $0x1;
	s9 =	simm.s32 $0x2;
	s5 =	simm.s32 @!p0 $0x20;
	s6 =	sadd.s32 $0x600, s6;
	[tilespmem:$0x1FFF0] =	vst v63  }
.LBB2_1:
0xf: {  	[tilespmem:s2], [sflag:$0x2] =	stream.linear.gather [hbm4b:s6+s2], $0x4400, $0x38;
	[tilespmem:$0x14480] =	vst v63  }
0x10: {  	_ =	swait.ge [sflag:s9], $0x4400  }
0x11: {  	v0 =	vimm.f32 $0.0e+00;
	s15 =	simm.s32 $0x0;
	[sflag:s9] =	ssyncset.done $0x0  }
0x12: {  	s16 =	smov.u32 s4;
	s17 =	simm.s32 $0x0;
	[tilespmem:$0x1FFB0] =	vst v0;
	[sflag:s9] =	ssyncadd.s32 $0xFFFFBC00  }
0x13: {  	[tilespmem:s11], [sflag:$0x1] =	stream.indirect.gather [hbm4b:s1+s10], $0x80, s2, s10, $0xb8;
	[tilespmem:$0x14480] =	vst v63  }
.LBB2_3:
0x14: {  	s18 =	sshll.u32 s15, $0x7  }
0x15: {  	s18 =	sand.u32 $0x8000, s18  }
0x16: {  	s18 =	sor.u32 $0x4400, s18  }
0x17: {  	s19 =	smov.u32 s17;
	_ =	swait.ge [sflag:s12], $0x8000;
	v4 =	vmov s18  }
0x18: {  	s17 =	sadd.s32 $0x1, s17;
	s30 =	simm.s32 $0x0;
	s19 =	sshll.u32 s19, $0xF  }
0x19: {  	[sflag:s12] =	ssyncset.done $0x0;
	s29 =	sshll.u32 s17, $0xA;
	s28 =	sand.u32 $0x8000, s19  }
0x1a: {  	[sflag:s12] =	ssyncadd.s32 $0xFFFF8000;
	s19 =	sshra.s32 s29, $0x2;
	s18 =	sxor.u32 $0xC400, s28  }
0x1b: {  	[tilespmem:s18], [sflag:$0x1] =	stream.indirect.gather [hbm4b:s1+s10], $0x80, s19, s10, $0xb8;
	[tilespmem:$0x14480] =	vst v63  }
0x1c: {  	v0 =	vld.idx.msk [tilespmem:v4+s30+$0x1F0 ss:$0x1], $0xffff  }
0x1d: {  	v1 =	vld.idx.msk [tilespmem:v4+s30+$0x21F0 ss:$0x1], $0xffff  }
0x1e: {  	v2 =	vld.idx.msk [tilespmem:v4+s30+$0x61F0 ss:$0x1], $0xffff;
	_ =	sdelay $0x1  }
0x1f: {  	v53 =	vld.idx.msk [tilespmem:v4+s30+$0x41F0 ss:$0x1], $0xffff  }
0x20: {  	v5 =	vld.idx.msk [tilespmem:v4+s30+$0x170 ss:$0x1], $0xffff  }
0x21: {  	v3 =	vld.idx.msk [tilespmem:v4+s30+$0x6170 ss:$0x1], $0xffff  }
0x22: {  	v2 =	vsub.f32 v0, v2;
	v0 =	vsub.f32 v0, v1;
	_ =	sdelay $0x1  }
0x23: {  	[tilespmem:$0x1F3C0] =	vst v0;
	v0 =	vsub.f32 v53, v1;
	_ =	sdelay $0x1  }
0x24: {  	[tilespmem:$0x1F3E0] =	vst v0;
	v0 =	vsub.f32 v5, v3  }
0x25: {  	v6 =	vld.idx.msk [tilespmem:v4+s30+$0x2170 ss:$0x1], $0xffff  }
0x26: {  	[tilespmem:$0x1F400] =	vst v0;
	v0 =	vld.idx.msk [tilespmem:v4+s30+$0x4180 ss:$0x1], $0xffff;
	_ =	sdelay $0x1  }
0x27: {  	v13 =	vld.idx.msk [tilespmem:v4+s30+$0x4170 ss:$0x1], $0xffff  }
0x28: {  	v9 =	vld.idx.msk [tilespmem:v4+s30+$0x1E0 ss:$0x1], $0xffff  }
0x29: {  	v7 =	vld.idx.msk [tilespmem:v4+s30+$0x61E0 ss:$0x1], $0xffff  }
0x2a: {  	[tilespmem:$0x1F3B0] =	vst v0;
	v0 =	vsub.f32 v5, v6  }
0x2b: {  	v10 =	vld.idx.msk [tilespmem:v4+s30+$0x21E0 ss:$0x1], $0xffff  }
0x2c: {  	v12 =	vld.idx.msk [tilespmem:v4+s30+$0x41E0 ss:$0x1], $0xffff;
	[tilespmem:$0x1F3F0] =	vst v0;
	v0 =	vsub.f32 v13, v6  }
0x2d: {  	v15 =	vld.idx.msk [tilespmem:v4+s30+$0xF0 ss:$0x1], $0xffff  }
0x2e: {  	v11 =	vld.idx.msk [tilespmem:v4+s30+$0x4160 ss:$0x1], $0xffff;
	[tilespmem:$0x1F410] =	vst v0;
	v0 =	vsub.f32 v9, v7  }
0x2f: {  	v8 =	vld.idx.msk [tilespmem:v4+s30+$0x60F0 ss:$0x1], $0xffff  }
0x30: {  	[tilespmem:$0x1F430] =	vst v0;
	v0 =	vsub.f32 v9, v10  }
0x31: {  	v16 =	vld.idx.msk [tilespmem:v4+s30+$0x20F0 ss:$0x1], $0xffff  }
0x32: {  	v21 =	vld.idx.msk [tilespmem:v4+s30+$0x160 ss:$0x1], $0xffff;
	[tilespmem:$0x1F420] =	vst v0;
	v0 =	vsub.f32 v12, v10  }
0x33: {  	[tilespmem:$0x1F220] =	vst v11;
	v11 =	vld.idx.msk [tilespmem:v4+s30+$0x6160 ss:$0x1], $0xffff  }
0x34: {  	[tilespmem:$0x1F440] =	vst v0;
	v0 =	vsub.f32 v15, v8  }
0x35: {  	v22 =	vld.idx.msk [tilespmem:v4+s30+$0x2160 ss:$0x1], $0xffff  }
0x36: {  	[tilespmem:$0x1F460] =	vst v0;
	v0 =	vsub.f32 v15, v16;
	_ =	sdelay $0x1  }
0x37: {  	[tilespmem:$0x1F450] =	vst v0;
	v0 =	vsub.f32 v21, v11;
	_ =	sdelay $0x1  }
0x38: {  	[tilespmem:$0x1F480] =	vst v0;
	v0 =	vsub.f32 v21, v22;
	_ =	sdelay $0x1  }
0x39: {  	[tilespmem:$0x1F470] =	vst v0;
	v0 =	vld [tilespmem:$0x1F220]  }
0x3a: {  	v24 =	vld.idx.msk [tilespmem:v4+s30+$0x1D0 ss:$0x1], $0xffff  }
0x3b: {  	v61 =	vld.idx.msk [tilespmem:v4+s30+$0x61D0 ss:$0x1], $0xffff  }
0x3c: {  	v14 =	vld.idx.msk [tilespmem:v4+s30+$0x41D0 ss:$0x1], $0xffff;
	_ =	sdelay $0x1  }
0x3d: {  	v0 =	vsub.f32 v0, v22;
	_ =	sdelay $0x1  }
0x3e: {  	[tilespmem:$0x1F490] =	vst v0;
	v0 =	vsub.f32 v24, v61  }
0x3f: {  	v26 =	vld.idx.msk [tilespmem:v4+s30+$0x21D0 ss:$0x1], $0xffff;
	[tilespmem:$0x1F230] =	vst v14  }
0x40: {  	[tilespmem:$0x1F4A0] =	vst v0;
	v0 =	vld [tilespmem:$0x1F230]  }
0x41: {  	v28 =	vld.idx.msk [tilespmem:v4+s30+$0x70 ss:$0x1], $0xffff  }
0x42: {  	v51 =	vld.idx.msk [tilespmem:v4+s30+$0x6070 ss:$0x1], $0xffff;
	_ =	sdelay $0x1  }
0x43: {  	v29 =	vld.idx.msk [tilespmem:v4+s30+$0x2070 ss:$0x1], $0xffff  }
0x44: {  	v14 =	vld.idx.msk [tilespmem:v4+s30+$0x4070 ss:$0x1], $0xffff;
	v0 =	vsub.f32 v0, v26;
	_ =	sdelay $0x1  }
0x45: {  	[tilespmem:$0x1F4B0] =	vst v0;
	v0 =	vsub.f32 v28, v51;
	_ =	sdelay $0x1  }
0x46: {  	v32 =	vld.idx.msk [tilespmem:v4+s30+$0xE0 ss:$0x1], $0xffff;
	[tilespmem:$0x1F4D0] =	vst v0;
	v0 =	vsub.f32 v28, v29  }
0x47: {  	v47 =	vld.idx.msk [tilespmem:v4+s30+$0x60E0 ss:$0x1], $0xffff;
	[tilespmem:$0x1F240] =	vst v14  }
0x48: {  	[tilespmem:$0x1F4C0] =	vst v0;
	v0 =	vld [tilespmem:$0x1F240]  }
0x49: {  	v14 =	vld.idx.msk [tilespmem:v4+s30+$0x40E0 ss:$0x1], $0xffff;
	_ =	sdelay $0x2  }
0x4a: {  	v33 =	vld.idx.msk [tilespmem:v4+s30+$0x20E0 ss:$0x1], $0xffff  }
0x4b: {  	v36 =	vld.idx.msk [tilespmem:v4+s30+$0x150 ss:$0x1], $0xffff;
	v29 =	vsub.f32 v0, v29;
	v0 =	vsub.f32 v32, v47  }
0x4c: {  	v52 =	vld.idx.msk [tilespmem:v4+s30+$0x6150 ss:$0x1], $0xffff;
	[tilespmem:$0x1F250] =	vst v14  }
0x4d: {  	[tilespmem:$0x1F4E0] =	vst v0;
	v0 =	vld [tilespmem:$0x1F250]  }
0x4e: {  	v14 =	vld.idx.msk [tilespmem:v4+s30+$0x4150 ss:$0x1], $0xffff;
	_ =	sdelay $0x1  }
0x4f: {  	v37 =	vld.idx.msk [tilespmem:v4+s30+$0x2150 ss:$0x1], $0xffff  }
0x50: {  	v40 =	vld.idx.msk [tilespmem:v4+s30+$0x1C0 ss:$0x1], $0xffff;
	v32 =	vsub.f32 v32, v33  }
0x51: {  	v55 =	vld.idx.msk [tilespmem:v4+s30+$0x61C0 ss:$0x1], $0xffff;
	v33 =	vsub.f32 v0, v33;
	v0 =	vsub.f32 v36, v52  }
0x52: {  	[tilespmem:$0x1F260] =	vst v14;
	v14 =	vld.idx.msk [tilespmem:v4+s30+$0x41C0 ss:$0x1], $0xffff  }
0x53: {  	[tilespmem:$0x1F4F0] =	vst v0;
	v0 =	vld [tilespmem:$0x1F260];
	_ =	sdelay $0x2  }
0x54: {  	v41 =	vld.idx.msk [tilespmem:v4+s30+$0x21C0 ss:$0x1], $0xffff  }
0x55: {  	v44 =	vld.idx.msk [tilespmem:v4+s30+$0x60 ss:$0x1], $0xffff;
	v47 =	vsub.f32 v36, v37  }
0x56: {  	[tilespmem:$0x1F270] =	vst v14;
	v14 =	vld.idx.msk [tilespmem:v4+s30+$0x4060 ss:$0x1], $0xffff;
	v36 =	vsub.f32 v0, v37;
	v0 =	vsub.f32 v40, v55  }
0x57: {  	v62 =	vld.idx.msk [tilespmem:v4+s30+$0x6060 ss:$0x1], $0xffff  }
0x58: {  	[tilespmem:$0x1F500] =	vst v0;
	v0 =	vld [tilespmem:$0x1F270];
	_ =	sdelay $0x2  }
0x59: {  	[tilespmem:$0x1F280] =	vst v14;
	v14 =	vld.idx.msk [tilespmem:v4+s30+$0x40D0 ss:$0x1], $0xffff  }
0x5a: {  	v45 =	vld.idx.msk [tilespmem:v4+s30+$0x2060 ss:$0x1], $0xffff;
	v37 =	vsub.f32 v40, v41  }
0x5b: {  	v48 =	vld.idx.msk [tilespmem:v4+s30+$0xD0 ss:$0x1], $0xffff;
	v40 =	vsub.f32 v0, v41;
	v0 =	vsub.f32 v44, v62  }
0x5c: {  	v58 =	vld.idx.msk [tilespmem:v4+s30+$0x60D0 ss:$0x1], $0xffff  }
0x5d: {  	[tilespmem:$0x1F510] =	vst v0;
	v0 =	vld [tilespmem:$0x1F280]  }
0x5e: {  	[tilespmem:$0x1F290] =	vst v14;
	v14 =	vld.idx.msk [tilespmem:v4+s30+$0x4140 ss:$0x1], $0xffff;
	_ =	sdelay $0x2  }
0x5f: {  	v55 =	vsub.f32 v44, v45  }
0x60: {  	v49 =	vld.idx.msk [tilespmem:v4+s30+$0x20D0 ss:$0x1], $0xffff;
	v44 =	vsub.f32 v0, v45;
	v0 =	vsub.f32 v48, v58  }
0x61: {  	[tilespmem:$0x1F2B0] =	vst v14;
	v14 =	vld.idx.msk [tilespmem:v4+s30+$0x6140 ss:$0x1], $0xffff  }
0x62: {  	[tilespmem:$0x1F520] =	vst v0;
	v0 =	vld [tilespmem:$0x1F290];
	_ =	sdelay $0x3  }
0x63: {  	v54 =	vld.idx.msk [tilespmem:v4+s30+$0x140 ss:$0x1], $0xffff;
	[tilespmem:$0x1F2A0] =	vst v14  }
0x64: {  	v41 =	vsub.f32 v48, v49;
	v49 =	vsub.f32 v0, v49;
	v0 =	vld [tilespmem:$0x1F2A0];
	_ =	sdelay $0x2  }
0x65: {  	v14 =	vld.idx.msk [tilespmem:v4+s30+$0x41B0 ss:$0x1], $0xffff  }
0x66: {  	v57 =	vld.idx.msk [tilespmem:v4+s30+$0x2140 ss:$0x1], $0xffff  }
0x67: {  	v59 =	vld.idx.msk [tilespmem:v4+s30+$0x1B0 ss:$0x1], $0xffff;
	v0 =	vsub.f32 v54, v0  }
0x68: {  	v63 =	vld.idx.msk [tilespmem:v4+s30+$0x61B0 ss:$0x1], $0xffff  }
0x69: {  	[tilespmem:$0x1F530] =	vst v0;
	v0 =	vld [tilespmem:$0x1F2B0]  }
0x6a: {  	[tilespmem:$0x1F2C0] =	vst v14;
	v14 =	vld.idx.msk [tilespmem:v4+s30+$0x4050 ss:$0x1], $0xffff;
	_ =	sdelay $0x3  }
0x6b: {  	v60 =	vld.idx.msk [tilespmem:v4+s30+$0x21B0 ss:$0x1], $0xffff;
	v58 =	vsub.f32 v0, v57;
	v0 =	vsub.f32 v59, v63  }
0x6c: {  	[tilespmem:$0x1F2E0] =	vst v14;
	v14 =	vld.idx.msk [tilespmem:v4+s30+$0x6050 ss:$0x1], $0xffff  }
0x6d: {  	[tilespmem:$0x1F540] =	vst v0;
	v0 =	vld [tilespmem:$0x1F2C0];
	_ =	sdelay $0x3  }
0x6e: {  	v38 =	vld.idx.msk [tilespmem:v4+s30+$0x50 ss:$0x1], $0xffff;
	[tilespmem:$0x1F2D0] =	vst v14  }
0x6f: {  	v48 =	vsub.f32 v0, v60;
	v0 =	vld [tilespmem:$0x1F2D0]  }
0x70: {  	v17 =	vld.idx.msk [tilespmem:v4+s30+$0x40C0 ss:$0x1], $0xffff;
	_ =	sdelay $0x3  }
0x71: {  	v42 =	vld.idx.msk [tilespmem:v4+s30+$0x2050 ss:$0x1], $0xffff;
	v0 =	vsub.f32 v38, v0  }
0x72: {  	[tilespmem:$0x1F300] =	vst v17;
	v17 =	vld.idx.msk [tilespmem:v4+s30+$0x60C0 ss:$0x1], $0xffff  }
0x73: {  	[tilespmem:$0x1F550] =	vst v0;
	v0 =	vld [tilespmem:$0x1F2E0];
	_ =	sdelay $0x2  }
0x74: {  	v18 =	vld.idx.msk [tilespmem:v4+s30+$0xC0 ss:$0x1], $0xffff  }
0x75: {  	v19 =	vld.idx.msk [tilespmem:v4+s30+$0x4130 ss:$0x1], $0xffff;
	[tilespmem:$0x1F2F0] =	vst v17  }
0x76: {  	v38 =	vsub.f32 v38, v42;
	v42 =	vsub.f32 v0, v42;
	v0 =	vld [tilespmem:$0x1F2F0]  }
0x77: {  	v56 =	vld.idx.msk [tilespmem:v4+s30+$0x40F0 ss:$0x1], $0xffff  }
0x78: {  	v25 =	vld.idx.msk [tilespmem:v4+s30+$0x2130 ss:$0x1], $0xffff  }
0x79: {  	v27 =	vld.idx.msk [tilespmem:v4+s30+$0x1A0 ss:$0x1], $0xffff  }
0x7a: {  	v20 =	vld.idx.msk [tilespmem:v4+s30+$0x41A0 ss:$0x1], $0xffff  }
0x7b: {  	[tilespmem:$0x1F320] =	vst v19;
	v19 =	vld.idx.msk [tilespmem:v4+s30+$0x6130 ss:$0x1], $0xffff;
	v0 =	vsub.f32 v18, v0  }
0x7c: {  	v14 =	vld.idx.msk [tilespmem:v4+s30+$0x20C0 ss:$0x1], $0xffff  }
0x7d: {  	[tilespmem:$0x1F560] =	vst v0;
	v0 =	vld [tilespmem:$0x1F300]  }
0x7e: {  	v30 =	vld.idx.msk [tilespmem:v4+s30+$0x2040 ss:$0x1], $0xffff  }
0x7f: {  	v23 =	vld.idx.msk [tilespmem:v4+s30+$0x4040 ss:$0x1], $0xffff  }
0x80: {  	v31 =	vld.idx.msk [tilespmem:v4+s30+$0xB0 ss:$0x1], $0xffff  }
0x81: {  	v17 =	vld.idx.msk [tilespmem:v4+s30+$0x130 ss:$0x1], $0xffff;
	[tilespmem:$0x1F310] =	vst v19  }
0x82: {  	v63 =	vsub.f32 v0, v14;
	v0 =	vld [tilespmem:$0x1F310]  }
0x83: {  	v34 =	vld.idx.msk [tilespmem:v4+s30+$0x20B0 ss:$0x1], $0xffff  }
0x84: {  	v35 =	vld.idx.msk [tilespmem:v4+s30+$0x120 ss:$0x1], $0xffff  }
0x85: {  	v39 =	vld.idx.msk [tilespmem:v4+s30+$0x2120 ss:$0x1], $0xffff  }
0x86: {  	v43 =	vld.idx.msk [tilespmem:v4+s30+$0x180 ss:$0x1], $0xffff  }
0x87: {  	v50 =	vld.idx.msk [tilespmem:v4+s30+$0x4190 ss:$0x1], $0xffff;
	v0 =	vsub.f32 v17, v0  }
0x88: {  	[tilespmem:$0x1F340] =	vst v20;
	v20 =	vld.idx.msk [tilespmem:v4+s30+$0x61A0 ss:$0x1], $0xffff  }
0x89: {  	[tilespmem:$0x1F570] =	vst v0;
	v0 =	vld [tilespmem:$0x1F320]  }
0x8a: {  	[tilespmem:$0x1F360] =	vst v23;
	v23 =	vld.idx.msk [tilespmem:v4+s30+$0x6040 ss:$0x1], $0xffff  }
0x8b: {  	v46 =	vld.idx.msk [tilespmem:v4+s30+$0x6190 ss:$0x1], $0xffff  }
0x8c: {  	[tilespmem:$0x1F3D0] =	vst v2;
	v53 =	vld.idx.msk [tilespmem:v4+s30+$0x6180 ss:$0x1], $0xffff  }
0x8d: {  	v2 =	vld.idx.msk [tilespmem:v4+s30+$0x110 ss:$0x1], $0xffff;
	[tilespmem:$0x1F330] =	vst v20;
	v45 =	vsub.f32 v54, v57  }
0x8e: {  	v54 =	vsub.f32 v59, v60;
	v60 =	vsub.f32 v0, v25;
	v0 =	vld [tilespmem:$0x1F330]  }
0x8f: {  	[tilespmem:$0x1F350] =	vst v23;
	v23 =	vld.idx.msk [tilespmem:v4+s30+$0x40B0 ss:$0x1], $0xffff  }
0x90: {  	v1 =	vld.idx.msk [tilespmem:v4+s30+$0x20 ss:$0x1], $0xffff  }
0x91: {  	v3 =	vld.idx.msk [tilespmem:v4+s30+$0x100 ss:$0x1], $0xffff  }
0x92: {  	v19 =	vld.idx.msk [tilespmem:v4+s30+$0x21A0 ss:$0x1], $0xffff  }
0x93: {  	v20 =	vld.idx.msk [tilespmem:v4+s30+$0x40 ss:$0x1], $0xffff;
	v0 =	vsub.f32 v27, v0  }
0x94: {  	[tilespmem:$0x1F380] =	vst v23;
	v23 =	vld.idx.msk [tilespmem:v4+s30+$0x60B0 ss:$0x1], $0xffff  }
0x95: {  	[tilespmem:$0x1F580] =	vst v0;
	v0 =	vld [tilespmem:$0x1F340]  }
0x96: {  	v5 =	vld.idx.msk [tilespmem:v4+s30+$0x20A0 ss:$0x1], $0xffff  }
0x97: {  	v13 =	vld.idx.msk [tilespmem:v4+s30+$0x190 ss:$0x1], $0xffff  }
0x98: {  	v6 =	vld.idx.msk [tilespmem:v4+s30+$0x6020 ss:$0x1], $0xffff  }
0x99: {  	[tilespmem:$0x1F370] =	vst v23;
	v23 =	vld.idx.msk [tilespmem:v4+s30+$0x4120 ss:$0x1], $0xffff  }
0x9a: {  	v7 =	vld.idx.msk [tilespmem:v4+s30+$0xA0 ss:$0x1], $0xffff;
	v0 =	vsub.f32 v0, v19  }
0x9b: {  	v9 =	vld.idx.msk [tilespmem:v4+s30+$0x30 ss:$0x1], $0xffff  }
0x9c: {  	[tilespmem:$0x1F590] =	vst v0;
	v0 =	vld [tilespmem:$0x1F350]  }
0x9d: {  	v12 =	vld.idx.msk [tilespmem:v4+s30+$0x2190 ss:$0x1], $0xffff  }
0x9e: {  	v10 =	vld.idx.msk [tilespmem:v4+s30+$0x4020 ss:$0x1], $0xffff  }
0x9f: {  	[tilespmem:$0x1F3A0] =	vst v23;
	v23 =	vld.idx.msk [tilespmem:v4+s30+$0x6120 ss:$0x1], $0xffff  }
0xa0: {  	v8 =	vld.idx.msk [tilespmem:v4+s30+$0x2030 ss:$0x1], $0xffff  }
0xa1: {  	v56 =	vsub.f32 v56, v16;
	v16 =	vld.idx.msk [tilespmem:v4+s30+$0x6100 ss:$0x1], $0xffff;
	v0 =	vsub.f32 v20, v0  }
0xa2: {  	v15 =	vld.idx.msk [tilespmem:v4+s30+$0x4110 ss:$0x1], $0xffff  }
0xa3: {  	[tilespmem:$0x1F5A0] =	vst v0;
	v0 =	vld [tilespmem:$0x1F360]  }
0xa4: {  	[tilespmem:$0x1F390] =	vst v23;
	v23 =	vld.idx.msk [tilespmem:v4+s30+$0x2180 ss:$0x1], $0xffff  }
0xa5: {  	v11 =	vld.idx.msk [tilespmem:v4+s30+$0x6110 ss:$0x1], $0xffff  }
0xa6: {  	v21 =	vld.idx.msk [tilespmem:v4+s30+$0x4100 ss:$0x1], $0xffff  }
0xa7: {  	v22 =	vld.idx.msk [tilespmem:v4+s30+$0x60A0 ss:$0x1], $0xffff;
	v59 =	vsub.f32 v17, v25  }
0xa8: {  	v17 =	vsub.f32 v27, v19;
	v19 =	vsub.f32 v0, v30;
	v0 =	vld [tilespmem:$0x1F370]  }
0xa9: {  	v61 =	vsub.f32 v24, v26;
	v24 =	vld.idx.msk [tilespmem:v4+s30+$0x40A0 ss:$0x1], $0xffff  }
0xaa: {  	v26 =	vld.idx.msk [tilespmem:v4+s30+$0x6030 ss:$0x1], $0xffff  }
0xab: {  	v28 =	vld.idx.msk [tilespmem:v4+s30+$0x4030 ss:$0x1], $0xffff  }
0xac: {  	v52 =	vld.idx.msk [tilespmem:v4+s30+$0x2100 ss:$0x1], $0xffff  }
0xad: {  	v62 =	vld.idx.msk [tilespmem:v4+s30+$0x2110 ss:$0x1], $0xffff;
	v0 =	vsub.f32 v31, v0  }
0xae: {  	v57 =	vsub.f32 v18, v14;
	v14 =	vld.idx.msk [tilespmem:v4+s30+$0x2020 ss:$0x1], $0xffff  }
0xaf: {  	v25 =	vld.idx.msk [tilespmem:v4+s30+$0x80 ss:$0x1], $0xffff;
	[tilespmem:$0x1F5B0] =	vst v0  }
0xb0: {  	v27 =	vld [tilespmem:$0x1F380];
	_ =	sdelay $0x4  }
0xb1: {  	v20 =	vsub.f32 v20, v30;
	v30 =	vsub.f32 v27, v34;
	v27 =	vld [tilespmem:$0x1F390]  }
0xb2: {  	v18 =	vsub.f32 v31, v34;
	v31 =	vsub.f32 v43, v53  }
0xb3: {  	v46 =	vsub.f32 v13, v46;
	v13 =	vsub.f32 v13, v12  }
0xb4: {  	v12 =	vsub.f32 v50, v12;
	[tilespmem:$0x1F5D0] =	vst v31  }
0xb5: {  	v6 =	vsub.f32 v1, v6;
	[tilespmem:$0x1F5F0] =	vst v13;
	v53 =	vld [tilespmem:$0x1F3B0]  }
0xb6: {  	[tilespmem:$0x1F610] =	vst v12;
	v27 =	vsub.f32 v35, v27  }
0xb7: {  	v12 =	vsub.f32 v9, v26;
	v9 =	vsub.f32 v9, v8;
	[tilespmem:$0x1F6E0] =	vst v6  }
0xb8: {  	v1 =	vsub.f32 v1, v14;
	[tilespmem:$0x1F5C0] =	vst v27;
	v27 =	vld [tilespmem:$0x1F3A0]  }
0xb9: {  	[tilespmem:$0x1F620] =	vst v9;
	v9 =	vsub.f32 v7, v22  }
0xba: {  	v31 =	vsub.f32 v43, v23;
	[tilespmem:$0x1F6D0] =	vst v1;
	v0 =	vld.idx.msk [tilespmem:v4+s30+$0x2080 ss:$0x1], $0xffff;
	v23 =	vsub.f32 v53, v23  }
0xbb: {  	v8 =	vsub.f32 v28, v8;
	v51 =	vld.idx.msk [tilespmem:v4+s30+$0x4080 ss:$0x1], $0xffff;
	[tilespmem:$0x1F660] =	vst v9  }
0xbc: {  	v1 =	vsub.f32 v10, v14;
	v9 =	vsub.f32 v2, v11;
	[tilespmem:$0x1F5E0] =	vst v23;
	v23 =	vld.idx.msk [tilespmem:v4+s30+$0x2090 ss:$0x1], $0xffff  }
0xbd: {  	[tilespmem:$0x1F640] =	vst v8;
	v34 =	vsub.f32 v35, v39;
	v27 =	vsub.f32 v27, v39;
	v39 =	vld.idx.msk [tilespmem:v4+s30+$0x90 ss:$0x1], $0xffff  }
0xbe: {  	[tilespmem:$0x1F6B0] =	vst v9;
	v9 =	vsub.f32 v15, v62  }
0xbf: {  	v13 =	vld.idx.msk [tilespmem:v4+s30+$0x4090 ss:$0x1], $0xffff;
	v7 =	vsub.f32 v7, v5;
	[tilespmem:$0x1F6F0] =	vst v1  }
0xc0: {  	v8 =	vld.idx.msk [tilespmem:v4+s30+$0x0 ss:$0x1], $0xffff;
	[tilespmem:$0x1F6C0] =	vst v9;
	v9 =	vsub.f32 v25, v0;
	v0 =	vsub.f32 v51, v0  }
0xc1: {  	v5 =	vsub.f32 v24, v5;
	[tilespmem:$0x1F650] =	vst v7;
	v7 =	vld.idx.msk [tilespmem:v4+s30+$0x2000 ss:$0x1], $0xffff  }
0xc2: {  	[tilespmem:$0x1F710] =	vst v0;
	v0 =	vsub.f32 v39, v23  }
0xc3: {  	[tilespmem:$0x1F670] =	vst v5;
	v5 =	vld.idx.msk [tilespmem:v4+s30+$0x4000 ss:$0x1], $0xffff;
	v2 =	vsub.f32 v2, v62  }
0xc4: {  	v6 =	vld.idx.msk [tilespmem:v4+s30+$0x2010 ss:$0x1], $0xffff;
	[tilespmem:$0x1F720] =	vst v0;
	v0 =	vsub.f32 v13, v23  }
0xc5: {  	[tilespmem:$0x1F6A0] =	vst v2;
	v2 =	vld.idx.msk [tilespmem:v4+s30+$0x10 ss:$0x1], $0xffff  }
0xc6: {  	v1 =	vld.idx.msk [tilespmem:v4+s30+$0x6010 ss:$0x1], $0xffff;
	[tilespmem:$0x1F730] =	vst v0;
	v0 =	vsub.f32 v8, v7  }
0xc7: {  	[tilespmem:$0x1F700] =	vst v9;
	v9 =	vld.idx.msk [tilespmem:v4+s30+$0x4010 ss:$0x1], $0xffff  }
0xc8: {  	[tilespmem:$0x1F740] =	vst v0;
	v0 =	vsub.f32 v5, v7;
	_ =	sdelay $0x1  }
0xc9: {  	[tilespmem:$0x1F750] =	vst v0;
	v0 =	vsub.f32 v2, v6;
	_ =	sdelay $0x1  }
0xca: {  	v51 =	vsub.f32 v2, v1;
	v1 =	vld [tilespmem:$0x1F3D0];
	[tilespmem:$0x1F760] =	vst v0;
	v0 =	vsub.f32 v9, v6  }
0xcb: {  	v2 =	vld [tilespmem:$0x1F3E0]  }
0xcc: {  	[tilespmem:$0x1F770] =	vst v0;
	v0 =	vld [tilespmem:$0x1F3C0];
	_ =	sdelay $0x4  }
0xcd: {  	v1 =	vand.u32 $0x7FFFFFFF, v1;
	v2 =	vand.u32 $0x7FFFFFFF, v2;
	v0 =	vand.u32 $0x7FFFFFFF, v0  }
0xce: {  	v1 =	vsub.f32 v0, v1;
	v0 =	vsub.f32 v0, v2  }
0xcf: {  	v2 =	vld [tilespmem:$0x1F410]  }
0xd0: {  	[tilespmem:$0x1F850] =	vst v0;
	v0 =	vld [tilespmem:$0x1F3F0]  }
0xd1: {  	[tilespmem:$0x1F830] =	vst v1;
	v1 =	vld [tilespmem:$0x1F400];
	_ =	sdelay $0x4  }
0xd2: {  	v2 =	vand.u32 $0x7FFFFFFF, v2;
	v0 =	vand.u32 $0x7FFFFFFF, v0;
	v1 =	vand.u32 $0x7FFFFFFF, v1  }
0xd3: {  	v1 =	vsub.f32 v0, v1;
	v0 =	vsub.f32 v0, v2  }
0xd4: {  	v2 =	vld [tilespmem:$0x1F440]  }
0xd5: {  	[tilespmem:$0x1F870] =	vst v0;
	v0 =	vld [tilespmem:$0x1F420]  }
0xd6: {  	[tilespmem:$0x1F840] =	vst v1;
	v1 =	vld [tilespmem:$0x1F430];
	_ =	sdelay $0x4  }
0xd7: {  	v2 =	vand.u32 $0x7FFFFFFF, v2;
	v0 =	vand.u32 $0x7FFFFFFF, v0;
	v1 =	vand.u32 $0x7FFFFFFF, v1  }
0xd8: {  	v1 =	vsub.f32 v0, v1;
	v0 =	vsub.f32 v0, v2;
	_ =	sdelay $0x1  }
0xd9: {  	[tilespmem:$0x1F7E0] =	vst v0;
	v0 =	vld [tilespmem:$0x1F450]  }
0xda: {  	[tilespmem:$0x1F7C0] =	vst v1;
	v1 =	vld [tilespmem:$0x1F460];
	_ =	sdelay $0x4  }
0xdb: {  	v2 =	vand.u32 $0x7FFFFFFF, v56;
	v0 =	vand.u32 $0x7FFFFFFF, v0;
	v1 =	vand.u32 $0x7FFFFFFF, v1  }
0xdc: {  	v1 =	vsub.f32 v0, v1;
	v0 =	vsub.f32 v0, v2;
	_ =	sdelay $0x1  }
0xdd: {  	[tilespmem:$0x1F880] =	vst v0;
	v0 =	vld [tilespmem:$0x1F470]  }
0xde: {  	[tilespmem:$0x1F860] =	vst v1;
	v1 =	vld [tilespmem:$0x1F480]  }
0xdf: {  	v2 =	vld [tilespmem:$0x1F490];
	_ =	sdelay $0x3  }
0xe0: {  	v0 =	vand.u32 $0x7FFFFFFF, v0;
	v1 =	vand.u32 $0x7FFFFFFF, v1  }
0xe1: {  	v2 =	vand.u32 $0x7FFFFFFF, v2;
	v1 =	vsub.f32 v0, v1  }
0xe2: {  	v0 =	vsub.f32 v0, v2;
	v2 =	vld [tilespmem:$0x1F4B0]  }
0xe3: {  	[tilespmem:$0x1F7D0] =	vst v1;
	v1 =	vld [tilespmem:$0x1F4A0];
	_ =	sdelay $0x4  }
0xe4: {  	[tilespmem:$0x1F800] =	vst v0;
	v0 =	vand.u32 $0x7FFFFFFF, v61;
	v2 =	vand.u32 $0x7FFFFFFF, v2;
	v1 =	vand.u32 $0x7FFFFFFF, v1  }
0xe5: {  	v1 =	vsub.f32 v0, v1;
	v0 =	vsub.f32 v0, v2;
	_ =	sdelay $0x1  }
0xe6: {  	[tilespmem:$0x1F7A0] =	vst v0;
	v0 =	vld [tilespmem:$0x1F4C0]  }
0xe7: {  	[tilespmem:$0x1F780] =	vst v1;
	v1 =	vld [tilespmem:$0x1F4D0];
	_ =	sdelay $0x4  }
0xe8: {  	v0 =	vand.u32 $0x7FFFFFFF, v0;
	v1 =	vand.u32 $0x7FFFFFFF, v1  }
0xe9: {  	v1 =	vsub.f32 v0, v1;
	_ =	sdelay $0x1  }
0xea: {  	[tilespmem:$0x1F890] =	vst v1;
	v1 =	vld [tilespmem:$0x1F4E0];
	_ =	sdelay $0x1  }
0xeb: {  	v2 =	vand.u32 $0x7FFFFFFF, v29  }
0xec: {  	v0 =	vsub.f32 v0, v2;
	_ =	sdelay $0x1  }
0xed: {  	[tilespmem:$0x1F8A0] =	vst v0;
	v0 =	vand.u32 $0x7FFFFFFF, v32;
	v1 =	vand.u32 $0x7FFFFFFF, v1  }
0xee: {  	v1 =	vsub.f32 v0, v1;
	_ =	sdelay $0x1  }
0xef: {  	[tilespmem:$0x1F7F0] =	vst v1;
	v1 =	vld [tilespmem:$0x1F4F0];
	_ =	sdelay $0x3  }
0xf0: {  	v2 =	vand.u32 $0x7FFFFFFF, v33  }
0xf1: {  	v33 =	vsub.f32 v0, v2;
	v0 =	vand.u32 $0x7FFFFFFF, v47;
	v1 =	vand.u32 $0x7FFFFFFF, v1  }
0xf2: {  	v1 =	vsub.f32 v0, v1;
	_ =	sdelay $0x1  }
0xf3: {  	[tilespmem:$0x1F790] =	vst v1;
	v1 =	vld [tilespmem:$0x1F500];
	_ =	sdelay $0x1  }
0xf4: {  	v2 =	vand.u32 $0x7FFFFFFF, v36  }
0xf5: {  	v0 =	vsub.f32 v0, v2;
	_ =	sdelay $0x1  }
0xf6: {  	[tilespmem:$0x1F7B0] =	vst v0;
	v0 =	vand.u32 $0x7FFFFFFF, v37;
	v1 =	vand.u32 $0x7FFFFFFF, v1  }
0xf7: {  	v62 =	vsub.f32 v0, v1;
	v1 =	vld [tilespmem:$0x1F510];
	_ =	sdelay $0x3  }
0xf8: {  	v2 =	vand.u32 $0x7FFFFFFF, v40  }
0xf9: {  	v53 =	vsub.f32 v0, v2;
	v0 =	vand.u32 $0x7FFFFFFF, v55;
	v1 =	vand.u32 $0x7FFFFFFF, v1  }
0xfa: {  	v1 =	vsub.f32 v0, v1;
	_ =	sdelay $0x1  }
0xfb: {  	v26 =	vsub.f32 v3, v16;
	v3 =	vsub.f32 v3, v52;
	[tilespmem:$0x1F810] =	vst v1;
	v1 =	vld [tilespmem:$0x1F520];
	_ =	sdelay $0x1  }
0xfc: {  	[tilespmem:$0x1F680] =	vst v3;
	v3 =	vsub.f32 v21, v52;
	v2 =	vand.u32 $0x7FFFFFFF, v44  }
0xfd: {  	v0 =	vsub.f32 v0, v2  }
0xfe: {  	[tilespmem:$0x1F690] =	vst v3  }
0xff: {  	v3 =	vld.idx.msk [tilespmem:v4+s30+$0x6000 ss:$0x1], $0xffff;
	[tilespmem:$0x1F820] =	vst v0;
	v0 =	vand.u32 $0x7FFFFFFF, v41;
	v1 =	vand.u32 $0x7FFFFFFF, v1  }
0x100: {  	v6 =	vsub.f32 v0, v1;
	v1 =	vld [tilespmem:$0x1F530];
	_ =	sdelay $0x3  }
0x101: {  	v50 =	vsub.f32 v8, v3;
	v2 =	vand.u32 $0x7FFFFFFF, v49  }
0x102: {  	v3 =	vsub.f32 v0, v2;
	v0 =	vand.u32 $0x7FFFFFFF, v45;
	v1 =	vand.u32 $0x7FFFFFFF, v1  }
0x103: {  	v56 =	vsub.f32 v0, v1;
	v1 =	vld [tilespmem:$0x1F540];
	_ =	sdelay $0x3  }
0x104: {  	v2 =	vand.u32 $0x7FFFFFFF, v58  }
0x105: {  	v55 =	vsub.f32 v0, v2;
	v0 =	vand.u32 $0x7FFFFFFF, v54;
	v1 =	vand.u32 $0x7FFFFFFF, v1  }
0x106: {  	v9 =	vsub.f32 v0, v1;
	v1 =	vld [tilespmem:$0x1F550];
	_ =	sdelay $0x2  }
0x107: {  	v2 =	vand.u32 $0x7FFFFFFF, v48  }
0x108: {  	v10 =	vsub.f32 v0, v2  }
0x109: {  	v5 =	vld [tilespmem:$0x1F570];
	v2 =	vand.u32 $0x7FFFFFFF, v42;
	v0 =	vand.u32 $0x7FFFFFFF, v38;
	v1 =	vand.u32 $0x7FFFFFFF, v1  }
0x10a: {  	v22 =	vsub.f32 v0, v2;
	v7 =	vsub.f32 v0, v1;
	v0 =	vld [tilespmem:$0x1F560];
	_ =	sdelay $0x1  }
0x10b: {  	[tilespmem:$0x1F630] =	vst v12;
	v12 =	vld.idx.msk [tilespmem:v4+s30+$0x6090 ss:$0x1], $0xffff;
	_ =	sdelay $0x1  }
0x10c: {  	v5 =	vand.u32 $0x7FFFFFFF, v5  }
0x10d: {  	v2 =	vand.u32 $0x7FFFFFFF, v63;
	v1 =	vand.u32 $0x7FFFFFFF, v57;
	v0 =	vand.u32 $0x7FFFFFFF, v0  }
0x10e: {  	v0 =	vsub.f32 v1, v0;
	v1 =	vsub.f32 v1, v2;
	v2 =	vand.u32 $0x7FFFFFFF, v59  }
0x10f: {  	[tilespmem:$0x1F600] =	vst v46;
	v46 =	vsub.f32 v39, v12;
	v12 =	vsub.f32 v2, v5;
	v5 =	vld [tilespmem:$0x1F580];
	_ =	sdelay $0x3  }
0x110: {  	v8 =	vand.u32 $0x7FFFFFFF, v60  }
0x111: {  	v11 =	vld [tilespmem:$0x1F590];
	v8 =	vsub.f32 v2, v8;
	v2 =	vand.u32 $0x7FFFFFFF, v17;
	v5 =	vand.u32 $0x7FFFFFFF, v5  }
0x112: {  	v17 =	vsub.f32 v2, v5;
	v5 =	vld [tilespmem:$0x1F5A0];
	_ =	sdelay $0x3  }
0x113: {  	v11 =	vand.u32 $0x7FFFFFFF, v11  }
0x114: {  	v24 =	vsub.f32 v2, v11;
	v2 =	vand.u32 $0x7FFFFFFF, v20;
	v5 =	vand.u32 $0x7FFFFFFF, v5  }
0x115: {  	v16 =	vsub.f32 v2, v5;
	v5 =	vld [tilespmem:$0x1F5B0];
	_ =	sdelay $0x3  }
0x116: {  	v11 =	vand.u32 $0x7FFFFFFF, v19  }
0x117: {  	v35 =	vld.idx.msk [tilespmem:v4+s30+$0x6080 ss:$0x1], $0xffff;
	v14 =	vsub.f32 v2, v11;
	v2 =	vand.u32 $0x7FFFFFFF, v18;
	v5 =	vand.u32 $0x7FFFFFFF, v5  }
0x118: {  	v19 =	vsub.f32 v2, v5;
	v5 =	vld [tilespmem:$0x1F5C0];
	_ =	sdelay $0x2  }
0x119: {  	v11 =	vand.u32 $0x7FFFFFFF, v30  }
0x11a: {  	v43 =	vsub.f32 v25, v35;
	v20 =	vsub.f32 v2, v11  }
0x11b: {  	v11 =	vand.u32 $0x7FFFFFFF, v27;
	v2 =	vand.u32 $0x7FFFFFFF, v34;
	v5 =	vand.u32 $0x7FFFFFFF, v5  }
0x11c: {  	v27 =	vsub.f32 v2, v11;
	v25 =	vsub.f32 v2, v5;
	v2 =	vld [tilespmem:$0x1F5D0];
	_ =	sdelay $0x4  }
0x11d: {  	v13 =	vand.u32 $0x7FFFFFFF, v2;
	v2 =	vld [tilespmem:$0x1F5E0];
	_ =	sdelay $0x3  }
0x11e: {  	s31 =	simm.s32 $0x200  }
0x11f: {  	v15 =	vand.u32 $0x7FFFFFFF, v2;
	v2 =	vld.idx.msk [tilespmem:v4+s31+$0x41F0 ss:$0x1], $0xffff;
	_ =	sdelay $0x4  }
0x120: {  	[tilespmem:$0x1F8C0] =	vst v2;
	v2 =	vld [tilespmem:$0x1F5F0];
	_ =	sdelay $0x3  }
0x121: {  	v11 =	vand.u32 $0x7FFFFFFF, v31  }
0x122: {  	v28 =	vsub.f32 v11, v13;
	v29 =	vsub.f32 v11, v15;
	v11 =	vand.u32 $0x7FFFFFFF, v2;
	v2 =	vld [tilespmem:$0x1F600];
	_ =	sdelay $0x4  }
0x123: {  	v13 =	vand.u32 $0x7FFFFFFF, v2;
	v2 =	vld [tilespmem:$0x1F610];
	_ =	sdelay $0x4  }
0x124: {  	v15 =	vand.u32 $0x7FFFFFFF, v2;
	v2 =	vld [tilespmem:$0x1F620];
	_ =	sdelay $0x4  }
0x125: {  	v30 =	vsub.f32 v11, v13;
	v13 =	vand.u32 $0x7FFFFFFF, v2;
	v2 =	vld [tilespmem:$0x1F630];
	_ =	sdelay $0x4  }
0x126: {  	v31 =	vsub.f32 v11, v15;
	v15 =	vand.u32 $0x7FFFFFFF, v2;
	v2 =	vld [tilespmem:$0x1F640];
	_ =	sdelay $0x4  }
0x127: {  	v21 =	vand.u32 $0x7FFFFFFF, v2;
	v2 =	vld.idx.msk [tilespmem:v4+s31+$0x4170 ss:$0x1], $0xffff;
	_ =	sdelay $0x4  }
0x128: {  	[tilespmem:$0x1F8E0] =	vst v2;
	v2 =	vld [tilespmem:$0x1F650];
	_ =	sdelay $0x4  }
0x129: {  	v32 =	vsub.f32 v13, v15;
	v34 =	vsub.f32 v13, v21;
	v13 =	vand.u32 $0x7FFFFFFF, v2;
	v2 =	vld [tilespmem:$0x1F660];
	_ =	sdelay $0x4  }
0x12a: {  	v15 =	vand.u32 $0x7FFFFFFF, v2;
	v2 =	vld [tilespmem:$0x1F670];
	_ =	sdelay $0x4  }
0x12b: {  	v21 =	vand.u32 $0x7FFFFFFF, v2;
	v2 =	vld.idx.msk [tilespmem:v4+s31+$0x6170 ss:$0x1], $0xffff;
	_ =	sdelay $0x4  }
0x12c: {  	[tilespmem:$0x1F8D0] =	vst v2;
	v2 =	vld [tilespmem:$0x1F680];
	_ =	sdelay $0x4  }
0x12d: {  	v38 =	vsub.f32 v13, v21;
	v21 =	vand.u32 $0x7FFFFFFF, v2;
	v2 =	vld [tilespmem:$0x1F690];
	_ =	sdelay $0x4  }
0x12e: {  	v23 =	vand.u32 $0x7FFFFFFF, v26;
	v26 =	vand.u32 $0x7FFFFFFF, v2;
	v2 =	vld.idx.msk [tilespmem:v4+s31+$0x21E0 ss:$0x1], $0xffff;
	_ =	sdelay $0x1  }
0x12f: {  	v5 =	vld.idx.msk [tilespmem:v4+s31+$0x41D0 ss:$0x1], $0xffff;
	_ =	sdelay $0x2  }
0x130: {  	[tilespmem:$0x1F900] =	vst v2;
	v2 =	vld.idx.msk [tilespmem:v4+s31+$0x41E0 ss:$0x1], $0xffff;
	_ =	sdelay $0x1  }
0x131: {  	[tilespmem:$0x1F9B0] =	vst v5;
	v5 =	vld.idx.msk [tilespmem:v4+s31+$0x61D0 ss:$0x1], $0xffff;
	_ =	sdelay $0x2  }
0x132: {  	[tilespmem:$0x1F910] =	vst v2;
	v2 =	vld [tilespmem:$0x1F6A0];
	_ =	sdelay $0x1  }
0x133: {  	[tilespmem:$0x1F9A0] =	vst v5;
	v5 =	vld.idx.msk [tilespmem:v4+s31+$0x70 ss:$0x1], $0xffff;
	_ =	sdelay $0x2  }
0x134: {  	v35 =	vsub.f32 v21, v23;
	v39 =	vsub.f32 v21, v26;
	v21 =	vand.u32 $0x7FFFFFFF, v2;
	v2 =	vld [tilespmem:$0x1F6B0];
	_ =	sdelay $0x1  }
0x135: {  	[tilespmem:$0x1F9C0] =	vst v5;
	v5 =	vld.idx.msk [tilespmem:v4+s31+$0x2070 ss:$0x1], $0xffff;
	_ =	sdelay $0x2  }
0x136: {  	v23 =	vand.u32 $0x7FFFFFFF, v2;
	v2 =	vld [tilespmem:$0x1F6C0];
	_ =	sdelay $0x1  }
0x137: {  	[tilespmem:$0x1F9E0] =	vst v5;
	v5 =	vld.idx.msk [tilespmem:v4+s31+$0x4070 ss:$0x1], $0xffff;
	_ =	sdelay $0x2  }
0x138: {  	v26 =	vand.u32 $0x7FFFFFFF, v2;
	v2 =	vld.idx.msk [tilespmem:v4+s31+$0x61E0 ss:$0x1], $0xffff;
	_ =	sdelay $0x1  }
0x139: {  	[tilespmem:$0x1F9F0] =	vst v5;
	v5 =	vld.idx.msk [tilespmem:v4+s31+$0x6070 ss:$0x1], $0xffff;
	_ =	sdelay $0x2  }
0x13a: {  	[tilespmem:$0x1F8F0] =	vst v2;
	v2 =	vld.idx.msk [tilespmem:v4+s31+$0xF0 ss:$0x1], $0xffff;
	_ =	sdelay $0x1  }
0x13b: {  	[tilespmem:$0x1F9D0] =	vst v5;
	v5 =	vld.idx.msk [tilespmem:v4+s31+$0xE0 ss:$0x1], $0xffff;
	_ =	sdelay $0x2  }
0x13c: {  	[tilespmem:$0x1F920] =	vst v2;
	v2 =	vld [tilespmem:$0x1F6D0];
	_ =	sdelay $0x1  }
0x13d: {  	[tilespmem:$0x1FA00] =	vst v5;
	v5 =	vld.idx.msk [tilespmem:v4+s31+$0x20E0 ss:$0x1], $0xffff;
	_ =	sdelay $0x2  }
0x13e: {  	v37 =	vsub.f32 v21, v23;
	v40 =	vsub.f32 v21, v26;
	v21 =	vand.u32 $0x7FFFFFFF, v2;
	v2 =	vld [tilespmem:$0x1F6E0];
	_ =	sdelay $0x1  }
0x13f: {  	[tilespmem:$0x1FA20] =	vst v5;
	v5 =	vld.idx.msk [tilespmem:v4+s31+$0x40E0 ss:$0x1], $0xffff;
	_ =	sdelay $0x2  }
0x140: {  	v23 =	vand.u32 $0x7FFFFFFF, v2;
	v2 =	vld [tilespmem:$0x1F6F0];
	_ =	sdelay $0x1  }
0x141: {  	[tilespmem:$0x1FA30] =	vst v5;
	v5 =	vld.idx.msk [tilespmem:v4+s31+$0x60E0 ss:$0x1], $0xffff;
	_ =	sdelay $0x2  }
0x142: {  	v26 =	vand.u32 $0x7FFFFFFF, v2;
	v2 =	vld.idx.msk [tilespmem:v4+s31+$0x20F0 ss:$0x1], $0xffff;
	_ =	sdelay $0x1  }
0x143: {  	[tilespmem:$0x1FA10] =	vst v5;
	v5 =	vld.idx.msk [tilespmem:v4+s31+$0x4150 ss:$0x1], $0xffff;
	_ =	sdelay $0x2  }
0x144: {  	[tilespmem:$0x1F940] =	vst v2;
	v2 =	vld.idx.msk [tilespmem:v4+s31+$0x40F0 ss:$0x1], $0xffff;
	_ =	sdelay $0x1  }
0x145: {  	[tilespmem:$0x1FA50] =	vst v5;
	v5 =	vld.idx.msk [tilespmem:v4+s31+$0x6150 ss:$0x1], $0xffff  }
0x146: {  	v28 =	vadd.f32 v30, v28;
	_ =	sdelay $0x1  }
0x147: {  	v17 =	vadd.f32 v17, v28;
	[tilespmem:$0x1F950] =	vst v2;
	v2 =	vld [tilespmem:$0x1F700];
	_ =	sdelay $0x1  }
0x148: {  	v9 =	vadd.f32 v9, v17;
	[tilespmem:$0x1FA40] =	vst v5;
	v5 =	vld [tilespmem:$0x1F780];
	_ =	sdelay $0x1  }
0x149: {  	v9 =	vadd.f32 v62, v9  }
0x14a: {  	v41 =	vsub.f32 v21, v23;
	v42 =	vsub.f32 v21, v26;
	v21 =	vand.u32 $0x7FFFFFFF, v2;
	v2 =	vld [tilespmem:$0x1F710];
	_ =	sdelay $0x1  }
0x14b: {  	v9 =	vadd.f32 v5, v9;
	v5 =	vld.idx.msk [tilespmem:v4+s31+$0x41C0 ss:$0x1], $0xffff;
	_ =	sdelay $0x1  }
0x14c: {  	v35 =	vadd.f32 v37, v35  }
0x14d: {  	v26 =	vand.u32 $0x7FFFFFFF, v2;
	v2 =	vld.idx.msk [tilespmem:v4+s31+$0x60F0 ss:$0x1], $0xffff  }
0x14e: {  	v25 =	vadd.f32 v25, v35  }
0x14f: {  	[tilespmem:$0x1FA70] =	vst v5;
	v5 =	vld [tilespmem:$0x1F790]  }
0x150: {  	v12 =	vadd.f32 v12, v25  }
0x151: {  	v29 =	vadd.f32 v31, v29  }
0x152: {  	v12 =	vadd.f32 v56, v12;
	[tilespmem:$0x1F930] =	vst v2;
	v2 =	vld [tilespmem:$0x1F720]  }
0x153: {  	v24 =	vadd.f32 v24, v29  }
0x154: {  	v12 =	vadd.f32 v5, v12;
	v5 =	vld [tilespmem:$0x1F7A0]  }
0x155: {  	v10 =	vadd.f32 v10, v24;
	_ =	sdelay $0x1  }
0x156: {  	v10 =	vadd.f32 v53, v10;
	v44 =	vsub.f32 v21, v26;
	v26 =	vand.u32 $0x7FFFFFFF, v2;
	v2 =	vld [tilespmem:$0x1F730];
	_ =	sdelay $0x1  }
0x157: {  	v48 =	vand.u32 $0x7FFFFFFF, v46;
	v10 =	vadd.f32 v5, v10;
	v23 =	vand.u32 $0x7FFFFFFF, v43  }
0x158: {  	v5 =	vld.idx.msk [tilespmem:v4+s31+$0x61C0 ss:$0x1], $0xffff;
	v43 =	vsub.f32 v21, v23;
	v45 =	vsub.f32 v26, v48  }
0x159: {  	v36 =	vsub.f32 v13, v15  }
0x15a: {  	v39 =	vadd.f32 v40, v39;
	v31 =	vadd.f32 v45, v43;
	v49 =	vand.u32 $0x7FFFFFFF, v2;
	v2 =	vld.idx.msk [tilespmem:v4+s31+$0x2160 ss:$0x1], $0xffff;
	_ =	sdelay $0x1  }
0x15b: {  	v27 =	vadd.f32 v27, v39;
	v29 =	vadd.f32 v36, v31  }
0x15c: {  	[tilespmem:$0x1FA60] =	vst v5;
	v5 =	vld [tilespmem:$0x1F7B0]  }
0x15d: {  	v8 =	vadd.f32 v8, v27;
	v17 =	vadd.f32 v19, v29  }
0x15e: {  	[tilespmem:$0x1F970] =	vst v2;
	v2 =	vld.idx.msk [tilespmem:v4+s31+$0x4160 ss:$0x1], $0xffff  }
0x15f: {  	v8 =	vadd.f32 v55, v8;
	v0 =	vadd.f32 v0, v17;
	_ =	sdelay $0x1  }
0x160: {  	v0 =	vadd.f32 v6, v0;
	v6 =	vadd.f32 v5, v8;
	v5 =	vld [tilespmem:$0x1F7C0];
	_ =	sdelay $0x1  }
0x161: {  	[tilespmem:$0x1F980] =	vst v2;
	v2 =	vld [tilespmem:$0x1F740];
	_ =	sdelay $0x2  }
0x162: {  	v8 =	vadd.f32 v5, v9;
	v5 =	vld.idx.msk [tilespmem:v4+s31+$0x4060 ss:$0x1], $0xffff;
	_ =	sdelay $0x1  }
0x163: {  	v46 =	vsub.f32 v26, v49;
	v26 =	vand.u32 $0x7FFFFFFF, v2;
	v2 =	vld [tilespmem:$0x1F750];
	_ =	sdelay $0x2  }
0x164: {  	[tilespmem:$0x1FA90] =	vst v5;
	v5 =	vld [tilespmem:$0x1F7D0];
	_ =	sdelay $0x1  }
0x165: {  	v59 =	vand.u32 $0x7FFFFFFF, v2;
	v2 =	vld.idx.msk [tilespmem:v4+s31+$0x6160 ss:$0x1], $0xffff;
	_ =	sdelay $0x2  }
0x166: {  	v9 =	vadd.f32 v5, v12;
	v5 =	vld [tilespmem:$0x1F7E0];
	_ =	sdelay $0x1  }
0x167: {  	[tilespmem:$0x1F960] =	vst v2;
	v2 =	vld [tilespmem:$0x1F760];
	_ =	sdelay $0x2  }
0x168: {  	v10 =	vadd.f32 v5, v10;
	v5 =	vld.idx.msk [tilespmem:v4+s31+$0x6060 ss:$0x1], $0xffff;
	_ =	sdelay $0x1  }
0x169: {  	v60 =	vand.u32 $0x7FFFFFFF, v2;
	v2 =	vld.idx.msk [tilespmem:v4+s31+$0x1D0 ss:$0x1], $0xffff;
	_ =	sdelay $0x2  }
0x16a: {  	[tilespmem:$0x1FA80] =	vst v5;
	v5 =	vld [tilespmem:$0x1F7F0];
	_ =	sdelay $0x1  }
0x16b: {  	v51 =	vand.u32 $0x7FFFFFFF, v51;
	v54 =	vand.u32 $0x7FFFFFFF, v50;
	[tilespmem:$0x1F990] =	vst v2;
	v2 =	vld [tilespmem:$0x1F770]  }
0x16c: {  	v48 =	vsub.f32 v26, v54;
	v51 =	vsub.f32 v60, v51  }
0x16d: {  	v49 =	vsub.f32 v26, v59  }
0x16e: {  	v59 =	vadd.f32 v51, v48;
	v0 =	vadd.f32 v5, v0;
	v5 =	vld [tilespmem:$0x1F800];
	_ =	sdelay $0x1  }
0x16f: {  	v31 =	vadd.f32 v41, v59;
	v63 =	vand.u32 $0x7FFFFFFF, v2  }
0x170: {  	v50 =	vsub.f32 v60, v63  }
0x171: {  	v44 =	vadd.f32 v46, v44;
	v19 =	vadd.f32 v32, v31  }
0x172: {  	v6 =	vadd.f32 v5, v6;
	v5 =	vld [tilespmem:$0x1F810];
	v60 =	vadd.f32 v50, v49  }
0x173: {  	v16 =	vadd.f32 v16, v19  }
0x174: {  	v63 =	vadd.f32 v38, v44;
	v35 =	vadd.f32 v42, v60  }
0x175: {  	v7 =	vadd.f32 v7, v16  }
0x176: {  	v20 =	vadd.f32 v20, v63;
	v25 =	vadd.f32 v34, v35  }
0x177: {  	v7 =	vadd.f32 v5, v7;
	v5 =	vld [tilespmem:$0x1F820]  }
0x178: {  	v1 =	vadd.f32 v1, v20;
	v14 =	vadd.f32 v14, v25;
	_ =	sdelay $0x1  }
0x179: {  	v1 =	vadd.f32 v3, v1;
	v3 =	vadd.f32 v22, v14;
	_ =	sdelay $0x1  }
0x17a: {  	v3 =	vadd.f32 v5, v3;
	v5 =	vld [tilespmem:$0x1F830];
	_ =	sdelay $0x4  }
0x17b: {  	v8 =	vadd.f32 v5, v8;
	v5 =	vld.idx.msk [tilespmem:v4+s31+$0x40D0 ss:$0x1], $0xffff;
	_ =	sdelay $0x4  }
0x17c: {  	[tilespmem:$0x1FAB0] =	vst v5;
	v5 =	vld [tilespmem:$0x1F840];
	_ =	sdelay $0x4  }
0x17d: {  	v9 =	vadd.f32 v5, v9;
	v5 =	vld [tilespmem:$0x1F850];
	_ =	sdelay $0x4  }
0x17e: {  	v10 =	vadd.f32 v5, v10;
	v5 =	vld.idx.msk [tilespmem:v4+s31+$0x60D0 ss:$0x1], $0xffff;
	_ =	sdelay $0x4  }
0x17f: {  	[tilespmem:$0x1FAA0] =	vst v5;
	v5 =	vld [tilespmem:$0x1F860]  }
0x180: {  	v11 =	vld [tilespmem:$0x1F880];
	_ =	sdelay $0x2  }
0x181: {  	v1 =	vadd.f32 v33, v1  }
0x182: {  	v0 =	vadd.f32 v5, v0;
	v5 =	vld [tilespmem:$0x1F870]  }
0x183: {  	v1 =	vadd.f32 v11, v1;
	v11 =	vld [tilespmem:$0x1F890];
	_ =	sdelay $0x3  }
0x184: {  	v6 =	vadd.f32 v5, v6;
	v5 =	vld [tilespmem:$0x1FFC0]  }
0x185: {  	v7 =	vadd.f32 v11, v7;
	v11 =	vld [tilespmem:$0x1F8A0];
	_ =	sdelay $0x3  }
0x186: {  	v12 =	vperm.xlane v8, v5  }
0x187: {  	v3 =	vadd.f32 v11, v3;
	v14 =	vperm.xlane v10, v5;
	v16 =	vperm.xlane v9, v5  }
0x188: {  	v17 =	vperm.xlane v7, v5;
	v8 =	vadd.f32 v8, v12;
	v12 =	vperm.xlane v6, v5  }
0x189: {  	v10 =	vadd.f32 v14, v10;
	v14 =	vperm.xlane v0, v5;
	v9 =	vadd.f32 v9, v16  }
0x18a: {  	v16 =	vperm.xlane v1, v5;
	v6 =	vadd.f32 v12, v6;
	v12 =	vperm.xlane v3, v5;
	v5 =	vld [tilespmem:$0x1FFD0];
	_ =	sdelay $0x4  }
0x18b: {  	v1 =	vadd.f32 v16, v1;
	v3 =	vadd.f32 v12, v3;
	v12 =	vperm.xlane v9, v5;
	_ =	sdelay $0x1  }
0x18c: {  	v9 =	vadd.f32 v9, v12;
	v12 =	vperm.xlane v1, v5;
	_ =	sdelay $0x1  }
0x18d: {  	v0 =	vadd.f32 v0, v14;
	v12 =	vadd.f32 v12, v1;
	v1 =	vld [tilespmem:$0x1FFE0]  }
0x18e: {  	v14 =	vadd.f32 v7, v17;
	v7 =	vperm.xlane v8, v5;
	v16 =	vperm.xlane v10, v5  }
0x18f: {  	v17 =	vperm.xlane v0, v5;
	v19 =	vperm.xlane v6, v5  }
0x190: {  	v8 =	vadd.f32 v8, v7;
	v10 =	vadd.f32 v16, v10;
	v16 =	vperm.xlane v14, v5  }
0x191: {  	v6 =	vadd.f32 v19, v6;
	v0 =	vadd.f32 v0, v17;
	v17 =	vperm.xlane v3, v5  }
0x192: {  	v14 =	vadd.f32 v14, v16;
	v19 =	vperm.xlane v8, v1;
	v16 =	vperm.xlane v10, v1  }
0x193: {  	v27 =	vadd.f32 v17, v3;
	v20 =	vperm.xlane v9, v1;
	v17 =	vperm.xlane v0, v1  }
0x194: {  	v8 =	vadd.f32 v8, v19;
	v10 =	vadd.f32 v16, v10;
	v16 =	vperm.xlane v6, v1  }
0x195: {  	v9 =	vadd.f32 v9, v20;
	v19 =	vadd.f32 v0, v17;
	v0 =	vperm.xlane v14, v1  }
0x196: {  	v20 =	vperm.xlane v27, v1;
	v6 =	vadd.f32 v16, v6;
	v16 =	vperm.xlane v12, v1;
	v1 =	vld [tilespmem:$0x1FFF0];
	_ =	sdelay $0x3  }
0x197: {  	v14 =	vadd.f32 v14, v0  }
0x198: {  	v20 =	vadd.f32 v20, v27;
	v31 =	vperm.xlane v8, v1  }
0x199: {  	v0 =	vperm.xlane v9, v1;
	v37 =	vperm.xlane v14, v1  }
0x19a: {  	v12 =	vadd.f32 v16, v12;
	v38 =	vperm.xlane v20, v1;
	v15 =	vperm.xlane v10, v1  }
0x19b: {  	v16 =	vadd.f32 v8, v31;
	v31 =	vperm.xlane v6, v1;
	v9 =	vadd.f32 v9, v0  }
0x19c: {  	v0 =	vperm.xlane v12, v1;
	v14 =	vadd.f32 v14, v37;
	v20 =	vadd.f32 v38, v20  }
0x19d: {  	v10 =	vadd.f32 v15, v10;
	v6 =	vadd.f32 v31, v6;
	v31 =	vperm.xlane v19, v1  }
0x19e: {  	v0 =	vadd.f32 v0, v12;
	v12 =	vadd.f32 $1.000000000e+00, v14  }
0x19f: {  	v14 =	vadd.f32 $1.000000000e+00, v20;
	v19 =	vadd.f32 v19, v31  }
0x1a0: {  	v9 =	vadd.f32 $1.000000000e+00, v9;
	v1 =	vld [tilespmem:$0x1FFB0];
	v0 =	vadd.f32 $1.000000000e+00, v0  }
0x1a1: {  	v12 =	vmax.f32 v12, $0.0e+00;
	v14 =	vmax.f32 v14, $0.0e+00;
	v17 =	vadd.f32 $1.000000000e+00, v19  }
0x1a2: {  	v10 =	vadd.f32 $1.000000000e+00, v10;
	v12 =	vadd.f32 v14, v12  }
0x1a3: {  	p0 =	slt.u32 s16, $0x186A0;
	v6 =	vadd.f32 $1.000000000e+00, v6;
	v0 =	vmax.f32 v0, $0.0e+00;
	v14 =	vmax.f32 v17, $0.0e+00  }
0x1a4: {  	v9 =	vmax.f32 v9, $0.0e+00;
	v12 =	vpsel !p0, $0x0, v12;
	v0 =	vadd.f32 v0, v14  }
0x1a5: {  	p4 =	slt.u32 s16, $0x1869F;
	v6 =	vmax.f32 v6, $0.0e+00;
	v12 =	vadd.f32 v12, v1;
	v14 =	vadd.f32 $1.000000000e+00, v16  }
0x1a6: {  	v6 =	vadd.f32 v6, v9;
	v0 =	vpsel !p4, $0x0, v0  }
0x1a7: {  	p5 =	slt.u32 s16, $0x1869E;
	v10 =	vmax.f32 v10, $0.0e+00;
	v9 =	vmax.f32 v14, $0.0e+00;
	v0 =	vadd.f32 v0, v12  }
0x1a8: {  	v6 =	vpsel !p5, $0x0, v6;
	v9 =	vadd.f32 v10, v9  }
0x1a9: {  	p6 =	slt.u32 s16, $0x1869D;
	v0 =	vadd.f32 v6, v0  }
0x1aa: {  	v9 =	vpsel !p6, $0x0, v9  }
0x1ab: {  	v0 =	vadd.f32 v9, v0  }
0x1ac: {  	v52 =	vld.idx.msk [tilespmem:v4+s31+$0x21F0 ss:$0x1], $0xffff  }
0x1ad: {  	[tilespmem:$0x1F8B0] =	vst v0;
	v0 =	vld [tilespmem:$0x1F8C0];
	_ =	sdelay $0x3  }
0x1ae: {  	v61 =	vld.idx.msk [tilespmem:v4+s31+$0x170 ss:$0x1], $0xffff  }
0x1af: {  	v43 =	vsub.f32 v0, v52;
	v0 =	vld [tilespmem:$0x1F8D0];
	_ =	sdelay $0x3  }
0x1b0: {  	v57 =	vld.idx.msk [tilespmem:v4+s31+$0x2170 ss:$0x1], $0xffff  }
0x1b1: {  	v1 =	vld [tilespmem:$0x1F8E0];
	v0 =	vsub.f32 v61, v0;
	_ =	sdelay $0x3  }
0x1b2: {  	v13 =	vld.idx.msk [tilespmem:v4+s31+$0x1E0 ss:$0x1], $0xffff;
	[tilespmem:$0x1FB40] =	vst v0;
	v0 =	vmov v57  }
0x1b3: {  	v51 =	vsub.f32 v1, v0;
	v0 =	vld [tilespmem:$0x1F8F0];
	_ =	sdelay $0x4  }
0x1b4: {  	v47 =	vld.idx.msk [tilespmem:v4+s31+$0x1F0 ss:$0x1], $0xffff;
	v0 =	vsub.f32 v13, v0  }
0x1b5: {  	v1 =	vld [tilespmem:$0x1F910]  }
0x1b6: {  	[tilespmem:$0x1FB50] =	vst v0;
	v0 =	vld [tilespmem:$0x1F900];
	_ =	sdelay $0x3  }
0x1b7: {  	v44 =	vsub.f32 v47, v52  }
0x1b8: {  	v48 =	vsub.f32 v13, v0;
	v52 =	vsub.f32 v1, v0;
	v0 =	vld [tilespmem:$0x1F920]  }
0x1b9: {  	v1 =	vld [tilespmem:$0x1F930];
	_ =	sdelay $0x4  }
0x1ba: {  	v1 =	vsub.f32 v0, v1;
	_ =	sdelay $0x1  }
0x1bb: {  	[tilespmem:$0x1FB60] =	vst v1;
	v1 =	vld [tilespmem:$0x1F940];
	_ =	sdelay $0x4  }
0x1bc: {  	v57 =	vsub.f32 v61, v57;
	v61 =	vsub.f32 v0, v1;
	v0 =	vld [tilespmem:$0x1F950];
	_ =	sdelay $0x4  }
0x1bd: {  	v0 =	vsub.f32 v0, v1  }
0x1be: {  	v21 =	vld.idx.msk [tilespmem:v4+s31+$0x160 ss:$0x1], $0xffff  }
0x1bf: {  	[tilespmem:$0x1FB70] =	vst v0;
	v0 =	vld [tilespmem:$0x1F960];
	_ =	sdelay $0x4  }
0x1c0: {  	v0 =	vsub.f32 v21, v0;
	_ =	sdelay $0x1  }
0x1c1: {  	[tilespmem:$0x1FB90] =	vst v0;
	v0 =	vld [tilespmem:$0x1F970];
	_ =	sdelay $0x4  }
0x1c2: {  	v1 =	vsub.f32 v21, v0;
	_ =	sdelay $0x1  }
0x1c3: {  	[tilespmem:$0x1FB80] =	vst v1;
	v1 =	vld [tilespmem:$0x1F980];
	_ =	sdelay $0x4  }
0x1c4: {  	v2 =	vld.idx.msk [tilespmem:v4+s31+$0x21D0 ss:$0x1], $0xffff;
	v0 =	vsub.f32 v1, v0  }
0x1c5: {  	v1 =	vld [tilespmem:$0x1F9A0]  }
0x1c6: {  	[tilespmem:$0x1FBA0] =	vst v0;
	v0 =	vld [tilespmem:$0x1F990];
	_ =	sdelay $0x4  }
0x1c7: {  	v1 =	vsub.f32 v0, v1;
	v0 =	vsub.f32 v0, v2;
	_ =	sdelay $0x1  }
0x1c8: {  	[tilespmem:$0x1FBB0] =	vst v0;
	v0 =	vld [tilespmem:$0x1F9B0];
	_ =	sdelay $0x4  }
0x1c9: {  	v0 =	vsub.f32 v0, v2  }
0x1ca: {  	[tilespmem:$0x1FBC0] =	vst v1;
	v1 =	vld [tilespmem:$0x1F9D0]  }
0x1cb: {  	[tilespmem:$0x1FBD0] =	vst v0;
	v0 =	vld [tilespmem:$0x1F9C0];
	_ =	sdelay $0x2  }
0x1cc: {  	v58 =	vld.idx.msk [tilespmem:v4+s31+$0x61F0 ss:$0x1], $0xffff  }
0x1cd: {  	v18 =	vld.idx.msk [tilespmem:v4+s31+$0x2040 ss:$0x1], $0xffff  }
0x1ce: {  	v30 =	vld.idx.msk [tilespmem:v4+s31+$0x50 ss:$0x1], $0xffff;
	v1 =	vsub.f32 v0, v1  }
0x1cf: {  	v28 =	vld.idx.msk [tilespmem:v4+s31+$0xC0 ss:$0x1], $0xffff  }
0x1d0: {  	[tilespmem:$0x1FBF0] =	vst v1;
	v1 =	vld [tilespmem:$0x1F9E0]  }
0x1d1: {  	v62 =	vld.idx.msk [tilespmem:v4+s31+$0x130 ss:$0x1], $0xffff  }
0x1d2: {  	v53 =	vld.idx.msk [tilespmem:v4+s31+$0x21A0 ss:$0x1], $0xffff  }
0x1d3: {  	v40 =	vld.idx.msk [tilespmem:v4+s31+$0xD0 ss:$0x1], $0xffff  }
0x1d4: {  	v56 =	vld.idx.msk [tilespmem:v4+s31+$0x1C0 ss:$0x1], $0xffff  }
0x1d5: {  	v39 =	vld.idx.msk [tilespmem:v4+s31+$0x41A0 ss:$0x1], $0xffff;
	v0 =	vsub.f32 v0, v1  }
0x1d6: {  	v55 =	vld.idx.msk [tilespmem:v4+s31+$0x21C0 ss:$0x1], $0xffff  }
0x1d7: {  	[tilespmem:$0x1FBE0] =	vst v0;
	v0 =	vld [tilespmem:$0x1F9F0]  }
0x1d8: {  	v23 =	vld.idx.msk [tilespmem:v4+s31+$0x6180 ss:$0x1], $0xffff  }
0x1d9: {  	v45 =	vld.idx.msk [tilespmem:v4+s31+$0x4130 ss:$0x1], $0xffff  }
0x1da: {  	v36 =	vld.idx.msk [tilespmem:v4+s31+$0x21B0 ss:$0x1], $0xffff  }
0x1db: {  	v29 =	vld.idx.msk [tilespmem:v4+s31+$0x4120 ss:$0x1], $0xffff  }
0x1dc: {  	v46 =	vld.idx.msk [tilespmem:v4+s31+$0x20D0 ss:$0x1], $0xffff;
	v0 =	vsub.f32 v0, v1  }
0x1dd: {  	v1 =	vld [tilespmem:$0x1FA10]  }
0x1de: {  	[tilespmem:$0x1FC00] =	vst v0;
	v0 =	vld [tilespmem:$0x1FA00]  }
0x1df: {  	v54 =	vld.idx.msk [tilespmem:v4+s31+$0x2050 ss:$0x1], $0xffff  }
0x1e0: {  	v26 =	vld.idx.msk [tilespmem:v4+s31+$0x20C0 ss:$0x1], $0xffff  }
0x1e1: {  	v41 =	vld.idx.msk [tilespmem:v4+s31+$0x6130 ss:$0x1], $0xffff  }
0x1e2: {  	v59 =	vld.idx.msk [tilespmem:v4+s31+$0x60B0 ss:$0x1], $0xffff  }
0x1e3: {  	v32 =	vld.idx.msk [tilespmem:v4+s31+$0x1B0 ss:$0x1], $0xffff;
	v1 =	vsub.f32 v0, v1  }
0x1e4: {  	v11 =	vld.idx.msk [tilespmem:v4+s31+$0x4140 ss:$0x1], $0xffff  }
0x1e5: {  	[tilespmem:$0x1FC20] =	vst v1;
	v1 =	vld [tilespmem:$0x1FA20]  }
0x1e6: {  	v49 =	vld.idx.msk [tilespmem:v4+s31+$0x150 ss:$0x1], $0xffff  }
0x1e7: {  	v50 =	vld.idx.msk [tilespmem:v4+s31+$0x2150 ss:$0x1], $0xffff  }
0x1e8: {  	v63 =	vld.idx.msk [tilespmem:v4+s31+$0x60 ss:$0x1], $0xffff  }
0x1e9: {  	v60 =	vld.idx.msk [tilespmem:v4+s31+$0x2060 ss:$0x1], $0xffff  }
0x1ea: {  	[tilespmem:$0x1FAD0] =	vst v11;
	v11 =	vld.idx.msk [tilespmem:v4+s31+$0x6140 ss:$0x1], $0xffff;
	v0 =	vsub.f32 v0, v1  }
0x1eb: {  	v42 =	vld.idx.msk [tilespmem:v4+s31+$0x1A0 ss:$0x1], $0xffff  }
0x1ec: {  	[tilespmem:$0x1FC10] =	vst v0;
	v0 =	vld [tilespmem:$0x1FA30]  }
0x1ed: {  	v35 =	vld.idx.msk [tilespmem:v4+s31+$0x140 ss:$0x1], $0xffff  }
0x1ee: {  	v34 =	vld.idx.msk [tilespmem:v4+s31+$0x2140 ss:$0x1], $0xffff  }
0x1ef: {  	[tilespmem:$0x1FAC0] =	vst v11;
	v11 =	vld.idx.msk [tilespmem:v4+s31+$0x41B0 ss:$0x1], $0xffff  }
0x1f0: {  	v9 =	vld [tilespmem:$0x1FA90]  }
0x1f1: {  	v33 =	vld.idx.msk [tilespmem:v4+s31+$0x6040 ss:$0x1], $0xffff;
	v0 =	vsub.f32 v0, v1  }
0x1f2: {  	v25 =	vld.idx.msk [tilespmem:v4+s31+$0x6120 ss:$0x1], $0xffff  }
0x1f3: {  	[tilespmem:$0x1FC30] =	vst v0;
	v0 =	vld [tilespmem:$0x1FA40]  }
0x1f4: {  	[tilespmem:$0x1FAF0] =	vst v11;
	v11 =	vld.idx.msk [tilespmem:v4+s31+$0x61B0 ss:$0x1], $0xffff  }
0x1f5: {  	v58 =	vsub.f32 v47, v58;
	v47 =	vld [tilespmem:$0x1FAD0];
	v9 =	vsub.f32 v9, v60  }
0x1f6: {  	v3 =	vld.idx.msk [tilespmem:v4+s31+$0x40C0 ss:$0x1], $0xffff  }
0x1f7: {  	[tilespmem:$0x1FCC0] =	vst v9;
	v9 =	vld [tilespmem:$0x1FAA0]  }
0x1f8: {  	v7 =	vld.idx.msk [tilespmem:v4+s31+$0x4050 ss:$0x1], $0xffff;
	v0 =	vsub.f32 v49, v0  }
0x1f9: {  	[tilespmem:$0x1FAE0] =	vst v11;
	v11 =	vld.idx.msk [tilespmem:v4+s31+$0x2120 ss:$0x1], $0xffff  }
0x1fa: {  	v5 =	vld.idx.msk [tilespmem:v4+s31+$0x6050 ss:$0x1], $0xffff;
	[tilespmem:$0x1FC50] =	vst v0;
	v0 =	vsub.f32 v49, v50  }
0x1fb: {  	[tilespmem:$0x1FB30] =	vst v3;
	v3 =	vld.idx.msk [tilespmem:v4+s31+$0x60C0 ss:$0x1], $0xffff  }
0x1fc: {  	v9 =	vsub.f32 v40, v9;
	[tilespmem:$0x1FC40] =	vst v0;
	v0 =	vld [tilespmem:$0x1FA50]  }
0x1fd: {  	[tilespmem:$0x1FB10] =	vst v7;
	v7 =	vld.idx.msk [tilespmem:v4+s31+$0x190 ss:$0x1], $0xffff  }
0x1fe: {  	[tilespmem:$0x1FCD0] =	vst v9;
	v9 =	vld [tilespmem:$0x1FAB0]  }
0x1ff: {  	[tilespmem:$0x1FB00] =	vst v5;
	v5 =	vld.idx.msk [tilespmem:v4+s31+$0x30 ss:$0x1], $0xffff  }
0x200: {  	v27 =	vld.idx.msk [tilespmem:v4+s31+$0x2130 ss:$0x1], $0xffff  }
0x201: {  	[tilespmem:$0x1FB20] =	vst v3;
	v3 =	vld.idx.msk [tilespmem:v4+s31+$0x2030 ss:$0x1], $0xffff;
	v0 =	vsub.f32 v0, v50  }
0x202: {  	v38 =	vld.idx.msk [tilespmem:v4+s31+$0x61A0 ss:$0x1], $0xffff  }
0x203: {  	v9 =	vsub.f32 v9, v46;
	[tilespmem:$0x1FC60] =	vst v0;
	v0 =	vld [tilespmem:$0x1FA60]  }
0x204: {  	v37 =	vld.idx.msk [tilespmem:v4+s31+$0x4040 ss:$0x1], $0xffff  }
0x205: {  	[tilespmem:$0x1FCE0] =	vst v9;
	v9 =	vld [tilespmem:$0x1FAC0]  }
0x206: {  	v15 =	vld.idx.msk [tilespmem:v4+s31+$0x20B0 ss:$0x1], $0xffff  }
0x207: {  	v49 =	vld [tilespmem:$0x1FAE0]  }
0x208: {  	v8 =	vld.idx.msk [tilespmem:v4+s31+$0x2180 ss:$0x1], $0xffff;
	v0 =	vsub.f32 v56, v0  }
0x209: {  	v20 =	vld.idx.msk [tilespmem:v4+s31+$0x4030 ss:$0x1], $0xffff  }
0x20a: {  	v9 =	vsub.f32 v35, v9;
	[tilespmem:$0x1FC80] =	vst v0;
	v0 =	vsub.f32 v56, v55;
	v56 =	vld [tilespmem:$0x1FB00]  }
0x20b: {  	v47 =	vsub.f32 v47, v34;
	v31 =	vld.idx.msk [tilespmem:v4+s31+$0x40B0 ss:$0x1], $0xffff  }
0x20c: {  	[tilespmem:$0x1FD00] =	vst v9;
	v9 =	vsub.f32 v35, v34;
	v34 =	vsub.f32 v32, v49;
	v49 =	vld [tilespmem:$0x1FB20]  }
0x20d: {  	v19 =	vld.idx.msk [tilespmem:v4+s31+$0x40 ss:$0x1], $0xffff  }
0x20e: {  	v17 =	vld.idx.msk [tilespmem:v4+s31+$0xB0 ss:$0x1], $0xffff  }
0x20f: {  	v16 =	vld.idx.msk [tilespmem:v4+s31+$0x6030 ss:$0x1], $0xffff;
	[tilespmem:$0x1FD20] =	vst v34;
	v34 =	vsub.f32 v30, v56  }
0x210: {  	v14 =	vld.idx.msk [tilespmem:v4+s31+$0x40A0 ss:$0x1], $0xffff  }
0x211: {  	v50 =	vld [tilespmem:$0x1FAF0];
	[tilespmem:$0x1FD50] =	vst v34;
	v34 =	vsub.f32 v28, v49;
	v28 =	vsub.f32 v28, v26  }
0x212: {  	v12 =	vld.idx.msk [tilespmem:v4+s31+$0x120 ss:$0x1], $0xffff  }
0x213: {  	[tilespmem:$0x1FD60] =	vst v28;
	v28 =	vld [tilespmem:$0x1FB30]  }
0x214: {  	v32 =	vsub.f32 v32, v36;
	[tilespmem:$0x1FC70] =	vst v0;
	v0 =	vld [tilespmem:$0x1FA70]  }
0x215: {  	v10 =	vld.idx.msk [tilespmem:v4+s31+$0x180 ss:$0x1], $0xffff  }
0x216: {  	v40 =	vsub.f32 v40, v46;
	v46 =	vld.idx.msk [tilespmem:v4+s31+$0x4100 ss:$0x1], $0xffff;
	[tilespmem:$0x1FD10] =	vst v32;
	v32 =	vsub.f32 v50, v36  }
0x217: {  	v35 =	vld.idx.msk [tilespmem:v4+s31+$0x110 ss:$0x1], $0xffff;
	[tilespmem:$0x1FCF0] =	vst v9;
	v30 =	vsub.f32 v30, v54  }
0x218: {  	v13 =	vld.idx.msk [tilespmem:v4+s31+$0x60A0 ss:$0x1], $0xffff;
	[tilespmem:$0x1FD30] =	vst v32;
	v26 =	vsub.f32 v28, v26;
	v28 =	vsub.f32 v62, v41  }
0x219: {  	v9 =	vld.idx.msk [tilespmem:v4+s31+$0x6100 ss:$0x1], $0xffff;
	v0 =	vsub.f32 v0, v55;
	[tilespmem:$0x1FD40] =	vst v30  }
0x21a: {  	v21 =	vld.idx.msk [tilespmem:v4+s31+$0x6190 ss:$0x1], $0xffff;
	[tilespmem:$0x1FDA0] =	vst v28;
	v28 =	vsub.f32 v62, v27  }
0x21b: {  	v2 =	vld.idx.msk [tilespmem:v4+s31+$0xA0 ss:$0x1], $0xffff;
	[tilespmem:$0x1FC90] =	vst v0  }
0x21c: {  	v1 =	vld.idx.msk [tilespmem:v4+s31+$0x20A0 ss:$0x1], $0xffff;
	[tilespmem:$0x1FD90] =	vst v28;
	v28 =	vsub.f32 v42, v53  }
0x21d: {  	v45 =	vsub.f32 v45, v27;
	v0 =	vld [tilespmem:$0x1FA80];
	[tilespmem:$0x1FD80] =	vst v26;
	v27 =	vsub.f32 v42, v38  }
0x21e: {  	v36 =	vld [tilespmem:$0x1FB10];
	[tilespmem:$0x1FDB0] =	vst v28;
	v28 =	vsub.f32 v39, v53  }
0x21f: {  	v32 =	vld.idx.msk [tilespmem:v4+s31+$0x2110 ss:$0x1], $0xffff;
	[tilespmem:$0x1FDC0] =	vst v27;
	v53 =	vsub.f32 v19, v18;
	v18 =	vsub.f32 v37, v18  }
0x220: {  	v56 =	vld.idx.msk [tilespmem:v4+s31+$0x2020 ss:$0x1], $0xffff;
	v39 =	vsub.f32 v10, v23;
	v10 =	vsub.f32 v10, v8;
	[tilespmem:$0x1FDD0] =	vst v28  }
0x221: {  	v30 =	vld.idx.msk [tilespmem:v4+s31+$0x4110 ss:$0x1], $0xffff;
	[tilespmem:$0x1FDF0] =	vst v18;
	v18 =	vsub.f32 v17, v59  }
0x222: {  	v55 =	vsub.f32 v63, v0;
	v0 =	vld.idx.msk [tilespmem:v4+s31+$0x100 ss:$0x1], $0xffff;
	v17 =	vsub.f32 v17, v15;
	[tilespmem:$0x1FE60] =	vst v10  }
0x223: {  	v63 =	vsub.f32 v63, v60;
	v60 =	vld.idx.msk [tilespmem:v4+s31+$0x2100 ss:$0x1], $0xffff;
	v15 =	vsub.f32 v31, v15;
	[tilespmem:$0x1FE10] =	vst v18  }
0x224: {  	v26 =	vld.idx.msk [tilespmem:v4+s31+$0x20 ss:$0x1], $0xffff;
	v28 =	vsub.f32 v19, v33;
	v10 =	vsub.f32 v7, v21;
	[tilespmem:$0x1FE00] =	vst v17  }
0x225: {  	v27 =	vld.idx.msk [tilespmem:v4+s31+$0x4020 ss:$0x1], $0xffff;
	[tilespmem:$0x1FE20] =	vst v15;
	v17 =	vsub.f32 v12, v25;
	v12 =	vsub.f32 v12, v11  }
0x226: {  	v19 =	vld.idx.msk [tilespmem:v4+s31+$0x80 ss:$0x1], $0xffff;
	v11 =	vsub.f32 v29, v11;
	[tilespmem:$0x1FE90] =	vst v10;
	v29 =	vsub.f32 v2, v13  }
0x227: {  	v18 =	vld.idx.msk [tilespmem:v4+s31+$0x2080 ss:$0x1], $0xffff;
	v2 =	vsub.f32 v2, v1;
	v25 =	vsub.f32 v0, v9;
	[tilespmem:$0x1FE40] =	vst v17  }
0x228: {  	v15 =	vld.idx.msk [tilespmem:v4+s31+$0x4080 ss:$0x1], $0xffff;
	v0 =	vsub.f32 v0, v60;
	[tilespmem:$0x1FE30] =	vst v12;
	v17 =	vsub.f32 v5, v16  }
0x229: {  	v12 =	vld.idx.msk [tilespmem:v4+s31+$0x6080 ss:$0x1], $0xffff;
	v5 =	vsub.f32 v5, v3;
	v3 =	vsub.f32 v20, v3;
	[tilespmem:$0x1FED0] =	vst v2  }
0x22a: {  	v2 =	vld.idx.msk [tilespmem:v4+s31+$0x2000 ss:$0x1], $0xffff;
	[tilespmem:$0x1FEF0] =	vst v0;
	v0 =	vsub.f32 v46, v60  }
0x22b: {  	v1 =	vsub.f32 v14, v1;
	[tilespmem:$0x1FEC0] =	vst v3;
	v3 =	vld.idx.msk [tilespmem:v4+s31+$0x0 ss:$0x1], $0xffff  }
0x22c: {  	[tilespmem:$0x1FF00] =	vst v0;
	v0 =	vld.idx.msk [tilespmem:v4+s31+$0x6000 ss:$0x1], $0xffff  }
0x22d: {  	v36 =	vsub.f32 v36, v54;
	v10 =	vsub.f32 v26, v56;
	[tilespmem:$0x1FEE0] =	vst v1  }
0x22e: {  	v37 =	vsub.f32 v27, v56;
	v1 =	vld.idx.msk [tilespmem:v4+s31+$0x4000 ss:$0x1], $0xffff;
	[tilespmem:$0x1FEB0] =	vst v5;
	v5 =	vsub.f32 v35, v32  }
0x22f: {  	v9 =	vsub.f32 v30, v32;
	[tilespmem:$0x1FF30] =	vst v10;
	v10 =	vld.idx.msk [tilespmem:v4+s31+$0x6010 ss:$0x1], $0xffff;
	v54 =	vsub.f32 v15, v18  }
0x230: {  	[tilespmem:$0x1FF10] =	vst v5;
	v5 =	vld.idx.msk [tilespmem:v4+s31+$0x10 ss:$0x1], $0xffff;
	v27 =	vsub.f32 v19, v12;
	v19 =	vsub.f32 v19, v18  }
0x231: {  	v18 =	vsub.f32 v3, v0;
	v0 =	vsub.f32 v3, v2  }
0x232: {  	[tilespmem:$0x1FF20] =	vst v9;
	v9 =	vld.idx.msk [tilespmem:v4+s31+$0x2010 ss:$0x1], $0xffff  }
0x233: {  	[tilespmem:$0x1FF60] =	vst v0;
	v0 =	vsub.f32 v1, v2;
	_ =	sdelay $0x1  }
0x234: {  	v24 =	vld.idx.msk [tilespmem:v4+s31+$0x4180 ss:$0x1], $0xffff;
	[tilespmem:$0x1FF70] =	vst v0;
	v0 =	vsub.f32 v5, v10;
	_ =	sdelay $0x1  }
0x235: {  	[tilespmem:$0x1FF90] =	vst v0;
	v0 =	vsub.f32 v5, v9;
	_ =	sdelay $0x1  }
0x236: {  	v1 =	vand.u32 $0x7FFFFFFF, v58;
	[tilespmem:$0x1FF80] =	vst v0;
	v0 =	vand.u32 $0x7FFFFFFF, v44  }
0x237: {  	v8 =	vsub.f32 v24, v8;
	v24 =	vsub.f32 v0, v1;
	v1 =	vld [tilespmem:$0x1FB40];
	_ =	sdelay $0x3  }
0x238: {  	v2 =	vand.u32 $0x7FFFFFFF, v43  }
0x239: {  	v16 =	vsub.f32 v0, v2;
	v0 =	vand.u32 $0x7FFFFFFF, v57;
	v1 =	vand.u32 $0x7FFFFFFF, v1  }
0x23a: {  	[tilespmem:$0x1FD70] =	vst v34;
	v34 =	vsub.f32 v0, v1;
	v1 =	vld [tilespmem:$0x1FB50];
	_ =	sdelay $0x2  }
0x23b: {  	v2 =	vand.u32 $0x7FFFFFFF, v51  }
0x23c: {  	v30 =	vsub.f32 v0, v2  }
0x23d: {  	v2 =	vand.u32 $0x7FFFFFFF, v52;
	v0 =	vand.u32 $0x7FFFFFFF, v48;
	v1 =	vand.u32 $0x7FFFFFFF, v1  }
0x23e: {  	v33 =	vsub.f32 v0, v2;
	v42 =	vsub.f32 v0, v1;
	v0 =	vld [tilespmem:$0x1FB60];
	_ =	sdelay $0x4  }
0x23f: {  	v2 =	vand.u32 $0x7FFFFFFF, v0;
	v0 =	vld [tilespmem:$0x1FB70];
	_ =	sdelay $0x4  }
0x240: {  	v3 =	vand.u32 $0x7FFFFFFF, v0;
	v0 =	vld [tilespmem:$0x1FB80];
	_ =	sdelay $0x3  }
0x241: {  	v1 =	vand.u32 $0x7FFFFFFF, v61  }
0x242: {  	v21 =	vsub.f32 v1, v2;
	v41 =	vsub.f32 v1, v3;
	v1 =	vand.u32 $0x7FFFFFFF, v0;
	v0 =	vld [tilespmem:$0x1FB90];
	_ =	sdelay $0x4  }
0x243: {  	v2 =	vand.u32 $0x7FFFFFFF, v0;
	v0 =	vld [tilespmem:$0x1FBA0];
	_ =	sdelay $0x4  }
0x244: {  	v3 =	vand.u32 $0x7FFFFFFF, v0;
	v0 =	vld [tilespmem:$0x1FBB0]  }
0x245: {  	v22 =	vld.idx.msk [tilespmem:v4+s31+$0x4190 ss:$0x1], $0xffff  }
0x246: {  	v6 =	vld.idx.msk [tilespmem:v4+s31+$0x2190 ss:$0x1], $0xffff;
	_ =	sdelay $0x2  }
0x247: {  	v20 =	vsub.f32 v1, v2;
	v43 =	vsub.f32 v1, v3;
	v1 =	vand.u32 $0x7FFFFFFF, v0;
	v0 =	vld [tilespmem:$0x1FBC0];
	_ =	sdelay $0x1  }
0x248: {  	v7 =	vsub.f32 v7, v6;
	v6 =	vsub.f32 v22, v6  }
0x249: {  	[tilespmem:$0x1FE70] =	vst v8;
	v8 =	vld.idx.msk [tilespmem:v4+s31+$0x2090 ss:$0x1], $0xffff  }
0x24a: {  	[tilespmem:$0x1FEA0] =	vst v6;
	v6 =	vld.idx.msk [tilespmem:v4+s31+$0x6090 ss:$0x1], $0xffff  }
0x24b: {  	v2 =	vand.u32 $0x7FFFFFFF, v0;
	v0 =	vld [tilespmem:$0x1FBD0]  }
0x24c: {  	[tilespmem:$0x1FE50] =	vst v11;
	v11 =	vld.idx.msk [tilespmem:v4+s31+$0x90 ss:$0x1], $0xffff;
	_ =	sdelay $0x1  }
0x24d: {  	[tilespmem:$0x1FE80] =	vst v7;
	v7 =	vld.idx.msk [tilespmem:v4+s31+$0x4090 ss:$0x1], $0xffff;
	_ =	sdelay $0x1  }
0x24e: {  	v3 =	vand.u32 $0x7FFFFFFF, v0;
	v0 =	vld [tilespmem:$0x1FBE0]  }
0x24f: {  	v23 =	vsub.f32 v11, v6;
	v6 =	vsub.f32 v11, v8;
	_ =	sdelay $0x1  }
0x250: {  	[tilespmem:$0x1FF40] =	vst v6;
	v6 =	vsub.f32 v7, v8;
	_ =	sdelay $0x1  }
0x251: {  	[tilespmem:$0x1FF50] =	vst v6;
	v57 =	vsub.f32 v1, v2;
	v6 =	vsub.f32 v1, v3;
	v1 =	vand.u32 $0x7FFFFFFF, v0;
	v0 =	vld [tilespmem:$0x1FBF0];
	_ =	sdelay $0x4  }
0x252: {  	v2 =	vand.u32 $0x7FFFFFFF, v0;
	v0 =	vld [tilespmem:$0x1FC00];
	_ =	sdelay $0x4  }
0x253: {  	v3 =	vand.u32 $0x7FFFFFFF, v0;
	v0 =	vld [tilespmem:$0x1FC10];
	_ =	sdelay $0x4  }
0x254: {  	v49 =	vsub.f32 v1, v2;
	v44 =	vsub.f32 v1, v3;
	v1 =	vand.u32 $0x7FFFFFFF, v0;
	v0 =	vld [tilespmem:$0x1FC20];
	_ =	sdelay $0x4  }
0x255: {  	v2 =	vand.u32 $0x7FFFFFFF, v0;
	v0 =	vld [tilespmem:$0x1FC30];
	_ =	sdelay $0x3  }
0x256: {  	v50 =	vld.idx.msk [tilespmem:v4+s31+$0x6110 ss:$0x1], $0xffff  }
0x257: {  	v3 =	vand.u32 $0x7FFFFFFF, v0;
	v0 =	vld [tilespmem:$0x1FC40];
	_ =	sdelay $0x3  }
0x258: {  	v31 =	vsub.f32 v35, v50  }
0x259: {  	v56 =	vsub.f32 v1, v2;
	v50 =	vsub.f32 v1, v3;
	v1 =	vand.u32 $0x7FFFFFFF, v0;
	v0 =	vld [tilespmem:$0x1FC50];
	_ =	sdelay $0x4  }
0x25a: {  	v2 =	vand.u32 $0x7FFFFFFF, v0;
	v0 =	vld [tilespmem:$0x1FC60];
	_ =	sdelay $0x4  }
0x25b: {  	v3 =	vand.u32 $0x7FFFFFFF, v0;
	v0 =	vld [tilespmem:$0x1FC70];
	_ =	sdelay $0x4  }
0x25c: {  	v35 =	vsub.f32 v1, v2;
	v8 =	vsub.f32 v1, v3;
	v1 =	vand.u32 $0x7FFFFFFF, v0;
	v0 =	vld [tilespmem:$0x1FC80];
	_ =	sdelay $0x4  }
0x25d: {  	v2 =	vand.u32 $0x7FFFFFFF, v0;
	v0 =	vld [tilespmem:$0x1FC90];
	_ =	sdelay $0x4  }
0x25e: {  	v3 =	vand.u32 $0x7FFFFFFF, v0;
	v0 =	vsub.f32 v1, v2;
	_ =	sdelay $0x1  }
0x25f: {  	[tilespmem:$0x1FCA0] =	vst v0;
	v0 =	vsub.f32 v1, v3;
	_ =	sdelay $0x1  }
0x260: {  	[tilespmem:$0x1FCB0] =	vst v0;
	v0 =	vld [tilespmem:$0x1FCC0];
	_ =	sdelay $0x4  }
0x261: {  	v3 =	vand.u32 $0x7FFFFFFF, v0;
	v0 =	vld [tilespmem:$0x1FCD0];
	_ =	sdelay $0x3  }
0x262: {  	v2 =	vand.u32 $0x7FFFFFFF, v55;
	v1 =	vand.u32 $0x7FFFFFFF, v63  }
0x263: {  	v59 =	vsub.f32 v1, v2;
	v2 =	vand.u32 $0x7FFFFFFF, v0;
	v0 =	vld [tilespmem:$0x1FCE0];
	_ =	sdelay $0x4  }
0x264: {  	v55 =	vsub.f32 v1, v3;
	v3 =	vand.u32 $0x7FFFFFFF, v0;
	v0 =	vld [tilespmem:$0x1FCF0];
	_ =	sdelay $0x3  }
0x265: {  	v1 =	vand.u32 $0x7FFFFFFF, v40  }
0x266: {  	v60 =	vsub.f32 v1, v2;
	v38 =	vsub.f32 v1, v3;
	v1 =	vand.u32 $0x7FFFFFFF, v0;
	v0 =	vld [tilespmem:$0x1FD00];
	_ =	sdelay $0x4  }
0x267: {  	v2 =	vand.u32 $0x7FFFFFFF, v0;
	v0 =	vld [tilespmem:$0x1FD10];
	_ =	sdelay $0x3  }
0x268: {  	v3 =	vand.u32 $0x7FFFFFFF, v47  }
0x269: {  	v7 =	vsub.f32 v1, v3;
	v46 =	vsub.f32 v1, v2;
	v1 =	vand.u32 $0x7FFFFFFF, v0;
	v0 =	vld [tilespmem:$0x1FD20];
	_ =	sdelay $0x4  }
0x26a: {  	v2 =	vand.u32 $0x7FFFFFFF, v0;
	v0 =	vld [tilespmem:$0x1FD30];
	_ =	sdelay $0x3  }
0x26b: {  	v62 =	vld.idx.msk [tilespmem:v4+s31+$0x6020 ss:$0x1], $0xffff  }
0x26c: {  	v3 =	vand.u32 $0x7FFFFFFF, v0;
	v0 =	vld [tilespmem:$0x1FD40];
	_ =	sdelay $0x3  }
0x26d: {  	[tilespmem:$0x1FDE0] =	vst v28;
	v28 =	vsub.f32 v26, v62  }
0x26e: {  	v47 =	vsub.f32 v1, v2;
	v26 =	vsub.f32 v1, v3;
	v1 =	vand.u32 $0x7FFFFFFF, v0;
	v0 =	vld [tilespmem:$0x1FD50];
	_ =	sdelay $0x4  }
0x26f: {  	v2 =	vand.u32 $0x7FFFFFFF, v0;
	v0 =	vld [tilespmem:$0x1FD60];
	_ =	sdelay $0x3  }
0x270: {  	v3 =	vand.u32 $0x7FFFFFFF, v36  }
0x271: {  	v36 =	vsub.f32 v1, v3;
	v58 =	vsub.f32 v1, v2;
	v1 =	vand.u32 $0x7FFFFFFF, v0;
	v0 =	vld [tilespmem:$0x1FD70];
	_ =	sdelay $0x4  }
0x272: {  	v2 =	vand.u32 $0x7FFFFFFF, v0;
	v0 =	vld [tilespmem:$0x1FD80];
	_ =	sdelay $0x4  }
0x273: {  	v3 =	vand.u32 $0x7FFFFFFF, v0;
	v0 =	vld [tilespmem:$0x1FD90];
	_ =	sdelay $0x4  }
0x274: {  	v22 =	vsub.f32 v1, v2;
	v51 =	vsub.f32 v1, v3;
	v1 =	vand.u32 $0x7FFFFFFF, v0;
	v0 =	vld [tilespmem:$0x1FDA0];
	_ =	sdelay $0x4  }
0x275: {  	v2 =	vand.u32 $0x7FFFFFFF, v0;
	v0 =	vld [tilespmem:$0x1FDB0];
	_ =	sdelay $0x3  }
0x276: {  	v3 =	vand.u32 $0x7FFFFFFF, v45  }
0x277: {  	v45 =	vsub.f32 v1, v3;
	v48 =	vsub.f32 v1, v2;
	v1 =	vand.u32 $0x7FFFFFFF, v0;
	v0 =	vld [tilespmem:$0x1FDC0];
	_ =	sdelay $0x4  }
0x278: {  	v2 =	vand.u32 $0x7FFFFFFF, v0;
	v0 =	vld [tilespmem:$0x1FDD0];
	_ =	sdelay $0x4  }
0x279: {  	v3 =	vand.u32 $0x7FFFFFFF, v0  }
0x27a: {  	v0 =	vsub.f32 v1, v3;
	_ =	sdelay $0x1  }
0x27b: {  	[tilespmem:$0x1FFA0] =	vst v0;
	v0 =	vld [tilespmem:$0x1FDE0];
	_ =	sdelay $0x4  }
0x27c: {  	v3 =	vand.u32 $0x7FFFFFFF, v0;
	v0 =	vld [tilespmem:$0x1FDF0];
	_ =	sdelay $0x4  }
0x27d: {  	v11 =	vand.u32 $0x7FFFFFFF, v0;
	v0 =	vld [tilespmem:$0x1FE00];
	_ =	sdelay $0x3  }
0x27e: {  	v10 =	vsub.f32 v1, v2;
	v2 =	vand.u32 $0x7FFFFFFF, v53  }
0x27f: {  	v40 =	vsub.f32 v2, v3;
	v32 =	vsub.f32 v2, v11;
	v2 =	vand.u32 $0x7FFFFFFF, v0;
	v0 =	vld [tilespmem:$0x1FE10];
	_ =	sdelay $0x4  }
0x280: {  	v3 =	vand.u32 $0x7FFFFFFF, v0;
	v0 =	vld [tilespmem:$0x1FE20];
	_ =	sdelay $0x4  }
0x281: {  	v11 =	vand.u32 $0x7FFFFFFF, v0;
	v0 =	vld [tilespmem:$0x1FE30];
	_ =	sdelay $0x4  }
0x282: {  	v53 =	vsub.f32 v2, v3;
	v52 =	vsub.f32 v2, v11;
	v2 =	vand.u32 $0x7FFFFFFF, v0;
	v0 =	vld [tilespmem:$0x1FE40];
	_ =	sdelay $0x4  }
0x283: {  	v3 =	vand.u32 $0x7FFFFFFF, v0;
	v0 =	vld [tilespmem:$0x1FE50];
	_ =	sdelay $0x3  }
0x284: {  	v12 =	vld.idx.msk [tilespmem:v4+s31+$0x4010 ss:$0x1], $0xffff  }
0x285: {  	v11 =	vand.u32 $0x7FFFFFFF, v0;
	v0 =	vld [tilespmem:$0x1FE60];
	_ =	sdelay $0x3  }
0x286: {  	v62 =	vsub.f32 v12, v9  }
0x287: {  	v12 =	vsub.f32 v2, v3;
	v11 =	vsub.f32 v2, v11;
	v2 =	vand.u32 $0x7FFFFFFF, v0;
	v0 =	vld [tilespmem:$0x1FE70];
	_ =	sdelay $0x4  }
0x288: {  	v13 =	vand.u32 $0x7FFFFFFF, v0;
	v0 =	vld [tilespmem:$0x1FE80];
	_ =	sdelay $0x3  }
0x289: {  	v3 =	vand.u32 $0x7FFFFFFF, v39  }
0x28a: {  	v14 =	vsub.f32 v2, v3;
	v13 =	vsub.f32 v2, v13;
	v2 =	vand.u32 $0x7FFFFFFF, v0;
	v0 =	vld [tilespmem:$0x1FE90];
	_ =	sdelay $0x4  }
0x28b: {  	v3 =	vand.u32 $0x7FFFFFFF, v0;
	v0 =	vld [tilespmem:$0x1FEA0];
	_ =	sdelay $0x4  }
0x28c: {  	v15 =	vand.u32 $0x7FFFFFFF, v0;
	v0 =	vld [tilespmem:$0x1FEB0];
	_ =	sdelay $0x4  }
0x28d: {  	v61 =	vsub.f32 v2, v3;
	v15 =	vsub.f32 v2, v15;
	v2 =	vand.u32 $0x7FFFFFFF, v0;
	v0 =	vld [tilespmem:$0x1FEC0];
	_ =	sdelay $0x4  }
0x28e: {  	v3 =	vand.u32 $0x7FFFFFFF, v17;
	v0 =	vand.u32 $0x7FFFFFFF, v0  }
0x28f: {  	v3 =	vsub.f32 v2, v3;
	v2 =	vsub.f32 v2, v0;
	v0 =	vld [tilespmem:$0x1FED0];
	_ =	sdelay $0x4  }
0x290: {  	v5 =	vand.u32 $0x7FFFFFFF, v0;
	v0 =	vld [tilespmem:$0x1FEE0];
	_ =	sdelay $0x3  }
0x291: {  	v1 =	vand.u32 $0x7FFFFFFF, v29  }
0x292: {  	v29 =	vsub.f32 v5, v1;
	v1 =	vld [tilespmem:$0x1FF00];
	v0 =	vand.u32 $0x7FFFFFFF, v0  }
0x293: {  	v17 =	vsub.f32 v5, v0;
	v0 =	vld [tilespmem:$0x1FEF0];
	_ =	sdelay $0x4  }
0x294: {  	v5 =	vand.u32 $0x7FFFFFFF, v25;
	v1 =	vand.u32 $0x7FFFFFFF, v1;
	v0 =	vand.u32 $0x7FFFFFFF, v0  }
0x295: {  	v39 =	vsub.f32 v0, v5;
	v25 =	vsub.f32 v0, v1;
	v0 =	vld [tilespmem:$0x1FF10]  }
0x296: {  	v5 =	vld [tilespmem:$0x1FF20];
	_ =	sdelay $0x4  }
0x297: {  	v1 =	vand.u32 $0x7FFFFFFF, v31;
	v0 =	vand.u32 $0x7FFFFFFF, v0;
	v9 =	vand.u32 $0x7FFFFFFF, v5  }
0x298: {  	v31 =	vsub.f32 v0, v1;
	v5 =	vsub.f32 v0, v9;
	v0 =	vld [tilespmem:$0x1FF30];
	_ =	sdelay $0x4  }
0x299: {  	v1 =	vand.u32 $0x7FFFFFFF, v28;
	v0 =	vand.u32 $0x7FFFFFFF, v0  }
0x29a: {  	v54 =	vand.u32 $0x7FFFFFFF, v54;
	v9 =	vand.u32 $0x7FFFFFFF, v37;
	v28 =	vsub.f32 v0, v1  }
0x29b: {  	v37 =	vsub.f32 v0, v9;
	v0 =	vand.u32 $0x7FFFFFFF, v19;
	v1 =	vand.u32 $0x7FFFFFFF, v27  }
0x29c: {  	v19 =	vsub.f32 v0, v1;
	v27 =	vsub.f32 v0, v54;
	v0 =	vld [tilespmem:$0x1FF40];
	_ =	sdelay $0x4  }
0x29d: {  	v63 =	vand.u32 $0x7FFFFFFF, v0;
	v0 =	vld [tilespmem:$0x1FF50];
	_ =	sdelay $0x3  }
0x29e: {  	v1 =	vand.u32 $0x7FFFFFFF, v23  }
0x29f: {  	v23 =	vsub.f32 v63, v1;
	v1 =	vld [tilespmem:$0x1FF70];
	v0 =	vand.u32 $0x7FFFFFFF, v0  }
0x2a0: {  	v54 =	vsub.f32 v63, v0;
	v0 =	vld [tilespmem:$0x1FF60];
	_ =	sdelay $0x4  }
0x2a1: {  	v9 =	vand.u32 $0x7FFFFFFF, v18;
	v63 =	vand.u32 $0x7FFFFFFF, v1;
	v1 =	vld [tilespmem:$0x1FF80];
	v0 =	vand.u32 $0x7FFFFFFF, v0  }
0x2a2: {  	v18 =	vsub.f32 v0, v9;
	v9 =	vld [tilespmem:$0x1FF90];
	_ =	sdelay $0x3  }
0x2a3: {  	v14 =	vadd.f32 v61, v14;
	v1 =	vand.u32 $0x7FFFFFFF, v1  }
0x2a4: {  	v0 =	vsub.f32 v0, v63;
	v63 =	vand.u32 $0x7FFFFFFF, v62;
	v9 =	vand.u32 $0x7FFFFFFF, v9  }
0x2a5: {  	v9 =	vsub.f32 v1, v9;
	v1 =	vsub.f32 v1, v63;
	_ =	sdelay $0x1  }
0x2a6: {  	v1 =	vadd.f32 v1, v0;
	v0 =	vadd.f32 v10, v14;
	v10 =	vld [tilespmem:$0x1FFA0]  }
0x2a7: {  	v13 =	vadd.f32 v15, v13;
	v39 =	vadd.f32 v31, v39  }
0x2a8: {  	v5 =	vadd.f32 v5, v25;
	v23 =	vadd.f32 v23, v19  }
0x2a9: {  	v9 =	vadd.f32 v9, v18;
	v18 =	vadd.f32 v54, v27  }
0x2aa: {  	v14 =	vadd.f32 v12, v39;
	v12 =	vadd.f32 v29, v23  }
0x2ab: {  	v1 =	vadd.f32 v37, v1;
	v15 =	vadd.f32 v10, v13  }
0x2ac: {  	v13 =	vadd.f32 v11, v5;
	v10 =	vadd.f32 v28, v9  }
0x2ad: {  	s19 =	simm.s32 $0x1000;
	s18 =	smov.u32 s16;
	v11 =	vadd.f32 v17, v18;
	v9 =	vadd.f32 v47, v0  }
.LBB2_4:
0x2ae: {  	s20 =	sshra.s32 s19, $0x2  }
0x2af: {  	v0 =	vld.idx.msk [tilespmem:v4+s20+$0x41F0 ss:$0x1], $0xffff;
	_ =	sdelay $0x4  }
0x2b0: {  	[tilespmem:$0x1EA20] =	vst v0;
	v0 =	vld [tilespmem:$0x1FCA0];
	_ =	sdelay $0x4  }
0x2b1: {  	v1 =	vadd.f32 v2, v1;
	v2 =	vadd.f32 v0, v9;
	v0 =	vld.idx.msk [tilespmem:v4+s20+$0x61F0 ss:$0x1], $0xffff;
	_ =	sdelay $0x4  }
0x2b2: {  	[tilespmem:$0x1EA00] =	vst v0;
	v0 =	vld [tilespmem:$0x1FCB0];
	_ =	sdelay $0x2  }
0x2b3: {  	v15 =	vadd.f32 v26, v15  }
0x2b4: {  	v3 =	vadd.f32 v3, v10  }
0x2b5: {  	v10 =	vadd.f32 v52, v11;
	v11 =	vadd.f32 v0, v15;
	v0 =	vld.idx.msk [tilespmem:v4+s20+$0x170 ss:$0x1], $0xffff;
	_ =	sdelay $0x4  }
0x2b6: {  	[tilespmem:$0x1EA10] =	vst v0;
	v0 =	vld.idx.msk [tilespmem:v4+s20+$0x4170 ss:$0x1], $0xffff;
	_ =	sdelay $0x4  }
0x2b7: {  	[tilespmem:$0x1EA30] =	vst v0;
	v0 =	vld.idx.msk [tilespmem:v4+s20+$0x1E0 ss:$0x1], $0xffff  }
0x2b8: {  	v5 =	vld.idx.msk [tilespmem:v4+s20+$0xF0 ss:$0x1], $0xffff;
	_ =	sdelay $0x3  }
0x2b9: {  	[tilespmem:$0x1EA40] =	vst v0;
	v0 =	vld.idx.msk [tilespmem:v4+s20+$0x21E0 ss:$0x1], $0xffff  }
0x2ba: {  	[tilespmem:$0x1EA70] =	vst v5;
	v5 =	vld.idx.msk [tilespmem:v4+s20+$0x40F0 ss:$0x1], $0xffff;
	_ =	sdelay $0x3  }
0x2bb: {  	[tilespmem:$0x1EA50] =	vst v0;
	v0 =	vld.idx.msk [tilespmem:v4+s20+$0x41E0 ss:$0x1], $0xffff  }
0x2bc: {  	v12 =	vadd.f32 v53, v12;
	v13 =	vadd.f32 v45, v13;
	[tilespmem:$0x1EAA0] =	vst v5;
	v5 =	vld.idx.msk [tilespmem:v4+s20+$0x60F0 ss:$0x1], $0xffff  }
0x2bd: {  	v14 =	vadd.f32 v48, v14  }
0x2be: {  	v12 =	vadd.f32 v22, v12;
	v13 =	vadd.f32 v7, v13  }
0x2bf: {  	v3 =	vadd.f32 v40, v3;
	v10 =	vadd.f32 v51, v10  }
0x2c0: {  	v1 =	vadd.f32 v32, v1;
	v12 =	vadd.f32 v60, v12;
	[tilespmem:$0x1EA80] =	vst v0;
	v0 =	vld.idx.msk [tilespmem:v4+s20+$0x61E0 ss:$0x1], $0xffff  }
0x2c1: {  	v13 =	vadd.f32 v8, v13;
	v3 =	vadd.f32 v58, v3;
	[tilespmem:$0x1EA90] =	vst v5;
	v5 =	vld.idx.msk [tilespmem:v4+s20+$0x160 ss:$0x1], $0xffff  }
0x2c2: {  	v10 =	vadd.f32 v38, v10;
	v1 =	vadd.f32 v36, v1  }
0x2c3: {  	v7 =	vadd.f32 v43, v13;
	v11 =	vadd.f32 v6, v11  }
0x2c4: {  	v3 =	vadd.f32 v59, v3;
	v9 =	vadd.f32 v46, v14  }
0x2c5: {  	v2 =	vadd.f32 v57, v2;
	[tilespmem:$0x1EA60] =	vst v0;
	v0 =	vadd.f32 v33, v11  }
0x2c6: {  	v10 =	vadd.f32 v50, v10;
	v9 =	vadd.f32 v35, v9;
	[tilespmem:$0x1EAB0] =	vst v5;
	v5 =	vld.idx.msk [tilespmem:v4+s20+$0x4160 ss:$0x1], $0xffff  }
0x2c7: {  	v2 =	vadd.f32 v42, v2;
	v0 =	vadd.f32 v16, v0;
	v16 =	vld [tilespmem:$0x1FFC0]  }
0x2c8: {  	v1 =	vadd.f32 v55, v1;
	v13 =	vld.idx.msk [tilespmem:v4+s20+$0x6160 ss:$0x1], $0xffff;
	v9 =	vadd.f32 v20, v9  }
0x2c9: {  	v7 =	vadd.f32 v30, v7;
	v2 =	vadd.f32 v24, v2  }
0x2ca: {  	v9 =	vadd.f32 v34, v9;
	v15 =	vld.idx.msk [tilespmem:v4+s20+$0x1D0 ss:$0x1], $0xffff;
	v11 =	vadd.f32 v56, v12  }
0x2cb: {  	v8 =	vadd.f32 v41, v10;
	v3 =	vadd.f32 v49, v3  }
0x2cc: {  	[tilespmem:$0x1EAD0] =	vst v5;
	v6 =	vadd.f32 v21, v11;
	v10 =	vperm.xlane v2, v16;
	v5 =	vperm.xlane v9, v16  }
0x2cd: {  	v1 =	vadd.f32 v44, v1;
	[tilespmem:$0x1EAC0] =	vst v13;
	v11 =	vperm.xlane v0, v16;
	v12 =	vperm.xlane v7, v16  }
0x2ce: {  	v13 =	vperm.xlane v6, v16;
	v14 =	vperm.xlane v8, v16;
	v5 =	vadd.f32 v9, v5;
	v9 =	vld.idx.msk [tilespmem:v4+s20+$0x41D0 ss:$0x1], $0xffff  }
0x2cf: {  	[tilespmem:$0x1EAE0] =	vst v15;
	v15 =	vperm.xlane v3, v16;
	v2 =	vadd.f32 v2, v10;
	v10 =	vperm.xlane v1, v16;
	v16 =	vld [tilespmem:$0x1FFD0];
	_ =	sdelay $0x3  }
0x2d0: {  	v0 =	vadd.f32 v11, v0;
	v11 =	vld.idx.msk [tilespmem:v4+s20+$0x61D0 ss:$0x1], $0xffff  }
0x2d1: {  	[tilespmem:$0x1EB00] =	vst v9;
	v9 =	vperm.xlane v2, v16;
	_ =	sdelay $0x1  }
0x2d2: {  	v2 =	vadd.f32 v2, v9;
	v9 =	vld.idx.msk [tilespmem:v4+s20+$0x4070 ss:$0x1], $0xffff;
	_ =	sdelay $0x1  }
0x2d3: {  	v7 =	vadd.f32 v12, v7;
	v3 =	vadd.f32 v3, v15;
	v15 =	vld [tilespmem:$0x1FFE0];
	[tilespmem:$0x1EAF0] =	vst v11;
	v11 =	vperm.xlane v5, v16;
	_ =	sdelay $0x1  }
0x2d4: {  	v6 =	vadd.f32 v6, v13;
	v13 =	vperm.xlane v7, v16;
	v5 =	vadd.f32 v5, v11;
	v11 =	vld.idx.msk [tilespmem:v4+s20+$0x6070 ss:$0x1], $0xffff  }
0x2d5: {  	v1 =	vadd.f32 v10, v1;
	[tilespmem:$0x1EB20] =	vst v9;
	v9 =	vperm.xlane v3, v16  }
0x2d6: {  	v12 =	vperm.xlane v0, v16;
	v10 =	vperm.xlane v6, v16;
	v7 =	vadd.f32 v13, v7;
	v13 =	vld.idx.msk [tilespmem:v4+s20+$0x40E0 ss:$0x1], $0xffff  }
0x2d7: {  	v8 =	vadd.f32 v14, v8;
	v3 =	vadd.f32 v3, v9;
	v9 =	vperm.xlane v2, v15  }
0x2d8: {  	v0 =	vadd.f32 v12, v0;
	v6 =	vadd.f32 v6, v10  }
0x2d9: {  	[tilespmem:$0x1EB10] =	vst v11;
	v11 =	vperm.xlane v1, v16;
	v2 =	vadd.f32 v2, v9;
	v9 =	vld.idx.msk [tilespmem:v4+s20+$0x60E0 ss:$0x1], $0xffff  }
0x2da: {  	v14 =	vperm.xlane v8, v16  }
0x2db: {  	v10 =	vperm.xlane v0, v15;
	[tilespmem:$0x1EB40] =	vst v13;
	v13 =	vperm.xlane v6, v15;
	v1 =	vadd.f32 v11, v1  }
0x2dc: {  	v8 =	vadd.f32 v14, v8;
	v16 =	vld [tilespmem:$0x1FFF0]  }
0x2dd: {  	v0 =	vadd.f32 v10, v0;
	v6 =	vadd.f32 v6, v13;
	v13 =	vld.idx.msk [tilespmem:v4+s20+$0x6150 ss:$0x1], $0xffff;
	v10 =	vperm.xlane v1, v15  }
0x2de: {  	[tilespmem:$0x1EB30] =	vst v9;
	v9 =	vperm.xlane v3, v15  }
0x2df: {  	v14 =	vperm.xlane v8, v15;
	v1 =	vadd.f32 v10, v1  }
0x2e0: {  	v12 =	vperm.xlane v7, v15;
	v3 =	vadd.f32 v3, v9  }
0x2e1: {  	v8 =	vadd.f32 v14, v8;
	v11 =	vperm.xlane v5, v15;
	v14 =	vperm.xlane v1, v16  }
0x2e2: {  	[tilespmem:$0x1EB50] =	vst v13;
	v9 =	vperm.xlane v2, v16;
	v13 =	vperm.xlane v3, v16  }
0x2e3: {  	v5 =	vadd.f32 v5, v11;
	v15 =	vperm.xlane v6, v16;
	v1 =	vadd.f32 v14, v1  }
0x2e4: {  	v2 =	vadd.f32 v2, v9;
	v9 =	vperm.xlane v8, v16;
	v3 =	vadd.f32 v3, v13  }
0x2e5: {  	v10 =	vperm.xlane v5, v16;
	v6 =	vadd.f32 v6, v15;
	v1 =	vadd.f32 $1.000000000e+00, v1  }
0x2e6: {  	v8 =	vadd.f32 v9, v8;
	v3 =	vadd.f32 $1.000000000e+00, v3  }
0x2e7: {  	v5 =	vadd.f32 v5, v10;
	v6 =	vadd.f32 $1.000000000e+00, v6  }
0x2e8: {  	v1 =	vmax.f32 v1, $0.0e+00;
	v8 =	vadd.f32 $1.000000000e+00, v8;
	v3 =	vmax.f32 v3, $0.0e+00  }
0x2e9: {  	v7 =	vadd.f32 v12, v7;
	v1 =	vadd.f32 v1, v3  }
0x2ea: {  	v12 =	vld.idx.msk [tilespmem:v4+s20+$0x4150 ss:$0x1], $0xffff;
	v3 =	vadd.f32 $1.000000000e+00, v5;
	v5 =	vmax.f32 v6, $0.0e+00;
	v6 =	vmax.f32 v8, $0.0e+00  }
0x2eb: {  	v5 =	vadd.f32 v6, v5;
	v6 =	vld.idx.msk [tilespmem:v4+s20+$0x40D0 ss:$0x1], $0xffff;
	_ =	sdelay $0x3  }
0x2ec: {  	[tilespmem:$0x1EB60] =	vst v12;
	v12 =	vperm.xlane v7, v16  }
0x2ed: {  	v11 =	vperm.xlane v0, v16;
	[tilespmem:$0x1EBC0] =	vst v6;
	v6 =	vld [tilespmem:$0x1F8B0]  }
0x2ee: {  	v7 =	vadd.f32 v12, v7  }
0x2ef: {  	s18 =	sadd.s32 $0x4, s18;
	v0 =	vadd.f32 v11, v0  }
0x2f0: {  	p1 =	slt.u32 s18, $0x186A0;
	v7 =	vadd.f32 $1.000000000e+00, v7  }
0x2f1: {  	v0 =	vadd.f32 $1.000000000e+00, v0;
	v2 =	vadd.f32 $1.000000000e+00, v2;
	v1 =	vpsel !p1, $0x0, v1  }
0x2f2: {  	p4 =	slt.u32 s18, $0x1869F;
	v3 =	vmax.f32 v3, $0.0e+00;
	v1 =	vadd.f32 v1, v6;
	v6 =	vmax.f32 v7, $0.0e+00  }
0x2f3: {  	v28 =	vld.idx.msk [tilespmem:v4+s20+$0x1F0 ss:$0x1], $0xffff;
	v5 =	vpsel !p4, $0x0, v5;
	v3 =	vadd.f32 v6, v3  }
0x2f4: {  	p5 =	slt.u32 s18, $0x1869E;
	v0 =	vmax.f32 v0, $0.0e+00;
	v9 =	vld.idx.msk [tilespmem:v4+s20+$0x4060 ss:$0x1], $0xffff;
	v2 =	vmax.f32 v2, $0.0e+00;
	v1 =	vadd.f32 v5, v1  }
0x2f5: {  	v62 =	vld.idx.msk [tilespmem:v4+s20+$0x21F0 ss:$0x1], $0xffff;
	v0 =	vadd.f32 v0, v2;
	v3 =	vpsel !p5, $0x0, v3  }
0x2f6: {  	p6 =	slt.u32 s18, $0x1869D;
	v1 =	vadd.f32 v3, v1  }
0x2f7: {  	v0 =	vpsel !p6, $0x0, v0  }
0x2f8: {  	v0 =	vadd.f32 v0, v1  }
0x2f9: {  	[tilespmem:$0x1EBA0] =	vst v9;
	v9 =	vld.idx.msk [tilespmem:v4+s20+$0x6060 ss:$0x1], $0xffff  }
0x2fa: {  	[tilespmem:$0x1F8B0] =	vst v0;
	v0 =	vsub.f32 v28, v62;
	_ =	sdelay $0x1  }
0x2fb: {  	[tilespmem:$0x1EBE0] =	vst v0;
	v0 =	vld [tilespmem:$0x1EA00]  }
0x2fc: {  	v29 =	vld.idx.msk [tilespmem:v4+s20+$0x2170 ss:$0x1], $0xffff  }
0x2fd: {  	[tilespmem:$0x1EB90] =	vst v9;
	v9 =	vld [tilespmem:$0x1EA10];
	_ =	sdelay $0x2  }
0x2fe: {  	v0 =	vsub.f32 v28, v0;
	_ =	sdelay $0x1  }
0x2ff: {  	[tilespmem:$0x1EBF0] =	vst v0;
	v0 =	vsub.f32 v9, v29;
	_ =	sdelay $0x1  }
0x300: {  	[tilespmem:$0x1EC10] =	vst v0;
	v0 =	vld [tilespmem:$0x1EA20];
	_ =	sdelay $0x1  }
0x301: {  	v57 =	vld.idx.msk [tilespmem:v4+s20+$0x6170 ss:$0x1], $0xffff;
	_ =	sdelay $0x2  }
0x302: {  	v0 =	vsub.f32 v0, v62;
	_ =	sdelay $0x1  }
0x303: {  	[tilespmem:$0x1EC00] =	vst v0;
	v0 =	vsub.f32 v9, v57;
	_ =	sdelay $0x1  }
0x304: {  	[tilespmem:$0x1EC20] =	vst v0;
	v0 =	vld [tilespmem:$0x1EA30];
	_ =	sdelay $0x3  }
0x305: {  	v12 =	vmov v29  }
0x306: {  	v0 =	vsub.f32 v0, v12  }
0x307: {  	v9 =	vld [tilespmem:$0x1EA50]  }
0x308: {  	[tilespmem:$0x1EC30] =	vst v0;
	v0 =	vld [tilespmem:$0x1EA40];
	_ =	sdelay $0x4  }
0x309: {  	v12 =	vsub.f32 v0, v9;
	_ =	sdelay $0x1  }
0x30a: {  	[tilespmem:$0x1EC40] =	vst v12;
	v12 =	vld [tilespmem:$0x1EA60];
	_ =	sdelay $0x3  }
0x30b: {  	v27 =	vld.idx.msk [tilespmem:v4+s20+$0x20F0 ss:$0x1], $0xffff  }
0x30c: {  	v0 =	vsub.f32 v0, v12;
	v12 =	vld [tilespmem:$0x1EA70];
	_ =	sdelay $0x4  }
0x30d: {  	[tilespmem:$0x1EC50] =	vst v0;
	v0 =	vsub.f32 v12, v27;
	_ =	sdelay $0x1  }
0x30e: {  	[tilespmem:$0x1EC70] =	vst v0;
	v0 =	vld [tilespmem:$0x1EA80];
	_ =	sdelay $0x4  }
0x30f: {  	v0 =	vsub.f32 v0, v9;
	_ =	sdelay $0x1  }
0x310: {  	[tilespmem:$0x1EC60] =	vst v0;
	v0 =	vld [tilespmem:$0x1EA90];
	_ =	sdelay $0x4  }
0x311: {  	v0 =	vsub.f32 v12, v0;
	_ =	sdelay $0x1  }
0x312: {  	[tilespmem:$0x1EC80] =	vst v0;
	v0 =	vld [tilespmem:$0x1EAA0];
	_ =	sdelay $0x4  }
0x313: {  	v0 =	vsub.f32 v0, v27  }
0x314: {  	v61 =	vld.idx.msk [tilespmem:v4+s20+$0x2160 ss:$0x1], $0xffff  }
0x315: {  	[tilespmem:$0x1EC90] =	vst v0;
	v0 =	vld [tilespmem:$0x1EAB0];
	_ =	sdelay $0x4  }
0x316: {  	v9 =	vsub.f32 v0, v61;
	_ =	sdelay $0x1  }
0x317: {  	[tilespmem:$0x1ECA0] =	vst v9;
	v9 =	vld [tilespmem:$0x1EAC0];
	_ =	sdelay $0x4  }
0x318: {  	v0 =	vsub.f32 v0, v9;
	_ =	sdelay $0x1  }
0x319: {  	[tilespmem:$0x1ECB0] =	vst v0;
	v0 =	vld [tilespmem:$0x1EAD0];
	_ =	sdelay $0x4  }
0x31a: {  	v0 =	vsub.f32 v0, v61  }
0x31b: {  	v26 =	vld.idx.msk [tilespmem:v4+s20+$0x21D0 ss:$0x1], $0xffff  }
0x31c: {  	[tilespmem:$0x1ECC0] =	vst v0;
	v0 =	vld [tilespmem:$0x1EAE0];
	_ =	sdelay $0x4  }
0x31d: {  	v9 =	vsub.f32 v0, v26;
	_ =	sdelay $0x1  }
0x31e: {  	[tilespmem:$0x1ECD0] =	vst v9;
	v9 =	vld [tilespmem:$0x1EAF0]  }
0x31f: {  	v25 =	vld.idx.msk [tilespmem:v4+s20+$0x70 ss:$0x1], $0xffff  }
0x320: {  	v54 =	vld.idx.msk [tilespmem:v4+s20+$0x2070 ss:$0x1], $0xffff  }
0x321: {  	v39 =	vld.idx.msk [tilespmem:v4+s20+$0x2150 ss:$0x1], $0xffff  }
0x322: {  	v45 =	vld.idx.msk [tilespmem:v4+s20+$0x60 ss:$0x1], $0xffff  }
0x323: {  	v47 =	vld.idx.msk [tilespmem:v4+s20+$0x2060 ss:$0x1], $0xffff;
	v0 =	vsub.f32 v0, v9  }
0x324: {  	v52 =	vld.idx.msk [tilespmem:v4+s20+$0x20D0 ss:$0x1], $0xffff  }
0x325: {  	[tilespmem:$0x1ECE0] =	vst v0;
	v0 =	vld [tilespmem:$0x1EB00]  }
0x326: {  	v63 =	vld.idx.msk [tilespmem:v4+s20+$0x4050 ss:$0x1], $0xffff  }
0x327: {  	v53 =	vld.idx.msk [tilespmem:v4+s20+$0xC0 ss:$0x1], $0xffff  }
0x328: {  	v48 =	vld.idx.msk [tilespmem:v4+s20+$0x60C0 ss:$0x1], $0xffff  }
0x329: {  	v23 =	vld.idx.msk [tilespmem:v4+s20+$0x21A0 ss:$0x1], $0xffff  }
0x32a: {  	v18 =	vld.idx.msk [tilespmem:v4+s20+$0xB0 ss:$0x1], $0xffff;
	v0 =	vsub.f32 v0, v26  }
0x32b: {  	v17 =	vld.idx.msk [tilespmem:v4+s20+$0x2120 ss:$0x1], $0xffff  }
0x32c: {  	v37 =	vld.idx.msk [tilespmem:v4+s20+$0x4120 ss:$0x1], $0xffff;
	[tilespmem:$0x1ECF0] =	vst v0;
	v0 =	vsub.f32 v25, v54  }
0x32d: {  	v19 =	vld.idx.msk [tilespmem:v4+s20+$0x180 ss:$0x1], $0xffff  }
0x32e: {  	[tilespmem:$0x1ED00] =	vst v0;
	v0 =	vld [tilespmem:$0x1EB10]  }
0x32f: {  	v31 =	vld.idx.msk [tilespmem:v4+s20+$0x4180 ss:$0x1], $0xffff  }
0x330: {  	v22 =	vld.idx.msk [tilespmem:v4+s20+$0x2050 ss:$0x1], $0xffff  }
0x331: {  	v60 =	vld.idx.msk [tilespmem:v4+s20+$0x20E0 ss:$0x1], $0xffff  }
0x332: {  	v59 =	vld.idx.msk [tilespmem:v4+s20+$0xE0 ss:$0x1], $0xffff  }
0x333: {  	v2 =	vld.idx.msk [tilespmem:v4+s20+$0x4140 ss:$0x1], $0xffff;
	v0 =	vsub.f32 v25, v0  }
0x334: {  	v9 =	vld [tilespmem:$0x1EB30]  }
0x335: {  	[tilespmem:$0x1ED10] =	vst v0;
	v0 =	vld [tilespmem:$0x1EB20]  }
0x336: {  	v38 =	vld.idx.msk [tilespmem:v4+s20+$0x140 ss:$0x1], $0xffff  }
0x337: {  	v56 =	vld.idx.msk [tilespmem:v4+s20+$0x2140 ss:$0x1], $0xffff  }
0x338: {  	v58 =	vld.idx.msk [tilespmem:v4+s20+$0x6140 ss:$0x1], $0xffff  }
0x339: {  	v33 =	vld.idx.msk [tilespmem:v4+s20+$0x150 ss:$0x1], $0xffff;
	v9 =	vsub.f32 v59, v9  }
0x33a: {  	[tilespmem:$0x1EBD0] =	vst v2;
	v7 =	vld.idx.msk [tilespmem:v4+s20+$0x60D0 ss:$0x1], $0xffff;
	v0 =	vsub.f32 v0, v54  }
0x33b: {  	[tilespmem:$0x1ED40] =	vst v9;
	v9 =	vld [tilespmem:$0x1EB40]  }
0x33c: {  	v2 =	vld.idx.msk [tilespmem:v4+s20+$0x1B0 ss:$0x1], $0xffff;
	[tilespmem:$0x1ED20] =	vst v0;
	v0 =	vsub.f32 v59, v60;
	v59 =	vsub.f32 v38, v56  }
0x33d: {  	v3 =	vld.idx.msk [tilespmem:v4+s20+$0x21B0 ss:$0x1], $0xffff  }
0x33e: {  	[tilespmem:$0x1EDC0] =	vst v59;
	v59 =	vld [tilespmem:$0x1EBD0]  }
0x33f: {  	[tilespmem:$0x1EBB0] =	vst v7;
	v7 =	vld.idx.msk [tilespmem:v4+s20+$0x61B0 ss:$0x1], $0xffff  }
0x340: {  	v10 =	vld.idx.msk [tilespmem:v4+s20+$0x41C0 ss:$0x1], $0xffff;
	v60 =	vsub.f32 v9, v60;
	v9 =	vsub.f32 v33, v39  }
0x341: {  	v8 =	vld.idx.msk [tilespmem:v4+s20+$0x41B0 ss:$0x1], $0xffff;
	v38 =	vsub.f32 v38, v58  }
0x342: {  	[tilespmem:$0x1ED50] =	vst v9;
	v9 =	vld [tilespmem:$0x1EB50]  }
0x343: {  	v21 =	vld.idx.msk [tilespmem:v4+s20+$0x50 ss:$0x1], $0xffff;
	[tilespmem:$0x1EDD0] =	vst v38;
	v38 =	vsub.f32 v59, v56  }
0x344: {  	v40 =	vld.idx.msk [tilespmem:v4+s20+$0x20C0 ss:$0x1], $0xffff;
	v59 =	vsub.f32 v2, v3;
	v2 =	vsub.f32 v2, v7  }
0x345: {  	v55 =	vld.idx.msk [tilespmem:v4+s20+$0x6050 ss:$0x1], $0xffff  }
0x346: {  	v51 =	vld.idx.msk [tilespmem:v4+s20+$0x40C0 ss:$0x1], $0xffff;
	[tilespmem:$0x1EE00] =	vst v2;
	v2 =	vsub.f32 v8, v3  }
0x347: {  	v32 =	vld.idx.msk [tilespmem:v4+s20+$0x60B0 ss:$0x1], $0xffff;
	[tilespmem:$0x1EB80] =	vst v10;
	v9 =	vsub.f32 v33, v9  }
0x348: {  	v36 =	vld.idx.msk [tilespmem:v4+s20+$0x40B0 ss:$0x1], $0xffff;
	[tilespmem:$0x1EE10] =	vst v2;
	v2 =	vsub.f32 v21, v22  }
0x349: {  	v10 =	vld.idx.msk [tilespmem:v4+s20+$0x61C0 ss:$0x1], $0xffff;
	[tilespmem:$0x1ED60] =	vst v9  }
0x34a: {  	v9 =	vld [tilespmem:$0x1EB60];
	[tilespmem:$0x1EE20] =	vst v2;
	v2 =	vsub.f32 v21, v55  }
0x34b: {  	v43 =	vld.idx.msk [tilespmem:v4+s20+$0x21C0 ss:$0x1], $0xffff  }
0x34c: {  	v50 =	vld.idx.msk [tilespmem:v4+s20+$0xD0 ss:$0x1], $0xffff;
	[tilespmem:$0x1EE30] =	vst v2;
	v2 =	vsub.f32 v63, v22  }
0x34d: {  	v41 =	vld.idx.msk [tilespmem:v4+s20+$0x1C0 ss:$0x1], $0xffff  }
0x34e: {  	v20 =	vld.idx.msk [tilespmem:v4+s20+$0x2130 ss:$0x1], $0xffff;
	[tilespmem:$0x1EE40] =	vst v2;
	v2 =	vsub.f32 v53, v40  }
0x34f: {  	v24 =	vld.idx.msk [tilespmem:v4+s20+$0x130 ss:$0x1], $0xffff;
	[tilespmem:$0x1EB70] =	vst v10;
	v9 =	vsub.f32 v9, v39  }
0x350: {  	v49 =	vld.idx.msk [tilespmem:v4+s20+$0x41A0 ss:$0x1], $0xffff;
	[tilespmem:$0x1EE50] =	vst v2;
	v2 =	vsub.f32 v53, v48  }
0x351: {  	v42 =	vld.idx.msk [tilespmem:v4+s20+$0x6130 ss:$0x1], $0xffff;
	[tilespmem:$0x1ED70] =	vst v9  }
0x352: {  	v9 =	vld [tilespmem:$0x1EB70];
	[tilespmem:$0x1EE60] =	vst v2;
	v2 =	vsub.f32 v51, v40  }
0x353: {  	v5 =	vld.idx.msk [tilespmem:v4+s20+$0x4130 ss:$0x1], $0xffff  }
0x354: {  	v35 =	vld.idx.msk [tilespmem:v4+s20+$0x61A0 ss:$0x1], $0xffff;
	[tilespmem:$0x1EE70] =	vst v2;
	v2 =	vsub.f32 v24, v20  }
0x355: {  	v1 =	vld.idx.msk [tilespmem:v4+s20+$0x1A0 ss:$0x1], $0xffff  }
0x356: {  	v44 =	vld.idx.msk [tilespmem:v4+s20+$0x120 ss:$0x1], $0xffff;
	[tilespmem:$0x1EE80] =	vst v2;
	v2 =	vsub.f32 v24, v42  }
0x357: {  	v30 =	vld.idx.msk [tilespmem:v4+s20+$0x6120 ss:$0x1], $0xffff;
	v9 =	vsub.f32 v41, v9  }
0x358: {  	v10 =	vld.idx.msk [tilespmem:v4+s20+$0x2040 ss:$0x1], $0xffff;
	[tilespmem:$0x1EE90] =	vst v2;
	v2 =	vsub.f32 v5, v20  }
0x359: {  	v6 =	vld.idx.msk [tilespmem:v4+s20+$0x40 ss:$0x1], $0xffff;
	[tilespmem:$0x1ED80] =	vst v9  }
0x35a: {  	v9 =	vld [tilespmem:$0x1EB80];
	[tilespmem:$0x1EEA0] =	vst v2;
	v2 =	vsub.f32 v1, v23;
	v1 =	vsub.f32 v1, v35  }
0x35b: {  	v34 =	vld.idx.msk [tilespmem:v4+s20+$0x6040 ss:$0x1], $0xffff  }
0x35c: {  	v46 =	vld.idx.msk [tilespmem:v4+s20+$0x20B0 ss:$0x1], $0xffff;
	[tilespmem:$0x1EEC0] =	vst v1;
	v1 =	vsub.f32 v49, v23  }
0x35d: {  	v11 =	vld.idx.msk [tilespmem:v4+s20+$0x4040 ss:$0x1], $0xffff  }
0x35e: {  	v14 =	vld.idx.msk [tilespmem:v4+s20+$0x30 ss:$0x1], $0xffff;
	[tilespmem:$0x1EED0] =	vst v1;
	v1 =	vsub.f32 v6, v10  }
0x35f: {  	v15 =	vld.idx.msk [tilespmem:v4+s20+$0x2190 ss:$0x1], $0xffff;
	v9 =	vsub.f32 v9, v43  }
0x360: {  	v16 =	vld.idx.msk [tilespmem:v4+s20+$0x2180 ss:$0x1], $0xffff;
	[tilespmem:$0x1EEE0] =	vst v1;
	v1 =	vsub.f32 v6, v34  }
0x361: {  	[tilespmem:$0x1ED90] =	vst v9;
	v9 =	vld [tilespmem:$0x1EB90]  }
0x362: {  	v13 =	vld.idx.msk [tilespmem:v4+s20+$0x2030 ss:$0x1], $0xffff;
	[tilespmem:$0x1EEF0] =	vst v1;
	v1 =	vsub.f32 v11, v10  }
0x363: {  	v28 =	vld.idx.msk [tilespmem:v4+s20+$0x4190 ss:$0x1], $0xffff  }
0x364: {  	v29 =	vld.idx.msk [tilespmem:v4+s20+$0x6180 ss:$0x1], $0xffff;
	[tilespmem:$0x1EF00] =	vst v1;
	v1 =	vsub.f32 v18, v46  }
0x365: {  	v62 =	vld.idx.msk [tilespmem:v4+s20+$0x6190 ss:$0x1], $0xffff;
	v39 =	vsub.f32 v41, v43;
	v41 =	vsub.f32 v45, v47  }
0x366: {  	v45 =	vsub.f32 v45, v9;
	v9 =	vld [tilespmem:$0x1EBA0];
	[tilespmem:$0x1EF10] =	vst v1;
	v1 =	vsub.f32 v18, v32  }
0x367: {  	v57 =	vld.idx.msk [tilespmem:v4+s20+$0x190 ss:$0x1], $0xffff  }
0x368: {  	v12 =	vld.idx.msk [tilespmem:v4+s20+$0x100 ss:$0x1], $0xffff;
	[tilespmem:$0x1EF20] =	vst v1;
	v1 =	vsub.f32 v36, v46  }
0x369: {  	v27 =	vld.idx.msk [tilespmem:v4+s20+$0x6030 ss:$0x1], $0xffff  }
0x36a: {  	v61 =	vld.idx.msk [tilespmem:v4+s20+$0x4030 ss:$0x1], $0xffff;
	[tilespmem:$0x1EF30] =	vst v1;
	v1 =	vsub.f32 v44, v17  }
0x36b: {  	v26 =	vld.idx.msk [tilespmem:v4+s20+$0x40A0 ss:$0x1], $0xffff;
	v9 =	vsub.f32 v9, v47  }
0x36c: {  	v25 =	vld.idx.msk [tilespmem:v4+s20+$0x60A0 ss:$0x1], $0xffff;
	[tilespmem:$0x1EF40] =	vst v1;
	v1 =	vsub.f32 v44, v30  }
0x36d: {  	v54 =	vld.idx.msk [tilespmem:v4+s20+$0xA0 ss:$0x1], $0xffff;
	[tilespmem:$0x1EDA0] =	vst v9  }
0x36e: {  	v9 =	vld [tilespmem:$0x1EBB0];
	[tilespmem:$0x1EF50] =	vst v1;
	v1 =	vsub.f32 v37, v17  }
0x36f: {  	v58 =	vld.idx.msk [tilespmem:v4+s20+$0x2110 ss:$0x1], $0xffff;
	[tilespmem:$0x1ED30] =	vst v0  }
0x370: {  	v0 =	vld.idx.msk [tilespmem:v4+s20+$0x20A0 ss:$0x1], $0xffff;
	[tilespmem:$0x1EF60] =	vst v1;
	v1 =	vsub.f32 v19, v16  }
0x371: {  	v33 =	vld.idx.msk [tilespmem:v4+s20+$0x4100 ss:$0x1], $0xffff;
	v6 =	vsub.f32 v28, v15  }
0x372: {  	v7 =	vld.idx.msk [tilespmem:v4+s20+$0x2020 ss:$0x1], $0xffff;
	[tilespmem:$0x1EF70] =	vst v1;
	v1 =	vsub.f32 v19, v29  }
0x373: {  	v8 =	vld.idx.msk [tilespmem:v4+s20+$0x20 ss:$0x1], $0xffff;
	[tilespmem:$0x1EFD0] =	vst v6;
	v9 =	vsub.f32 v50, v9  }
0x374: {  	v43 =	vld.idx.msk [tilespmem:v4+s20+$0x2100 ss:$0x1], $0xffff;
	[tilespmem:$0x1EF80] =	vst v1;
	v1 =	vsub.f32 v31, v16  }
0x375: {  	v6 =	vsub.f32 v14, v27;
	[tilespmem:$0x1EDB0] =	vst v9;
	v9 =	vld [tilespmem:$0x1EBC0]  }
0x376: {  	v47 =	vsub.f32 v50, v52;
	v50 =	vld.idx.msk [tilespmem:v4+s20+$0x6100 ss:$0x1], $0xffff;
	[tilespmem:$0x1EF90] =	vst v1;
	v1 =	vsub.f32 v57, v15  }
0x377: {  	v3 =	vld.idx.msk [tilespmem:v4+s20+$0x2080 ss:$0x1], $0xffff;
	[tilespmem:$0x1EFE0] =	vst v6;
	v6 =	vsub.f32 v61, v13  }
0x378: {  	v21 =	vld.idx.msk [tilespmem:v4+s20+$0x6110 ss:$0x1], $0xffff;
	[tilespmem:$0x1EFA0] =	vst v1;
	v1 =	vsub.f32 v57, v62;
	v62 =	vsub.f32 v14, v13  }
0x379: {  	v55 =	vld.idx.msk [tilespmem:v4+s20+$0x2000 ss:$0x1], $0xffff;
	v13 =	vsub.f32 v54, v0;
	v0 =	vsub.f32 v26, v0  }
0x37a: {  	v52 =	vsub.f32 v9, v52;
	v9 =	vld.idx.msk [tilespmem:v4+s20+$0x110 ss:$0x1], $0xffff  }
0x37b: {  	v53 =	vld.idx.msk [tilespmem:v4+s20+$0x4090 ss:$0x1], $0xffff;
	[tilespmem:$0x1F030] =	vst v0;
	v0 =	vsub.f32 v12, v43;
	v12 =	vsub.f32 v12, v50  }
0x37c: {  	[tilespmem:$0x1EDF0] =	vst v59;
	v40 =	vld.idx.msk [tilespmem:v4+s20+$0x4020 ss:$0x1], $0xffff  }
0x37d: {  	v5 =	vld.idx.msk [tilespmem:v4+s20+$0x80 ss:$0x1], $0xffff;
	[tilespmem:$0x1F050] =	vst v12;
	v12 =	vsub.f32 v33, v43  }
0x37e: {  	[tilespmem:$0x1EEB0] =	vst v2;
	v11 =	vld.idx.msk [tilespmem:v4+s20+$0x4080 ss:$0x1], $0xffff  }
0x37f: {  	v2 =	vld.idx.msk [tilespmem:v4+s20+$0x2090 ss:$0x1], $0xffff;
	[tilespmem:$0x1F060] =	vst v12;
	v12 =	vsub.f32 v9, v58;
	v9 =	vsub.f32 v9, v21  }
0x380: {  	v46 =	vld.idx.msk [tilespmem:v4+s20+$0x90 ss:$0x1], $0xffff;
	[tilespmem:$0x1EFB0] =	vst v1  }
0x381: {  	v1 =	vld.idx.msk [tilespmem:v4+s20+$0x0 ss:$0x1], $0xffff;
	[tilespmem:$0x1F090] =	vst v9;
	v9 =	vsub.f32 v8, v7;
	v7 =	vsub.f32 v40, v7  }
0x382: {  	[tilespmem:$0x1F010] =	vst v13;
	v13 =	vsub.f32 v54, v25;
	v25 =	vld.idx.msk [tilespmem:v4+s20+$0x6000 ss:$0x1], $0xffff  }
0x383: {  	v56 =	vld.idx.msk [tilespmem:v4+s20+$0x2010 ss:$0x1], $0xffff;
	[tilespmem:$0x1F0E0] =	vst v7;
	v7 =	vsub.f32 v5, v3;
	v3 =	vsub.f32 v11, v3  }
0x384: {  	[tilespmem:$0x1F000] =	vst v6;
	v6 =	vld.idx.msk [tilespmem:v4+s20+$0x4000 ss:$0x1], $0xffff  }
0x385: {  	v59 =	vld.idx.msk [tilespmem:v4+s20+$0x6010 ss:$0x1], $0xffff;
	[tilespmem:$0x1F110] =	vst v3;
	v3 =	vsub.f32 v46, v2;
	v2 =	vsub.f32 v53, v2  }
0x386: {  	[tilespmem:$0x1F040] =	vst v0;
	v0 =	vld.idx.msk [tilespmem:v4+s20+$0x10 ss:$0x1], $0xffff  }
0x387: {  	[tilespmem:$0x1F140] =	vst v2;
	v2 =	vsub.f32 v1, v55;
	v1 =	vsub.f32 v1, v25  }
0x388: {  	v21 =	vld.idx.msk [tilespmem:v4+s20+$0x4010 ss:$0x1], $0xffff  }
0x389: {  	[tilespmem:$0x1F160] =	vst v1;
	v1 =	vsub.f32 v6, v55;
	_ =	sdelay $0x1  }
0x38a: {  	[tilespmem:$0x1F170] =	vst v1;
	v1 =	vsub.f32 v0, v56;
	v0 =	vsub.f32 v0, v59;
	_ =	sdelay $0x1  }
0x38b: {  	[tilespmem:$0x1F190] =	vst v0;
	v0 =	vsub.f32 v21, v56;
	_ =	sdelay $0x1  }
0x38c: {  	[tilespmem:$0x1F1A0] =	vst v0;
	v0 =	vld [tilespmem:$0x1EBE0];
	_ =	sdelay $0x4  }
0x38d: {  	v19 =	vand.u32 $0x7FFFFFFF, v0;
	v0 =	vld [tilespmem:$0x1EBF0];
	_ =	sdelay $0x4  }
0x38e: {  	v34 =	vand.u32 $0x7FFFFFFF, v0;
	v0 =	vld [tilespmem:$0x1EC00];
	_ =	sdelay $0x2  }
0x38f: {  	v16 =	vld.idx.msk [tilespmem:v4+s20+$0x6090 ss:$0x1], $0xffff;
	_ =	sdelay $0x1  }
0x390: {  	v63 =	vand.u32 $0x7FFFFFFF, v0;
	v0 =	vld [tilespmem:$0x1EC10];
	_ =	sdelay $0x2  }
0x391: {  	[tilespmem:$0x1F120] =	vst v3;
	v3 =	vsub.f32 v46, v16;
	_ =	sdelay $0x1  }
0x392: {  	[tilespmem:$0x1F130] =	vst v3;
	v3 =	vand.u32 $0x7FFFFFFF, v0;
	v0 =	vld [tilespmem:$0x1EC20];
	_ =	sdelay $0x4  }
0x393: {  	v24 =	vand.u32 $0x7FFFFFFF, v0;
	v0 =	vld [tilespmem:$0x1EC30];
	_ =	sdelay $0x4  }
0x394: {  	v21 =	vand.u32 $0x7FFFFFFF, v0;
	v0 =	vld [tilespmem:$0x1EC40];
	_ =	sdelay $0x4  }
0x395: {  	v20 =	vand.u32 $0x7FFFFFFF, v0;
	v0 =	vld [tilespmem:$0x1EC50];
	_ =	sdelay $0x4  }
0x396: {  	v30 =	vand.u32 $0x7FFFFFFF, v0;
	v0 =	vld [tilespmem:$0x1EC60];
	_ =	sdelay $0x4  }
0x397: {  	v0 =	vand.u32 $0x7FFFFFFF, v0  }
0x398: {  	[tilespmem:$0x1EFC0] =	vst v0;
	v0 =	vld [tilespmem:$0x1EC70];
	_ =	sdelay $0x3  }
0x399: {  	v42 =	vld.idx.msk [tilespmem:v4+s20+$0x6020 ss:$0x1], $0xffff  }
0x39a: {  	v16 =	vand.u32 $0x7FFFFFFF, v0;
	v0 =	vld [tilespmem:$0x1EC80];
	_ =	sdelay $0x4  }
0x39b: {  	v8 =	vsub.f32 v8, v42;
	v42 =	vand.u32 $0x7FFFFFFF, v0;
	v0 =	vld [tilespmem:$0x1EC90];
	_ =	sdelay $0x4  }
0x39c: {  	v43 =	vand.u32 $0x7FFFFFFF, v0;
	v0 =	vld [tilespmem:$0x1ECA0];
	_ =	sdelay $0x4  }
0x39d: {  	v33 =	vand.u32 $0x7FFFFFFF, v0;
	v0 =	vld [tilespmem:$0x1ECB0];
	_ =	sdelay $0x4  }
0x39e: {  	v36 =	vand.u32 $0x7FFFFFFF, v0;
	v0 =	vld [tilespmem:$0x1ECC0];
	_ =	sdelay $0x4  }
0x39f: {  	v53 =	vand.u32 $0x7FFFFFFF, v0;
	v0 =	vld [tilespmem:$0x1ECD0];
	_ =	sdelay $0x4  }
0x3a0: {  	v48 =	vand.u32 $0x7FFFFFFF, v0;
	v0 =	vld [tilespmem:$0x1ECE0];
	_ =	sdelay $0x4  }
0x3a1: {  	v49 =	vand.u32 $0x7FFFFFFF, v0;
	v0 =	vld [tilespmem:$0x1ECF0];
	_ =	sdelay $0x4  }
0x3a2: {  	v0 =	vand.u32 $0x7FFFFFFF, v0  }
0x3a3: {  	[tilespmem:$0x1EFF0] =	vst v0;
	v0 =	vld [tilespmem:$0x1ED00];
	_ =	sdelay $0x4  }
0x3a4: {  	v6 =	vand.u32 $0x7FFFFFFF, v0;
	v0 =	vld [tilespmem:$0x1ED10];
	_ =	sdelay $0x1  }
0x3a5: {  	[tilespmem:$0x1F150] =	vst v2;
	v2 =	vld [tilespmem:$0x1EDB0];
	_ =	sdelay $0x2  }
0x3a6: {  	v57 =	vand.u32 $0x7FFFFFFF, v0;
	v0 =	vld [tilespmem:$0x1ED20];
	_ =	sdelay $0x1  }
0x3a7: {  	v26 =	vand.u32 $0x7FFFFFFF, v2;
	v2 =	vld [tilespmem:$0x1EDC0];
	_ =	sdelay $0x2  }
0x3a8: {  	v56 =	vand.u32 $0x7FFFFFFF, v0;
	v0 =	vld [tilespmem:$0x1ED30];
	_ =	sdelay $0x1  }
0x3a9: {  	[tilespmem:$0x1F0F0] =	vst v7;
	v7 =	vand.u32 $0x7FFFFFFF, v2;
	v2 =	vld [tilespmem:$0x1EDD0];
	_ =	sdelay $0x2  }
0x3aa: {  	[tilespmem:$0x1F0C0] =	vst v8;
	v8 =	vand.u32 $0x7FFFFFFF, v0;
	v0 =	vld [tilespmem:$0x1ED40]  }
0x3ab: {  	[tilespmem:$0x1EDE0] =	vst v38;
	v38 =	vld.idx.msk [tilespmem:v4+s20+$0x4110 ss:$0x1], $0xffff  }
0x3ac: {  	v28 =	vand.u32 $0x7FFFFFFF, v2;
	v2 =	vld [tilespmem:$0x1EDE0];
	_ =	sdelay $0x2  }
0x3ad: {  	v35 =	vand.u32 $0x7FFFFFFF, v0;
	v0 =	vld [tilespmem:$0x1ED50];
	_ =	sdelay $0x1  }
0x3ae: {  	[tilespmem:$0x1F0B0] =	vst v9;
	v9 =	vsub.f32 v38, v58;
	v58 =	vand.u32 $0x7FFFFFFF, v2;
	v2 =	vld [tilespmem:$0x1EDF0];
	_ =	sdelay $0x1  }
0x3af: {  	v10 =	vld.idx.msk [tilespmem:v4+s20+$0x6080 ss:$0x1], $0xffff  }
0x3b0: {  	[tilespmem:$0x1F0A0] =	vst v9;
	v9 =	vand.u32 $0x7FFFFFFF, v0;
	v0 =	vld [tilespmem:$0x1ED60];
	_ =	sdelay $0x1  }
0x3b1: {  	v17 =	vand.u32 $0x7FFFFFFF, v2;
	v2 =	vld [tilespmem:$0x1EE00];
	_ =	sdelay $0x1  }
0x3b2: {  	v5 =	vsub.f32 v5, v10  }
0x3b3: {  	v38 =	vand.u32 $0x7FFFFFFF, v0;
	v0 =	vld [tilespmem:$0x1ED70]  }
0x3b4: {  	[tilespmem:$0x1F100] =	vst v5;
	v5 =	vld [tilespmem:$0x1EE30];
	v24 =	vsub.f32 v3, v24;
	v3 =	vsub.f32 v3, v21  }
0x3b5: {  	v34 =	vsub.f32 v19, v34;
	v19 =	vsub.f32 v19, v63;
	v32 =	vand.u32 $0x7FFFFFFF, v2;
	v2 =	vld [tilespmem:$0x1EE10]  }
0x3b6: {  	[tilespmem:$0x1F210] =	vst v3;
	v3 =	vld [tilespmem:$0x1EFA0]  }
0x3b7: {  	[tilespmem:$0x1F1F0] =	vst v19;
	v19 =	vld [tilespmem:$0x1EFC0]  }
0x3b8: {  	v51 =	vand.u32 $0x7FFFFFFF, v0;
	v0 =	vld [tilespmem:$0x1ED80];
	_ =	sdelay $0x1  }
0x3b9: {  	v11 =	vld [tilespmem:$0x1EE90];
	v23 =	vand.u32 $0x7FFFFFFF, v5;
	v2 =	vand.u32 $0x7FFFFFFF, v2  }
0x3ba: {  	v5 =	vld [tilespmem:$0x1EE40];
	v63 =	vand.u32 $0x7FFFFFFF, v3;
	v21 =	vsub.f32 v20, v30;
	v3 =	vsub.f32 v16, v42  }
0x3bb: {  	[tilespmem:$0x1F080] =	vst v2;
	v2 =	vld [tilespmem:$0x1EE20];
	v30 =	vand.u32 $0x7FFFFFFF, v62;
	v42 =	vsub.f32 v20, v19;
	v16 =	vsub.f32 v16, v43  }
0x3bc: {  	v43 =	vsub.f32 v33, v53;
	v62 =	vsub.f32 v48, v49;
	v40 =	vand.u32 $0x7FFFFFFF, v0;
	v0 =	vld [tilespmem:$0x1ED90]  }
0x3bd: {  	[tilespmem:$0x1F020] =	vst v13;
	v59 =	vand.u32 $0x7FFFFFFF, v60;
	v49 =	vsub.f32 v6, v57;
	v20 =	vsub.f32 v6, v56;
	v6 =	vld [tilespmem:$0x1F010]  }
0x3be: {  	v53 =	vsub.f32 v8, v59;
	v56 =	vsub.f32 v8, v35;
	v8 =	vld [tilespmem:$0x1F020]  }
0x3bf: {  	v22 =	vand.u32 $0x7FFFFFFF, v45;
	v18 =	vand.u32 $0x7FFFFFFF, v39;
	[tilespmem:$0x1F180] =	vst v1;
	v1 =	vld [tilespmem:$0x1EDA0]  }
0x3c0: {  	[tilespmem:$0x1F070] =	vst v12;
	v29 =	vand.u32 $0x7FFFFFFF, v11;
	v44 =	vand.u32 $0x7FFFFFFF, v5;
	v2 =	vand.u32 $0x7FFFFFFF, v2  }
0x3c1: {  	[tilespmem:$0x1F1B0] =	vst v16;
	v16 =	vsub.f32 v33, v36;
	v55 =	vand.u32 $0x7FFFFFFF, v0;
	v0 =	vand.u32 $0x7FFFFFFF, v41  }
0x3c2: {  	v36 =	vsub.f32 v2, v44;
	v57 =	vand.u32 $0x7FFFFFFF, v6;
	v59 =	vsub.f32 v0, v22;
	v22 =	vld [tilespmem:$0x1F070]  }
0x3c3: {  	v10 =	vld [tilespmem:$0x1EE60];
	v35 =	vand.u32 $0x7FFFFFFF, v8;
	v6 =	vsub.f32 v9, v38;
	v8 =	vsub.f32 v9, v51  }
0x3c4: {  	v11 =	vld [tilespmem:$0x1EEA0];
	v46 =	vand.u32 $0x7FFFFFFF, v1;
	v9 =	vsub.f32 v18, v40;
	v18 =	vsub.f32 v18, v55  }
0x3c5: {  	v60 =	vld [tilespmem:$0x1EF80];
	v55 =	vsub.f32 v0, v46;
	v46 =	vsub.f32 v7, v28  }
0x3c6: {  	v7 =	vsub.f32 v7, v58;
	v58 =	vsub.f32 v2, v23;
	v2 =	vld [tilespmem:$0x1F090]  }
0x3c7: {  	v23 =	vand.u32 $0x7FFFFFFF, v22;
	v22 =	vld [tilespmem:$0x1F080];
	_ =	sdelay $0x1  }
0x3c8: {  	v45 =	vand.u32 $0x7FFFFFFF, v52;
	v52 =	vand.u32 $0x7FFFFFFF, v11;
	v11 =	vld [tilespmem:$0x1EEB0]  }
0x3c9: {  	v25 =	vand.u32 $0x7FFFFFFF, v10;
	v10 =	vld [tilespmem:$0x1EE70];
	v1 =	vand.u32 $0x7FFFFFFF, v47  }
0x3ca: {  	v5 =	vld [tilespmem:$0x1EE50];
	v41 =	vand.u32 $0x7FFFFFFF, v60;
	v60 =	vsub.f32 v1, v26  }
0x3cb: {  	v28 =	vsub.f32 v17, v32;
	v26 =	vsub.f32 v17, v22;
	v17 =	vand.u32 $0x7FFFFFFF, v2;
	v2 =	vld [tilespmem:$0x1F0A0];
	_ =	sdelay $0x1  }
0x3cc: {  	v15 =	vand.u32 $0x7FFFFFFF, v11;
	v11 =	vld [tilespmem:$0x1EEC0];
	_ =	sdelay $0x1  }
0x3cd: {  	v47 =	vand.u32 $0x7FFFFFFF, v10;
	v5 =	vand.u32 $0x7FFFFFFF, v5;
	v19 =	vld [tilespmem:$0x1EFE0]  }
0x3ce: {  	v51 =	vsub.f32 v5, v47;
	v22 =	vsub.f32 v5, v25;
	v5 =	vand.u32 $0x7FFFFFFF, v2;
	v2 =	vld [tilespmem:$0x1F0B0]  }
0x3cf: {  	v10 =	vld [tilespmem:$0x1EE80]  }
0x3d0: {  	v31 =	vand.u32 $0x7FFFFFFF, v11;
	v11 =	vld [tilespmem:$0x1EED0]  }
0x3d1: {  	[tilespmem:$0x1F1E0] =	vst v24;
	v24 =	vld [tilespmem:$0x1EF90]  }
0x3d2: {  	v33 =	vand.u32 $0x7FFFFFFF, v19;
	v19 =	vld [tilespmem:$0x1EFF0]  }
0x3d3: {  	v25 =	vand.u32 $0x7FFFFFFF, v2;
	v2 =	vld [tilespmem:$0x1F0C0];
	_ =	sdelay $0x2  }
0x3d4: {  	v11 =	vand.u32 $0x7FFFFFFF, v11;
	[tilespmem:$0x1F200] =	vst v34  }
0x3d5: {  	v10 =	vand.u32 $0x7FFFFFFF, v10;
	[tilespmem:$0x1F0D0] =	vst v11;
	v34 =	vand.u32 $0x7FFFFFFF, v24  }
0x3d6: {  	v24 =	vsub.f32 v48, v19;
	v48 =	vsub.f32 v10, v29;
	v29 =	vand.u32 $0x7FFFFFFF, v2;
	v2 =	vld [tilespmem:$0x1F0D0];
	_ =	sdelay $0x2  }
0x3d7: {  	v12 =	vld [tilespmem:$0x1EEF0]  }
0x3d8: {  	v11 =	vld [tilespmem:$0x1EEE0];
	v38 =	vsub.f32 v1, v45;
	v45 =	vsub.f32 v10, v52  }
0x3d9: {  	v10 =	vsub.f32 v15, v31;
	v15 =	vsub.f32 v15, v2;
	v2 =	vld [tilespmem:$0x1F0E0];
	_ =	sdelay $0x2  }
0x3da: {  	v13 =	vld [tilespmem:$0x1EF20]  }
0x3db: {  	v27 =	vand.u32 $0x7FFFFFFF, v12;
	v12 =	vld [tilespmem:$0x1EF00];
	v11 =	vand.u32 $0x7FFFFFFF, v11  }
0x3dc: {  	v40 =	vsub.f32 v11, v27;
	v27 =	vand.u32 $0x7FFFFFFF, v2;
	v2 =	vld [tilespmem:$0x1F0F0];
	_ =	sdelay $0x1  }
0x3dd: {  	v14 =	vld [tilespmem:$0x1EF50];
	_ =	sdelay $0x1  }
0x3de: {  	v37 =	vand.u32 $0x7FFFFFFF, v13;
	v13 =	vld [tilespmem:$0x1EF30];
	v50 =	vand.u32 $0x7FFFFFFF, v12  }
0x3df: {  	v32 =	vsub.f32 v11, v50;
	v11 =	vand.u32 $0x7FFFFFFF, v2;
	v2 =	vld [tilespmem:$0x1F100];
	_ =	sdelay $0x1  }
0x3e0: {  	v39 =	vand.u32 $0x7FFFFFFF, v14;
	v14 =	vld [tilespmem:$0x1EF60]  }
0x3e1: {  	v12 =	vld [tilespmem:$0x1EF10]  }
0x3e2: {  	v54 =	vand.u32 $0x7FFFFFFF, v13;
	v13 =	vld [tilespmem:$0x1EF40]  }
0x3e3: {  	v31 =	vand.u32 $0x7FFFFFFF, v2;
	v2 =	vld [tilespmem:$0x1F110];
	_ =	sdelay $0x1  }
0x3e4: {  	v61 =	vand.u32 $0x7FFFFFFF, v14;
	v14 =	vld [tilespmem:$0x1EF70]  }
0x3e5: {  	v12 =	vand.u32 $0x7FFFFFFF, v12;
	[tilespmem:$0x1F1D0] =	vst v3;
	v3 =	vld [tilespmem:$0x1EFB0]  }
0x3e6: {  	v13 =	vand.u32 $0x7FFFFFFF, v13;
	v19 =	vld [tilespmem:$0x1F000];
	v52 =	vsub.f32 v12, v54  }
0x3e7: {  	v50 =	vmovc v53;
	v53 =	vsub.f32 v12, v37;
	v12 =	vsub.f32 v13, v39;
	v39 =	vand.u32 $0x7FFFFFFF, v2;
	v2 =	vld [tilespmem:$0x1F120];
	_ =	sdelay $0x1  }
0x3e8: {  	v14 =	vand.u32 $0x7FFFFFFF, v14  }
0x3e9: {  	v3 =	vand.u32 $0x7FFFFFFF, v3;
	v37 =	vsub.f32 v14, v41;
	v14 =	vsub.f32 v14, v34  }
0x3ea: {  	v19 =	vand.u32 $0x7FFFFFFF, v19;
	v34 =	vsub.f32 v63, v3;
	v3 =	vsub.f32 v30, v33  }
0x3eb: {  	v54 =	vand.u32 $0x7FFFFFFF, v2;
	v2 =	vsub.f32 v30, v19;
	v30 =	vsub.f32 v57, v35;
	v35 =	vmovc v6;
	v6 =	vld [tilespmem:$0x1F140];
	_ =	sdelay $0x3  }
0x3ec: {  	[tilespmem:$0x1FCA0] =	vst v9;
	v9 =	vld [tilespmem:$0x1F030]  }
0x3ed: {  	v13 =	vsub.f32 v13, v61;
	v61 =	vand.u32 $0x7FFFFFFF, v6;
	v6 =	vld [tilespmem:$0x1F150];
	_ =	sdelay $0x1  }
0x3ee: {  	v1 =	vld [tilespmem:$0x1F050]  }
0x3ef: {  	v0 =	vld [tilespmem:$0x1F040]  }
0x3f0: {  	v9 =	vand.u32 $0x7FFFFFFF, v9;
	[tilespmem:$0x1FCB0] =	vst v18;
	v18 =	vld [tilespmem:$0x1F060]  }
0x3f1: {  	v9 =	vsub.f32 v57, v9;
	v57 =	vmov v62;
	v62 =	vand.u32 $0x7FFFFFFF, v6;
	v6 =	vld [tilespmem:$0x1F160];
	_ =	sdelay $0x3  }
0x3f2: {  	v1 =	vand.u32 $0x7FFFFFFF, v1;
	v0 =	vand.u32 $0x7FFFFFFF, v0;
	v18 =	vand.u32 $0x7FFFFFFF, v18  }
0x3f3: {  	v1 =	vsub.f32 v0, v1;
	v0 =	vsub.f32 v0, v18;
	v18 =	vand.u32 $0x7FFFFFFF, v6;
	v6 =	vld [tilespmem:$0x1F170];
	_ =	sdelay $0x4  }
0x3f4: {  	v17 =	vsub.f32 v23, v17;
	v5 =	vsub.f32 v23, v5;
	v23 =	vand.u32 $0x7FFFFFFF, v6;
	v6 =	vld [tilespmem:$0x1F180];
	_ =	sdelay $0x1  }
0x3f5: {  	[tilespmem:$0x1F1C0] =	vst v16;
	v16 =	vld [tilespmem:$0x1EFD0];
	_ =	sdelay $0x1  }
0x3f6: {  	v29 =	vsub.f32 v25, v29  }
0x3f7: {  	v25 =	vsub.f32 v25, v27;
	v27 =	vsub.f32 v11, v31;
	v31 =	vand.u32 $0x7FFFFFFF, v6;
	v6 =	vld [tilespmem:$0x1F190]  }
0x3f8: {  	v19 =	vld [tilespmem:$0x1F130]  }
0x3f9: {  	v16 =	vand.u32 $0x7FFFFFFF, v16  }
0x3fa: {  	v16 =	vsub.f32 v63, v16;
	v1 =	vadd.f32 v17, v1  }
0x3fb: {  	v34 =	vadd.f32 v34, v37  }
0x3fc: {  	v16 =	vadd.f32 v16, v14;
	v14 =	vadd.f32 v12, v1;
	v63 =	vand.u32 $0x7FFFFFFF, v6;
	v6 =	vld [tilespmem:$0x1F1A0]  }
0x3fd: {  	v0 =	vadd.f32 v5, v0;
	v11 =	vsub.f32 v11, v39;
	v19 =	vand.u32 $0x7FFFFFFF, v19  }
0x3fe: {  	v19 =	vsub.f32 v54, v19;
	v41 =	vsub.f32 v54, v61  }
0x3ff: {  	v13 =	vadd.f32 v13, v0;
	v15 =	vadd.f32 v15, v16  }
0x400: {  	v44 =	vmov v20;
	v20 =	vld [tilespmem:$0x1F1C0];
	v17 =	vadd.f32 v19, v27;
	v11 =	vadd.f32 v41, v11  }
0x401: {  	p0 =	seq.s32 s19, $0x7800;
	v33 =	vmovc v42;
	v42 =	vmovc v21;
	v16 =	vld [tilespmem:$0x1F1F0];
	v18 =	vsub.f32 v62, v18;
	v23 =	vsub.f32 v62, v23;
	v21 =	vand.u32 $0x7FFFFFFF, v6  }
.Ltmp0:
0x402: {  	v41 =	vld [tilespmem:$0x1F1B0];
	v39 =	vsub.f32 v31, v63;
	v31 =	vsub.f32 v31, v21;
	(pc) =	sbr.rel @!p0 .LBB2_4-.Ltmp0, $4  }
0x403: {  	v19 =	vadd.f32 v10, v34;
	v34 =	vld [tilespmem:$0x1F1E0];
	v12 =	vadd.f32 v30, v17  }
0x404: {  	v30 =	vld [tilespmem:$0x1F210];
	v5 =	vadd.f32 v39, v18;
	v18 =	vadd.f32 v31, v23  }
0x405: {  	v11 =	vadd.f32 v9, v11;
	v9 =	vadd.f32 v28, v19;
	v6 =	vmov v24;
	v24 =	vld [tilespmem:$0x1F200]  }
0x406: {  	s19 =	sadd.s32 $0x800, s19;
	v10 =	vadd.f32 v29, v5;
	v21 =	vld [tilespmem:$0x1F1D0];
	v1 =	vadd.f32 v25, v18  }
0x407: {  	v0 =	vadd.f32 v48, v14  }
0x408: {  	v4 =	vadd.f32 v26, v15;
	v5 =	vadd.f32 v53, v12  }
0x409: {  	v63 =	vadd.f32 v45, v13;
	v17 =	vadd.f32 v52, v11  }
0x40a: {  	v18 =	vld [tilespmem:$0x1FCA0];
	v3 =	vadd.f32 v3, v10;
	v1 =	vadd.f32 v2, v1  }
0x40b: {  	v19 =	vld [tilespmem:$0x1FCB0];
	v0 =	vadd.f32 v46, v0;
	v5 =	vadd.f32 v22, v5  }
0x40c: {  	v7 =	vadd.f32 v7, v63;
	v22 =	vadd.f32 v51, v17  }
0x40d: {  	v3 =	vadd.f32 v40, v3;
	v1 =	vadd.f32 v32, v1  }
0x40e: {  	v0 =	vadd.f32 v35, v0;
	v5 =	vadd.f32 v60, v5  }
0x40f: {  	v23 =	vadd.f32 v8, v7;
	v25 =	vadd.f32 v38, v22  }
0x410: {  	v2 =	vadd.f32 v18, v9;
	v4 =	vadd.f32 v19, v4  }
0x411: {  	v3 =	vadd.f32 v58, v3;
	v1 =	vadd.f32 v36, v1  }
0x412: {  	v0 =	vadd.f32 v20, v0;
	v5 =	vadd.f32 v56, v5  }
0x413: {  	v7 =	vadd.f32 v50, v25;
	v2 =	vadd.f32 v57, v2  }
0x414: {  	v26 =	vld [tilespmem:$0x1FFC0];
	v4 =	vadd.f32 v6, v4;
	v6 =	vadd.f32 v43, v23  }
0x415: {  	v3 =	vadd.f32 v59, v3;
	v1 =	vadd.f32 v55, v1  }
0x416: {  	v0 =	vadd.f32 v34, v0;
	v5 =	vadd.f32 v21, v5  }
0x417: {  	v7 =	vadd.f32 v41, v7;
	v2 =	vadd.f32 v42, v2  }
0x418: {  	v4 =	vadd.f32 v33, v4;
	v6 =	vadd.f32 v30, v6  }
0x419: {  	v35 =	vld [tilespmem:$0x1FFD0];
	v3 =	vadd.f32 v49, v3;
	v1 =	vadd.f32 v44, v1;
	v29 =	vperm.xlane v0, v26  }
0x41a: {  	v31 =	vperm.xlane v5, v26;
	v32 =	vperm.xlane v7, v26;
	v2 =	vadd.f32 v24, v2  }
0x41b: {  	v4 =	vadd.f32 v16, v4;
	v30 =	vperm.xlane v6, v26;
	v33 =	vperm.xlane v3, v26  }
0x41c: {  	v34 =	vperm.xlane v1, v26;
	v0 =	vadd.f32 v0, v29;
	v5 =	vadd.f32 v5, v31  }
0x41d: {  	v7 =	vadd.f32 v32, v7;
	v27 =	vperm.xlane v2, v26;
	v28 =	vperm.xlane v4, v26  }
0x41e: {  	v6 =	vadd.f32 v30, v6;
	v3 =	vadd.f32 v3, v33;
	v10 =	vperm.xlane v0, v35  }
0x41f: {  	v42 =	vld [tilespmem:$0x1FFE0];
	v1 =	vadd.f32 v34, v1;
	v38 =	vperm.xlane v5, v35;
	v13 =	vperm.xlane v7, v35  }
0x420: {  	v2 =	vadd.f32 v2, v27;
	v4 =	vadd.f32 v28, v4;
	v39 =	vperm.xlane v6, v35  }
0x421: {  	v40 =	vperm.xlane v3, v35;
	v41 =	vperm.xlane v1, v35;
	v0 =	vadd.f32 v0, v10  }
0x422: {  	v5 =	vadd.f32 v5, v38;
	v7 =	vadd.f32 v13, v7;
	v36 =	vperm.xlane v2, v35  }
0x423: {  	v37 =	vperm.xlane v4, v35;
	v6 =	vadd.f32 v39, v6;
	v3 =	vadd.f32 v3, v40  }
0x424: {  	v50 =	vld [tilespmem:$0x1FFF0];
	v1 =	vadd.f32 v41, v1;
	v45 =	vperm.xlane v0, v42;
	v47 =	vperm.xlane v5, v42  }
0x425: {  	v13 =	vperm.xlane v7, v42;
	v2 =	vadd.f32 v2, v36;
	v4 =	vadd.f32 v37, v4  }
0x426: {  	v46 =	vperm.xlane v6, v42;
	v48 =	vperm.xlane v3, v42;
	v0 =	vadd.f32 v0, v45  }
0x427: {  	v49 =	vperm.xlane v1, v42;
	v5 =	vadd.f32 v5, v47;
	v7 =	vadd.f32 v13, v7  }
0x428: {  	v43 =	vperm.xlane v2, v42;
	v44 =	vperm.xlane v4, v42;
	v6 =	vadd.f32 v46, v6  }
0x429: {  	v3 =	vadd.f32 v3, v48;
	v1 =	vadd.f32 v49, v1;
	v53 =	vperm.xlane v0, v50  }
0x42a: {  	v55 =	vperm.xlane v5, v50;
	v57 =	vperm.xlane v7, v50;
	v2 =	vadd.f32 v2, v43  }
0x42b: {  	v4 =	vadd.f32 v44, v4;
	v11 =	vperm.xlane v6, v50;
	v54 =	vperm.xlane v3, v50  }
0x42c: {  	v56 =	vperm.xlane v1, v50;
	v0 =	vadd.f32 v0, v53;
	v5 =	vadd.f32 v5, v55  }
0x42d: {  	v7 =	vadd.f32 v57, v7;
	v6 =	vadd.f32 v11, v6  }
0x42e: {  	v3 =	vadd.f32 v3, v54;
	v1 =	vadd.f32 v56, v1  }
0x42f: {  	v51 =	vperm.xlane v2, v50;
	v5 =	vadd.f32 $1.000000000e+00, v5;
	v7 =	vadd.f32 $1.000000000e+00, v7  }
0x430: {  	v52 =	vperm.xlane v4, v50;
	v3 =	vadd.f32 $1.000000000e+00, v3;
	v1 =	vadd.f32 $1.000000000e+00, v1  }
0x431: {  	v60 =	vld [tilespmem:$0x1F8B0];
	v0 =	vadd.f32 $1.000000000e+00, v0;
	v2 =	vadd.f32 v2, v51  }
0x432: {  	v4 =	vadd.f32 v52, v4;
	v3 =	vmax.f32 v3, $0.0e+00;
	v1 =	vmax.f32 v1, $0.0e+00  }
0x433: {  	s18 =	sadd.s32 $0x4, s18;
	v6 =	vadd.f32 $1.000000000e+00, v6;
	v1 =	vadd.f32 v1, v3  }
0x434: {  	p0 =	slt.u32 s18, $0x186A0;
	v58 =	vmax.f32 v5, $0.0e+00;
	v59 =	vmax.f32 v7, $0.0e+00;
	v0 =	vmax.f32 v0, $0.0e+00  }
0x435: {  	v2 =	vadd.f32 $1.000000000e+00, v2;
	v3 =	vadd.f32 v59, v58;
	v1 =	vpsel !p0, $0x0, v1  }
0x436: {  	p4 =	slt.u32 s18, $0x1869F;
	v4 =	vadd.f32 $1.000000000e+00, v4;
	v61 =	vmax.f32 v6, $0.0e+00;
	v1 =	vadd.f32 v1, v60  }
0x437: {  	v0 =	vadd.f32 v61, v0;
	v3 =	vpsel !p4, $0x0, v3  }
0x438: {  	p5 =	slt.u32 s18, $0x1869E;
	v2 =	vmax.f32 v2, $0.0e+00;
	v62 =	vmax.f32 v4, $0.0e+00;
	v1 =	vadd.f32 v3, v1  }
0x439: {  	v0 =	vpsel !p5, $0x0, v0;
	v2 =	vadd.f32 v62, v2  }
0x43a: {  	p6 =	slt.u32 s18, $0x1869D;
	v0 =	vadd.f32 v0, v1  }
0x43b: {  	v63 =	vpsel !p6, $0x0, v2  }
0x43c: {  	v0 =	vadd.f32 v63, v0;
	_ =	sdelay $0x1  }
0x43d: {  	[tilespmem:$0x1FFB0] =	vst v0  }
0x43e: {  	p0 =	seq.s32 s17, s5  }
.Ltmp1:
0x43f: {  	_ = 	snop;
	(pc) =	sbr.rel @!p0 .LBB2_3-.Ltmp1, $2  }
0x440: {  	_ =	sdelay $0x2  }
0x441: {  	s16 =	sadd.s32 $0x40, s16;
	s15 =	sadd.s32 $0x100, s15  }
0x442: {  	_ =	swait.ge [sflag:s12], $0x8000  }
0x443: {  	v0 =	vld [tilespmem:$0x1FFB0];
	_ =	sdelay $0x3  }
0x444: {  	s14 =	sadd.s32 $0x1, s14;
	[sflag:s12] =	ssyncset.done $0x0  }
0x445: {  	p0 =	sne.s32 s14, s8;
	[sflag:s12] =	ssyncadd.s32 $0xFFFF8000;
	v0 =	vnsel vm0, $0x0, v0  }
.Ltmp2:
0x446: {  	[tilespmem:$0x14400] =	vst v0;
	(pc) =	sbr.rel @p0 .LBB2_1-.Ltmp2, $4  }
0x447: {  	[hbm4b:s7+s2] =	stream.linear.scatter [tilespmem:s13], [sflag:$0x2], $0x80, $0x38;
	[tilespmem:$0x14480] =	vst v63  }
0x448: {  	_ =	swait.ge [sflag:s9], $0x80  }
0x449: {  	[sflag:s9] =	ssyncset.done $0x0  }
0x44a: {  	[sflag:s9] =	ssyncadd.s32 $0xFFFFFF80  }
0x44b: {  	_ =	sfence.sel $0x180000  }
0x44c: {  	[bflag:$0x0] =	sbarrier.arrive $0xFFFF  }
0x44d: {  	p0 =	sne.s32 s0, $0x0;
	_ =	strace $0x90000047  }
0x44e: {  	s0 =	sadd.s32 @!p0 $0x100000, s3;
	[bflag:$0x2] =	sbarrier.arrive $0xFFFF  }
0x44f: {  	[sflag:s0] =	ssyncadd.tile.s32 @!p0 $0x1;
	_ =	shalt  }
.Lfunc_end2:
_tile_overlayer_lowered:
.L_overlay_start_2:
0x450: {  	(tag) =	ssettag $0x2  }
0x451: {  	s0 =	rddreg [dreg:$0x0];
	s2 =	stileid.u32  }
0x452: {  	s1 =	rddreg [dreg:$0x1];
	p0 =	sne.s32 s2, $0x0  }
0x453: {  	s3 =	rddreg [dreg:$0x2];
	[bflag:$0x3] =	sbarrier.arrive $0xFFFF;
	s2 =	simm.s32 @!p0 $0x1C02  }
0x454: {  	[timem:s3], [sflag:s2] =	dma.local @!p0 [hbm:s0], s1  }
0x455: {  	s0 =	simm.s32 @!p0 $0x2  }
0x456: {  	_ =	swait.ge @!p0 [sflag:s0], s1  }
0x457: {  	s1 =	ssub.s32 @!p0 $0x0, s1;
	[sflag:s0] =	ssyncset.done @!p0 $0x0  }
0x458: {  	[sflag:s0] =	ssyncadd.s32 @!p0 s1  }
0x459: {  	[bflag:$0x3] =	sbarrier.arrive $0xFFFF  }
0x45a: {  	_ =	shalt  }

</sc_bundles>
